<compile_context>
chip_gen: v7x
topology: tpu7x:2x2x1
jax: 0.10.2.dev20260603
libtpu: 0.0.44.dev20260713+nightly
codegen_flags: <defaults>
</compile_context>

<pallas_src>
import functools

import jax
import jax.numpy as jnp
from jax import lax
from jax.experimental import pallas as pl
from jax.experimental.pallas import tpu as pltpu
from jax.experimental.pallas import tpu_sc as plsc

N = 50000
E = 800000
HID = 64
HALF = 32
TDIM = 64

NC = 2
NS = 16
CH = 128
SUP = 8
CSUB = 392
NCHUNK = CSUB * NS
EP = NCHUNK * CH
NSUP = CSUB // SUP

NA = N + 8
RS = 3128
RS_LAST_A = NA - 15 * RS
RS_LAST_O = N - 15 * RS

NDEG = NCHUNK * CH // 16
DZ = 3200
DZ_LAST = NDEG - 15 * DZ

BN = 2000
GRID = N // BN



def _make_seg(with_deg):
  mesh = plsc.VectorSubcoreMesh(
      core_axis_name="c", subcore_axis_name="s",
      num_cores=NC, num_subcores=NS)

  out_type = [jax.ShapeDtypeStruct((N, HALF), jnp.float32),
              jax.ShapeDtypeStruct((N, HALF), jnp.float32)]
  scratch = [
      pltpu.VMEM_SHARED((NA, HALF), jnp.float32),
      pltpu.VMEM((SUP, CH), jnp.int32),
      pltpu.VMEM((SUP, CH), jnp.int32),
      pltpu.VMEM((CH, HALF), jnp.float32),
      pltpu.SemaphoreType.DMA,
  ]
  if with_deg:
    out_type.append(jax.ShapeDtypeStruct((NDEG,), jnp.float32))
    scratch += [
        pltpu.VMEM_SHARED((NDEG,), jnp.float32),
        pltpu.VMEM((CH,), jnp.float32),
    ]

  def body(*refs):
    if with_deg:
      (hlo, hhi, src2d, dst2d, zrows, zflat, ones_hbm,
       slo, shi, deg_hbm, acc, idxs, idxd, rows, gsem, dacc, ones) = refs
    else:
      (hlo, hhi, src2d, dst2d, zrows, zflat, ones_hbm,
       slo, shi, acc, idxs, idxd, rows, gsem) = refs

    c = lax.axis_index("c")
    s = lax.axis_index("s")
    r0 = s * RS

    @pl.when(s < 15)
    def _():
      pltpu.sync_copy(zrows, acc.at[pl.ds(r0, RS), :])

    @pl.when(s == 15)
    def _():
      pltpu.sync_copy(zrows.at[pl.ds(0, RS_LAST_A), :],
                      acc.at[pl.ds(15 * RS, RS_LAST_A), :])

    if with_deg:
      @pl.when(c == 0)
      def _():
        pltpu.sync_copy(ones_hbm, ones)

        @pl.when(s < 15)
        def _():
          pltpu.sync_copy(zflat.at[pl.ds(0, DZ)], dacc.at[pl.ds(s * DZ, DZ)])

        @pl.when(s == 15)
        def _():
          pltpu.sync_copy(zflat.at[pl.ds(0, DZ_LAST)],
                          dacc.at[pl.ds(15 * DZ, DZ_LAST)])
    plsc.subcore_barrier()

    def sup_body(t, carry):
      cid0 = s * CSUB + t * SUP
      pltpu.sync_copy(src2d.at[pl.ds(cid0, SUP), :], idxs)
      pltpu.sync_copy(dst2d.at[pl.ds(cid0, SUP), :], idxd)
      for j in range(SUP):
        @pl.when(c == 0)
        def _():
          pltpu.async_copy(hlo.at[idxs.at[j]], rows, gsem).wait()

        @pl.when(c == 1)
        def _():
          pltpu.async_copy(hhi.at[idxs.at[j]], rows, gsem).wait()

        pltpu.sync_copy(rows, acc.at[idxd.at[j]], add=True)
        if with_deg:
          @pl.when(c == 0)
          def _():
            pltpu.sync_copy(ones, dacc.at[idxd.at[j]], add=True)
      return carry

    lax.fori_loop(0, NSUP, sup_body, 0)
    plsc.subcore_barrier()

    @pl.when(c == 0)
    def _():
      @pl.when(s < 15)
      def _():
        pltpu.sync_copy(acc.at[pl.ds(r0, RS), :], slo.at[pl.ds(r0, RS), :])

      @pl.when(s == 15)
      def _():
        pltpu.sync_copy(acc.at[pl.ds(15 * RS, RS_LAST_O), :],
                        slo.at[pl.ds(15 * RS, RS_LAST_O), :])

    @pl.when(c == 1)
    def _():
      @pl.when(s < 15)
      def _():
        pltpu.sync_copy(acc.at[pl.ds(r0, RS), :], shi.at[pl.ds(r0, RS), :])

      @pl.when(s == 15)
      def _():
        pltpu.sync_copy(acc.at[pl.ds(15 * RS, RS_LAST_O), :],
                        shi.at[pl.ds(15 * RS, RS_LAST_O), :])

    if with_deg:
      @pl.when((c == 0) & (s == 0))
      def _():
        pltpu.sync_copy(dacc, deg_hbm)

  return pl.kernel(body, out_type=out_type, mesh=mesh, scratch_types=scratch,
                   compiler_params=pltpu.CompilerParams(use_tc_tiling_on_sc=False),
                   name="seg_sum_deg" if with_deg else "seg_sum")


_seg_deg = _make_seg(True)
_seg = _make_seg(False)



def _full(shape):
  return pl.BlockSpec(shape, lambda i: tuple(0 for _ in shape))


def _rows(width):
  return pl.BlockSpec((BN, width), lambda i: (i, 0))


def _temb_body(t, wt1, bt1, wt2, bt2, wtime, bl, otb):
  tt = t[0, 0]
  idx = lax.broadcasted_iota(jnp.int32, (1, HALF), 1).astype(jnp.float32)
  freqs = jnp.exp(-jnp.log(10000.0) * idx / HALF)
  args = tt * freqs
  emb = jnp.concatenate([jnp.sin(args), jnp.cos(args)], axis=1)
  u = jnp.dot(emb, wt1[...], preferred_element_type=jnp.float32) + bt1[...]
  u = u * jax.nn.sigmoid(u)
  temb = jnp.dot(u, wt2[...], preferred_element_type=jnp.float32) + bt2[...]
  rows = [jnp.dot(temb, wtime[l], preferred_element_type=jnp.float32)
          + bl[l:l + 1, :] for l in range(4)]
  otb[...] = jnp.concatenate(rows, axis=0)


def _proj_body(lat, grad, w, b, olo, ohi):
  x = jnp.concatenate([lat[...], grad[...]], axis=1)
  h = jnp.dot(x, w[...], preferred_element_type=jnp.float32) + b[...]
  olo[...] = h[:, :HALF]
  ohi[...] = h[:, HALF:]


def _make_mid_body(with_skip):
  def body(*refs):
    if with_skip:
      hlo, hhi, slo, shi, deg, tb, wcat, sklo, skhi, olo, ohi = refs
    else:
      hlo, hhi, slo, shi, deg, tb, wcat, olo, ohi = refs
    h = jnp.concatenate([hlo[...], hhi[...]], axis=1)
    sn = jnp.concatenate([slo[...], shi[...]], axis=1)
    sn = sn / jnp.maximum(deg[...], 1.0)
    hs = jnp.concatenate([h, sn], axis=1)
    pre = jnp.dot(hs, wcat[...], preferred_element_type=jnp.float32) + tb[...]
    hn = jnp.maximum(pre, 0.0)
    if with_skip:
      hn = hn + jnp.concatenate([sklo[...], skhi[...]], axis=1)
    olo[...] = hn[:, :HALF]
    ohi[...] = hn[:, HALF:]
  return body


def _final_body(hlo, hhi, slo, shi, deg, tb, wcat, sklo, skhi,
                grad, wout, bout, out):
  h = jnp.concatenate([hlo[...], hhi[...]], axis=1)
  sn = jnp.concatenate([slo[...], shi[...]], axis=1)
  sn = sn / jnp.maximum(deg[...], 1.0)
  hs = jnp.concatenate([h, sn], axis=1)
  pre = jnp.dot(hs, wcat[...], preferred_element_type=jnp.float32) + tb[...]
  hn = jnp.maximum(pre, 0.0)
  hn = hn + jnp.concatenate([sklo[...], skhi[...]], axis=1)
  o = jnp.dot(hn, wout[...], preferred_element_type=jnp.float32) + bout[...]
  sg = jax.nn.sigmoid(o)
  out[...] = -grad[...] * sg[:, :HALF] + (sg[:, HALF:] * 2.0 - 1.0)


_half_out = [jax.ShapeDtypeStruct((N, HALF), jnp.float32)] * 2

_temb_call = pl.pallas_call(
    _temb_body,
    grid=(1,),
    in_specs=[_full((1, 1)), _full((TDIM, TDIM)), _full((1, TDIM)),
              _full((TDIM, HID)), _full((1, HID)), _full((4, HID, HID)),
              _full((4, HID))],
    out_specs=_full((4, HID)),
    out_shape=jax.ShapeDtypeStruct((4, HID), jnp.float32),
)

_proj_call = pl.pallas_call(
    _proj_body,
    grid=(GRID,),
    in_specs=[_rows(HALF), _rows(HALF), _full((HID, HID)), _full((1, HID))],
    out_specs=[_rows(HALF)] * 2,
    out_shape=_half_out,
)

_mid_specs = [_rows(HALF)] * 4 + [_rows(1), _full((1, HID)),
                                  _full((2 * HID, HID))]

_mid_call = pl.pallas_call(
    _make_mid_body(False),
    grid=(GRID,),
    in_specs=_mid_specs,
    out_specs=[_rows(HALF)] * 2,
    out_shape=_half_out,
)

_mid_skip_call = pl.pallas_call(
    _make_mid_body(True),
    grid=(GRID,),
    in_specs=_mid_specs + [_rows(HALF)] * 2,
    out_specs=[_rows(HALF)] * 2,
    out_shape=_half_out,
)

_final_call = pl.pallas_call(
    _final_body,
    grid=(GRID,),
    in_specs=_mid_specs + [_rows(HALF)] * 2
    + [_rows(HALF), _full((HID, HID)), _full((1, HID))],
    out_specs=_rows(HALF),
    out_shape=jax.ShapeDtypeStruct((N, HALF), jnp.float32),
)


def kernel(bxyz, latent, grad_latent, timestamp, edge_index, W_in, b_in,
           Wt1, bt1, Wt2, bt2, Wself, Wnbr, Wtime, bl, W_out, b_out):
  ei = edge_index.astype(jnp.int32)
  src2d = jnp.concatenate(
      [ei[0], jnp.zeros((EP - E,), jnp.int32)]).reshape(NCHUNK, CH)
  dst2d = jnp.concatenate(
      [ei[1], jnp.full((EP - E,), N, jnp.int32)]).reshape(NCHUNK, CH)
  zrows = jnp.zeros((RS, HALF), jnp.float32)
  zflat = jnp.zeros((DZ,), jnp.float32)
  ones_hbm = jnp.ones((CH,), jnp.float32)

  tb = _temb_call(timestamp.reshape(1, 1), Wt1, bt1.reshape(1, TDIM),
                  Wt2, bt2.reshape(1, HID), Wtime, bl)
  wcat = [jnp.concatenate([Wself[l], Wnbr[l]], axis=0) for l in range(4)]

  hlo, hhi = _proj_call(latent, grad_latent, W_in, b_in.reshape(1, HID))

  s0lo, s0hi, deg = _seg_deg(hlo, hhi, src2d, dst2d, zrows, zflat, ones_hbm)
  deg2d = deg[:N].reshape(N, 1)

  h1lo, h1hi = _mid_call(hlo, hhi, s0lo, s0hi, deg2d, tb[0:1], wcat[0])
  s1lo, s1hi = _seg(h1lo, h1hi, src2d, dst2d, zrows, zflat, ones_hbm)

  h2lo, h2hi = _mid_call(h1lo, h1hi, s1lo, s1hi, deg2d, tb[1:2], wcat[1])
  s2lo, s2hi = _seg(h2lo, h2hi, src2d, dst2d, zrows, zflat, ones_hbm)

  h3lo, h3hi = _mid_skip_call(h2lo, h2hi, s2lo, s2hi, deg2d, tb[2:3], wcat[2],
                              h2lo, h2hi)
  s3lo, s3hi = _seg(h3lo, h3hi, src2d, dst2d, zrows, zflat, ones_hbm)

  output = _final_call(h3lo, h3hi, s3lo, s3hi, deg2d, tb[3:4], wcat[3],
                       h1lo, h1hi, grad_latent, W_out, b_out.reshape(1, HID))
  return output, bxyz

# --- scband reference (transcript-rebuilt; emitter-appended) ---
"""Pipeline reference for scband-unet-optimizer-11458972746112 (READ-ONLY COPY).

The authoritative reference and input builder live on the scoring server;
editing this copy changes nothing except your own understanding.
"""

import jax, jax.numpy as jnp
import numpy as np

N = 50000
E = 800000
IN_DIM = 64
HID = 64
OUT = 64  # out_dim*2 because grad_residual=True
TDIM = 64
N_LAYERS = 4


def sin_emb(t, dim):
    half = dim // 2
    freqs = jnp.exp(-jnp.log(10000.0) * jnp.arange(half) / half)
    args = t * freqs
    return jnp.concatenate([jnp.sin(args), jnp.cos(args)])


def setup_inputs(seed: int = 0) -> dict:
    key = jax.random.key(seed)
    ks = jax.random.split(key, 20)
    inp = {}
    inp["bxyz"] = jax.random.randint(ks[0], (N, 4), 0, 128, dtype=jnp.int32)
    inp["latent"] = jax.random.normal(ks[1], (N, 32), dtype=jnp.float32)
    inp["grad_latent"] = jax.random.normal(ks[2], (N, 32), dtype=jnp.float32)
    inp["timestamp"] = jax.random.uniform(ks[3], (1,), dtype=jnp.float32)
    inp["edge_index"] = jax.random.randint(ks[4], (2, E), 0, N, dtype=jnp.int64)
    s = 0.05
    inp["W_in"] = jax.random.normal(ks[5], (IN_DIM, HID), dtype=jnp.float32) * s
    inp["b_in"] = jnp.zeros((HID,), dtype=jnp.float32)
    inp["Wt1"] = jax.random.normal(ks[6], (TDIM, TDIM), dtype=jnp.float32) * s
    inp["bt1"] = jnp.zeros((TDIM,), dtype=jnp.float32)
    inp["Wt2"] = jax.random.normal(ks[7], (TDIM, HID), dtype=jnp.float32) * s
    inp["bt2"] = jnp.zeros((HID,), dtype=jnp.float32)
    inp["Wself"] = jax.random.normal(ks[8], (N_LAYERS, HID, HID), dtype=jnp.float32) * s
    inp["Wnbr"] = jax.random.normal(ks[9], (N_LAYERS, HID, HID), dtype=jnp.float32) * s
    inp["Wtime"] = jax.random.normal(ks[10], (N_LAYERS, HID, HID), dtype=jnp.float32) * s
    inp["bl"] = jnp.zeros((N_LAYERS, HID), dtype=jnp.float32)
    inp["W_out"] = jax.random.normal(ks[11], (HID, OUT), dtype=jnp.float32) * s
    inp["b_out"] = jnp.zeros((OUT,), dtype=jnp.float32)
    return inp


def reference(bxyz, latent, grad_latent, timestamp, edge_index, W_in, b_in, Wt1, bt1, Wt2, bt2, Wself, Wnbr, Wtime, bl, W_out, b_out):
    n = latent.shape[0]
    src = edge_index[0]
    dst = edge_index[1]
    # input_tensor = cat([gaussian_params['latent'], gaussian_grads['latent']], dim=1)
    x = jnp.concatenate([latent, grad_latent], axis=1)
    h = x @ W_in + b_in
    # time embedding (use_time_emb=True, time_emb_dim=64)
    temb = sin_emb(timestamp[0], TDIM)
    temb = jax.nn.silu(temb @ Wt1 + bt1) @ Wt2 + bt2
    deg = jax.ops.segment_sum(jnp.ones((src.shape[0],), dtype=jnp.float32), dst, num_segments=n)
    deg = jnp.clip(deg, 1.0)[:, None]
    skips = []
    # sparse-UNet style message passing: encoder (2 layers) + decoder (2 layers w/ skips)
    for l in range(N_LAYERS):
        msg = h[src] @ Wnbr[l]              # gather + dense transform
        agg = jax.ops.segment_sum(msg, dst, num_segments=n) / deg  # scatter-add
        h = jax.nn.relu(h @ Wself[l] + agg + temb @ Wtime[l] + bl[l])
        if l < 2:
            skips.append(h)
        else:
            h = h + skips[3 - l]
    out = h @ W_out + b_out  # [N, out_dim*2]
    # grad_residual branch
    s = jax.nn.sigmoid(out)
    a = s[:, : out.shape[1] // 2]
    b2 = s[:, out.shape[1] // 2 :] * 2.0 - 1.0
    output = -grad_latent * a + b2
    return output, bxyz

if __name__ == "__main__":
    import jax
    _d = setup_inputs()
    print(jax.jit(kernel)(*tuple(_d.values())))

</pallas_src>

<mosaic_0001>
#map = affine_map<(d0, d1) -> (0, 0)>
#map1 = affine_map<(d0, d1) -> (0)>
module attributes {stable_mosaic.version = 14 : i64} {
  func.func @seg_sum(%arg0: i32, %arg1: i32, %arg2: memref<50000x32xf32, #tpu.memory_space<hbm>>, %arg3: memref<50000x32xf32, #tpu.memory_space<hbm>>, %arg4: memref<6272x128xi32, #tpu.memory_space<hbm>>, %arg5: memref<6272x128xi32, #tpu.memory_space<hbm>>, %arg6: memref<3128x32xf32, #tpu.memory_space<hbm>>, %arg7: memref<3200xf32, #tpu.memory_space<hbm>>, %arg8: memref<128xf32, #tpu.memory_space<hbm>>, %arg9: memref<50000x32xf32, #tpu.memory_space<hbm>>, %arg10: memref<50000x32xf32, #tpu.memory_space<hbm>>, %arg11: memref<50008x32xf32, #tpu.memory_space<vmem_shared>>, %arg12: memref<8x128xi32, #tpu.memory_space<vmem>>, %arg13: memref<8x128xi32, #tpu.memory_space<vmem>>, %arg14: memref<128x32xf32, #tpu.memory_space<vmem>>, %arg15: memref<!tpu.dma_semaphore, #tpu.memory_space<semaphore_mem>>) attributes {dimension_semantics = [#tpu.dimension_semantics<core_parallel>, #tpu.dimension_semantics<subcore_parallel>], iteration_bounds = array<i64: 2, 16>, scalar_prefetch = 0 : i64, scratch_operands = 5 : i64, tpu.core_type = #tpu.core_type<sc_vector_subcore>, window_params = [{transform_indices = #map}, {transform_indices = #map}, {transform_indices = #map}, {transform_indices = #map}, {transform_indices = #map}, {transform_indices = #map1}, {transform_indices = #map1}, {transform_indices = #map}, {transform_indices = #map}]} {
    %mul3A = arith.constant 3128 : i32
    %mul3A_0 = arith.muli %arg1, %mul3A : i32
    %lt3A = arith.constant 15 : i32
    %lt3A_1 = arith.cmpi slt, %arg1, %lt3A : i32
    %convert_element_type3A = arith.extui %lt3A_1 : i1 to i32
    %cond3A = arith.constant 0 : i32
    %cond3A_2 = arith.cmpi ne, %convert_element_type3A, %cond3A : i32
    scf.if %cond3A_2 {
      "tpu.region"() ({
        %run_scoped3A = tpu.sem_alloc : memref<!tpu.dma_semaphore, #tpu.memory_space<semaphore_mem>>
        %dma_start3A = arith.constant 0 : i32
        %dma_start3A_23 = tpu.memref_slice %arg11[%mul3A_0, %dma_start3A] : memref<50008x32xf32, #tpu.memory_space<vmem_shared>> -> memref<3128x32xf32, #tpu.memory_space<vmem_shared>>
        tpu.enqueue_dma source(%arg6 : memref<3128x32xf32, #tpu.memory_space<hbm>>) target(%dma_start3A_23 : memref<3128x32xf32, #tpu.memory_space<vmem_shared>>) target_semaphore(%run_scoped3A : memref<!tpu.dma_semaphore, #tpu.memory_space<semaphore_mem>>)
        %dma_wait3A = arith.constant 0 : i32
        %dma_wait3A_24 = tpu.memref_slice %arg11[%mul3A_0, %dma_wait3A] : memref<50008x32xf32, #tpu.memory_space<vmem_shared>> -> memref<3128x32xf32, #tpu.memory_space<vmem_shared>>
        tpu.wait_dma2 semaphore(%run_scoped3A : memref<!tpu.dma_semaphore, #tpu.memory_space<semaphore_mem>>) src(%arg6 : memref<3128x32xf32, #tpu.memory_space<hbm>>) dst(%dma_wait3A_24 : memref<3128x32xf32, #tpu.memory_space<vmem_shared>>)
        tpu.yield
      }) : () -> ()
    } else {
    }
    %eq3A = arith.constant 15 : i32
    %eq3A_3 = arith.cmpi eq, %arg1, %eq3A : i32
    %convert_element_type3A_4 = arith.extui %eq3A_3 : i1 to i32
    %cond3A_5 = arith.constant 0 : i32
    %cond3A_6 = arith.cmpi ne, %convert_element_type3A_4, %cond3A_5 : i32
    scf.if %cond3A_6 {
      "tpu.region"() ({
        %run_scoped3A = tpu.sem_alloc : memref<!tpu.dma_semaphore, #tpu.memory_space<semaphore_mem>>
        %dma_start3A = arith.constant 46920 : i32
        %dma_start3A_23 = arith.constant 0 : i32
        %dma_start3A_24 = tpu.memref_slice %arg11[%dma_start3A, %dma_start3A_23] : memref<50008x32xf32, #tpu.memory_space<vmem_shared>> -> memref<3088x32xf32, #tpu.memory_space<vmem_shared>>
        %dma_start3A_25 = arith.constant 0 : i32
        %dma_start3A_26 = arith.constant 0 : i32
        %dma_start3A_27 = tpu.memref_slice %arg6[%dma_start3A_25, %dma_start3A_26] : memref<3128x32xf32, #tpu.memory_space<hbm>> -> memref<3088x32xf32, #tpu.memory_space<hbm>>
        tpu.enqueue_dma source(%dma_start3A_27 : memref<3088x32xf32, #tpu.memory_space<hbm>>) target(%dma_start3A_24 : memref<3088x32xf32, #tpu.memory_space<vmem_shared>>) target_semaphore(%run_scoped3A : memref<!tpu.dma_semaphore, #tpu.memory_space<semaphore_mem>>)
        %dma_wait3A = arith.constant 46920 : i32
        %dma_wait3A_28 = arith.constant 0 : i32
        %dma_wait3A_29 = tpu.memref_slice %arg11[%dma_wait3A, %dma_wait3A_28] : memref<50008x32xf32, #tpu.memory_space<vmem_shared>> -> memref<3088x32xf32, #tpu.memory_space<vmem_shared>>
        %dma_wait3A_30 = arith.constant 0 : i32
        %dma_wait3A_31 = arith.constant 0 : i32
        %dma_wait3A_32 = tpu.memref_slice %arg6[%dma_wait3A_30, %dma_wait3A_31] : memref<3128x32xf32, #tpu.memory_space<hbm>> -> memref<3088x32xf32, #tpu.memory_space<hbm>>
        tpu.wait_dma2 semaphore(%run_scoped3A : memref<!tpu.dma_semaphore, #tpu.memory_space<semaphore_mem>>) src(%dma_wait3A_32 : memref<3088x32xf32, #tpu.memory_space<hbm>>) dst(%dma_wait3A_29 : memref<3088x32xf32, #tpu.memory_space<vmem_shared>>)
        tpu.yield
      }) : () -> ()
    } else {
    }
    %barrier3A = arith.constant 0 : index
    tpu.barrier barrier_id(%barrier3A)
    %scan3A = arith.constant 0 : i32
    %scan3A_7 = arith.constant 0 : i32
    %scan3A_8 = arith.constant 49 : i32
    %scan3A_9 = arith.addi %scan3A_7, %scan3A_8 : i32
    %scan3A_10 = arith.constant 1 : i32
    scf.for %scan3A_23 = %scan3A_7 to %scan3A_9 step %scan3A_10  : i32 {
      %mul3A_24 = arith.constant 392 : i32
      %mul3A_25 = arith.muli %arg1, %mul3A_24 : i32
      %mul3A_26 = arith.constant 8 : i32
      %mul3A_27 = arith.muli %scan3A_23, %mul3A_26 : i32
      %add3A = arith.addi %mul3A_25, %mul3A_27 : i32
      "tpu.region"() ({
        %run_scoped3A_115 = tpu.sem_alloc : memref<!tpu.dma_semaphore, #tpu.memory_space<semaphore_mem>>
        %dma_start3A = arith.constant 0 : i32
        %dma_start3A_116 = tpu.memref_slice %arg4[%add3A, %dma_start3A] : memref<6272x128xi32, #tpu.memory_space<hbm>> -> memref<8x128xi32, #tpu.memory_space<hbm>>
        %dma_start3A_117 = arith.constant 0 : i32
        %dma_start3A_118 = tpu.memref_slice %arg4[%add3A, %dma_start3A_117] : memref<6272x128xi32, #tpu.memory_space<hbm>> -> memref<8x128xi32, #tpu.memory_space<hbm>>
        tpu.enqueue_dma source(%dma_start3A_118 : memref<8x128xi32, #tpu.memory_space<hbm>>) target(%arg12 : memref<8x128xi32, #tpu.memory_space<vmem>>) target_semaphore(%run_scoped3A_115 : memref<!tpu.dma_semaphore, #tpu.memory_space<semaphore_mem>>)
        %dma_wait3A = arith.constant 0 : i32
        %dma_wait3A_119 = tpu.memref_slice %arg4[%add3A, %dma_wait3A] : memref<6272x128xi32, #tpu.memory_space<hbm>> -> memref<8x128xi32, #tpu.memory_space<hbm>>
        %dma_wait3A_120 = arith.constant 0 : i32
        %dma_wait3A_121 = tpu.memref_slice %arg4[%add3A, %dma_wait3A_120] : memref<6272x128xi32, #tpu.memory_space<hbm>> -> memref<8x128xi32, #tpu.memory_space<hbm>>
        tpu.wait_dma2 semaphore(%run_scoped3A_115 : memref<!tpu.dma_semaphore, #tpu.memory_space<semaphore_mem>>) src(%dma_wait3A_121 : memref<8x128xi32, #tpu.memory_space<hbm>>) dst(%arg12 : memref<8x128xi32, #tpu.memory_space<vmem>>)
        tpu.yield
      }) : () -> ()
      "tpu.region"() ({
        %run_scoped3A_115 = tpu.sem_alloc : memref<!tpu.dma_semaphore, #tpu.memory_space<semaphore_mem>>
        %dma_start3A = arith.constant 0 : i32
        %dma_start3A_116 = tpu.memref_slice %arg5[%add3A, %dma_start3A] : memref<6272x128xi32, #tpu.memory_space<hbm>> -> memref<8x128xi32, #tpu.memory_space<hbm>>
        %dma_start3A_117 = arith.constant 0 : i32
        %dma_start3A_118 = tpu.memref_slice %arg5[%add3A, %dma_start3A_117] : memref<6272x128xi32, #tpu.memory_space<hbm>> -> memref<8x128xi32, #tpu.memory_space<hbm>>
        tpu.enqueue_dma source(%dma_start3A_118 : memref<8x128xi32, #tpu.memory_space<hbm>>) target(%arg13 : memref<8x128xi32, #tpu.memory_space<vmem>>) target_semaphore(%run_scoped3A_115 : memref<!tpu.dma_semaphore, #tpu.memory_space<semaphore_mem>>)
        %dma_wait3A = arith.constant 0 : i32
        %dma_wait3A_119 = tpu.memref_slice %arg5[%add3A, %dma_wait3A] : memref<6272x128xi32, #tpu.memory_space<hbm>> -> memref<8x128xi32, #tpu.memory_space<hbm>>
        %dma_wait3A_120 = arith.constant 0 : i32
        %dma_wait3A_121 = tpu.memref_slice %arg5[%add3A, %dma_wait3A_120] : memref<6272x128xi32, #tpu.memory_space<hbm>> -> memref<8x128xi32, #tpu.memory_space<hbm>>
        tpu.wait_dma2 semaphore(%run_scoped3A_115 : memref<!tpu.dma_semaphore, #tpu.memory_space<semaphore_mem>>) src(%dma_wait3A_121 : memref<8x128xi32, #tpu.memory_space<hbm>>) dst(%arg13 : memref<8x128xi32, #tpu.memory_space<vmem>>)
        tpu.yield
      }) : () -> ()
      %eq3A_28 = arith.constant 0 : i32
      %eq3A_29 = arith.cmpi eq, %arg0, %eq3A_28 : i32
      %convert_element_type3A_30 = arith.extui %eq3A_29 : i1 to i32
      %cond3A_31 = arith.constant 0 : i32
      %cond3A_32 = arith.cmpi ne, %convert_element_type3A_30, %cond3A_31 : i32
      scf.if %cond3A_32 {
        %dma_start3A = arith.constant 0 : i32
        %dma_start3A_115 = arith.constant 0 : i32
        %dma_start3A_116 = tpu.memref_slice %arg12[%dma_start3A, %dma_start3A_115] : memref<8x128xi32, #tpu.memory_space<vmem>> -> memref<1x128xi32, #tpu.memory_space<vmem>>
        %dma_start3A_117 = tpu.memref_squeeze %dma_start3A_116 : memref<1x128xi32, #tpu.memory_space<vmem>> -> memref<128xi32, #tpu.memory_space<vmem>>
        %dma_start3A_118 = arith.constant 0 : i32
        %dma_start3A_119 = arith.constant 0 : i32
        %dma_start3A_120 = tpu.memref_slice %arg2[%dma_start3A_118, %dma_start3A_119] : memref<50000x32xf32, #tpu.memory_space<hbm>> -> memref<50000x32xf32, #tpu.memory_space<hbm>>
        tpu.enqueue_indirect_dma source(%dma_start3A_120 : memref<50000x32xf32, #tpu.memory_space<hbm>>) target(%arg14 : memref<128x32xf32, #tpu.memory_space<vmem>>) offsets(%dma_start3A_117 : memref<128xi32, #tpu.memory_space<vmem>>) semaphore(%arg15 : memref<!tpu.dma_semaphore, #tpu.memory_space<semaphore_mem>>)
        %dma_wait3A = arith.constant 0 : i32
        %dma_wait3A_121 = arith.constant 0 : i32
        %dma_wait3A_122 = tpu.memref_slice %arg12[%dma_wait3A, %dma_wait3A_121] : memref<8x128xi32, #tpu.memory_space<vmem>> -> memref<1x128xi32, #tpu.memory_space<vmem>>
        %dma_wait3A_123 = tpu.memref_squeeze %dma_wait3A_122 : memref<1x128xi32, #tpu.memory_space<vmem>> -> memref<128xi32, #tpu.memory_space<vmem>>
        %dma_wait3A_124 = arith.constant 0 : i32
        %dma_wait3A_125 = arith.constant 0 : i32
        %dma_wait3A_126 = tpu.memref_slice %arg2[%dma_wait3A_124, %dma_wait3A_125] : memref<50000x32xf32, #tpu.memory_space<hbm>> -> memref<50000x32xf32, #tpu.memory_space<hbm>>
        tpu.wait_indirect_dma semaphore(%arg15 : memref<!tpu.dma_semaphore, #tpu.memory_space<semaphore_mem>>) src(%dma_wait3A_126 : memref<50000x32xf32, #tpu.memory_space<hbm>>) dst(%arg14 : memref<128x32xf32, #tpu.memory_space<vmem>>)
      } else {
      }
      %eq3A_33 = arith.constant 1 : i32
      %eq3A_34 = arith.cmpi eq, %arg0, %eq3A_33 : i32
      %convert_element_type3A_35 = arith.extui %eq3A_34 : i1 to i32
      %cond3A_36 = arith.constant 0 : i32
      %cond3A_37 = arith.cmpi ne, %convert_element_type3A_35, %cond3A_36 : i32
      scf.if %cond3A_37 {
        %dma_start3A = arith.constant 0 : i32
        %dma_start3A_115 = arith.constant 0 : i32
        %dma_start3A_116 = tpu.memref_slice %arg12[%dma_start3A, %dma_start3A_115] : memref<8x128xi32, #tpu.memory_space<vmem>> -> memref<1x128xi32, #tpu.memory_space<vmem>>
        %dma_start3A_117 = tpu.memref_squeeze %dma_start3A_116 : memref<1x128xi32, #tpu.memory_space<vmem>> -> memref<128xi32, #tpu.memory_space<vmem>>
        %dma_start3A_118 = arith.constant 0 : i32
        %dma_start3A_119 = arith.constant 0 : i32
        %dma_start3A_120 = tpu.memref_slice %arg3[%dma_start3A_118, %dma_start3A_119] : memref<50000x32xf32, #tpu.memory_space<hbm>> -> memref<50000x32xf32, #tpu.memory_space<hbm>>
        tpu.enqueue_indirect_dma source(%dma_start3A_120 : memref<50000x32xf32, #tpu.memory_space<hbm>>) target(%arg14 : memref<128x32xf32, #tpu.memory_space<vmem>>) offsets(%dma_start3A_117 : memref<128xi32, #tpu.memory_space<vmem>>) semaphore(%arg15 : memref<!tpu.dma_semaphore, #tpu.memory_space<semaphore_mem>>)
        %dma_wait3A = arith.constant 0 : i32
        %dma_wait3A_121 = arith.constant 0 : i32
        %dma_wait3A_122 = tpu.memref_slice %arg12[%dma_wait3A, %dma_wait3A_121] : memref<8x128xi32, #tpu.memory_space<vmem>> -> memref<1x128xi32, #tpu.memory_space<vmem>>
        %dma_wait3A_123 = tpu.memref_squeeze %dma_wait3A_122 : memref<1x128xi32, #tpu.memory_space<vmem>> -> memref<128xi32, #tpu.memory_space<vmem>>
        %dma_wait3A_124 = arith.constant 0 : i32
        %dma_wait3A_125 = arith.constant 0 : i32
        %dma_wait3A_126 = tpu.memref_slice %arg3[%dma_wait3A_124, %dma_wait3A_125] : memref<50000x32xf32, #tpu.memory_space<hbm>> -> memref<50000x32xf32, #tpu.memory_space<hbm>>
        tpu.wait_indirect_dma semaphore(%arg15 : memref<!tpu.dma_semaphore, #tpu.memory_space<semaphore_mem>>) src(%dma_wait3A_126 : memref<50000x32xf32, #tpu.memory_space<hbm>>) dst(%arg14 : memref<128x32xf32, #tpu.memory_space<vmem>>)
      } else {
      }
      %run_scoped3A = arith.constant 0 : i32
      "tpu.region"() ({
        %run_scoped3A_115 = tpu.sem_alloc : memref<!tpu.dma_semaphore, #tpu.memory_space<semaphore_mem>>
        %dma_start3A = arith.constant 0 : i32
        %dma_start3A_116 = tpu.memref_slice %arg13[%run_scoped3A, %dma_start3A] : memref<8x128xi32, #tpu.memory_space<vmem>> -> memref<1x128xi32, #tpu.memory_space<vmem>>
        %dma_start3A_117 = tpu.memref_squeeze %dma_start3A_116 : memref<1x128xi32, #tpu.memory_space<vmem>> -> memref<128xi32, #tpu.memory_space<vmem>>
        %dma_start3A_118 = arith.constant 0 : i32
        %dma_start3A_119 = arith.constant 0 : i32
        %dma_start3A_120 = tpu.memref_slice %arg11[%dma_start3A_118, %dma_start3A_119] : memref<50008x32xf32, #tpu.memory_space<vmem_shared>> -> memref<50008x32xf32, #tpu.memory_space<vmem_shared>>
        tpu.enqueue_indirect_dma source(%arg14 : memref<128x32xf32, #tpu.memory_space<vmem>>) target(%dma_start3A_120 : memref<50008x32xf32, #tpu.memory_space<vmem_shared>>) offsets(%dma_start3A_117 : memref<128xi32, #tpu.memory_space<vmem>>) semaphore(%run_scoped3A_115 : memref<!tpu.dma_semaphore, #tpu.memory_space<semaphore_mem>>) {add = true}
        %dma_wait3A = arith.constant 0 : i32
        %dma_wait3A_121 = tpu.memref_slice %arg13[%run_scoped3A, %dma_wait3A] : memref<8x128xi32, #tpu.memory_space<vmem>> -> memref<1x128xi32, #tpu.memory_space<vmem>>
        %dma_wait3A_122 = tpu.memref_squeeze %dma_wait3A_121 : memref<1x128xi32, #tpu.memory_space<vmem>> -> memref<128xi32, #tpu.memory_space<vmem>>
        %dma_wait3A_123 = arith.constant 0 : i32
        %dma_wait3A_124 = arith.constant 0 : i32
        %dma_wait3A_125 = tpu.memref_slice %arg11[%dma_wait3A_123, %dma_wait3A_124] : memref<50008x32xf32, #tpu.memory_space<vmem_shared>> -> memref<50008x32xf32, #tpu.memory_space<vmem_shared>>
        tpu.wait_indirect_dma semaphore(%run_scoped3A_115 : memref<!tpu.dma_semaphore, #tpu.memory_space<semaphore_mem>>) src(%arg14 : memref<128x32xf32, #tpu.memory_space<vmem>>) dst(%dma_wait3A_125 : memref<50008x32xf32, #tpu.memory_space<vmem_shared>>)
        tpu.yield
      }) : () -> ()
      %eq3A_38 = arith.constant 0 : i32
      %eq3A_39 = arith.cmpi eq, %arg0, %eq3A_38 : i32
      %convert_element_type3A_40 = arith.extui %eq3A_39 : i1 to i32
      %cond3A_41 = arith.constant 0 : i32
      %cond3A_42 = arith.cmpi ne, %convert_element_type3A_40, %cond3A_41 : i32
      scf.if %cond3A_42 {
        %dma_start3A = arith.constant 1 : i32
        %dma_start3A_115 = arith.constant 0 : i32
        %dma_start3A_116 = tpu.memref_slice %arg12[%dma_start3A, %dma_start3A_115] : memref<8x128xi32, #tpu.memory_space<vmem>> -> memref<1x128xi32, #tpu.memory_space<vmem>>
        %dma_start3A_117 = tpu.memref_squeeze %dma_start3A_116 : memref<1x128xi32, #tpu.memory_space<vmem>> -> memref<128xi32, #tpu.memory_space<vmem>>
        %dma_start3A_118 = arith.constant 0 : i32
        %dma_start3A_119 = arith.constant 0 : i32
        %dma_start3A_120 = tpu.memref_slice %arg2[%dma_start3A_118, %dma_start3A_119] : memref<50000x32xf32, #tpu.memory_space<hbm>> -> memref<50000x32xf32, #tpu.memory_space<hbm>>
        tpu.enqueue_indirect_dma source(%dma_start3A_120 : memref<50000x32xf32, #tpu.memory_space<hbm>>) target(%arg14 : memref<128x32xf32, #tpu.memory_space<vmem>>) offsets(%dma_start3A_117 : memref<128xi32, #tpu.memory_space<vmem>>) semaphore(%arg15 : memref<!tpu.dma_semaphore, #tpu.memory_space<semaphore_mem>>)
        %dma_wait3A = arith.constant 1 : i32
        %dma_wait3A_121 = arith.constant 0 : i32
        %dma_wait3A_122 = tpu.memref_slice %arg12[%dma_wait3A, %dma_wait3A_121] : memref<8x128xi32, #tpu.memory_space<vmem>> -> memref<1x128xi32, #tpu.memory_space<vmem>>
        %dma_wait3A_123 = tpu.memref_squeeze %dma_wait3A_122 : memref<1x128xi32, #tpu.memory_space<vmem>> -> memref<128xi32, #tpu.memory_space<vmem>>
        %dma_wait3A_124 = arith.constant 0 : i32
        %dma_wait3A_125 = arith.constant 0 : i32
        %dma_wait3A_126 = tpu.memref_slice %arg2[%dma_wait3A_124, %dma_wait3A_125] : memref<50000x32xf32, #tpu.memory_space<hbm>> -> memref<50000x32xf32, #tpu.memory_space<hbm>>
        tpu.wait_indirect_dma semaphore(%arg15 : memref<!tpu.dma_semaphore, #tpu.memory_space<semaphore_mem>>) src(%dma_wait3A_126 : memref<50000x32xf32, #tpu.memory_space<hbm>>) dst(%arg14 : memref<128x32xf32, #tpu.memory_space<vmem>>)
      } else {
      }
      %eq3A_43 = arith.constant 1 : i32
      %eq3A_44 = arith.cmpi eq, %arg0, %eq3A_43 : i32
      %convert_element_type3A_45 = arith.extui %eq3A_44 : i1 to i32
      %cond3A_46 = arith.constant 0 : i32
      %cond3A_47 = arith.cmpi ne, %convert_element_type3A_45, %cond3A_46 : i32
      scf.if %cond3A_47 {
        %dma_start3A = arith.constant 1 : i32
        %dma_start3A_115 = arith.constant 0 : i32
        %dma_start3A_116 = tpu.memref_slice %arg12[%dma_start3A, %dma_start3A_115] : memref<8x128xi32, #tpu.memory_space<vmem>> -> memref<1x128xi32, #tpu.memory_space<vmem>>
        %dma_start3A_117 = tpu.memref_squeeze %dma_start3A_116 : memref<1x128xi32, #tpu.memory_space<vmem>> -> memref<128xi32, #tpu.memory_space<vmem>>
        %dma_start3A_118 = arith.constant 0 : i32
        %dma_start3A_119 = arith.constant 0 : i32
        %dma_start3A_120 = tpu.memref_slice %arg3[%dma_start3A_118, %dma_start3A_119] : memref<50000x32xf32, #tpu.memory_space<hbm>> -> memref<50000x32xf32, #tpu.memory_space<hbm>>
        tpu.enqueue_indirect_dma source(%dma_start3A_120 : memref<50000x32xf32, #tpu.memory_space<hbm>>) target(%arg14 : memref<128x32xf32, #tpu.memory_space<vmem>>) offsets(%dma_start3A_117 : memref<128xi32, #tpu.memory_space<vmem>>) semaphore(%arg15 : memref<!tpu.dma_semaphore, #tpu.memory_space<semaphore_mem>>)
        %dma_wait3A = arith.constant 1 : i32
        %dma_wait3A_121 = arith.constant 0 : i32
        %dma_wait3A_122 = tpu.memref_slice %arg12[%dma_wait3A, %dma_wait3A_121] : memref<8x128xi32, #tpu.memory_space<vmem>> -> memref<1x128xi32, #tpu.memory_space<vmem>>
        %dma_wait3A_123 = tpu.memref_squeeze %dma_wait3A_122 : memref<1x128xi32, #tpu.memory_space<vmem>> -> memref<128xi32, #tpu.memory_space<vmem>>
        %dma_wait3A_124 = arith.constant 0 : i32
        %dma_wait3A_125 = arith.constant 0 : i32
        %dma_wait3A_126 = tpu.memref_slice %arg3[%dma_wait3A_124, %dma_wait3A_125] : memref<50000x32xf32, #tpu.memory_space<hbm>> -> memref<50000x32xf32, #tpu.memory_space<hbm>>
        tpu.wait_indirect_dma semaphore(%arg15 : memref<!tpu.dma_semaphore, #tpu.memory_space<semaphore_mem>>) src(%dma_wait3A_126 : memref<50000x32xf32, #tpu.memory_space<hbm>>) dst(%arg14 : memref<128x32xf32, #tpu.memory_space<vmem>>)
      } else {
      }
      %run_scoped3A_48 = arith.constant 1 : i32
      "tpu.region"() ({
        %run_scoped3A_115 = tpu.sem_alloc : memref<!tpu.dma_semaphore, #tpu.memory_space<semaphore_mem>>
        %dma_start3A = arith.constant 0 : i32
        %dma_start3A_116 = tpu.memref_slice %arg13[%run_scoped3A_48, %dma_start3A] : memref<8x128xi32, #tpu.memory_space<vmem>> -> memref<1x128xi32, #tpu.memory_space<vmem>>
        %dma_start3A_117 = tpu.memref_squeeze %dma_start3A_116 : memref<1x128xi32, #tpu.memory_space<vmem>> -> memref<128xi32, #tpu.memory_space<vmem>>
        %dma_start3A_118 = arith.constant 0 : i32
        %dma_start3A_119 = arith.constant 0 : i32
        %dma_start3A_120 = tpu.memref_slice %arg11[%dma_start3A_118, %dma_start3A_119] : memref<50008x32xf32, #tpu.memory_space<vmem_shared>> -> memref<50008x32xf32, #tpu.memory_space<vmem_shared>>
        tpu.enqueue_indirect_dma source(%arg14 : memref<128x32xf32, #tpu.memory_space<vmem>>) target(%dma_start3A_120 : memref<50008x32xf32, #tpu.memory_space<vmem_shared>>) offsets(%dma_start3A_117 : memref<128xi32, #tpu.memory_space<vmem>>) semaphore(%run_scoped3A_115 : memref<!tpu.dma_semaphore, #tpu.memory_space<semaphore_mem>>) {add = true}
        %dma_wait3A = arith.constant 0 : i32
        %dma_wait3A_121 = tpu.memref_slice %arg13[%run_scoped3A_48, %dma_wait3A] : memref<8x128xi32, #tpu.memory_space<vmem>> -> memref<1x128xi32, #tpu.memory_space<vmem>>
        %dma_wait3A_122 = tpu.memref_squeeze %dma_wait3A_121 : memref<1x128xi32, #tpu.memory_space<vmem>> -> memref<128xi32, #tpu.memory_space<vmem>>
        %dma_wait3A_123 = arith.constant 0 : i32
        %dma_wait3A_124 = arith.constant 0 : i32
        %dma_wait3A_125 = tpu.memref_slice %arg11[%dma_wait3A_123, %dma_wait3A_124] : memref<50008x32xf32, #tpu.memory_space<vmem_shared>> -> memref<50008x32xf32, #tpu.memory_space<vmem_shared>>
        tpu.wait_indirect_dma semaphore(%run_scoped3A_115 : memref<!tpu.dma_semaphore, #tpu.memory_space<semaphore_mem>>) src(%arg14 : memref<128x32xf32, #tpu.memory_space<vmem>>) dst(%dma_wait3A_125 : memref<50008x32xf32, #tpu.memory_space<vmem_shared>>)
        tpu.yield
      }) : () -> ()
      %eq3A_49 = arith.constant 0 : i32
      %eq3A_50 = arith.cmpi eq, %arg0, %eq3A_49 : i32
      %convert_element_type3A_51 = arith.extui %eq3A_50 : i1 to i32
      %cond3A_52 = arith.constant 0 : i32
      %cond3A_53 = arith.cmpi ne, %convert_element_type3A_51, %cond3A_52 : i32
      scf.if %cond3A_53 {
        %dma_start3A = arith.constant 2 : i32
        %dma_start3A_115 = arith.constant 0 : i32
        %dma_start3A_116 = tpu.memref_slice %arg12[%dma_start3A, %dma_start3A_115] : memref<8x128xi32, #tpu.memory_space<vmem>> -> memref<1x128xi32, #tpu.memory_space<vmem>>
        %dma_start3A_117 = tpu.memref_squeeze %dma_start3A_116 : memref<1x128xi32, #tpu.memory_space<vmem>> -> memref<128xi32, #tpu.memory_space<vmem>>
        %dma_start3A_118 = arith.constant 0 : i32
        %dma_start3A_119 = arith.constant 0 : i32
        %dma_start3A_120 = tpu.memref_slice %arg2[%dma_start3A_118, %dma_start3A_119] : memref<50000x32xf32, #tpu.memory_space<hbm>> -> memref<50000x32xf32, #tpu.memory_space<hbm>>
        tpu.enqueue_indirect_dma source(%dma_start3A_120 : memref<50000x32xf32, #tpu.memory_space<hbm>>) target(%arg14 : memref<128x32xf32, #tpu.memory_space<vmem>>) offsets(%dma_start3A_117 : memref<128xi32, #tpu.memory_space<vmem>>) semaphore(%arg15 : memref<!tpu.dma_semaphore, #tpu.memory_space<semaphore_mem>>)
        %dma_wait3A = arith.constant 2 : i32
        %dma_wait3A_121 = arith.constant 0 : i32
        %dma_wait3A_122 = tpu.memref_slice %arg12[%dma_wait3A, %dma_wait3A_121] : memref<8x128xi32, #tpu.memory_space<vmem>> -> memref<1x128xi32, #tpu.memory_space<vmem>>
        %dma_wait3A_123 = tpu.memref_squeeze %dma_wait3A_122 : memref<1x128xi32, #tpu.memory_space<vmem>> -> memref<128xi32, #tpu.memory_space<vmem>>
        %dma_wait3A_124 = arith.constant 0 : i32
        %dma_wait3A_125 = arith.constant 0 : i32
        %dma_wait3A_126 = tpu.memref_slice %arg2[%dma_wait3A_124, %dma_wait3A_125] : memref<50000x32xf32, #tpu.memory_space<hbm>> -> memref<50000x32xf32, #tpu.memory_space<hbm>>
        tpu.wait_indirect_dma semaphore(%arg15 : memref<!tpu.dma_semaphore, #tpu.memory_space<semaphore_mem>>) src(%dma_wait3A_126 : memref<50000x32xf32, #tpu.memory_space<hbm>>) dst(%arg14 : memref<128x32xf32, #tpu.memory_space<vmem>>)
      } else {
      }
      %eq3A_54 = arith.constant 1 : i32
      %eq3A_55 = arith.cmpi eq, %arg0, %eq3A_54 : i32
      %convert_element_type3A_56 = arith.extui %eq3A_55 : i1 to i32
      %cond3A_57 = arith.constant 0 : i32
      %cond3A_58 = arith.cmpi ne, %convert_element_type3A_56, %cond3A_57 : i32
      scf.if %cond3A_58 {
        %dma_start3A = arith.constant 2 : i32
        %dma_start3A_115 = arith.constant 0 : i32
        %dma_start3A_116 = tpu.memref_slice %arg12[%dma_start3A, %dma_start3A_115] : memref<8x128xi32, #tpu.memory_space<vmem>> -> memref<1x128xi32, #tpu.memory_space<vmem>>
        %dma_start3A_117 = tpu.memref_squeeze %dma_start3A_116 : memref<1x128xi32, #tpu.memory_space<vmem>> -> memref<128xi32, #tpu.memory_space<vmem>>
        %dma_start3A_118 = arith.constant 0 : i32
        %dma_start3A_119 = arith.constant 0 : i32
        %dma_start3A_120 = tpu.memref_slice %arg3[%dma_start3A_118, %dma_start3A_119] : memref<50000x32xf32, #tpu.memory_space<hbm>> -> memref<50000x32xf32, #tpu.memory_space<hbm>>
        tpu.enqueue_indirect_dma source(%dma_start3A_120 : memref<50000x32xf32, #tpu.memory_space<hbm>>) target(%arg14 : memref<128x32xf32, #tpu.memory_space<vmem>>) offsets(%dma_start3A_117 : memref<128xi32, #tpu.memory_space<vmem>>) semaphore(%arg15 : memref<!tpu.dma_semaphore, #tpu.memory_space<semaphore_mem>>)
        %dma_wait3A = arith.constant 2 : i32
        %dma_wait3A_121 = arith.constant 0 : i32
        %dma_wait3A_122 = tpu.memref_slice %arg12[%dma_wait3A, %dma_wait3A_121] : memref<8x128xi32, #tpu.memory_space<vmem>> -> memref<1x128xi32, #tpu.memory_space<vmem>>
        %dma_wait3A_123 = tpu.memref_squeeze %dma_wait3A_122 : memref<1x128xi32, #tpu.memory_space<vmem>> -> memref<128xi32, #tpu.memory_space<vmem>>
        %dma_wait3A_124 = arith.constant 0 : i32
        %dma_wait3A_125 = arith.constant 0 : i32
        %dma_wait3A_126 = tpu.memref_slice %arg3[%dma_wait3A_124, %dma_wait3A_125] : memref<50000x32xf32, #tpu.memory_space<hbm>> -> memref<50000x32xf32, #tpu.memory_space<hbm>>
        tpu.wait_indirect_dma semaphore(%arg15 : memref<!tpu.dma_semaphore, #tpu.memory_space<semaphore_mem>>) src(%dma_wait3A_126 : memref<50000x32xf32, #tpu.memory_space<hbm>>) dst(%arg14 : memref<128x32xf32, #tpu.memory_space<vmem>>)
      } else {
      }
      %run_scoped3A_59 = arith.constant 2 : i32
      "tpu.region"() ({
        %run_scoped3A_115 = tpu.sem_alloc : memref<!tpu.dma_semaphore, #tpu.memory_space<semaphore_mem>>
        %dma_start3A = arith.constant 0 : i32
        %dma_start3A_116 = tpu.memref_slice %arg13[%run_scoped3A_59, %dma_start3A] : memref<8x128xi32, #tpu.memory_space<vmem>> -> memref<1x128xi32, #tpu.memory_space<vmem>>
        %dma_start3A_117 = tpu.memref_squeeze %dma_start3A_116 : memref<1x128xi32, #tpu.memory_space<vmem>> -> memref<128xi32, #tpu.memory_space<vmem>>
        %dma_start3A_118 = arith.constant 0 : i32
        %dma_start3A_119 = arith.constant 0 : i32
        %dma_start3A_120 = tpu.memref_slice %arg11[%dma_start3A_118, %dma_start3A_119] : memref<50008x32xf32, #tpu.memory_space<vmem_shared>> -> memref<50008x32xf32, #tpu.memory_space<vmem_shared>>
        tpu.enqueue_indirect_dma source(%arg14 : memref<128x32xf32, #tpu.memory_space<vmem>>) target(%dma_start3A_120 : memref<50008x32xf32, #tpu.memory_space<vmem_shared>>) offsets(%dma_start3A_117 : memref<128xi32, #tpu.memory_space<vmem>>) semaphore(%run_scoped3A_115 : memref<!tpu.dma_semaphore, #tpu.memory_space<semaphore_mem>>) {add = true}
        %dma_wait3A = arith.constant 0 : i32
        %dma_wait3A_121 = tpu.memref_slice %arg13[%run_scoped3A_59, %dma_wait3A] : memref<8x128xi32, #tpu.memory_space<vmem>> -> memref<1x128xi32, #tpu.memory_space<vmem>>
        %dma_wait3A_122 = tpu.memref_squeeze %dma_wait3A_121 : memref<1x128xi32, #tpu.memory_space<vmem>> -> memref<128xi32, #tpu.memory_space<vmem>>
        %dma_wait3A_123 = arith.constant 0 : i32
        %dma_wait3A_124 = arith.constant 0 : i32
        %dma_wait3A_125 = tpu.memref_slice %arg11[%dma_wait3A_123, %dma_wait3A_124] : memref<50008x32xf32, #tpu.memory_space<vmem_shared>> -> memref<50008x32xf32, #tpu.memory_space<vmem_shared>>
        tpu.wait_indirect_dma semaphore(%run_scoped3A_115 : memref<!tpu.dma_semaphore, #tpu.memory_space<semaphore_mem>>) src(%arg14 : memref<128x32xf32, #tpu.memory_space<vmem>>) dst(%dma_wait3A_125 : memref<50008x32xf32, #tpu.memory_space<vmem_shared>>)
        tpu.yield
      }) : () -> ()
      %eq3A_60 = arith.constant 0 : i32
      %eq3A_61 = arith.cmpi eq, %arg0, %eq3A_60 : i32
      %convert_element_type3A_62 = arith.extui %eq3A_61 : i1 to i32
      %cond3A_63 = arith.constant 0 : i32
      %cond3A_64 = arith.cmpi ne, %convert_element_type3A_62, %cond3A_63 : i32
      scf.if %cond3A_64 {
        %dma_start3A = arith.constant 3 : i32
        %dma_start3A_115 = arith.constant 0 : i32
        %dma_start3A_116 = tpu.memref_slice %arg12[%dma_start3A, %dma_start3A_115] : memref<8x128xi32, #tpu.memory_space<vmem>> -> memref<1x128xi32, #tpu.memory_space<vmem>>
        %dma_start3A_117 = tpu.memref_squeeze %dma_start3A_116 : memref<1x128xi32, #tpu.memory_space<vmem>> -> memref<128xi32, #tpu.memory_space<vmem>>
        %dma_start3A_118 = arith.constant 0 : i32
        %dma_start3A_119 = arith.constant 0 : i32
        %dma_start3A_120 = tpu.memref_slice %arg2[%dma_start3A_118, %dma_start3A_119] : memref<50000x32xf32, #tpu.memory_space<hbm>> -> memref<50000x32xf32, #tpu.memory_space<hbm>>
        tpu.enqueue_indirect_dma source(%dma_start3A_120 : memref<50000x32xf32, #tpu.memory_space<hbm>>) target(%arg14 : memref<128x32xf32, #tpu.memory_space<vmem>>) offsets(%dma_start3A_117 : memref<128xi32, #tpu.memory_space<vmem>>) semaphore(%arg15 : memref<!tpu.dma_semaphore, #tpu.memory_space<semaphore_mem>>)
        %dma_wait3A = arith.constant 3 : i32
        %dma_wait3A_121 = arith.constant 0 : i32
        %dma_wait3A_122 = tpu.memref_slice %arg12[%dma_wait3A, %dma_wait3A_121] : memref<8x128xi32, #tpu.memory_space<vmem>> -> memref<1x128xi32, #tpu.memory_space<vmem>>
        %dma_wait3A_123 = tpu.memref_squeeze %dma_wait3A_122 : memref<1x128xi32, #tpu.memory_space<vmem>> -> memref<128xi32, #tpu.memory_space<vmem>>
        %dma_wait3A_124 = arith.constant 0 : i32
        %dma_wait3A_125 = arith.constant 0 : i32
        %dma_wait3A_126 = tpu.memref_slice %arg2[%dma_wait3A_124, %dma_wait3A_125] : memref<50000x32xf32, #tpu.memory_space<hbm>> -> memref<50000x32xf32, #tpu.memory_space<hbm>>
        tpu.wait_indirect_dma semaphore(%arg15 : memref<!tpu.dma_semaphore, #tpu.memory_space<semaphore_mem>>) src(%dma_wait3A_126 : memref<50000x32xf32, #tpu.memory_space<hbm>>) dst(%arg14 : memref<128x32xf32, #tpu.memory_space<vmem>>)
      } else {
      }
      %eq3A_65 = arith.constant 1 : i32
      %eq3A_66 = arith.cmpi eq, %arg0, %eq3A_65 : i32
      %convert_element_type3A_67 = arith.extui %eq3A_66 : i1 to i32
      %cond3A_68 = arith.constant 0 : i32
      %cond3A_69 = arith.cmpi ne, %convert_element_type3A_67, %cond3A_68 : i32
      scf.if %cond3A_69 {
        %dma_start3A = arith.constant 3 : i32
        %dma_start3A_115 = arith.constant 0 : i32
        %dma_start3A_116 = tpu.memref_slice %arg12[%dma_start3A, %dma_start3A_115] : memref<8x128xi32, #tpu.memory_space<vmem>> -> memref<1x128xi32, #tpu.memory_space<vmem>>
        %dma_start3A_117 = tpu.memref_squeeze %dma_start3A_116 : memref<1x128xi32, #tpu.memory_space<vmem>> -> memref<128xi32, #tpu.memory_space<vmem>>
        %dma_start3A_118 = arith.constant 0 : i32
        %dma_start3A_119 = arith.constant 0 : i32
        %dma_start3A_120 = tpu.memref_slice %arg3[%dma_start3A_118, %dma_start3A_119] : memref<50000x32xf32, #tpu.memory_space<hbm>> -> memref<50000x32xf32, #tpu.memory_space<hbm>>
        tpu.enqueue_indirect_dma source(%dma_start3A_120 : memref<50000x32xf32, #tpu.memory_space<hbm>>) target(%arg14 : memref<128x32xf32, #tpu.memory_space<vmem>>) offsets(%dma_start3A_117 : memref<128xi32, #tpu.memory_space<vmem>>) semaphore(%arg15 : memref<!tpu.dma_semaphore, #tpu.memory_space<semaphore_mem>>)
        %dma_wait3A = arith.constant 3 : i32
        %dma_wait3A_121 = arith.constant 0 : i32
        %dma_wait3A_122 = tpu.memref_slice %arg12[%dma_wait3A, %dma_wait3A_121] : memref<8x128xi32, #tpu.memory_space<vmem>> -> memref<1x128xi32, #tpu.memory_space<vmem>>
        %dma_wait3A_123 = tpu.memref_squeeze %dma_wait3A_122 : memref<1x128xi32, #tpu.memory_space<vmem>> -> memref<128xi32, #tpu.memory_space<vmem>>
        %dma_wait3A_124 = arith.constant 0 : i32
        %dma_wait3A_125 = arith.constant 0 : i32
        %dma_wait3A_126 = tpu.memref_slice %arg3[%dma_wait3A_124, %dma_wait3A_125] : memref<50000x32xf32, #tpu.memory_space<hbm>> -> memref<50000x32xf32, #tpu.memory_space<hbm>>
        tpu.wait_indirect_dma semaphore(%arg15 : memref<!tpu.dma_semaphore, #tpu.memory_space<semaphore_mem>>) src(%dma_wait3A_126 : memref<50000x32xf32, #tpu.memory_space<hbm>>) dst(%arg14 : memref<128x32xf32, #tpu.memory_space<vmem>>)
      } else {
      }
      %run_scoped3A_70 = arith.constant 3 : i32
      "tpu.region"() ({
        %run_scoped3A_115 = tpu.sem_alloc : memref<!tpu.dma_semaphore, #tpu.memory_space<semaphore_mem>>
        %dma_start3A = arith.constant 0 : i32
        %dma_start3A_116 = tpu.memref_slice %arg13[%run_scoped3A_70, %dma_start3A] : memref<8x128xi32, #tpu.memory_space<vmem>> -> memref<1x128xi32, #tpu.memory_space<vmem>>
        %dma_start3A_117 = tpu.memref_squeeze %dma_start3A_116 : memref<1x128xi32, #tpu.memory_space<vmem>> -> memref<128xi32, #tpu.memory_space<vmem>>
        %dma_start3A_118 = arith.constant 0 : i32
        %dma_start3A_119 = arith.constant 0 : i32
        %dma_start3A_120 = tpu.memref_slice %arg11[%dma_start3A_118, %dma_start3A_119] : memref<50008x32xf32, #tpu.memory_space<vmem_shared>> -> memref<50008x32xf32, #tpu.memory_space<vmem_shared>>
        tpu.enqueue_indirect_dma source(%arg14 : memref<128x32xf32, #tpu.memory_space<vmem>>) target(%dma_start3A_120 : memref<50008x32xf32, #tpu.memory_space<vmem_shared>>) offsets(%dma_start3A_117 : memref<128xi32, #tpu.memory_space<vmem>>) semaphore(%run_scoped3A_115 : memref<!tpu.dma_semaphore, #tpu.memory_space<semaphore_mem>>) {add = true}
        %dma_wait3A = arith.constant 0 : i32
        %dma_wait3A_121 = tpu.memref_slice %arg13[%run_scoped3A_70, %dma_wait3A] : memref<8x128xi32, #tpu.memory_space<vmem>> -> memref<1x128xi32, #tpu.memory_space<vmem>>
        %dma_wait3A_122 = tpu.memref_squeeze %dma_wait3A_121 : memref<1x128xi32, #tpu.memory_space<vmem>> -> memref<128xi32, #tpu.memory_space<vmem>>
        %dma_wait3A_123 = arith.constant 0 : i32
        %dma_wait3A_124 = arith.constant 0 : i32
        %dma_wait3A_125 = tpu.memref_slice %arg11[%dma_wait3A_123, %dma_wait3A_124] : memref<50008x32xf32, #tpu.memory_space<vmem_shared>> -> memref<50008x32xf32, #tpu.memory_space<vmem_shared>>
        tpu.wait_indirect_dma semaphore(%run_scoped3A_115 : memref<!tpu.dma_semaphore, #tpu.memory_space<semaphore_mem>>) src(%arg14 : memref<128x32xf32, #tpu.memory_space<vmem>>) dst(%dma_wait3A_125 : memref<50008x32xf32, #tpu.memory_space<vmem_shared>>)
        tpu.yield
      }) : () -> ()
      %eq3A_71 = arith.constant 0 : i32
      %eq3A_72 = arith.cmpi eq, %arg0, %eq3A_71 : i32
      %convert_element_type3A_73 = arith.extui %eq3A_72 : i1 to i32
      %cond3A_74 = arith.constant 0 : i32
      %cond3A_75 = arith.cmpi ne, %convert_element_type3A_73, %cond3A_74 : i32
      scf.if %cond3A_75 {
        %dma_start3A = arith.constant 4 : i32
        %dma_start3A_115 = arith.constant 0 : i32
        %dma_start3A_116 = tpu.memref_slice %arg12[%dma_start3A, %dma_start3A_115] : memref<8x128xi32, #tpu.memory_space<vmem>> -> memref<1x128xi32, #tpu.memory_space<vmem>>
        %dma_start3A_117 = tpu.memref_squeeze %dma_start3A_116 : memref<1x128xi32, #tpu.memory_space<vmem>> -> memref<128xi32, #tpu.memory_space<vmem>>
        %dma_start3A_118 = arith.constant 0 : i32
        %dma_start3A_119 = arith.constant 0 : i32
        %dma_start3A_120 = tpu.memref_slice %arg2[%dma_start3A_118, %dma_start3A_119] : memref<50000x32xf32, #tpu.memory_space<hbm>> -> memref<50000x32xf32, #tpu.memory_space<hbm>>
        tpu.enqueue_indirect_dma source(%dma_start3A_120 : memref<50000x32xf32, #tpu.memory_space<hbm>>) target(%arg14 : memref<128x32xf32, #tpu.memory_space<vmem>>) offsets(%dma_start3A_117 : memref<128xi32, #tpu.memory_space<vmem>>) semaphore(%arg15 : memref<!tpu.dma_semaphore, #tpu.memory_space<semaphore_mem>>)
        %dma_wait3A = arith.constant 4 : i32
        %dma_wait3A_121 = arith.constant 0 : i32
        %dma_wait3A_122 = tpu.memref_slice %arg12[%dma_wait3A, %dma_wait3A_121] : memref<8x128xi32, #tpu.memory_space<vmem>> -> memref<1x128xi32, #tpu.memory_space<vmem>>
        %dma_wait3A_123 = tpu.memref_squeeze %dma_wait3A_122 : memref<1x128xi32, #tpu.memory_space<vmem>> -> memref<128xi32, #tpu.memory_space<vmem>>
        %dma_wait3A_124 = arith.constant 0 : i32
        %dma_wait3A_125 = arith.constant 0 : i32
        %dma_wait3A_126 = tpu.memref_slice %arg2[%dma_wait3A_124, %dma_wait3A_125] : memref<50000x32xf32, #tpu.memory_space<hbm>> -> memref<50000x32xf32, #tpu.memory_space<hbm>>
        tpu.wait_indirect_dma semaphore(%arg15 : memref<!tpu.dma_semaphore, #tpu.memory_space<semaphore_mem>>) src(%dma_wait3A_126 : memref<50000x32xf32, #tpu.memory_space<hbm>>) dst(%arg14 : memref<128x32xf32, #tpu.memory_space<vmem>>)
      } else {
      }
      %eq3A_76 = arith.constant 1 : i32
      %eq3A_77 = arith.cmpi eq, %arg0, %eq3A_76 : i32
      %convert_element_type3A_78 = arith.extui %eq3A_77 : i1 to i32
      %cond3A_79 = arith.constant 0 : i32
      %cond3A_80 = arith.cmpi ne, %convert_element_type3A_78, %cond3A_79 : i32
      scf.if %cond3A_80 {
        %dma_start3A = arith.constant 4 : i32
        %dma_start3A_115 = arith.constant 0 : i32
        %dma_start3A_116 = tpu.memref_slice %arg12[%dma_start3A, %dma_start3A_115] : memref<8x128xi32, #tpu.memory_space<vmem>> -> memref<1x128xi32, #tpu.memory_space<vmem>>
        %dma_start3A_117 = tpu.memref_squeeze %dma_start3A_116 : memref<1x128xi32, #tpu.memory_space<vmem>> -> memref<128xi32, #tpu.memory_space<vmem>>
        %dma_start3A_118 = arith.constant 0 : i32
        %dma_start3A_119 = arith.constant 0 : i32
        %dma_start3A_120 = tpu.memref_slice %arg3[%dma_start3A_118, %dma_start3A_119] : memref<50000x32xf32, #tpu.memory_space<hbm>> -> memref<50000x32xf32, #tpu.memory_space<hbm>>
        tpu.enqueue_indirect_dma source(%dma_start3A_120 : memref<50000x32xf32, #tpu.memory_space<hbm>>) target(%arg14 : memref<128x32xf32, #tpu.memory_space<vmem>>) offsets(%dma_start3A_117 : memref<128xi32, #tpu.memory_space<vmem>>) semaphore(%arg15 : memref<!tpu.dma_semaphore, #tpu.memory_space<semaphore_mem>>)
        %dma_wait3A = arith.constant 4 : i32
        %dma_wait3A_121 = arith.constant 0 : i32
        %dma_wait3A_122 = tpu.memref_slice %arg12[%dma_wait3A, %dma_wait3A_121] : memref<8x128xi32, #tpu.memory_space<vmem>> -> memref<1x128xi32, #tpu.memory_space<vmem>>
        %dma_wait3A_123 = tpu.memref_squeeze %dma_wait3A_122 : memref<1x128xi32, #tpu.memory_space<vmem>> -> memref<128xi32, #tpu.memory_space<vmem>>
        %dma_wait3A_124 = arith.constant 0 : i32
        %dma_wait3A_125 = arith.constant 0 : i32
        %dma_wait3A_126 = tpu.memref_slice %arg3[%dma_wait3A_124, %dma_wait3A_125] : memref<50000x32xf32, #tpu.memory_space<hbm>> -> memref<50000x32xf32, #tpu.memory_space<hbm>>
        tpu.wait_indirect_dma semaphore(%arg15 : memref<!tpu.dma_semaphore, #tpu.memory_space<semaphore_mem>>) src(%dma_wait3A_126 : memref<50000x32xf32, #tpu.memory_space<hbm>>) dst(%arg14 : memref<128x32xf32, #tpu.memory_space<vmem>>)
      } else {
      }
      %run_scoped3A_81 = arith.constant 4 : i32
      "tpu.region"() ({
        %run_scoped3A_115 = tpu.sem_alloc : memref<!tpu.dma_semaphore, #tpu.memory_space<semaphore_mem>>
        %dma_start3A = arith.constant 0 : i32
        %dma_start3A_116 = tpu.memref_slice %arg13[%run_scoped3A_81, %dma_start3A] : memref<8x128xi32, #tpu.memory_space<vmem>> -> memref<1x128xi32, #tpu.memory_space<vmem>>
        %dma_start3A_117 = tpu.memref_squeeze %dma_start3A_116 : memref<1x128xi32, #tpu.memory_space<vmem>> -> memref<128xi32, #tpu.memory_space<vmem>>
        %dma_start3A_118 = arith.constant 0 : i32
        %dma_start3A_119 = arith.constant 0 : i32
        %dma_start3A_120 = tpu.memref_slice %arg11[%dma_start3A_118, %dma_start3A_119] : memref<50008x32xf32, #tpu.memory_space<vmem_shared>> -> memref<50008x32xf32, #tpu.memory_space<vmem_shared>>
        tpu.enqueue_indirect_dma source(%arg14 : memref<128x32xf32, #tpu.memory_space<vmem>>) target(%dma_start3A_120 : memref<50008x32xf32, #tpu.memory_space<vmem_shared>>) offsets(%dma_start3A_117 : memref<128xi32, #tpu.memory_space<vmem>>) semaphore(%run_scoped3A_115 : memref<!tpu.dma_semaphore, #tpu.memory_space<semaphore_mem>>) {add = true}
        %dma_wait3A = arith.constant 0 : i32
        %dma_wait3A_121 = tpu.memref_slice %arg13[%run_scoped3A_81, %dma_wait3A] : memref<8x128xi32, #tpu.memory_space<vmem>> -> memref<1x128xi32, #tpu.memory_space<vmem>>
        %dma_wait3A_122 = tpu.memref_squeeze %dma_wait3A_121 : memref<1x128xi32, #tpu.memory_space<vmem>> -> memref<128xi32, #tpu.memory_space<vmem>>
        %dma_wait3A_123 = arith.constant 0 : i32
        %dma_wait3A_124 = arith.constant 0 : i32
        %dma_wait3A_125 = tpu.memref_slice %arg11[%dma_wait3A_123, %dma_wait3A_124] : memref<50008x32xf32, #tpu.memory_space<vmem_shared>> -> memref<50008x32xf32, #tpu.memory_space<vmem_shared>>
        tpu.wait_indirect_dma semaphore(%run_scoped3A_115 : memref<!tpu.dma_semaphore, #tpu.memory_space<semaphore_mem>>) src(%arg14 : memref<128x32xf32, #tpu.memory_space<vmem>>) dst(%dma_wait3A_125 : memref<50008x32xf32, #tpu.memory_space<vmem_shared>>)
        tpu.yield
      }) : () -> ()
      %eq3A_82 = arith.constant 0 : i32
      %eq3A_83 = arith.cmpi eq, %arg0, %eq3A_82 : i32
      %convert_element_type3A_84 = arith.extui %eq3A_83 : i1 to i32
      %cond3A_85 = arith.constant 0 : i32
      %cond3A_86 = arith.cmpi ne, %convert_element_type3A_84, %cond3A_85 : i32
      scf.if %cond3A_86 {
        %dma_start3A = arith.constant 5 : i32
        %dma_start3A_115 = arith.constant 0 : i32
        %dma_start3A_116 = tpu.memref_slice %arg12[%dma_start3A, %dma_start3A_115] : memref<8x128xi32, #tpu.memory_space<vmem>> -> memref<1x128xi32, #tpu.memory_space<vmem>>
        %dma_start3A_117 = tpu.memref_squeeze %dma_start3A_116 : memref<1x128xi32, #tpu.memory_space<vmem>> -> memref<128xi32, #tpu.memory_space<vmem>>
        %dma_start3A_118 = arith.constant 0 : i32
        %dma_start3A_119 = arith.constant 0 : i32
        %dma_start3A_120 = tpu.memref_slice %arg2[%dma_start3A_118, %dma_start3A_119] : memref<50000x32xf32, #tpu.memory_space<hbm>> -> memref<50000x32xf32, #tpu.memory_space<hbm>>
        tpu.enqueue_indirect_dma source(%dma_start3A_120 : memref<50000x32xf32, #tpu.memory_space<hbm>>) target(%arg14 : memref<128x32xf32, #tpu.memory_space<vmem>>) offsets(%dma_start3A_117 : memref<128xi32, #tpu.memory_space<vmem>>) semaphore(%arg15 : memref<!tpu.dma_semaphore, #tpu.memory_space<semaphore_mem>>)
        %dma_wait3A = arith.constant 5 : i32
        %dma_wait3A_121 = arith.constant 0 : i32
        %dma_wait3A_122 = tpu.memref_slice %arg12[%dma_wait3A, %dma_wait3A_121] : memref<8x128xi32, #tpu.memory_space<vmem>> -> memref<1x128xi32, #tpu.memory_space<vmem>>
        %dma_wait3A_123 = tpu.memref_squeeze %dma_wait3A_122 : memref<1x128xi32, #tpu.memory_space<vmem>> -> memref<128xi32, #tpu.memory_space<vmem>>
        %dma_wait3A_124 = arith.constant 0 : i32
        %dma_wait3A_125 = arith.constant 0 : i32
        %dma_wait3A_126 = tpu.memref_slice %arg2[%dma_wait3A_124, %dma_wait3A_125] : memref<50000x32xf32, #tpu.memory_space<hbm>> -> memref<50000x32xf32, #tpu.memory_space<hbm>>
        tpu.wait_indirect_dma semaphore(%arg15 : memref<!tpu.dma_semaphore, #tpu.memory_space<semaphore_mem>>) src(%dma_wait3A_126 : memref<50000x32xf32, #tpu.memory_space<hbm>>) dst(%arg14 : memref<128x32xf32, #tpu.memory_space<vmem>>)
      } else {
      }
      %eq3A_87 = arith.constant 1 : i32
      %eq3A_88 = arith.cmpi eq, %arg0, %eq3A_87 : i32
      %convert_element_type3A_89 = arith.extui %eq3A_88 : i1 to i32
      %cond3A_90 = arith.constant 0 : i32
      %cond3A_91 = arith.cmpi ne, %convert_element_type3A_89, %cond3A_90 : i32
      scf.if %cond3A_91 {
        %dma_start3A = arith.constant 5 : i32
        %dma_start3A_115 = arith.constant 0 : i32
        %dma_start3A_116 = tpu.memref_slice %arg12[%dma_start3A, %dma_start3A_115] : memref<8x128xi32, #tpu.memory_space<vmem>> -> memref<1x128xi32, #tpu.memory_space<vmem>>
        %dma_start3A_117 = tpu.memref_squeeze %dma_start3A_116 : memref<1x128xi32, #tpu.memory_space<vmem>> -> memref<128xi32, #tpu.memory_space<vmem>>
        %dma_start3A_118 = arith.constant 0 : i32
        %dma_start3A_119 = arith.constant 0 : i32
        %dma_start3A_120 = tpu.memref_slice %arg3[%dma_start3A_118, %dma_start3A_119] : memref<50000x32xf32, #tpu.memory_space<hbm>> -> memref<50000x32xf32, #tpu.memory_space<hbm>>
        tpu.enqueue_indirect_dma source(%dma_start3A_120 : memref<50000x32xf32, #tpu.memory_space<hbm>>) target(%arg14 : memref<128x32xf32, #tpu.memory_space<vmem>>) offsets(%dma_start3A_117 : memref<128xi32, #tpu.memory_space<vmem>>) semaphore(%arg15 : memref<!tpu.dma_semaphore, #tpu.memory_space<semaphore_mem>>)
        %dma_wait3A = arith.constant 5 : i32
        %dma_wait3A_121 = arith.constant 0 : i32
        %dma_wait3A_122 = tpu.memref_slice %arg12[%dma_wait3A, %dma_wait3A_121] : memref<8x128xi32, #tpu.memory_space<vmem>> -> memref<1x128xi32, #tpu.memory_space<vmem>>
        %dma_wait3A_123 = tpu.memref_squeeze %dma_wait3A_122 : memref<1x128xi32, #tpu.memory_space<vmem>> -> memref<128xi32, #tpu.memory_space<vmem>>
        %dma_wait3A_124 = arith.constant 0 : i32
        %dma_wait3A_125 = arith.constant 0 : i32
        %dma_wait3A_126 = tpu.memref_slice %arg3[%dma_wait3A_124, %dma_wait3A_125] : memref<50000x32xf32, #tpu.memory_space<hbm>> -> memref<50000x32xf32, #tpu.memory_space<hbm>>
        tpu.wait_indirect_dma semaphore(%arg15 : memref<!tpu.dma_semaphore, #tpu.memory_space<semaphore_mem>>) src(%dma_wait3A_126 : memref<50000x32xf32, #tpu.memory_space<hbm>>) dst(%arg14 : memref<128x32xf32, #tpu.memory_space<vmem>>)
      } else {
      }
      %run_scoped3A_92 = arith.constant 5 : i32
      "tpu.region"() ({
        %run_scoped3A_115 = tpu.sem_alloc : memref<!tpu.dma_semaphore, #tpu.memory_space<semaphore_mem>>
        %dma_start3A = arith.constant 0 : i32
        %dma_start3A_116 = tpu.memref_slice %arg13[%run_scoped3A_92, %dma_start3A] : memref<8x128xi32, #tpu.memory_space<vmem>> -> memref<1x128xi32, #tpu.memory_space<vmem>>
        %dma_start3A_117 = tpu.memref_squeeze %dma_start3A_116 : memref<1x128xi32, #tpu.memory_space<vmem>> -> memref<128xi32, #tpu.memory_space<vmem>>
        %dma_start3A_118 = arith.constant 0 : i32
        %dma_start3A_119 = arith.constant 0 : i32
        %dma_start3A_120 = tpu.memref_slice %arg11[%dma_start3A_118, %dma_start3A_119] : memref<50008x32xf32, #tpu.memory_space<vmem_shared>> -> memref<50008x32xf32, #tpu.memory_space<vmem_shared>>
        tpu.enqueue_indirect_dma source(%arg14 : memref<128x32xf32, #tpu.memory_space<vmem>>) target(%dma_start3A_120 : memref<50008x32xf32, #tpu.memory_space<vmem_shared>>) offsets(%dma_start3A_117 : memref<128xi32, #tpu.memory_space<vmem>>) semaphore(%run_scoped3A_115 : memref<!tpu.dma_semaphore, #tpu.memory_space<semaphore_mem>>) {add = true}
        %dma_wait3A = arith.constant 0 : i32
        %dma_wait3A_121 = tpu.memref_slice %arg13[%run_scoped3A_92, %dma_wait3A] : memref<8x128xi32, #tpu.memory_space<vmem>> -> memref<1x128xi32, #tpu.memory_space<vmem>>
        %dma_wait3A_122 = tpu.memref_squeeze %dma_wait3A_121 : memref<1x128xi32, #tpu.memory_space<vmem>> -> memref<128xi32, #tpu.memory_space<vmem>>
        %dma_wait3A_123 = arith.constant 0 : i32
        %dma_wait3A_124 = arith.constant 0 : i32
        %dma_wait3A_125 = tpu.memref_slice %arg11[%dma_wait3A_123, %dma_wait3A_124] : memref<50008x32xf32, #tpu.memory_space<vmem_shared>> -> memref<50008x32xf32, #tpu.memory_space<vmem_shared>>
        tpu.wait_indirect_dma semaphore(%run_scoped3A_115 : memref<!tpu.dma_semaphore, #tpu.memory_space<semaphore_mem>>) src(%arg14 : memref<128x32xf32, #tpu.memory_space<vmem>>) dst(%dma_wait3A_125 : memref<50008x32xf32, #tpu.memory_space<vmem_shared>>)
        tpu.yield
      }) : () -> ()
      %eq3A_93 = arith.constant 0 : i32
      %eq3A_94 = arith.cmpi eq, %arg0, %eq3A_93 : i32
      %convert_element_type3A_95 = arith.extui %eq3A_94 : i1 to i32
      %cond3A_96 = arith.constant 0 : i32
      %cond3A_97 = arith.cmpi ne, %convert_element_type3A_95, %cond3A_96 : i32
      scf.if %cond3A_97 {
        %dma_start3A = arith.constant 6 : i32
        %dma_start3A_115 = arith.constant 0 : i32
        %dma_start3A_116 = tpu.memref_slice %arg12[%dma_start3A, %dma_start3A_115] : memref<8x128xi32, #tpu.memory_space<vmem>> -> memref<1x128xi32, #tpu.memory_space<vmem>>
        %dma_start3A_117 = tpu.memref_squeeze %dma_start3A_116 : memref<1x128xi32, #tpu.memory_space<vmem>> -> memref<128xi32, #tpu.memory_space<vmem>>
        %dma_start3A_118 = arith.constant 0 : i32
        %dma_start3A_119 = arith.constant 0 : i32
        %dma_start3A_120 = tpu.memref_slice %arg2[%dma_start3A_118, %dma_start3A_119] : memref<50000x32xf32, #tpu.memory_space<hbm>> -> memref<50000x32xf32, #tpu.memory_space<hbm>>
        tpu.enqueue_indirect_dma source(%dma_start3A_120 : memref<50000x32xf32, #tpu.memory_space<hbm>>) target(%arg14 : memref<128x32xf32, #tpu.memory_space<vmem>>) offsets(%dma_start3A_117 : memref<128xi32, #tpu.memory_space<vmem>>) semaphore(%arg15 : memref<!tpu.dma_semaphore, #tpu.memory_space<semaphore_mem>>)
        %dma_wait3A = arith.constant 6 : i32
        %dma_wait3A_121 = arith.constant 0 : i32
        %dma_wait3A_122 = tpu.memref_slice %arg12[%dma_wait3A, %dma_wait3A_121] : memref<8x128xi32, #tpu.memory_space<vmem>> -> memref<1x128xi32, #tpu.memory_space<vmem>>
        %dma_wait3A_123 = tpu.memref_squeeze %dma_wait3A_122 : memref<1x128xi32, #tpu.memory_space<vmem>> -> memref<128xi32, #tpu.memory_space<vmem>>
        %dma_wait3A_124 = arith.constant 0 : i32
        %dma_wait3A_125 = arith.constant 0 : i32
        %dma_wait3A_126 = tpu.memref_slice %arg2[%dma_wait3A_124, %dma_wait3A_125] : memref<50000x32xf32, #tpu.memory_space<hbm>> -> memref<50000x32xf32, #tpu.memory_space<hbm>>
        tpu.wait_indirect_dma semaphore(%arg15 : memref<!tpu.dma_semaphore, #tpu.memory_space<semaphore_mem>>) src(%dma_wait3A_126 : memref<50000x32xf32, #tpu.memory_space<hbm>>) dst(%arg14 : memref<128x32xf32, #tpu.memory_space<vmem>>)
      } else {
      }
      %eq3A_98 = arith.constant 1 : i32
      %eq3A_99 = arith.cmpi eq, %arg0, %eq3A_98 : i32
      %convert_element_type3A_100 = arith.extui %eq3A_99 : i1 to i32
      %cond3A_101 = arith.constant 0 : i32
      %cond3A_102 = arith.cmpi ne, %convert_element_type3A_100, %cond3A_101 : i32
      scf.if %cond3A_102 {
        %dma_start3A = arith.constant 6 : i32
        %dma_start3A_115 = arith.constant 0 : i32
        %dma_start3A_116 = tpu.memref_slice %arg12[%dma_start3A, %dma_start3A_115] : memref<8x128xi32, #tpu.memory_space<vmem>> -> memref<1x128xi32, #tpu.memory_space<vmem>>
        %dma_start3A_117 = tpu.memref_squeeze %dma_start3A_116 : memref<1x128xi32, #tpu.memory_space<vmem>> -> memref<128xi32, #tpu.memory_space<vmem>>
        %dma_start3A_118 = arith.constant 0 : i32
        %dma_start3A_119 = arith.constant 0 : i32
        %dma_start3A_120 = tpu.memref_slice %arg3[%dma_start3A_118, %dma_start3A_119] : memref<50000x32xf32, #tpu.memory_space<hbm>> -> memref<50000x32xf32, #tpu.memory_space<hbm>>
        tpu.enqueue_indirect_dma source(%dma_start3A_120 : memref<50000x32xf32, #tpu.memory_space<hbm>>) target(%arg14 : memref<128x32xf32, #tpu.memory_space<vmem>>) offsets(%dma_start3A_117 : memref<128xi32, #tpu.memory_space<vmem>>) semaphore(%arg15 : memref<!tpu.dma_semaphore, #tpu.memory_space<semaphore_mem>>)
        %dma_wait3A = arith.constant 6 : i32
        %dma_wait3A_121 = arith.constant 0 : i32
        %dma_wait3A_122 = tpu.memref_slice %arg12[%dma_wait3A, %dma_wait3A_121] : memref<8x128xi32, #tpu.memory_space<vmem>> -> memref<1x128xi32, #tpu.memory_space<vmem>>
        %dma_wait3A_123 = tpu.memref_squeeze %dma_wait3A_122 : memref<1x128xi32, #tpu.memory_space<vmem>> -> memref<128xi32, #tpu.memory_space<vmem>>
        %dma_wait3A_124 = arith.constant 0 : i32
        %dma_wait3A_125 = arith.constant 0 : i32
        %dma_wait3A_126 = tpu.memref_slice %arg3[%dma_wait3A_124, %dma_wait3A_125] : memref<50000x32xf32, #tpu.memory_space<hbm>> -> memref<50000x32xf32, #tpu.memory_space<hbm>>
        tpu.wait_indirect_dma semaphore(%arg15 : memref<!tpu.dma_semaphore, #tpu.memory_space<semaphore_mem>>) src(%dma_wait3A_126 : memref<50000x32xf32, #tpu.memory_space<hbm>>) dst(%arg14 : memref<128x32xf32, #tpu.memory_space<vmem>>)
      } else {
      }
      %run_scoped3A_103 = arith.constant 6 : i32
      "tpu.region"() ({
        %run_scoped3A_115 = tpu.sem_alloc : memref<!tpu.dma_semaphore, #tpu.memory_space<semaphore_mem>>
        %dma_start3A = arith.constant 0 : i32
        %dma_start3A_116 = tpu.memref_slice %arg13[%run_scoped3A_103, %dma_start3A] : memref<8x128xi32, #tpu.memory_space<vmem>> -> memref<1x128xi32, #tpu.memory_space<vmem>>
        %dma_start3A_117 = tpu.memref_squeeze %dma_start3A_116 : memref<1x128xi32, #tpu.memory_space<vmem>> -> memref<128xi32, #tpu.memory_space<vmem>>
        %dma_start3A_118 = arith.constant 0 : i32
        %dma_start3A_119 = arith.constant 0 : i32
        %dma_start3A_120 = tpu.memref_slice %arg11[%dma_start3A_118, %dma_start3A_119] : memref<50008x32xf32, #tpu.memory_space<vmem_shared>> -> memref<50008x32xf32, #tpu.memory_space<vmem_shared>>
        tpu.enqueue_indirect_dma source(%arg14 : memref<128x32xf32, #tpu.memory_space<vmem>>) target(%dma_start3A_120 : memref<50008x32xf32, #tpu.memory_space<vmem_shared>>) offsets(%dma_start3A_117 : memref<128xi32, #tpu.memory_space<vmem>>) semaphore(%run_scoped3A_115 : memref<!tpu.dma_semaphore, #tpu.memory_space<semaphore_mem>>) {add = true}
        %dma_wait3A = arith.constant 0 : i32
        %dma_wait3A_121 = tpu.memref_slice %arg13[%run_scoped3A_103, %dma_wait3A] : memref<8x128xi32, #tpu.memory_space<vmem>> -> memref<1x128xi32, #tpu.memory_space<vmem>>
        %dma_wait3A_122 = tpu.memref_squeeze %dma_wait3A_121 : memref<1x128xi32, #tpu.memory_space<vmem>> -> memref<128xi32, #tpu.memory_space<vmem>>
        %dma_wait3A_123 = arith.constant 0 : i32
        %dma_wait3A_124 = arith.constant 0 : i32
        %dma_wait3A_125 = tpu.memref_slice %arg11[%dma_wait3A_123, %dma_wait3A_124] : memref<50008x32xf32, #tpu.memory_space<vmem_shared>> -> memref<50008x32xf32, #tpu.memory_space<vmem_shared>>
        tpu.wait_indirect_dma semaphore(%run_scoped3A_115 : memref<!tpu.dma_semaphore, #tpu.memory_space<semaphore_mem>>) src(%arg14 : memref<128x32xf32, #tpu.memory_space<vmem>>) dst(%dma_wait3A_125 : memref<50008x32xf32, #tpu.memory_space<vmem_shared>>)
        tpu.yield
      }) : () -> ()
      %eq3A_104 = arith.constant 0 : i32
      %eq3A_105 = arith.cmpi eq, %arg0, %eq3A_104 : i32
      %convert_element_type3A_106 = arith.extui %eq3A_105 : i1 to i32
      %cond3A_107 = arith.constant 0 : i32
      %cond3A_108 = arith.cmpi ne, %convert_element_type3A_106, %cond3A_107 : i32
      scf.if %cond3A_108 {
        %dma_start3A = arith.constant 7 : i32
        %dma_start3A_115 = arith.constant 0 : i32
        %dma_start3A_116 = tpu.memref_slice %arg12[%dma_start3A, %dma_start3A_115] : memref<8x128xi32, #tpu.memory_space<vmem>> -> memref<1x128xi32, #tpu.memory_space<vmem>>
        %dma_start3A_117 = tpu.memref_squeeze %dma_start3A_116 : memref<1x128xi32, #tpu.memory_space<vmem>> -> memref<128xi32, #tpu.memory_space<vmem>>
        %dma_start3A_118 = arith.constant 0 : i32
        %dma_start3A_119 = arith.constant 0 : i32
        %dma_start3A_120 = tpu.memref_slice %arg2[%dma_start3A_118, %dma_start3A_119] : memref<50000x32xf32, #tpu.memory_space<hbm>> -> memref<50000x32xf32, #tpu.memory_space<hbm>>
        tpu.enqueue_indirect_dma source(%dma_start3A_120 : memref<50000x32xf32, #tpu.memory_space<hbm>>) target(%arg14 : memref<128x32xf32, #tpu.memory_space<vmem>>) offsets(%dma_start3A_117 : memref<128xi32, #tpu.memory_space<vmem>>) semaphore(%arg15 : memref<!tpu.dma_semaphore, #tpu.memory_space<semaphore_mem>>)
        %dma_wait3A = arith.constant 7 : i32
        %dma_wait3A_121 = arith.constant 0 : i32
        %dma_wait3A_122 = tpu.memref_slice %arg12[%dma_wait3A, %dma_wait3A_121] : memref<8x128xi32, #tpu.memory_space<vmem>> -> memref<1x128xi32, #tpu.memory_space<vmem>>
        %dma_wait3A_123 = tpu.memref_squeeze %dma_wait3A_122 : memref<1x128xi32, #tpu.memory_space<vmem>> -> memref<128xi32, #tpu.memory_space<vmem>>
        %dma_wait3A_124 = arith.constant 0 : i32
        %dma_wait3A_125 = arith.constant 0 : i32
        %dma_wait3A_126 = tpu.memref_slice %arg2[%dma_wait3A_124, %dma_wait3A_125] : memref<50000x32xf32, #tpu.memory_space<hbm>> -> memref<50000x32xf32, #tpu.memory_space<hbm>>
        tpu.wait_indirect_dma semaphore(%arg15 : memref<!tpu.dma_semaphore, #tpu.memory_space<semaphore_mem>>) src(%dma_wait3A_126 : memref<50000x32xf32, #tpu.memory_space<hbm>>) dst(%arg14 : memref<128x32xf32, #tpu.memory_space<vmem>>)
      } else {
      }
      %eq3A_109 = arith.constant 1 : i32
      %eq3A_110 = arith.cmpi eq, %arg0, %eq3A_109 : i32
      %convert_element_type3A_111 = arith.extui %eq3A_110 : i1 to i32
      %cond3A_112 = arith.constant 0 : i32
      %cond3A_113 = arith.cmpi ne, %convert_element_type3A_111, %cond3A_112 : i32
      scf.if %cond3A_113 {
        %dma_start3A = arith.constant 7 : i32
        %dma_start3A_115 = arith.constant 0 : i32
        %dma_start3A_116 = tpu.memref_slice %arg12[%dma_start3A, %dma_start3A_115] : memref<8x128xi32, #tpu.memory_space<vmem>> -> memref<1x128xi32, #tpu.memory_space<vmem>>
        %dma_start3A_117 = tpu.memref_squeeze %dma_start3A_116 : memref<1x128xi32, #tpu.memory_space<vmem>> -> memref<128xi32, #tpu.memory_space<vmem>>
        %dma_start3A_118 = arith.constant 0 : i32
        %dma_start3A_119 = arith.constant 0 : i32
        %dma_start3A_120 = tpu.memref_slice %arg3[%dma_start3A_118, %dma_start3A_119] : memref<50000x32xf32, #tpu.memory_space<hbm>> -> memref<50000x32xf32, #tpu.memory_space<hbm>>
        tpu.enqueue_indirect_dma source(%dma_start3A_120 : memref<50000x32xf32, #tpu.memory_space<hbm>>) target(%arg14 : memref<128x32xf32, #tpu.memory_space<vmem>>) offsets(%dma_start3A_117 : memref<128xi32, #tpu.memory_space<vmem>>) semaphore(%arg15 : memref<!tpu.dma_semaphore, #tpu.memory_space<semaphore_mem>>)
        %dma_wait3A = arith.constant 7 : i32
        %dma_wait3A_121 = arith.constant 0 : i32
        %dma_wait3A_122 = tpu.memref_slice %arg12[%dma_wait3A, %dma_wait3A_121] : memref<8x128xi32, #tpu.memory_space<vmem>> -> memref<1x128xi32, #tpu.memory_space<vmem>>
        %dma_wait3A_123 = tpu.memref_squeeze %dma_wait3A_122 : memref<1x128xi32, #tpu.memory_space<vmem>> -> memref<128xi32, #tpu.memory_space<vmem>>
        %dma_wait3A_124 = arith.constant 0 : i32
        %dma_wait3A_125 = arith.constant 0 : i32
        %dma_wait3A_126 = tpu.memref_slice %arg3[%dma_wait3A_124, %dma_wait3A_125] : memref<50000x32xf32, #tpu.memory_space<hbm>> -> memref<50000x32xf32, #tpu.memory_space<hbm>>
        tpu.wait_indirect_dma semaphore(%arg15 : memref<!tpu.dma_semaphore, #tpu.memory_space<semaphore_mem>>) src(%dma_wait3A_126 : memref<50000x32xf32, #tpu.memory_space<hbm>>) dst(%arg14 : memref<128x32xf32, #tpu.memory_space<vmem>>)
      } else {
      }
      %run_scoped3A_114 = arith.constant 7 : i32
      "tpu.region"() ({
        %run_scoped3A_115 = tpu.sem_alloc : memref<!tpu.dma_semaphore, #tpu.memory_space<semaphore_mem>>
        %dma_start3A = arith.constant 0 : i32
        %dma_start3A_116 = tpu.memref_slice %arg13[%run_scoped3A_114, %dma_start3A] : memref<8x128xi32, #tpu.memory_space<vmem>> -> memref<1x128xi32, #tpu.memory_space<vmem>>
        %dma_start3A_117 = tpu.memref_squeeze %dma_start3A_116 : memref<1x128xi32, #tpu.memory_space<vmem>> -> memref<128xi32, #tpu.memory_space<vmem>>
        %dma_start3A_118 = arith.constant 0 : i32
        %dma_start3A_119 = arith.constant 0 : i32
        %dma_start3A_120 = tpu.memref_slice %arg11[%dma_start3A_118, %dma_start3A_119] : memref<50008x32xf32, #tpu.memory_space<vmem_shared>> -> memref<50008x32xf32, #tpu.memory_space<vmem_shared>>
        tpu.enqueue_indirect_dma source(%arg14 : memref<128x32xf32, #tpu.memory_space<vmem>>) target(%dma_start3A_120 : memref<50008x32xf32, #tpu.memory_space<vmem_shared>>) offsets(%dma_start3A_117 : memref<128xi32, #tpu.memory_space<vmem>>) semaphore(%run_scoped3A_115 : memref<!tpu.dma_semaphore, #tpu.memory_space<semaphore_mem>>) {add = true}
        %dma_wait3A = arith.constant 0 : i32
        %dma_wait3A_121 = tpu.memref_slice %arg13[%run_scoped3A_114, %dma_wait3A] : memref<8x128xi32, #tpu.memory_space<vmem>> -> memref<1x128xi32, #tpu.memory_space<vmem>>
        %dma_wait3A_122 = tpu.memref_squeeze %dma_wait3A_121 : memref<1x128xi32, #tpu.memory_space<vmem>> -> memref<128xi32, #tpu.memory_space<vmem>>
        %dma_wait3A_123 = arith.constant 0 : i32
        %dma_wait3A_124 = arith.constant 0 : i32
        %dma_wait3A_125 = tpu.memref_slice %arg11[%dma_wait3A_123, %dma_wait3A_124] : memref<50008x32xf32, #tpu.memory_space<vmem_shared>> -> memref<50008x32xf32, #tpu.memory_space<vmem_shared>>
        tpu.wait_indirect_dma semaphore(%run_scoped3A_115 : memref<!tpu.dma_semaphore, #tpu.memory_space<semaphore_mem>>) src(%arg14 : memref<128x32xf32, #tpu.memory_space<vmem>>) dst(%dma_wait3A_125 : memref<50008x32xf32, #tpu.memory_space<vmem_shared>>)
        tpu.yield
      }) : () -> ()
    }
    %scan3A_11 = arith.constant 49 : i32
    %barrier3A_12 = arith.constant 0 : index
    tpu.barrier barrier_id(%barrier3A_12)
    %eq3A_13 = arith.constant 0 : i32
    %eq3A_14 = arith.cmpi eq, %arg0, %eq3A_13 : i32
    %convert_element_type3A_15 = arith.extui %eq3A_14 : i1 to i32
    %cond3A_16 = arith.constant 0 : i32
    %cond3A_17 = arith.cmpi ne, %convert_element_type3A_15, %cond3A_16 : i32
    scf.if %cond3A_17 {
      %lt3A_23 = arith.constant 15 : i32
      %lt3A_24 = arith.cmpi slt, %arg1, %lt3A_23 : i32
      %convert_element_type3A_25 = arith.extui %lt3A_24 : i1 to i32
      %cond3A_26 = arith.constant 0 : i32
      %cond3A_27 = arith.cmpi ne, %convert_element_type3A_25, %cond3A_26 : i32
      scf.if %cond3A_27 {
        "tpu.region"() ({
          %run_scoped3A = tpu.sem_alloc : memref<!tpu.dma_semaphore, #tpu.memory_space<semaphore_mem>>
          %dma_start3A = arith.constant 0 : i32
          %dma_start3A_33 = tpu.memref_slice %arg9[%mul3A_0, %dma_start3A] : memref<50000x32xf32, #tpu.memory_space<hbm>> -> memref<3128x32xf32, #tpu.memory_space<hbm>>
          %dma_start3A_34 = arith.constant 0 : i32
          %dma_start3A_35 = tpu.memref_slice %arg11[%mul3A_0, %dma_start3A_34] : memref<50008x32xf32, #tpu.memory_space<vmem_shared>> -> memref<3128x32xf32, #tpu.memory_space<vmem_shared>>
          tpu.enqueue_dma source(%dma_start3A_35 : memref<3128x32xf32, #tpu.memory_space<vmem_shared>>) target(%dma_start3A_33 : memref<3128x32xf32, #tpu.memory_space<hbm>>) target_semaphore(%run_scoped3A : memref<!tpu.dma_semaphore, #tpu.memory_space<semaphore_mem>>)
          %dma_wait3A = arith.constant 0 : i32
          %dma_wait3A_36 = tpu.memref_slice %arg9[%mul3A_0, %dma_wait3A] : memref<50000x32xf32, #tpu.memory_space<hbm>> -> memref<3128x32xf32, #tpu.memory_space<hbm>>
          %dma_wait3A_37 = arith.constant 0 : i32
          %dma_wait3A_38 = tpu.memref_slice %arg11[%mul3A_0, %dma_wait3A_37] : memref<50008x32xf32, #tpu.memory_space<vmem_shared>> -> memref<3128x32xf32, #tpu.memory_space<vmem_shared>>
          tpu.wait_dma2 semaphore(%run_scoped3A : memref<!tpu.dma_semaphore, #tpu.memory_space<semaphore_mem>>) src(%dma_wait3A_38 : memref<3128x32xf32, #tpu.memory_space<vmem_shared>>) dst(%dma_wait3A_36 : memref<3128x32xf32, #tpu.memory_space<hbm>>)
          tpu.yield
        }) : () -> ()
      } else {
      }
      %eq3A_28 = arith.constant 15 : i32
      %eq3A_29 = arith.cmpi eq, %arg1, %eq3A_28 : i32
      %convert_element_type3A_30 = arith.extui %eq3A_29 : i1 to i32
      %cond3A_31 = arith.constant 0 : i32
      %cond3A_32 = arith.cmpi ne, %convert_element_type3A_30, %cond3A_31 : i32
      scf.if %cond3A_32 {
        "tpu.region"() ({
          %run_scoped3A = tpu.sem_alloc : memref<!tpu.dma_semaphore, #tpu.memory_space<semaphore_mem>>
          %dma_start3A = arith.constant 46920 : i32
          %dma_start3A_33 = arith.constant 0 : i32
          %dma_start3A_34 = tpu.memref_slice %arg9[%dma_start3A, %dma_start3A_33] : memref<50000x32xf32, #tpu.memory_space<hbm>> -> memref<3080x32xf32, #tpu.memory_space<hbm>>
          %dma_start3A_35 = arith.constant 46920 : i32
          %dma_start3A_36 = arith.constant 0 : i32
          %dma_start3A_37 = tpu.memref_slice %arg11[%dma_start3A_35, %dma_start3A_36] : memref<50008x32xf32, #tpu.memory_space<vmem_shared>> -> memref<3080x32xf32, #tpu.memory_space<vmem_shared>>
          tpu.enqueue_dma source(%dma_start3A_37 : memref<3080x32xf32, #tpu.memory_space<vmem_shared>>) target(%dma_start3A_34 : memref<3080x32xf32, #tpu.memory_space<hbm>>) target_semaphore(%run_scoped3A : memref<!tpu.dma_semaphore, #tpu.memory_space<semaphore_mem>>)
          %dma_wait3A = arith.constant 46920 : i32
          %dma_wait3A_38 = arith.constant 0 : i32
          %dma_wait3A_39 = tpu.memref_slice %arg9[%dma_wait3A, %dma_wait3A_38] : memref<50000x32xf32, #tpu.memory_space<hbm>> -> memref<3080x32xf32, #tpu.memory_space<hbm>>
          %dma_wait3A_40 = arith.constant 46920 : i32
          %dma_wait3A_41 = arith.constant 0 : i32
          %dma_wait3A_42 = tpu.memref_slice %arg11[%dma_wait3A_40, %dma_wait3A_41] : memref<50008x32xf32, #tpu.memory_space<vmem_shared>> -> memref<3080x32xf32, #tpu.memory_space<vmem_shared>>
          tpu.wait_dma2 semaphore(%run_scoped3A : memref<!tpu.dma_semaphore, #tpu.memory_space<semaphore_mem>>) src(%dma_wait3A_42 : memref<3080x32xf32, #tpu.memory_space<vmem_shared>>) dst(%dma_wait3A_39 : memref<3080x32xf32, #tpu.memory_space<hbm>>)
          tpu.yield
        }) : () -> ()
      } else {
      }
    } else {
    }
    %eq3A_18 = arith.constant 1 : i32
    %eq3A_19 = arith.cmpi eq, %arg0, %eq3A_18 : i32
    %convert_element_type3A_20 = arith.extui %eq3A_19 : i1 to i32
    %cond3A_21 = arith.constant 0 : i32
    %cond3A_22 = arith.cmpi ne, %convert_element_type3A_20, %cond3A_21 : i32
    scf.if %cond3A_22 {
      %lt3A_23 = arith.constant 15 : i32
      %lt3A_24 = arith.cmpi slt, %arg1, %lt3A_23 : i32
      %convert_element_type3A_25 = arith.extui %lt3A_24 : i1 to i32
      %cond3A_26 = arith.constant 0 : i32
      %cond3A_27 = arith.cmpi ne, %convert_element_type3A_25, %cond3A_26 : i32
      scf.if %cond3A_27 {
        "tpu.region"() ({
          %run_scoped3A = tpu.sem_alloc : memref<!tpu.dma_semaphore, #tpu.memory_space<semaphore_mem>>
          %dma_start3A = arith.constant 0 : i32
          %dma_start3A_33 = tpu.memref_slice %arg10[%mul3A_0, %dma_start3A] : memref<50000x32xf32, #tpu.memory_space<hbm>> -> memref<3128x32xf32, #tpu.memory_space<hbm>>
          %dma_start3A_34 = arith.constant 0 : i32
          %dma_start3A_35 = tpu.memref_slice %arg11[%mul3A_0, %dma_start3A_34] : memref<50008x32xf32, #tpu.memory_space<vmem_shared>> -> memref<3128x32xf32, #tpu.memory_space<vmem_shared>>
          tpu.enqueue_dma source(%dma_start3A_35 : memref<3128x32xf32, #tpu.memory_space<vmem_shared>>) target(%dma_start3A_33 : memref<3128x32xf32, #tpu.memory_space<hbm>>) target_semaphore(%run_scoped3A : memref<!tpu.dma_semaphore, #tpu.memory_space<semaphore_mem>>)
          %dma_wait3A = arith.constant 0 : i32
          %dma_wait3A_36 = tpu.memref_slice %arg10[%mul3A_0, %dma_wait3A] : memref<50000x32xf32, #tpu.memory_space<hbm>> -> memref<3128x32xf32, #tpu.memory_space<hbm>>
          %dma_wait3A_37 = arith.constant 0 : i32
          %dma_wait3A_38 = tpu.memref_slice %arg11[%mul3A_0, %dma_wait3A_37] : memref<50008x32xf32, #tpu.memory_space<vmem_shared>> -> memref<3128x32xf32, #tpu.memory_space<vmem_shared>>
          tpu.wait_dma2 semaphore(%run_scoped3A : memref<!tpu.dma_semaphore, #tpu.memory_space<semaphore_mem>>) src(%dma_wait3A_38 : memref<3128x32xf32, #tpu.memory_space<vmem_shared>>) dst(%dma_wait3A_36 : memref<3128x32xf32, #tpu.memory_space<hbm>>)
          tpu.yield
        }) : () -> ()
      } else {
      }
      %eq3A_28 = arith.constant 15 : i32
      %eq3A_29 = arith.cmpi eq, %arg1, %eq3A_28 : i32
      %convert_element_type3A_30 = arith.extui %eq3A_29 : i1 to i32
      %cond3A_31 = arith.constant 0 : i32
      %cond3A_32 = arith.cmpi ne, %convert_element_type3A_30, %cond3A_31 : i32
      scf.if %cond3A_32 {
        "tpu.region"() ({
          %run_scoped3A = tpu.sem_alloc : memref<!tpu.dma_semaphore, #tpu.memory_space<semaphore_mem>>
          %dma_start3A = arith.constant 46920 : i32
          %dma_start3A_33 = arith.constant 0 : i32
          %dma_start3A_34 = tpu.memref_slice %arg10[%dma_start3A, %dma_start3A_33] : memref<50000x32xf32, #tpu.memory_space<hbm>> -> memref<3080x32xf32, #tpu.memory_space<hbm>>
          %dma_start3A_35 = arith.constant 46920 : i32
          %dma_start3A_36 = arith.constant 0 : i32
          %dma_start3A_37 = tpu.memref_slice %arg11[%dma_start3A_35, %dma_start3A_36] : memref<50008x32xf32, #tpu.memory_space<vmem_shared>> -> memref<3080x32xf32, #tpu.memory_space<vmem_shared>>
          tpu.enqueue_dma source(%dma_start3A_37 : memref<3080x32xf32, #tpu.memory_space<vmem_shared>>) target(%dma_start3A_34 : memref<3080x32xf32, #tpu.memory_space<hbm>>) target_semaphore(%run_scoped3A : memref<!tpu.dma_semaphore, #tpu.memory_space<semaphore_mem>>)
          %dma_wait3A = arith.constant 46920 : i32
          %dma_wait3A_38 = arith.constant 0 : i32
          %dma_wait3A_39 = tpu.memref_slice %arg10[%dma_wait3A, %dma_wait3A_38] : memref<50000x32xf32, #tpu.memory_space<hbm>> -> memref<3080x32xf32, #tpu.memory_space<hbm>>
          %dma_wait3A_40 = arith.constant 46920 : i32
          %dma_wait3A_41 = arith.constant 0 : i32
          %dma_wait3A_42 = tpu.memref_slice %arg11[%dma_wait3A_40, %dma_wait3A_41] : memref<50008x32xf32, #tpu.memory_space<vmem_shared>> -> memref<3080x32xf32, #tpu.memory_space<vmem_shared>>
          tpu.wait_dma2 semaphore(%run_scoped3A : memref<!tpu.dma_semaphore, #tpu.memory_space<semaphore_mem>>) src(%dma_wait3A_42 : memref<3080x32xf32, #tpu.memory_space<vmem_shared>>) dst(%dma_wait3A_39 : memref<3080x32xf32, #tpu.memory_space<hbm>>)
          tpu.yield
        }) : () -> ()
      } else {
      }
    } else {
    }
    return
  }
}

#map = affine_map<(d0, d1) -> (0, 0)>
#map1 = affine_map<(d0, d1) -> (0)>
module attributes {stable_mosaic.version = 14 : i64} {
  func.func @seg_sum_deg(%arg0: i32, %arg1: i32, %arg2: memref<50000x32xf32, #tpu.memory_space<hbm>>, %arg3: memref<50000x32xf32, #tpu.memory_space<hbm>>, %arg4: memref<6272x128xi32, #tpu.memory_space<hbm>>, %arg5: memref<6272x128xi32, #tpu.memory_space<hbm>>, %arg6: memref<3128x32xf32, #tpu.memory_space<hbm>>, %arg7: memref<3200xf32, #tpu.memory_space<hbm>>, %arg8: memref<128xf32, #tpu.memory_space<hbm>>, %arg9: memref<50000x32xf32, #tpu.memory_space<hbm>>, %arg10: memref<50000x32xf32, #tpu.memory_space<hbm>>, %arg11: memref<50176xf32, #tpu.memory_space<hbm>>, %arg12: memref<50008x32xf32, #tpu.memory_space<vmem_shared>>, %arg13: memref<8x128xi32, #tpu.memory_space<vmem>>, %arg14: memref<8x128xi32, #tpu.memory_space<vmem>>, %arg15: memref<128x32xf32, #tpu.memory_space<vmem>>, %arg16: memref<!tpu.dma_semaphore, #tpu.memory_space<semaphore_mem>>, %arg17: memref<50176xf32, #tpu.memory_space<vmem_shared>>, %arg18: memref<128xf32, #tpu.memory_space<vmem>>) attributes {dimension_semantics = [#tpu.dimension_semantics<core_parallel>, #tpu.dimension_semantics<subcore_parallel>], iteration_bounds = array<i64: 2, 16>, scalar_prefetch = 0 : i64, scratch_operands = 7 : i64, tpu.core_type = #tpu.core_type<sc_vector_subcore>, window_params = [{transform_indices = #map}, {transform_indices = #map}, {transform_indices = #map}, {transform_indices = #map}, {transform_indices = #map}, {transform_indices = #map1}, {transform_indices = #map1}, {transform_indices = #map}, {transform_indices = #map}, {transform_indices = #map1}]} {
    %mul3A = arith.constant 3128 : i32
    %mul3A_0 = arith.muli %arg1, %mul3A : i32
    %lt3A = arith.constant 15 : i32
    %lt3A_1 = arith.cmpi slt, %arg1, %lt3A : i32
    %convert_element_type3A = arith.extui %lt3A_1 : i1 to i32
    %cond3A = arith.constant 0 : i32
    %cond3A_2 = arith.cmpi ne, %convert_element_type3A, %cond3A : i32
    scf.if %cond3A_2 {
      "tpu.region"() ({
        %run_scoped3A = tpu.sem_alloc : memref<!tpu.dma_semaphore, #tpu.memory_space<semaphore_mem>>
        %dma_start3A = arith.constant 0 : i32
        %dma_start3A_35 = tpu.memref_slice %arg12[%mul3A_0, %dma_start3A] : memref<50008x32xf32, #tpu.memory_space<vmem_shared>> -> memref<3128x32xf32, #tpu.memory_space<vmem_shared>>
        tpu.enqueue_dma source(%arg6 : memref<3128x32xf32, #tpu.memory_space<hbm>>) target(%dma_start3A_35 : memref<3128x32xf32, #tpu.memory_space<vmem_shared>>) target_semaphore(%run_scoped3A : memref<!tpu.dma_semaphore, #tpu.memory_space<semaphore_mem>>)
        %dma_wait3A = arith.constant 0 : i32
        %dma_wait3A_36 = tpu.memref_slice %arg12[%mul3A_0, %dma_wait3A] : memref<50008x32xf32, #tpu.memory_space<vmem_shared>> -> memref<3128x32xf32, #tpu.memory_space<vmem_shared>>
        tpu.wait_dma2 semaphore(%run_scoped3A : memref<!tpu.dma_semaphore, #tpu.memory_space<semaphore_mem>>) src(%arg6 : memref<3128x32xf32, #tpu.memory_space<hbm>>) dst(%dma_wait3A_36 : memref<3128x32xf32, #tpu.memory_space<vmem_shared>>)
        tpu.yield
      }) : () -> ()
    } else {
    }
    %eq3A = arith.constant 15 : i32
    %eq3A_3 = arith.cmpi eq, %arg1, %eq3A : i32
    %convert_element_type3A_4 = arith.extui %eq3A_3 : i1 to i32
    %cond3A_5 = arith.constant 0 : i32
    %cond3A_6 = arith.cmpi ne, %convert_element_type3A_4, %cond3A_5 : i32
    scf.if %cond3A_6 {
      "tpu.region"() ({
        %run_scoped3A = tpu.sem_alloc : memref<!tpu.dma_semaphore, #tpu.memory_space<semaphore_mem>>
        %dma_start3A = arith.constant 46920 : i32
        %dma_start3A_35 = arith.constant 0 : i32
        %dma_start3A_36 = tpu.memref_slice %arg12[%dma_start3A, %dma_start3A_35] : memref<50008x32xf32, #tpu.memory_space<vmem_shared>> -> memref<3088x32xf32, #tpu.memory_space<vmem_shared>>
        %dma_start3A_37 = arith.constant 0 : i32
        %dma_start3A_38 = arith.constant 0 : i32
        %dma_start3A_39 = tpu.memref_slice %arg6[%dma_start3A_37, %dma_start3A_38] : memref<3128x32xf32, #tpu.memory_space<hbm>> -> memref<3088x32xf32, #tpu.memory_space<hbm>>
        tpu.enqueue_dma source(%dma_start3A_39 : memref<3088x32xf32, #tpu.memory_space<hbm>>) target(%dma_start3A_36 : memref<3088x32xf32, #tpu.memory_space<vmem_shared>>) target_semaphore(%run_scoped3A : memref<!tpu.dma_semaphore, #tpu.memory_space<semaphore_mem>>)
        %dma_wait3A = arith.constant 46920 : i32
        %dma_wait3A_40 = arith.constant 0 : i32
        %dma_wait3A_41 = tpu.memref_slice %arg12[%dma_wait3A, %dma_wait3A_40] : memref<50008x32xf32, #tpu.memory_space<vmem_shared>> -> memref<3088x32xf32, #tpu.memory_space<vmem_shared>>
        %dma_wait3A_42 = arith.constant 0 : i32
        %dma_wait3A_43 = arith.constant 0 : i32
        %dma_wait3A_44 = tpu.memref_slice %arg6[%dma_wait3A_42, %dma_wait3A_43] : memref<3128x32xf32, #tpu.memory_space<hbm>> -> memref<3088x32xf32, #tpu.memory_space<hbm>>
        tpu.wait_dma2 semaphore(%run_scoped3A : memref<!tpu.dma_semaphore, #tpu.memory_space<semaphore_mem>>) src(%dma_wait3A_44 : memref<3088x32xf32, #tpu.memory_space<hbm>>) dst(%dma_wait3A_41 : memref<3088x32xf32, #tpu.memory_space<vmem_shared>>)
        tpu.yield
      }) : () -> ()
    } else {
    }
    %eq3A_7 = arith.constant 0 : i32
    %eq3A_8 = arith.cmpi eq, %arg0, %eq3A_7 : i32
    %convert_element_type3A_9 = arith.extui %eq3A_8 : i1 to i32
    %cond3A_10 = arith.constant 0 : i32
    %cond3A_11 = arith.cmpi ne, %convert_element_type3A_9, %cond3A_10 : i32
    scf.if %cond3A_11 {
      "tpu.region"() ({
        %run_scoped3A = tpu.sem_alloc : memref<!tpu.dma_semaphore, #tpu.memory_space<semaphore_mem>>
        tpu.enqueue_dma source(%arg8 : memref<128xf32, #tpu.memory_space<hbm>>) target(%arg18 : memref<128xf32, #tpu.memory_space<vmem>>) target_semaphore(%run_scoped3A : memref<!tpu.dma_semaphore, #tpu.memory_space<semaphore_mem>>)
        tpu.wait_dma2 semaphore(%run_scoped3A : memref<!tpu.dma_semaphore, #tpu.memory_space<semaphore_mem>>) src(%arg8 : memref<128xf32, #tpu.memory_space<hbm>>) dst(%arg18 : memref<128xf32, #tpu.memory_space<vmem>>)
        tpu.yield
      }) : () -> ()
      %lt3A_35 = arith.constant 15 : i32
      %lt3A_36 = arith.cmpi slt, %arg1, %lt3A_35 : i32
      %convert_element_type3A_37 = arith.extui %lt3A_36 : i1 to i32
      %cond3A_38 = arith.constant 0 : i32
      %cond3A_39 = arith.cmpi ne, %convert_element_type3A_37, %cond3A_38 : i32
      scf.if %cond3A_39 {
        %mul3A_45 = arith.constant 3200 : i32
        %mul3A_46 = arith.muli %arg1, %mul3A_45 : i32
        "tpu.region"() ({
          %run_scoped3A = tpu.sem_alloc : memref<!tpu.dma_semaphore, #tpu.memory_space<semaphore_mem>>
          %dma_start3A = tpu.memref_slice %arg17[%mul3A_46] : memref<50176xf32, #tpu.memory_space<vmem_shared>> -> memref<3200xf32, #tpu.memory_space<vmem_shared>>
          %dma_start3A_47 = arith.constant 0 : i32
          %dma_start3A_48 = tpu.memref_slice %arg7[%dma_start3A_47] : memref<3200xf32, #tpu.memory_space<hbm>> -> memref<3200xf32, #tpu.memory_space<hbm>>
          tpu.enqueue_dma source(%dma_start3A_48 : memref<3200xf32, #tpu.memory_space<hbm>>) target(%dma_start3A : memref<3200xf32, #tpu.memory_space<vmem_shared>>) target_semaphore(%run_scoped3A : memref<!tpu.dma_semaphore, #tpu.memory_space<semaphore_mem>>)
          %dma_wait3A = tpu.memref_slice %arg17[%mul3A_46] : memref<50176xf32, #tpu.memory_space<vmem_shared>> -> memref<3200xf32, #tpu.memory_space<vmem_shared>>
          %dma_wait3A_49 = arith.constant 0 : i32
          %dma_wait3A_50 = tpu.memref_slice %arg7[%dma_wait3A_49] : memref<3200xf32, #tpu.memory_space<hbm>> -> memref<3200xf32, #tpu.memory_space<hbm>>
          tpu.wait_dma2 semaphore(%run_scoped3A : memref<!tpu.dma_semaphore, #tpu.memory_space<semaphore_mem>>) src(%dma_wait3A_50 : memref<3200xf32, #tpu.memory_space<hbm>>) dst(%dma_wait3A : memref<3200xf32, #tpu.memory_space<vmem_shared>>)
          tpu.yield
        }) : () -> ()
      } else {
      }
      %eq3A_40 = arith.constant 15 : i32
      %eq3A_41 = arith.cmpi eq, %arg1, %eq3A_40 : i32
      %convert_element_type3A_42 = arith.extui %eq3A_41 : i1 to i32
      %cond3A_43 = arith.constant 0 : i32
      %cond3A_44 = arith.cmpi ne, %convert_element_type3A_42, %cond3A_43 : i32
      scf.if %cond3A_44 {
        "tpu.region"() ({
          %run_scoped3A = tpu.sem_alloc : memref<!tpu.dma_semaphore, #tpu.memory_space<semaphore_mem>>
          %dma_start3A = arith.constant 48000 : i32
          %dma_start3A_45 = tpu.memref_slice %arg17[%dma_start3A] : memref<50176xf32, #tpu.memory_space<vmem_shared>> -> memref<2176xf32, #tpu.memory_space<vmem_shared>>
          %dma_start3A_46 = arith.constant 0 : i32
          %dma_start3A_47 = tpu.memref_slice %arg7[%dma_start3A_46] : memref<3200xf32, #tpu.memory_space<hbm>> -> memref<2176xf32, #tpu.memory_space<hbm>>
          tpu.enqueue_dma source(%dma_start3A_47 : memref<2176xf32, #tpu.memory_space<hbm>>) target(%dma_start3A_45 : memref<2176xf32, #tpu.memory_space<vmem_shared>>) target_semaphore(%run_scoped3A : memref<!tpu.dma_semaphore, #tpu.memory_space<semaphore_mem>>)
          %dma_wait3A = arith.constant 48000 : i32
          %dma_wait3A_48 = tpu.memref_slice %arg17[%dma_wait3A] : memref<50176xf32, #tpu.memory_space<vmem_shared>> -> memref<2176xf32, #tpu.memory_space<vmem_shared>>
          %dma_wait3A_49 = arith.constant 0 : i32
          %dma_wait3A_50 = tpu.memref_slice %arg7[%dma_wait3A_49] : memref<3200xf32, #tpu.memory_space<hbm>> -> memref<2176xf32, #tpu.memory_space<hbm>>
          tpu.wait_dma2 semaphore(%run_scoped3A : memref<!tpu.dma_semaphore, #tpu.memory_space<semaphore_mem>>) src(%dma_wait3A_50 : memref<2176xf32, #tpu.memory_space<hbm>>) dst(%dma_wait3A_48 : memref<2176xf32, #tpu.memory_space<vmem_shared>>)
          tpu.yield
        }) : () -> ()
      } else {
      }
    } else {
    }
    %barrier3A = arith.constant 0 : index
    tpu.barrier barrier_id(%barrier3A)
    %scan3A = arith.constant 0 : i32
    %scan3A_12 = arith.constant 0 : i32
    %scan3A_13 = arith.constant 49 : i32
    %scan3A_14 = arith.addi %scan3A_12, %scan3A_13 : i32
    %scan3A_15 = arith.constant 1 : i32
    scf.for %scan3A_35 = %scan3A_12 to %scan3A_14 step %scan3A_15  : i32 {
      %mul3A_36 = arith.constant 392 : i32
      %mul3A_37 = arith.muli %arg1, %mul3A_36 : i32
      %mul3A_38 = arith.constant 8 : i32
      %mul3A_39 = arith.muli %scan3A_35, %mul3A_38 : i32
      %add3A = arith.addi %mul3A_37, %mul3A_39 : i32
      "tpu.region"() ({
        %run_scoped3A_167 = tpu.sem_alloc : memref<!tpu.dma_semaphore, #tpu.memory_space<semaphore_mem>>
        %dma_start3A = arith.constant 0 : i32
        %dma_start3A_168 = tpu.memref_slice %arg4[%add3A, %dma_start3A] : memref<6272x128xi32, #tpu.memory_space<hbm>> -> memref<8x128xi32, #tpu.memory_space<hbm>>
        %dma_start3A_169 = arith.constant 0 : i32
        %dma_start3A_170 = tpu.memref_slice %arg4[%add3A, %dma_start3A_169] : memref<6272x128xi32, #tpu.memory_space<hbm>> -> memref<8x128xi32, #tpu.memory_space<hbm>>
        tpu.enqueue_dma source(%dma_start3A_170 : memref<8x128xi32, #tpu.memory_space<hbm>>) target(%arg13 : memref<8x128xi32, #tpu.memory_space<vmem>>) target_semaphore(%run_scoped3A_167 : memref<!tpu.dma_semaphore, #tpu.memory_space<semaphore_mem>>)
        %dma_wait3A = arith.constant 0 : i32
        %dma_wait3A_171 = tpu.memref_slice %arg4[%add3A, %dma_wait3A] : memref<6272x128xi32, #tpu.memory_space<hbm>> -> memref<8x128xi32, #tpu.memory_space<hbm>>
        %dma_wait3A_172 = arith.constant 0 : i32
        %dma_wait3A_173 = tpu.memref_slice %arg4[%add3A, %dma_wait3A_172] : memref<6272x128xi32, #tpu.memory_space<hbm>> -> memref<8x128xi32, #tpu.memory_space<hbm>>
        tpu.wait_dma2 semaphore(%run_scoped3A_167 : memref<!tpu.dma_semaphore, #tpu.memory_space<semaphore_mem>>) src(%dma_wait3A_173 : memref<8x128xi32, #tpu.memory_space<hbm>>) dst(%arg13 : memref<8x128xi32, #tpu.memory_space<vmem>>)
        tpu.yield
      }) : () -> ()
      "tpu.region"() ({
        %run_scoped3A_167 = tpu.sem_alloc : memref<!tpu.dma_semaphore, #tpu.memory_space<semaphore_mem>>
        %dma_start3A = arith.constant 0 : i32
        %dma_start3A_168 = tpu.memref_slice %arg5[%add3A, %dma_start3A] : memref<6272x128xi32, #tpu.memory_space<hbm>> -> memref<8x128xi32, #tpu.memory_space<hbm>>
        %dma_start3A_169 = arith.constant 0 : i32
        %dma_start3A_170 = tpu.memref_slice %arg5[%add3A, %dma_start3A_169] : memref<6272x128xi32, #tpu.memory_space<hbm>> -> memref<8x128xi32, #tpu.memory_space<hbm>>
        tpu.enqueue_dma source(%dma_start3A_170 : memref<8x128xi32, #tpu.memory_space<hbm>>) target(%arg14 : memref<8x128xi32, #tpu.memory_space<vmem>>) target_semaphore(%run_scoped3A_167 : memref<!tpu.dma_semaphore, #tpu.memory_space<semaphore_mem>>)
        %dma_wait3A = arith.constant 0 : i32
        %dma_wait3A_171 = tpu.memref_slice %arg5[%add3A, %dma_wait3A] : memref<6272x128xi32, #tpu.memory_space<hbm>> -> memref<8x128xi32, #tpu.memory_space<hbm>>
        %dma_wait3A_172 = arith.constant 0 : i32
        %dma_wait3A_173 = tpu.memref_slice %arg5[%add3A, %dma_wait3A_172] : memref<6272x128xi32, #tpu.memory_space<hbm>> -> memref<8x128xi32, #tpu.memory_space<hbm>>
        tpu.wait_dma2 semaphore(%run_scoped3A_167 : memref<!tpu.dma_semaphore, #tpu.memory_space<semaphore_mem>>) src(%dma_wait3A_173 : memref<8x128xi32, #tpu.memory_space<hbm>>) dst(%arg14 : memref<8x128xi32, #tpu.memory_space<vmem>>)
        tpu.yield
      }) : () -> ()
      %eq3A_40 = arith.constant 0 : i32
      %eq3A_41 = arith.cmpi eq, %arg0, %eq3A_40 : i32
      %convert_element_type3A_42 = arith.extui %eq3A_41 : i1 to i32
      %cond3A_43 = arith.constant 0 : i32
      %cond3A_44 = arith.cmpi ne, %convert_element_type3A_42, %cond3A_43 : i32
      scf.if %cond3A_44 {
        %dma_start3A = arith.constant 0 : i32
        %dma_start3A_167 = arith.constant 0 : i32
        %dma_start3A_168 = tpu.memref_slice %arg13[%dma_start3A, %dma_start3A_167] : memref<8x128xi32, #tpu.memory_space<vmem>> -> memref<1x128xi32, #tpu.memory_space<vmem>>
        %dma_start3A_169 = tpu.memref_squeeze %dma_start3A_168 : memref<1x128xi32, #tpu.memory_space<vmem>> -> memref<128xi32, #tpu.memory_space<vmem>>
        %dma_start3A_170 = arith.constant 0 : i32
        %dma_start3A_171 = arith.constant 0 : i32
        %dma_start3A_172 = tpu.memref_slice %arg2[%dma_start3A_170, %dma_start3A_171] : memref<50000x32xf32, #tpu.memory_space<hbm>> -> memref<50000x32xf32, #tpu.memory_space<hbm>>
        tpu.enqueue_indirect_dma source(%dma_start3A_172 : memref<50000x32xf32, #tpu.memory_space<hbm>>) target(%arg15 : memref<128x32xf32, #tpu.memory_space<vmem>>) offsets(%dma_start3A_169 : memref<128xi32, #tpu.memory_space<vmem>>) semaphore(%arg16 : memref<!tpu.dma_semaphore, #tpu.memory_space<semaphore_mem>>)
        %dma_wait3A = arith.constant 0 : i32
        %dma_wait3A_173 = arith.constant 0 : i32
        %dma_wait3A_174 = tpu.memref_slice %arg13[%dma_wait3A, %dma_wait3A_173] : memref<8x128xi32, #tpu.memory_space<vmem>> -> memref<1x128xi32, #tpu.memory_space<vmem>>
        %dma_wait3A_175 = tpu.memref_squeeze %dma_wait3A_174 : memref<1x128xi32, #tpu.memory_space<vmem>> -> memref<128xi32, #tpu.memory_space<vmem>>
        %dma_wait3A_176 = arith.constant 0 : i32
        %dma_wait3A_177 = arith.constant 0 : i32
        %dma_wait3A_178 = tpu.memref_slice %arg2[%dma_wait3A_176, %dma_wait3A_177] : memref<50000x32xf32, #tpu.memory_space<hbm>> -> memref<50000x32xf32, #tpu.memory_space<hbm>>
        tpu.wait_indirect_dma semaphore(%arg16 : memref<!tpu.dma_semaphore, #tpu.memory_space<semaphore_mem>>) src(%dma_wait3A_178 : memref<50000x32xf32, #tpu.memory_space<hbm>>) dst(%arg15 : memref<128x32xf32, #tpu.memory_space<vmem>>)
      } else {
      }
      %eq3A_45 = arith.constant 1 : i32
      %eq3A_46 = arith.cmpi eq, %arg0, %eq3A_45 : i32
      %convert_element_type3A_47 = arith.extui %eq3A_46 : i1 to i32
      %cond3A_48 = arith.constant 0 : i32
      %cond3A_49 = arith.cmpi ne, %convert_element_type3A_47, %cond3A_48 : i32
      scf.if %cond3A_49 {
        %dma_start3A = arith.constant 0 : i32
        %dma_start3A_167 = arith.constant 0 : i32
        %dma_start3A_168 = tpu.memref_slice %arg13[%dma_start3A, %dma_start3A_167] : memref<8x128xi32, #tpu.memory_space<vmem>> -> memref<1x128xi32, #tpu.memory_space<vmem>>
        %dma_start3A_169 = tpu.memref_squeeze %dma_start3A_168 : memref<1x128xi32, #tpu.memory_space<vmem>> -> memref<128xi32, #tpu.memory_space<vmem>>
        %dma_start3A_170 = arith.constant 0 : i32
        %dma_start3A_171 = arith.constant 0 : i32
        %dma_start3A_172 = tpu.memref_slice %arg3[%dma_start3A_170, %dma_start3A_171] : memref<50000x32xf32, #tpu.memory_space<hbm>> -> memref<50000x32xf32, #tpu.memory_space<hbm>>
        tpu.enqueue_indirect_dma source(%dma_start3A_172 : memref<50000x32xf32, #tpu.memory_space<hbm>>) target(%arg15 : memref<128x32xf32, #tpu.memory_space<vmem>>) offsets(%dma_start3A_169 : memref<128xi32, #tpu.memory_space<vmem>>) semaphore(%arg16 : memref<!tpu.dma_semaphore, #tpu.memory_space<semaphore_mem>>)
        %dma_wait3A = arith.constant 0 : i32
        %dma_wait3A_173 = arith.constant 0 : i32
        %dma_wait3A_174 = tpu.memref_slice %arg13[%dma_wait3A, %dma_wait3A_173] : memref<8x128xi32, #tpu.memory_space<vmem>> -> memref<1x128xi32, #tpu.memory_space<vmem>>
        %dma_wait3A_175 = tpu.memref_squeeze %dma_wait3A_174 : memref<1x128xi32, #tpu.memory_space<vmem>> -> memref<128xi32, #tpu.memory_space<vmem>>
        %dma_wait3A_176 = arith.constant 0 : i32
        %dma_wait3A_177 = arith.constant 0 : i32
        %dma_wait3A_178 = tpu.memref_slice %arg3[%dma_wait3A_176, %dma_wait3A_177] : memref<50000x32xf32, #tpu.memory_space<hbm>> -> memref<50000x32xf32, #tpu.memory_space<hbm>>
        tpu.wait_indirect_dma semaphore(%arg16 : memref<!tpu.dma_semaphore, #tpu.memory_space<semaphore_mem>>) src(%dma_wait3A_178 : memref<50000x32xf32, #tpu.memory_space<hbm>>) dst(%arg15 : memref<128x32xf32, #tpu.memory_space<vmem>>)
      } else {
      }
      %run_scoped3A = arith.constant 0 : i32
      "tpu.region"() ({
        %run_scoped3A_167 = tpu.sem_alloc : memref<!tpu.dma_semaphore, #tpu.memory_space<semaphore_mem>>
        %dma_start3A = arith.constant 0 : i32
        %dma_start3A_168 = tpu.memref_slice %arg14[%run_scoped3A, %dma_start3A] : memref<8x128xi32, #tpu.memory_space<vmem>> -> memref<1x128xi32, #tpu.memory_space<vmem>>
        %dma_start3A_169 = tpu.memref_squeeze %dma_start3A_168 : memref<1x128xi32, #tpu.memory_space<vmem>> -> memref<128xi32, #tpu.memory_space<vmem>>
        %dma_start3A_170 = arith.constant 0 : i32
        %dma_start3A_171 = arith.constant 0 : i32
        %dma_start3A_172 = tpu.memref_slice %arg12[%dma_start3A_170, %dma_start3A_171] : memref<50008x32xf32, #tpu.memory_space<vmem_shared>> -> memref<50008x32xf32, #tpu.memory_space<vmem_shared>>
        tpu.enqueue_indirect_dma source(%arg15 : memref<128x32xf32, #tpu.memory_space<vmem>>) target(%dma_start3A_172 : memref<50008x32xf32, #tpu.memory_space<vmem_shared>>) offsets(%dma_start3A_169 : memref<128xi32, #tpu.memory_space<vmem>>) semaphore(%run_scoped3A_167 : memref<!tpu.dma_semaphore, #tpu.memory_space<semaphore_mem>>) {add = true}
        %dma_wait3A = arith.constant 0 : i32
        %dma_wait3A_173 = tpu.memref_slice %arg14[%run_scoped3A, %dma_wait3A] : memref<8x128xi32, #tpu.memory_space<vmem>> -> memref<1x128xi32, #tpu.memory_space<vmem>>
        %dma_wait3A_174 = tpu.memref_squeeze %dma_wait3A_173 : memref<1x128xi32, #tpu.memory_space<vmem>> -> memref<128xi32, #tpu.memory_space<vmem>>
        %dma_wait3A_175 = arith.constant 0 : i32
        %dma_wait3A_176 = arith.constant 0 : i32
        %dma_wait3A_177 = tpu.memref_slice %arg12[%dma_wait3A_175, %dma_wait3A_176] : memref<50008x32xf32, #tpu.memory_space<vmem_shared>> -> memref<50008x32xf32, #tpu.memory_space<vmem_shared>>
        tpu.wait_indirect_dma semaphore(%run_scoped3A_167 : memref<!tpu.dma_semaphore, #tpu.memory_space<semaphore_mem>>) src(%arg15 : memref<128x32xf32, #tpu.memory_space<vmem>>) dst(%dma_wait3A_177 : memref<50008x32xf32, #tpu.memory_space<vmem_shared>>)
        tpu.yield
      }) : () -> ()
      %eq3A_50 = arith.constant 0 : i32
      %eq3A_51 = arith.cmpi eq, %arg0, %eq3A_50 : i32
      %convert_element_type3A_52 = arith.extui %eq3A_51 : i1 to i32
      %cond3A_53 = arith.constant 0 : i32
      %cond3A_54 = arith.cmpi ne, %convert_element_type3A_52, %cond3A_53 : i32
      scf.if %cond3A_54 {
        %run_scoped3A_167 = arith.constant 0 : i32
        "tpu.region"() ({
          %run_scoped3A_168 = tpu.sem_alloc : memref<!tpu.dma_semaphore, #tpu.memory_space<semaphore_mem>>
          %dma_start3A = arith.constant 0 : i32
          %dma_start3A_169 = tpu.memref_slice %arg14[%run_scoped3A_167, %dma_start3A] : memref<8x128xi32, #tpu.memory_space<vmem>> -> memref<1x128xi32, #tpu.memory_space<vmem>>
          %dma_start3A_170 = tpu.memref_squeeze %dma_start3A_169 : memref<1x128xi32, #tpu.memory_space<vmem>> -> memref<128xi32, #tpu.memory_space<vmem>>
          %dma_start3A_171 = arith.constant 0 : i32
          %dma_start3A_172 = tpu.memref_slice %arg17[%dma_start3A_171] : memref<50176xf32, #tpu.memory_space<vmem_shared>> -> memref<50176xf32, #tpu.memory_space<vmem_shared>>
          tpu.enqueue_indirect_dma source(%arg18 : memref<128xf32, #tpu.memory_space<vmem>>) target(%dma_start3A_172 : memref<50176xf32, #tpu.memory_space<vmem_shared>>) offsets(%dma_start3A_170 : memref<128xi32, #tpu.memory_space<vmem>>) semaphore(%run_scoped3A_168 : memref<!tpu.dma_semaphore, #tpu.memory_space<semaphore_mem>>) {add = true}
          %dma_wait3A = arith.constant 0 : i32
          %dma_wait3A_173 = tpu.memref_slice %arg14[%run_scoped3A_167, %dma_wait3A] : memref<8x128xi32, #tpu.memory_space<vmem>> -> memref<1x128xi32, #tpu.memory_space<vmem>>
          %dma_wait3A_174 = tpu.memref_squeeze %dma_wait3A_173 : memref<1x128xi32, #tpu.memory_space<vmem>> -> memref<128xi32, #tpu.memory_space<vmem>>
          %dma_wait3A_175 = arith.constant 0 : i32
          %dma_wait3A_176 = tpu.memref_slice %arg17[%dma_wait3A_175] : memref<50176xf32, #tpu.memory_space<vmem_shared>> -> memref<50176xf32, #tpu.memory_space<vmem_shared>>
          tpu.wait_indirect_dma semaphore(%run_scoped3A_168 : memref<!tpu.dma_semaphore, #tpu.memory_space<semaphore_mem>>) src(%arg18 : memref<128xf32, #tpu.memory_space<vmem>>) dst(%dma_wait3A_176 : memref<50176xf32, #tpu.memory_space<vmem_shared>>)
          tpu.yield
        }) : () -> ()
      } else {
      }
      %eq3A_55 = arith.constant 0 : i32
      %eq3A_56 = arith.cmpi eq, %arg0, %eq3A_55 : i32
      %convert_element_type3A_57 = arith.extui %eq3A_56 : i1 to i32
      %cond3A_58 = arith.constant 0 : i32
      %cond3A_59 = arith.cmpi ne, %convert_element_type3A_57, %cond3A_58 : i32
      scf.if %cond3A_59 {
        %dma_start3A = arith.constant 1 : i32
        %dma_start3A_167 = arith.constant 0 : i32
        %dma_start3A_168 = tpu.memref_slice %arg13[%dma_start3A, %dma_start3A_167] : memref<8x128xi32, #tpu.memory_space<vmem>> -> memref<1x128xi32, #tpu.memory_space<vmem>>
        %dma_start3A_169 = tpu.memref_squeeze %dma_start3A_168 : memref<1x128xi32, #tpu.memory_space<vmem>> -> memref<128xi32, #tpu.memory_space<vmem>>
        %dma_start3A_170 = arith.constant 0 : i32
        %dma_start3A_171 = arith.constant 0 : i32
        %dma_start3A_172 = tpu.memref_slice %arg2[%dma_start3A_170, %dma_start3A_171] : memref<50000x32xf32, #tpu.memory_space<hbm>> -> memref<50000x32xf32, #tpu.memory_space<hbm>>
        tpu.enqueue_indirect_dma source(%dma_start3A_172 : memref<50000x32xf32, #tpu.memory_space<hbm>>) target(%arg15 : memref<128x32xf32, #tpu.memory_space<vmem>>) offsets(%dma_start3A_169 : memref<128xi32, #tpu.memory_space<vmem>>) semaphore(%arg16 : memref<!tpu.dma_semaphore, #tpu.memory_space<semaphore_mem>>)
        %dma_wait3A = arith.constant 1 : i32
        %dma_wait3A_173 = arith.constant 0 : i32
        %dma_wait3A_174 = tpu.memref_slice %arg13[%dma_wait3A, %dma_wait3A_173] : memref<8x128xi32, #tpu.memory_space<vmem>> -> memref<1x128xi32, #tpu.memory_space<vmem>>
        %dma_wait3A_175 = tpu.memref_squeeze %dma_wait3A_174 : memref<1x128xi32, #tpu.memory_space<vmem>> -> memref<128xi32, #tpu.memory_space<vmem>>
        %dma_wait3A_176 = arith.constant 0 : i32
        %dma_wait3A_177 = arith.constant 0 : i32
        %dma_wait3A_178 = tpu.memref_slice %arg2[%dma_wait3A_176, %dma_wait3A_177] : memref<50000x32xf32, #tpu.memory_space<hbm>> -> memref<50000x32xf32, #tpu.memory_space<hbm>>
        tpu.wait_indirect_dma semaphore(%arg16 : memref<!tpu.dma_semaphore, #tpu.memory_space<semaphore_mem>>) src(%dma_wait3A_178 : memref<50000x32xf32, #tpu.memory_space<hbm>>) dst(%arg15 : memref<128x32xf32, #tpu.memory_space<vmem>>)
      } else {
      }
      %eq3A_60 = arith.constant 1 : i32
      %eq3A_61 = arith.cmpi eq, %arg0, %eq3A_60 : i32
      %convert_element_type3A_62 = arith.extui %eq3A_61 : i1 to i32
      %cond3A_63 = arith.constant 0 : i32
      %cond3A_64 = arith.cmpi ne, %convert_element_type3A_62, %cond3A_63 : i32
      scf.if %cond3A_64 {
        %dma_start3A = arith.constant 1 : i32
        %dma_start3A_167 = arith.constant 0 : i32
        %dma_start3A_168 = tpu.memref_slice %arg13[%dma_start3A, %dma_start3A_167] : memref<8x128xi32, #tpu.memory_space<vmem>> -> memref<1x128xi32, #tpu.memory_space<vmem>>
        %dma_start3A_169 = tpu.memref_squeeze %dma_start3A_168 : memref<1x128xi32, #tpu.memory_space<vmem>> -> memref<128xi32, #tpu.memory_space<vmem>>
        %dma_start3A_170 = arith.constant 0 : i32
        %dma_start3A_171 = arith.constant 0 : i32
        %dma_start3A_172 = tpu.memref_slice %arg3[%dma_start3A_170, %dma_start3A_171] : memref<50000x32xf32, #tpu.memory_space<hbm>> -> memref<50000x32xf32, #tpu.memory_space<hbm>>
        tpu.enqueue_indirect_dma source(%dma_start3A_172 : memref<50000x32xf32, #tpu.memory_space<hbm>>) target(%arg15 : memref<128x32xf32, #tpu.memory_space<vmem>>) offsets(%dma_start3A_169 : memref<128xi32, #tpu.memory_space<vmem>>) semaphore(%arg16 : memref<!tpu.dma_semaphore, #tpu.memory_space<semaphore_mem>>)
        %dma_wait3A = arith.constant 1 : i32
        %dma_wait3A_173 = arith.constant 0 : i32
        %dma_wait3A_174 = tpu.memref_slice %arg13[%dma_wait3A, %dma_wait3A_173] : memref<8x128xi32, #tpu.memory_space<vmem>> -> memref<1x128xi32, #tpu.memory_space<vmem>>
        %dma_wait3A_175 = tpu.memref_squeeze %dma_wait3A_174 : memref<1x128xi32, #tpu.memory_space<vmem>> -> memref<128xi32, #tpu.memory_space<vmem>>
        %dma_wait3A_176 = arith.constant 0 : i32
        %dma_wait3A_177 = arith.constant 0 : i32
        %dma_wait3A_178 = tpu.memref_slice %arg3[%dma_wait3A_176, %dma_wait3A_177] : memref<50000x32xf32, #tpu.memory_space<hbm>> -> memref<50000x32xf32, #tpu.memory_space<hbm>>
        tpu.wait_indirect_dma semaphore(%arg16 : memref<!tpu.dma_semaphore, #tpu.memory_space<semaphore_mem>>) src(%dma_wait3A_178 : memref<50000x32xf32, #tpu.memory_space<hbm>>) dst(%arg15 : memref<128x32xf32, #tpu.memory_space<vmem>>)
      } else {
      }
      %run_scoped3A_65 = arith.constant 1 : i32
      "tpu.region"() ({
        %run_scoped3A_167 = tpu.sem_alloc : memref<!tpu.dma_semaphore, #tpu.memory_space<semaphore_mem>>
        %dma_start3A = arith.constant 0 : i32
        %dma_start3A_168 = tpu.memref_slice %arg14[%run_scoped3A_65, %dma_start3A] : memref<8x128xi32, #tpu.memory_space<vmem>> -> memref<1x128xi32, #tpu.memory_space<vmem>>
        %dma_start3A_169 = tpu.memref_squeeze %dma_start3A_168 : memref<1x128xi32, #tpu.memory_space<vmem>> -> memref<128xi32, #tpu.memory_space<vmem>>
        %dma_start3A_170 = arith.constant 0 : i32
        %dma_start3A_171 = arith.constant 0 : i32
        %dma_start3A_172 = tpu.memref_slice %arg12[%dma_start3A_170, %dma_start3A_171] : memref<50008x32xf32, #tpu.memory_space<vmem_shared>> -> memref<50008x32xf32, #tpu.memory_space<vmem_shared>>
        tpu.enqueue_indirect_dma source(%arg15 : memref<128x32xf32, #tpu.memory_space<vmem>>) target(%dma_start3A_172 : memref<50008x32xf32, #tpu.memory_space<vmem_shared>>) offsets(%dma_start3A_169 : memref<128xi32, #tpu.memory_space<vmem>>) semaphore(%run_scoped3A_167 : memref<!tpu.dma_semaphore, #tpu.memory_space<semaphore_mem>>) {add = true}
        %dma_wait3A = arith.constant 0 : i32
        %dma_wait3A_173 = tpu.memref_slice %arg14[%run_scoped3A_65, %dma_wait3A] : memref<8x128xi32, #tpu.memory_space<vmem>> -> memref<1x128xi32, #tpu.memory_space<vmem>>
        %dma_wait3A_174 = tpu.memref_squeeze %dma_wait3A_173 : memref<1x128xi32, #tpu.memory_space<vmem>> -> memref<128xi32, #tpu.memory_space<vmem>>
        %dma_wait3A_175 = arith.constant 0 : i32
        %dma_wait3A_176 = arith.constant 0 : i32
        %dma_wait3A_177 = tpu.memref_slice %arg12[%dma_wait3A_175, %dma_wait3A_176] : memref<50008x32xf32, #tpu.memory_space<vmem_shared>> -> memref<50008x32xf32, #tpu.memory_space<vmem_shared>>
        tpu.wait_indirect_dma semaphore(%run_scoped3A_167 : memref<!tpu.dma_semaphore, #tpu.memory_space<semaphore_mem>>) src(%arg15 : memref<128x32xf32, #tpu.memory_space<vmem>>) dst(%dma_wait3A_177 : memref<50008x32xf32, #tpu.memory_space<vmem_shared>>)
        tpu.yield
      }) : () -> ()
      %eq3A_66 = arith.constant 0 : i32
      %eq3A_67 = arith.cmpi eq, %arg0, %eq3A_66 : i32
      %convert_element_type3A_68 = arith.extui %eq3A_67 : i1 to i32
      %cond3A_69 = arith.constant 0 : i32
      %cond3A_70 = arith.cmpi ne, %convert_element_type3A_68, %cond3A_69 : i32
      scf.if %cond3A_70 {
        %run_scoped3A_167 = arith.constant 1 : i32
        "tpu.region"() ({
          %run_scoped3A_168 = tpu.sem_alloc : memref<!tpu.dma_semaphore, #tpu.memory_space<semaphore_mem>>
          %dma_start3A = arith.constant 0 : i32
          %dma_start3A_169 = tpu.memref_slice %arg14[%run_scoped3A_167, %dma_start3A] : memref<8x128xi32, #tpu.memory_space<vmem>> -> memref<1x128xi32, #tpu.memory_space<vmem>>
          %dma_start3A_170 = tpu.memref_squeeze %dma_start3A_169 : memref<1x128xi32, #tpu.memory_space<vmem>> -> memref<128xi32, #tpu.memory_space<vmem>>
          %dma_start3A_171 = arith.constant 0 : i32
          %dma_start3A_172 = tpu.memref_slice %arg17[%dma_start3A_171] : memref<50176xf32, #tpu.memory_space<vmem_shared>> -> memref<50176xf32, #tpu.memory_space<vmem_shared>>
          tpu.enqueue_indirect_dma source(%arg18 : memref<128xf32, #tpu.memory_space<vmem>>) target(%dma_start3A_172 : memref<50176xf32, #tpu.memory_space<vmem_shared>>) offsets(%dma_start3A_170 : memref<128xi32, #tpu.memory_space<vmem>>) semaphore(%run_scoped3A_168 : memref<!tpu.dma_semaphore, #tpu.memory_space<semaphore_mem>>) {add = true}
          %dma_wait3A = arith.constant 0 : i32
          %dma_wait3A_173 = tpu.memref_slice %arg14[%run_scoped3A_167, %dma_wait3A] : memref<8x128xi32, #tpu.memory_space<vmem>> -> memref<1x128xi32, #tpu.memory_space<vmem>>
          %dma_wait3A_174 = tpu.memref_squeeze %dma_wait3A_173 : memref<1x128xi32, #tpu.memory_space<vmem>> -> memref<128xi32, #tpu.memory_space<vmem>>
          %dma_wait3A_175 = arith.constant 0 : i32
          %dma_wait3A_176 = tpu.memref_slice %arg17[%dma_wait3A_175] : memref<50176xf32, #tpu.memory_space<vmem_shared>> -> memref<50176xf32, #tpu.memory_space<vmem_shared>>
          tpu.wait_indirect_dma semaphore(%run_scoped3A_168 : memref<!tpu.dma_semaphore, #tpu.memory_space<semaphore_mem>>) src(%arg18 : memref<128xf32, #tpu.memory_space<vmem>>) dst(%dma_wait3A_176 : memref<50176xf32, #tpu.memory_space<vmem_shared>>)
          tpu.yield
        }) : () -> ()
      } else {
      }
      %eq3A_71 = arith.constant 0 : i32
      %eq3A_72 = arith.cmpi eq, %arg0, %eq3A_71 : i32
      %convert_element_type3A_73 = arith.extui %eq3A_72 : i1 to i32
      %cond3A_74 = arith.constant 0 : i32
      %cond3A_75 = arith.cmpi ne, %convert_element_type3A_73, %cond3A_74 : i32
      scf.if %cond3A_75 {
        %dma_start3A = arith.constant 2 : i32
        %dma_start3A_167 = arith.constant 0 : i32
        %dma_start3A_168 = tpu.memref_slice %arg13[%dma_start3A, %dma_start3A_167] : memref<8x128xi32, #tpu.memory_space<vmem>> -> memref<1x128xi32, #tpu.memory_space<vmem>>
        %dma_start3A_169 = tpu.memref_squeeze %dma_start3A_168 : memref<1x128xi32, #tpu.memory_space<vmem>> -> memref<128xi32, #tpu.memory_space<vmem>>
        %dma_start3A_170 = arith.constant 0 : i32
        %dma_start3A_171 = arith.constant 0 : i32
        %dma_start3A_172 = tpu.memref_slice %arg2[%dma_start3A_170, %dma_start3A_171] : memref<50000x32xf32, #tpu.memory_space<hbm>> -> memref<50000x32xf32, #tpu.memory_space<hbm>>
        tpu.enqueue_indirect_dma source(%dma_start3A_172 : memref<50000x32xf32, #tpu.memory_space<hbm>>) target(%arg15 : memref<128x32xf32, #tpu.memory_space<vmem>>) offsets(%dma_start3A_169 : memref<128xi32, #tpu.memory_space<vmem>>) semaphore(%arg16 : memref<!tpu.dma_semaphore, #tpu.memory_space<semaphore_mem>>)
        %dma_wait3A = arith.constant 2 : i32
        %dma_wait3A_173 = arith.constant 0 : i32
        %dma_wait3A_174 = tpu.memref_slice %arg13[%dma_wait3A, %dma_wait3A_173] : memref<8x128xi32, #tpu.memory_space<vmem>> -> memref<1x128xi32, #tpu.memory_space<vmem>>
        %dma_wait3A_175 = tpu.memref_squeeze %dma_wait3A_174 : memref<1x128xi32, #tpu.memory_space<vmem>> -> memref<128xi32, #tpu.memory_space<vmem>>
        %dma_wait3A_176 = arith.constant 0 : i32
        %dma_wait3A_177 = arith.constant 0 : i32
        %dma_wait3A_178 = tpu.memref_slice %arg2[%dma_wait3A_176, %dma_wait3A_177] : memref<50000x32xf32, #tpu.memory_space<hbm>> -> memref<50000x32xf32, #tpu.memory_space<hbm>>
        tpu.wait_indirect_dma semaphore(%arg16 : memref<!tpu.dma_semaphore, #tpu.memory_space<semaphore_mem>>) src(%dma_wait3A_178 : memref<50000x32xf32, #tpu.memory_space<hbm>>) dst(%arg15 : memref<128x32xf32, #tpu.memory_space<vmem>>)
      } else {
      }
      %eq3A_76 = arith.constant 1 : i32
      %eq3A_77 = arith.cmpi eq, %arg0, %eq3A_76 : i32
      %convert_element_type3A_78 = arith.extui %eq3A_77 : i1 to i32
      %cond3A_79 = arith.constant 0 : i32
      %cond3A_80 = arith.cmpi ne, %convert_element_type3A_78, %cond3A_79 : i32
      scf.if %cond3A_80 {
        %dma_start3A = arith.constant 2 : i32
        %dma_start3A_167 = arith.constant 0 : i32
        %dma_start3A_168 = tpu.memref_slice %arg13[%dma_start3A, %dma_start3A_167] : memref<8x128xi32, #tpu.memory_space<vmem>> -> memref<1x128xi32, #tpu.memory_space<vmem>>
        %dma_start3A_169 = tpu.memref_squeeze %dma_start3A_168 : memref<1x128xi32, #tpu.memory_space<vmem>> -> memref<128xi32, #tpu.memory_space<vmem>>
        %dma_start3A_170 = arith.constant 0 : i32
        %dma_start3A_171 = arith.constant 0 : i32
        %dma_start3A_172 = tpu.memref_slice %arg3[%dma_start3A_170, %dma_start3A_171] : memref<50000x32xf32, #tpu.memory_space<hbm>> -> memref<50000x32xf32, #tpu.memory_space<hbm>>
        tpu.enqueue_indirect_dma source(%dma_start3A_172 : memref<50000x32xf32, #tpu.memory_space<hbm>>) target(%arg15 : memref<128x32xf32, #tpu.memory_space<vmem>>) offsets(%dma_start3A_169 : memref<128xi32, #tpu.memory_space<vmem>>) semaphore(%arg16 : memref<!tpu.dma_semaphore, #tpu.memory_space<semaphore_mem>>)
        %dma_wait3A = arith.constant 2 : i32
        %dma_wait3A_173 = arith.constant 0 : i32
        %dma_wait3A_174 = tpu.memref_slice %arg13[%dma_wait3A, %dma_wait3A_173] : memref<8x128xi32, #tpu.memory_space<vmem>> -> memref<1x128xi32, #tpu.memory_space<vmem>>
        %dma_wait3A_175 = tpu.memref_squeeze %dma_wait3A_174 : memref<1x128xi32, #tpu.memory_space<vmem>> -> memref<128xi32, #tpu.memory_space<vmem>>
        %dma_wait3A_176 = arith.constant 0 : i32
        %dma_wait3A_177 = arith.constant 0 : i32
        %dma_wait3A_178 = tpu.memref_slice %arg3[%dma_wait3A_176, %dma_wait3A_177] : memref<50000x32xf32, #tpu.memory_space<hbm>> -> memref<50000x32xf32, #tpu.memory_space<hbm>>
        tpu.wait_indirect_dma semaphore(%arg16 : memref<!tpu.dma_semaphore, #tpu.memory_space<semaphore_mem>>) src(%dma_wait3A_178 : memref<50000x32xf32, #tpu.memory_space<hbm>>) dst(%arg15 : memref<128x32xf32, #tpu.memory_space<vmem>>)
      } else {
      }
      %run_scoped3A_81 = arith.constant 2 : i32
      "tpu.region"() ({
        %run_scoped3A_167 = tpu.sem_alloc : memref<!tpu.dma_semaphore, #tpu.memory_space<semaphore_mem>>
        %dma_start3A = arith.constant 0 : i32
        %dma_start3A_168 = tpu.memref_slice %arg14[%run_scoped3A_81, %dma_start3A] : memref<8x128xi32, #tpu.memory_space<vmem>> -> memref<1x128xi32, #tpu.memory_space<vmem>>
        %dma_start3A_169 = tpu.memref_squeeze %dma_start3A_168 : memref<1x128xi32, #tpu.memory_space<vmem>> -> memref<128xi32, #tpu.memory_space<vmem>>
        %dma_start3A_170 = arith.constant 0 : i32
        %dma_start3A_171 = arith.constant 0 : i32
        %dma_start3A_172 = tpu.memref_slice %arg12[%dma_start3A_170, %dma_start3A_171] : memref<50008x32xf32, #tpu.memory_space<vmem_shared>> -> memref<50008x32xf32, #tpu.memory_space<vmem_shared>>
        tpu.enqueue_indirect_dma source(%arg15 : memref<128x32xf32, #tpu.memory_space<vmem>>) target(%dma_start3A_172 : memref<50008x32xf32, #tpu.memory_space<vmem_shared>>) offsets(%dma_start3A_169 : memref<128xi32, #tpu.memory_space<vmem>>) semaphore(%run_scoped3A_167 : memref<!tpu.dma_semaphore, #tpu.memory_space<semaphore_mem>>) {add = true}
        %dma_wait3A = arith.constant 0 : i32
        %dma_wait3A_173 = tpu.memref_slice %arg14[%run_scoped3A_81, %dma_wait3A] : memref<8x128xi32, #tpu.memory_space<vmem>> -> memref<1x128xi32, #tpu.memory_space<vmem>>
        %dma_wait3A_174 = tpu.memref_squeeze %dma_wait3A_173 : memref<1x128xi32, #tpu.memory_space<vmem>> -> memref<128xi32, #tpu.memory_space<vmem>>
        %dma_wait3A_175 = arith.constant 0 : i32
        %dma_wait3A_176 = arith.constant 0 : i32
        %dma_wait3A_177 = tpu.memref_slice %arg12[%dma_wait3A_175, %dma_wait3A_176] : memref<50008x32xf32, #tpu.memory_space<vmem_shared>> -> memref<50008x32xf32, #tpu.memory_space<vmem_shared>>
        tpu.wait_indirect_dma semaphore(%run_scoped3A_167 : memref<!tpu.dma_semaphore, #tpu.memory_space<semaphore_mem>>) src(%arg15 : memref<128x32xf32, #tpu.memory_space<vmem>>) dst(%dma_wait3A_177 : memref<50008x32xf32, #tpu.memory_space<vmem_shared>>)
        tpu.yield
      }) : () -> ()
      %eq3A_82 = arith.constant 0 : i32
      %eq3A_83 = arith.cmpi eq, %arg0, %eq3A_82 : i32
      %convert_element_type3A_84 = arith.extui %eq3A_83 : i1 to i32
      %cond3A_85 = arith.constant 0 : i32
      %cond3A_86 = arith.cmpi ne, %convert_element_type3A_84, %cond3A_85 : i32
      scf.if %cond3A_86 {
        %run_scoped3A_167 = arith.constant 2 : i32
        "tpu.region"() ({
          %run_scoped3A_168 = tpu.sem_alloc : memref<!tpu.dma_semaphore, #tpu.memory_space<semaphore_mem>>
          %dma_start3A = arith.constant 0 : i32
          %dma_start3A_169 = tpu.memref_slice %arg14[%run_scoped3A_167, %dma_start3A] : memref<8x128xi32, #tpu.memory_space<vmem>> -> memref<1x128xi32, #tpu.memory_space<vmem>>
          %dma_start3A_170 = tpu.memref_squeeze %dma_start3A_169 : memref<1x128xi32, #tpu.memory_space<vmem>> -> memref<128xi32, #tpu.memory_space<vmem>>
          %dma_start3A_171 = arith.constant 0 : i32
          %dma_start3A_172 = tpu.memref_slice %arg17[%dma_start3A_171] : memref<50176xf32, #tpu.memory_space<vmem_shared>> -> memref<50176xf32, #tpu.memory_space<vmem_shared>>
          tpu.enqueue_indirect_dma source(%arg18 : memref<128xf32, #tpu.memory_space<vmem>>) target(%dma_start3A_172 : memref<50176xf32, #tpu.memory_space<vmem_shared>>) offsets(%dma_start3A_170 : memref<128xi32, #tpu.memory_space<vmem>>) semaphore(%run_scoped3A_168 : memref<!tpu.dma_semaphore, #tpu.memory_space<semaphore_mem>>) {add = true}
          %dma_wait3A = arith.constant 0 : i32
          %dma_wait3A_173 = tpu.memref_slice %arg14[%run_scoped3A_167, %dma_wait3A] : memref<8x128xi32, #tpu.memory_space<vmem>> -> memref<1x128xi32, #tpu.memory_space<vmem>>
          %dma_wait3A_174 = tpu.memref_squeeze %dma_wait3A_173 : memref<1x128xi32, #tpu.memory_space<vmem>> -> memref<128xi32, #tpu.memory_space<vmem>>
          %dma_wait3A_175 = arith.constant 0 : i32
          %dma_wait3A_176 = tpu.memref_slice %arg17[%dma_wait3A_175] : memref<50176xf32, #tpu.memory_space<vmem_shared>> -> memref<50176xf32, #tpu.memory_space<vmem_shared>>
          tpu.wait_indirect_dma semaphore(%run_scoped3A_168 : memref<!tpu.dma_semaphore, #tpu.memory_space<semaphore_mem>>) src(%arg18 : memref<128xf32, #tpu.memory_space<vmem>>) dst(%dma_wait3A_176 : memref<50176xf32, #tpu.memory_space<vmem_shared>>)
          tpu.yield
        }) : () -> ()
      } else {
      }
      %eq3A_87 = arith.constant 0 : i32
      %eq3A_88 = arith.cmpi eq, %arg0, %eq3A_87 : i32
      %convert_element_type3A_89 = arith.extui %eq3A_88 : i1 to i32
      %cond3A_90 = arith.constant 0 : i32
      %cond3A_91 = arith.cmpi ne, %convert_element_type3A_89, %cond3A_90 : i32
      scf.if %cond3A_91 {
        %dma_start3A = arith.constant 3 : i32
        %dma_start3A_167 = arith.constant 0 : i32
        %dma_start3A_168 = tpu.memref_slice %arg13[%dma_start3A, %dma_start3A_167] : memref<8x128xi32, #tpu.memory_space<vmem>> -> memref<1x128xi32, #tpu.memory_space<vmem>>
        %dma_start3A_169 = tpu.memref_squeeze %dma_start3A_168 : memref<1x128xi32, #tpu.memory_space<vmem>> -> memref<128xi32, #tpu.memory_space<vmem>>
        %dma_start3A_170 = arith.constant 0 : i32
        %dma_start3A_171 = arith.constant 0 : i32
        %dma_start3A_172 = tpu.memref_slice %arg2[%dma_start3A_170, %dma_start3A_171] : memref<50000x32xf32, #tpu.memory_space<hbm>> -> memref<50000x32xf32, #tpu.memory_space<hbm>>
        tpu.enqueue_indirect_dma source(%dma_start3A_172 : memref<50000x32xf32, #tpu.memory_space<hbm>>) target(%arg15 : memref<128x32xf32, #tpu.memory_space<vmem>>) offsets(%dma_start3A_169 : memref<128xi32, #tpu.memory_space<vmem>>) semaphore(%arg16 : memref<!tpu.dma_semaphore, #tpu.memory_space<semaphore_mem>>)
        %dma_wait3A = arith.constant 3 : i32
        %dma_wait3A_173 = arith.constant 0 : i32
        %dma_wait3A_174 = tpu.memref_slice %arg13[%dma_wait3A, %dma_wait3A_173] : memref<8x128xi32, #tpu.memory_space<vmem>> -> memref<1x128xi32, #tpu.memory_space<vmem>>
        %dma_wait3A_175 = tpu.memref_squeeze %dma_wait3A_174 : memref<1x128xi32, #tpu.memory_space<vmem>> -> memref<128xi32, #tpu.memory_space<vmem>>
        %dma_wait3A_176 = arith.constant 0 : i32
        %dma_wait3A_177 = arith.constant 0 : i32
        %dma_wait3A_178 = tpu.memref_slice %arg2[%dma_wait3A_176, %dma_wait3A_177] : memref<50000x32xf32, #tpu.memory_space<hbm>> -> memref<50000x32xf32, #tpu.memory_space<hbm>>
        tpu.wait_indirect_dma semaphore(%arg16 : memref<!tpu.dma_semaphore, #tpu.memory_space<semaphore_mem>>) src(%dma_wait3A_178 : memref<50000x32xf32, #tpu.memory_space<hbm>>) dst(%arg15 : memref<128x32xf32, #tpu.memory_space<vmem>>)
      } else {
      }
      %eq3A_92 = arith.constant 1 : i32
      %eq3A_93 = arith.cmpi eq, %arg0, %eq3A_92 : i32
      %convert_element_type3A_94 = arith.extui %eq3A_93 : i1 to i32
      %cond3A_95 = arith.constant 0 : i32
      %cond3A_96 = arith.cmpi ne, %convert_element_type3A_94, %cond3A_95 : i32
      scf.if %cond3A_96 {
        %dma_start3A = arith.constant 3 : i32
        %dma_start3A_167 = arith.constant 0 : i32
        %dma_start3A_168 = tpu.memref_slice %arg13[%dma_start3A, %dma_start3A_167] : memref<8x128xi32, #tpu.memory_space<vmem>> -> memref<1x128xi32, #tpu.memory_space<vmem>>
        %dma_start3A_169 = tpu.memref_squeeze %dma_start3A_168 : memref<1x128xi32, #tpu.memory_space<vmem>> -> memref<128xi32, #tpu.memory_space<vmem>>
        %dma_start3A_170 = arith.constant 0 : i32
        %dma_start3A_171 = arith.constant 0 : i32
        %dma_start3A_172 = tpu.memref_slice %arg3[%dma_start3A_170, %dma_start3A_171] : memref<50000x32xf32, #tpu.memory_space<hbm>> -> memref<50000x32xf32, #tpu.memory_space<hbm>>
        tpu.enqueue_indirect_dma source(%dma_start3A_172 : memref<50000x32xf32, #tpu.memory_space<hbm>>) target(%arg15 : memref<128x32xf32, #tpu.memory_space<vmem>>) offsets(%dma_start3A_169 : memref<128xi32, #tpu.memory_space<vmem>>) semaphore(%arg16 : memref<!tpu.dma_semaphore, #tpu.memory_space<semaphore_mem>>)
        %dma_wait3A = arith.constant 3 : i32
        %dma_wait3A_173 = arith.constant 0 : i32
        %dma_wait3A_174 = tpu.memref_slice %arg13[%dma_wait3A, %dma_wait3A_173] : memref<8x128xi32, #tpu.memory_space<vmem>> -> memref<1x128xi32, #tpu.memory_space<vmem>>
        %dma_wait3A_175 = tpu.memref_squeeze %dma_wait3A_174 : memref<1x128xi32, #tpu.memory_space<vmem>> -> memref<128xi32, #tpu.memory_space<vmem>>
        %dma_wait3A_176 = arith.constant 0 : i32
        %dma_wait3A_177 = arith.constant 0 : i32
        %dma_wait3A_178 = tpu.memref_slice %arg3[%dma_wait3A_176, %dma_wait3A_177] : memref<50000x32xf32, #tpu.memory_space<hbm>> -> memref<50000x32xf32, #tpu.memory_space<hbm>>
        tpu.wait_indirect_dma semaphore(%arg16 : memref<!tpu.dma_semaphore, #tpu.memory_space<semaphore_mem>>) src(%dma_wait3A_178 : memref<50000x32xf32, #tpu.memory_space<hbm>>) dst(%arg15 : memref<128x32xf32, #tpu.memory_space<vmem>>)
      } else {
      }
      %run_scoped3A_97 = arith.constant 3 : i32
      "tpu.region"() ({
        %run_scoped3A_167 = tpu.sem_alloc : memref<!tpu.dma_semaphore, #tpu.memory_space<semaphore_mem>>
        %dma_start3A = arith.constant 0 : i32
        %dma_start3A_168 = tpu.memref_slice %arg14[%run_scoped3A_97, %dma_start3A] : memref<8x128xi32, #tpu.memory_space<vmem>> -> memref<1x128xi32, #tpu.memory_space<vmem>>
        %dma_start3A_169 = tpu.memref_squeeze %dma_start3A_168 : memref<1x128xi32, #tpu.memory_space<vmem>> -> memref<128xi32, #tpu.memory_space<vmem>>
        %dma_start3A_170 = arith.constant 0 : i32
        %dma_start3A_171 = arith.constant 0 : i32
        %dma_start3A_172 = tpu.memref_slice %arg12[%dma_start3A_170, %dma_start3A_171] : memref<50008x32xf32, #tpu.memory_space<vmem_shared>> -> memref<50008x32xf32, #tpu.memory_space<vmem_shared>>
        tpu.enqueue_indirect_dma source(%arg15 : memref<128x32xf32, #tpu.memory_space<vmem>>) target(%dma_start3A_172 : memref<50008x32xf32, #tpu.memory_space<vmem_shared>>) offsets(%dma_start3A_169 : memref<128xi32, #tpu.memory_space<vmem>>) semaphore(%run_scoped3A_167 : memref<!tpu.dma_semaphore, #tpu.memory_space<semaphore_mem>>) {add = true}
        %dma_wait3A = arith.constant 0 : i32
        %dma_wait3A_173 = tpu.memref_slice %arg14[%run_scoped3A_97, %dma_wait3A] : memref<8x128xi32, #tpu.memory_space<vmem>> -> memref<1x128xi32, #tpu.memory_space<vmem>>
        %dma_wait3A_174 = tpu.memref_squeeze %dma_wait3A_173 : memref<1x128xi32, #tpu.memory_space<vmem>> -> memref<128xi32, #tpu.memory_space<vmem>>
        %dma_wait3A_175 = arith.constant 0 : i32
        %dma_wait3A_176 = arith.constant 0 : i32
        %dma_wait3A_177 = tpu.memref_slice %arg12[%dma_wait3A_175, %dma_wait3A_176] : memref<50008x32xf32, #tpu.memory_space<vmem_shared>> -> memref<50008x32xf32, #tpu.memory_space<vmem_shared>>
        tpu.wait_indirect_dma semaphore(%run_scoped3A_167 : memref<!tpu.dma_semaphore, #tpu.memory_space<semaphore_mem>>) src(%arg15 : memref<128x32xf32, #tpu.memory_space<vmem>>) dst(%dma_wait3A_177 : memref<50008x32xf32, #tpu.memory_space<vmem_shared>>)
        tpu.yield
      }) : () -> ()
      %eq3A_98 = arith.constant 0 : i32
      %eq3A_99 = arith.cmpi eq, %arg0, %eq3A_98 : i32
      %convert_element_type3A_100 = arith.extui %eq3A_99 : i1 to i32
      %cond3A_101 = arith.constant 0 : i32
      %cond3A_102 = arith.cmpi ne, %convert_element_type3A_100, %cond3A_101 : i32
      scf.if %cond3A_102 {
        %run_scoped3A_167 = arith.constant 3 : i32
        "tpu.region"() ({
          %run_scoped3A_168 = tpu.sem_alloc : memref<!tpu.dma_semaphore, #tpu.memory_space<semaphore_mem>>
          %dma_start3A = arith.constant 0 : i32
          %dma_start3A_169 = tpu.memref_slice %arg14[%run_scoped3A_167, %dma_start3A] : memref<8x128xi32, #tpu.memory_space<vmem>> -> memref<1x128xi32, #tpu.memory_space<vmem>>
          %dma_start3A_170 = tpu.memref_squeeze %dma_start3A_169 : memref<1x128xi32, #tpu.memory_space<vmem>> -> memref<128xi32, #tpu.memory_space<vmem>>
          %dma_start3A_171 = arith.constant 0 : i32
          %dma_start3A_172 = tpu.memref_slice %arg17[%dma_start3A_171] : memref<50176xf32, #tpu.memory_space<vmem_shared>> -> memref<50176xf32, #tpu.memory_space<vmem_shared>>
          tpu.enqueue_indirect_dma source(%arg18 : memref<128xf32, #tpu.memory_space<vmem>>) target(%dma_start3A_172 : memref<50176xf32, #tpu.memory_space<vmem_shared>>) offsets(%dma_start3A_170 : memref<128xi32, #tpu.memory_space<vmem>>) semaphore(%run_scoped3A_168 : memref<!tpu.dma_semaphore, #tpu.memory_space<semaphore_mem>>) {add = true}
          %dma_wait3A = arith.constant 0 : i32
          %dma_wait3A_173 = tpu.memref_slice %arg14[%run_scoped3A_167, %dma_wait3A] : memref<8x128xi32, #tpu.memory_space<vmem>> -> memref<1x128xi32, #tpu.memory_space<vmem>>
          %dma_wait3A_174 = tpu.memref_squeeze %dma_wait3A_173 : memref<1x128xi32, #tpu.memory_space<vmem>> -> memref<128xi32, #tpu.memory_space<vmem>>
          %dma_wait3A_175 = arith.constant 0 : i32
          %dma_wait3A_176 = tpu.memref_slice %arg17[%dma_wait3A_175] : memref<50176xf32, #tpu.memory_space<vmem_shared>> -> memref<50176xf32, #tpu.memory_space<vmem_shared>>
          tpu.wait_indirect_dma semaphore(%run_scoped3A_168 : memref<!tpu.dma_semaphore, #tpu.memory_space<semaphore_mem>>) src(%arg18 : memref<128xf32, #tpu.memory_space<vmem>>) dst(%dma_wait3A_176 : memref<50176xf32, #tpu.memory_space<vmem_shared>>)
          tpu.yield
        }) : () -> ()
      } else {
      }
      %eq3A_103 = arith.constant 0 : i32
      %eq3A_104 = arith.cmpi eq, %arg0, %eq3A_103 : i32
      %convert_element_type3A_105 = arith.extui %eq3A_104 : i1 to i32
      %cond3A_106 = arith.constant 0 : i32
      %cond3A_107 = arith.cmpi ne, %convert_element_type3A_105, %cond3A_106 : i32
      scf.if %cond3A_107 {
        %dma_start3A = arith.constant 4 : i32
        %dma_start3A_167 = arith.constant 0 : i32
        %dma_start3A_168 = tpu.memref_slice %arg13[%dma_start3A, %dma_start3A_167] : memref<8x128xi32, #tpu.memory_space<vmem>> -> memref<1x128xi32, #tpu.memory_space<vmem>>
        %dma_start3A_169 = tpu.memref_squeeze %dma_start3A_168 : memref<1x128xi32, #tpu.memory_space<vmem>> -> memref<128xi32, #tpu.memory_space<vmem>>
        %dma_start3A_170 = arith.constant 0 : i32
        %dma_start3A_171 = arith.constant 0 : i32
        %dma_start3A_172 = tpu.memref_slice %arg2[%dma_start3A_170, %dma_start3A_171] : memref<50000x32xf32, #tpu.memory_space<hbm>> -> memref<50000x32xf32, #tpu.memory_space<hbm>>
        tpu.enqueue_indirect_dma source(%dma_start3A_172 : memref<50000x32xf32, #tpu.memory_space<hbm>>) target(%arg15 : memref<128x32xf32, #tpu.memory_space<vmem>>) offsets(%dma_start3A_169 : memref<128xi32, #tpu.memory_space<vmem>>) semaphore(%arg16 : memref<!tpu.dma_semaphore, #tpu.memory_space<semaphore_mem>>)
        %dma_wait3A = arith.constant 4 : i32
        %dma_wait3A_173 = arith.constant 0 : i32
        %dma_wait3A_174 = tpu.memref_slice %arg13[%dma_wait3A, %dma_wait3A_173] : memref<8x128xi32, #tpu.memory_space<vmem>> -> memref<1x128xi32, #tpu.memory_space<vmem>>
        %dma_wait3A_175 = tpu.memref_squeeze %dma_wait3A_174 : memref<1x128xi32, #tpu.memory_space<vmem>> -> memref<128xi32, #tpu.memory_space<vmem>>
        %dma_wait3A_176 = arith.constant 0 : i32
        %dma_wait3A_177 = arith.constant 0 : i32
        %dma_wait3A_178 = tpu.memref_slice %arg2[%dma_wait3A_176, %dma_wait3A_177] : memref<50000x32xf32, #tpu.memory_space<hbm>> -> memref<50000x32xf32, #tpu.memory_space<hbm>>
        tpu.wait_indirect_dma semaphore(%arg16 : memref<!tpu.dma_semaphore, #tpu.memory_space<semaphore_mem>>) src(%dma_wait3A_178 : memref<50000x32xf32, #tpu.memory_space<hbm>>) dst(%arg15 : memref<128x32xf32, #tpu.memory_space<vmem>>)
      } else {
      }
      %eq3A_108 = arith.constant 1 : i32
      %eq3A_109 = arith.cmpi eq, %arg0, %eq3A_108 : i32
      %convert_element_type3A_110 = arith.extui %eq3A_109 : i1 to i32
      %cond3A_111 = arith.constant 0 : i32
      %cond3A_112 = arith.cmpi ne, %convert_element_type3A_110, %cond3A_111 : i32
      scf.if %cond3A_112 {
        %dma_start3A = arith.constant 4 : i32
        %dma_start3A_167 = arith.constant 0 : i32
        %dma_start3A_168 = tpu.memref_slice %arg13[%dma_start3A, %dma_start3A_167] : memref<8x128xi32, #tpu.memory_space<vmem>> -> memref<1x128xi32, #tpu.memory_space<vmem>>
        %dma_start3A_169 = tpu.memref_squeeze %dma_start3A_168 : memref<1x128xi32, #tpu.memory_space<vmem>> -> memref<128xi32, #tpu.memory_space<vmem>>
        %dma_start3A_170 = arith.constant 0 : i32
        %dma_start3A_171 = arith.constant 0 : i32
        %dma_start3A_172 = tpu.memref_slice %arg3[%dma_start3A_170, %dma_start3A_171] : memref<50000x32xf32, #tpu.memory_space<hbm>> -> memref<50000x32xf32, #tpu.memory_space<hbm>>
        tpu.enqueue_indirect_dma source(%dma_start3A_172 : memref<50000x32xf32, #tpu.memory_space<hbm>>) target(%arg15 : memref<128x32xf32, #tpu.memory_space<vmem>>) offsets(%dma_start3A_169 : memref<128xi32, #tpu.memory_space<vmem>>) semaphore(%arg16 : memref<!tpu.dma_semaphore, #tpu.memory_space<semaphore_mem>>)
        %dma_wait3A = arith.constant 4 : i32
        %dma_wait3A_173 = arith.constant 0 : i32
        %dma_wait3A_174 = tpu.memref_slice %arg13[%dma_wait3A, %dma_wait3A_173] : memref<8x128xi32, #tpu.memory_space<vmem>> -> memref<1x128xi32, #tpu.memory_space<vmem>>
        %dma_wait3A_175 = tpu.memref_squeeze %dma_wait3A_174 : memref<1x128xi32, #tpu.memory_space<vmem>> -> memref<128xi32, #tpu.memory_space<vmem>>
        %dma_wait3A_176 = arith.constant 0 : i32
        %dma_wait3A_177 = arith.constant 0 : i32
        %dma_wait3A_178 = tpu.memref_slice %arg3[%dma_wait3A_176, %dma_wait3A_177] : memref<50000x32xf32, #tpu.memory_space<hbm>> -> memref<50000x32xf32, #tpu.memory_space<hbm>>
        tpu.wait_indirect_dma semaphore(%arg16 : memref<!tpu.dma_semaphore, #tpu.memory_space<semaphore_mem>>) src(%dma_wait3A_178 : memref<50000x32xf32, #tpu.memory_space<hbm>>) dst(%arg15 : memref<128x32xf32, #tpu.memory_space<vmem>>)
      } else {
      }
      %run_scoped3A_113 = arith.constant 4 : i32
      "tpu.region"() ({
        %run_scoped3A_167 = tpu.sem_alloc : memref<!tpu.dma_semaphore, #tpu.memory_space<semaphore_mem>>
        %dma_start3A = arith.constant 0 : i32
        %dma_start3A_168 = tpu.memref_slice %arg14[%run_scoped3A_113, %dma_start3A] : memref<8x128xi32, #tpu.memory_space<vmem>> -> memref<1x128xi32, #tpu.memory_space<vmem>>
        %dma_start3A_169 = tpu.memref_squeeze %dma_start3A_168 : memref<1x128xi32, #tpu.memory_space<vmem>> -> memref<128xi32, #tpu.memory_space<vmem>>
        %dma_start3A_170 = arith.constant 0 : i32
        %dma_start3A_171 = arith.constant 0 : i32
        %dma_start3A_172 = tpu.memref_slice %arg12[%dma_start3A_170, %dma_start3A_171] : memref<50008x32xf32, #tpu.memory_space<vmem_shared>> -> memref<50008x32xf32, #tpu.memory_space<vmem_shared>>
        tpu.enqueue_indirect_dma source(%arg15 : memref<128x32xf32, #tpu.memory_space<vmem>>) target(%dma_start3A_172 : memref<50008x32xf32, #tpu.memory_space<vmem_shared>>) offsets(%dma_start3A_169 : memref<128xi32, #tpu.memory_space<vmem>>) semaphore(%run_scoped3A_167 : memref<!tpu.dma_semaphore, #tpu.memory_space<semaphore_mem>>) {add = true}
        %dma_wait3A = arith.constant 0 : i32
        %dma_wait3A_173 = tpu.memref_slice %arg14[%run_scoped3A_113, %dma_wait3A] : memref<8x128xi32, #tpu.memory_space<vmem>> -> memref<1x128xi32, #tpu.memory_space<vmem>>
        %dma_wait3A_174 = tpu.memref_squeeze %dma_wait3A_173 : memref<1x128xi32, #tpu.memory_space<vmem>> -> memref<128xi32, #tpu.memory_space<vmem>>
        %dma_wait3A_175 = arith.constant 0 : i32
        %dma_wait3A_176 = arith.constant 0 : i32
        %dma_wait3A_177 = tpu.memref_slice %arg12[%dma_wait3A_175, %dma_wait3A_176] : memref<50008x32xf32, #tpu.memory_space<vmem_shared>> -> memref<50008x32xf32, #tpu.memory_space<vmem_shared>>
        tpu.wait_indirect_dma semaphore(%run_scoped3A_167 : memref<!tpu.dma_semaphore, #tpu.memory_space<semaphore_mem>>) src(%arg15 : memref<128x32xf32, #tpu.memory_space<vmem>>) dst(%dma_wait3A_177 : memref<50008x32xf32, #tpu.memory_space<vmem_shared>>)
        tpu.yield
      }) : () -> ()
      %eq3A_114 = arith.constant 0 : i32
      %eq3A_115 = arith.cmpi eq, %arg0, %eq3A_114 : i32
      %convert_element_type3A_116 = arith.extui %eq3A_115 : i1 to i32
      %cond3A_117 = arith.constant 0 : i32
      %cond3A_118 = arith.cmpi ne, %convert_element_type3A_116, %cond3A_117 : i32
      scf.if %cond3A_118 {
        %run_scoped3A_167 = arith.constant 4 : i32
        "tpu.region"() ({
          %run_scoped3A_168 = tpu.sem_alloc : memref<!tpu.dma_semaphore, #tpu.memory_space<semaphore_mem>>
          %dma_start3A = arith.constant 0 : i32
          %dma_start3A_169 = tpu.memref_slice %arg14[%run_scoped3A_167, %dma_start3A] : memref<8x128xi32, #tpu.memory_space<vmem>> -> memref<1x128xi32, #tpu.memory_space<vmem>>
          %dma_start3A_170 = tpu.memref_squeeze %dma_start3A_169 : memref<1x128xi32, #tpu.memory_space<vmem>> -> memref<128xi32, #tpu.memory_space<vmem>>
          %dma_start3A_171 = arith.constant 0 : i32
          %dma_start3A_172 = tpu.memref_slice %arg17[%dma_start3A_171] : memref<50176xf32, #tpu.memory_space<vmem_shared>> -> memref<50176xf32, #tpu.memory_space<vmem_shared>>
          tpu.enqueue_indirect_dma source(%arg18 : memref<128xf32, #tpu.memory_space<vmem>>) target(%dma_start3A_172 : memref<50176xf32, #tpu.memory_space<vmem_shared>>) offsets(%dma_start3A_170 : memref<128xi32, #tpu.memory_space<vmem>>) semaphore(%run_scoped3A_168 : memref<!tpu.dma_semaphore, #tpu.memory_space<semaphore_mem>>) {add = true}
          %dma_wait3A = arith.constant 0 : i32
          %dma_wait3A_173 = tpu.memref_slice %arg14[%run_scoped3A_167, %dma_wait3A] : memref<8x128xi32, #tpu.memory_space<vmem>> -> memref<1x128xi32, #tpu.memory_space<vmem>>
          %dma_wait3A_174 = tpu.memref_squeeze %dma_wait3A_173 : memref<1x128xi32, #tpu.memory_space<vmem>> -> memref<128xi32, #tpu.memory_space<vmem>>
          %dma_wait3A_175 = arith.constant 0 : i32
          %dma_wait3A_176 = tpu.memref_slice %arg17[%dma_wait3A_175] : memref<50176xf32, #tpu.memory_space<vmem_shared>> -> memref<50176xf32, #tpu.memory_space<vmem_shared>>
          tpu.wait_indirect_dma semaphore(%run_scoped3A_168 : memref<!tpu.dma_semaphore, #tpu.memory_space<semaphore_mem>>) src(%arg18 : memref<128xf32, #tpu.memory_space<vmem>>) dst(%dma_wait3A_176 : memref<50176xf32, #tpu.memory_space<vmem_shared>>)
          tpu.yield
        }) : () -> ()
      } else {
      }
      %eq3A_119 = arith.constant 0 : i32
      %eq3A_120 = arith.cmpi eq, %arg0, %eq3A_119 : i32
      %convert_element_type3A_121 = arith.extui %eq3A_120 : i1 to i32
      %cond3A_122 = arith.constant 0 : i32
      %cond3A_123 = arith.cmpi ne, %convert_element_type3A_121, %cond3A_122 : i32
      scf.if %cond3A_123 {
        %dma_start3A = arith.constant 5 : i32
        %dma_start3A_167 = arith.constant 0 : i32
        %dma_start3A_168 = tpu.memref_slice %arg13[%dma_start3A, %dma_start3A_167] : memref<8x128xi32, #tpu.memory_space<vmem>> -> memref<1x128xi32, #tpu.memory_space<vmem>>
        %dma_start3A_169 = tpu.memref_squeeze %dma_start3A_168 : memref<1x128xi32, #tpu.memory_space<vmem>> -> memref<128xi32, #tpu.memory_space<vmem>>
        %dma_start3A_170 = arith.constant 0 : i32
        %dma_start3A_171 = arith.constant 0 : i32
        %dma_start3A_172 = tpu.memref_slice %arg2[%dma_start3A_170, %dma_start3A_171] : memref<50000x32xf32, #tpu.memory_space<hbm>> -> memref<50000x32xf32, #tpu.memory_space<hbm>>
        tpu.enqueue_indirect_dma source(%dma_start3A_172 : memref<50000x32xf32, #tpu.memory_space<hbm>>) target(%arg15 : memref<128x32xf32, #tpu.memory_space<vmem>>) offsets(%dma_start3A_169 : memref<128xi32, #tpu.memory_space<vmem>>) semaphore(%arg16 : memref<!tpu.dma_semaphore, #tpu.memory_space<semaphore_mem>>)
        %dma_wait3A = arith.constant 5 : i32
        %dma_wait3A_173 = arith.constant 0 : i32
        %dma_wait3A_174 = tpu.memref_slice %arg13[%dma_wait3A, %dma_wait3A_173] : memref<8x128xi32, #tpu.memory_space<vmem>> -> memref<1x128xi32, #tpu.memory_space<vmem>>
        %dma_wait3A_175 = tpu.memref_squeeze %dma_wait3A_174 : memref<1x128xi32, #tpu.memory_space<vmem>> -> memref<128xi32, #tpu.memory_space<vmem>>
        %dma_wait3A_176 = arith.constant 0 : i32
        %dma_wait3A_177 = arith.constant 0 : i32
        %dma_wait3A_178 = tpu.memref_slice %arg2[%dma_wait3A_176, %dma_wait3A_177] : memref<50000x32xf32, #tpu.memory_space<hbm>> -> memref<50000x32xf32, #tpu.memory_space<hbm>>
        tpu.wait_indirect_dma semaphore(%arg16 : memref<!tpu.dma_semaphore, #tpu.memory_space<semaphore_mem>>) src(%dma_wait3A_178 : memref<50000x32xf32, #tpu.memory_space<hbm>>) dst(%arg15 : memref<128x32xf32, #tpu.memory_space<vmem>>)
      } else {
      }
      %eq3A_124 = arith.constant 1 : i32
      %eq3A_125 = arith.cmpi eq, %arg0, %eq3A_124 : i32
      %convert_element_type3A_126 = arith.extui %eq3A_125 : i1 to i32
      %cond3A_127 = arith.constant 0 : i32
      %cond3A_128 = arith.cmpi ne, %convert_element_type3A_126, %cond3A_127 : i32
      scf.if %cond3A_128 {
        %dma_start3A = arith.constant 5 : i32
        %dma_start3A_167 = arith.constant 0 : i32
        %dma_start3A_168 = tpu.memref_slice %arg13[%dma_start3A, %dma_start3A_167] : memref<8x128xi32, #tpu.memory_space<vmem>> -> memref<1x128xi32, #tpu.memory_space<vmem>>
        %dma_start3A_169 = tpu.memref_squeeze %dma_start3A_168 : memref<1x128xi32, #tpu.memory_space<vmem>> -> memref<128xi32, #tpu.memory_space<vmem>>
        %dma_start3A_170 = arith.constant 0 : i32
        %dma_start3A_171 = arith.constant 0 : i32
        %dma_start3A_172 = tpu.memref_slice %arg3[%dma_start3A_170, %dma_start3A_171] : memref<50000x32xf32, #tpu.memory_space<hbm>> -> memref<50000x32xf32, #tpu.memory_space<hbm>>
        tpu.enqueue_indirect_dma source(%dma_start3A_172 : memref<50000x32xf32, #tpu.memory_space<hbm>>) target(%arg15 : memref<128x32xf32, #tpu.memory_space<vmem>>) offsets(%dma_start3A_169 : memref<128xi32, #tpu.memory_space<vmem>>) semaphore(%arg16 : memref<!tpu.dma_semaphore, #tpu.memory_space<semaphore_mem>>)
        %dma_wait3A = arith.constant 5 : i32
        %dma_wait3A_173 = arith.constant 0 : i32
        %dma_wait3A_174 = tpu.memref_slice %arg13[%dma_wait3A, %dma_wait3A_173] : memref<8x128xi32, #tpu.memory_space<vmem>> -> memref<1x128xi32, #tpu.memory_space<vmem>>
        %dma_wait3A_175 = tpu.memref_squeeze %dma_wait3A_174 : memref<1x128xi32, #tpu.memory_space<vmem>> -> memref<128xi32, #tpu.memory_space<vmem>>
        %dma_wait3A_176 = arith.constant 0 : i32
        %dma_wait3A_177 = arith.constant 0 : i32
        %dma_wait3A_178 = tpu.memref_slice %arg3[%dma_wait3A_176, %dma_wait3A_177] : memref<50000x32xf32, #tpu.memory_space<hbm>> -> memref<50000x32xf32, #tpu.memory_space<hbm>>
        tpu.wait_indirect_dma semaphore(%arg16 : memref<!tpu.dma_semaphore, #tpu.memory_space<semaphore_mem>>) src(%dma_wait3A_178 : memref<50000x32xf32, #tpu.memory_space<hbm>>) dst(%arg15 : memref<128x32xf32, #tpu.memory_space<vmem>>)
      } else {
      }
      %run_scoped3A_129 = arith.constant 5 : i32
      "tpu.region"() ({
        %run_scoped3A_167 = tpu.sem_alloc : memref<!tpu.dma_semaphore, #tpu.memory_space<semaphore_mem>>
        %dma_start3A = arith.constant 0 : i32
        %dma_start3A_168 = tpu.memref_slice %arg14[%run_scoped3A_129, %dma_start3A] : memref<8x128xi32, #tpu.memory_space<vmem>> -> memref<1x128xi32, #tpu.memory_space<vmem>>
        %dma_start3A_169 = tpu.memref_squeeze %dma_start3A_168 : memref<1x128xi32, #tpu.memory_space<vmem>> -> memref<128xi32, #tpu.memory_space<vmem>>
        %dma_start3A_170 = arith.constant 0 : i32
        %dma_start3A_171 = arith.constant 0 : i32
        %dma_start3A_172 = tpu.memref_slice %arg12[%dma_start3A_170, %dma_start3A_171] : memref<50008x32xf32, #tpu.memory_space<vmem_shared>> -> memref<50008x32xf32, #tpu.memory_space<vmem_shared>>
        tpu.enqueue_indirect_dma source(%arg15 : memref<128x32xf32, #tpu.memory_space<vmem>>) target(%dma_start3A_172 : memref<50008x32xf32, #tpu.memory_space<vmem_shared>>) offsets(%dma_start3A_169 : memref<128xi32, #tpu.memory_space<vmem>>) semaphore(%run_scoped3A_167 : memref<!tpu.dma_semaphore, #tpu.memory_space<semaphore_mem>>) {add = true}
        %dma_wait3A = arith.constant 0 : i32
        %dma_wait3A_173 = tpu.memref_slice %arg14[%run_scoped3A_129, %dma_wait3A] : memref<8x128xi32, #tpu.memory_space<vmem>> -> memref<1x128xi32, #tpu.memory_space<vmem>>
        %dma_wait3A_174 = tpu.memref_squeeze %dma_wait3A_173 : memref<1x128xi32, #tpu.memory_space<vmem>> -> memref<128xi32, #tpu.memory_space<vmem>>
        %dma_wait3A_175 = arith.constant 0 : i32
        %dma_wait3A_176 = arith.constant 0 : i32
        %dma_wait3A_177 = tpu.memref_slice %arg12[%dma_wait3A_175, %dma_wait3A_176] : memref<50008x32xf32, #tpu.memory_space<vmem_shared>> -> memref<50008x32xf32, #tpu.memory_space<vmem_shared>>
        tpu.wait_indirect_dma semaphore(%run_scoped3A_167 : memref<!tpu.dma_semaphore, #tpu.memory_space<semaphore_mem>>) src(%arg15 : memref<128x32xf32, #tpu.memory_space<vmem>>) dst(%dma_wait3A_177 : memref<50008x32xf32, #tpu.memory_space<vmem_shared>>)
        tpu.yield
      }) : () -> ()
      %eq3A_130 = arith.constant 0 : i32
      %eq3A_131 = arith.cmpi eq, %arg0, %eq3A_130 : i32
      %convert_element_type3A_132 = arith.extui %eq3A_131 : i1 to i32
      %cond3A_133 = arith.constant 0 : i32
      %cond3A_134 = arith.cmpi ne, %convert_element_type3A_132, %cond3A_133 : i32
      scf.if %cond3A_134 {
        %run_scoped3A_167 = arith.constant 5 : i32
        "tpu.region"() ({
          %run_scoped3A_168 = tpu.sem_alloc : memref<!tpu.dma_semaphore, #tpu.memory_space<semaphore_mem>>
          %dma_start3A = arith.constant 0 : i32
          %dma_start3A_169 = tpu.memref_slice %arg14[%run_scoped3A_167, %dma_start3A] : memref<8x128xi32, #tpu.memory_space<vmem>> -> memref<1x128xi32, #tpu.memory_space<vmem>>
          %dma_start3A_170 = tpu.memref_squeeze %dma_start3A_169 : memref<1x128xi32, #tpu.memory_space<vmem>> -> memref<128xi32, #tpu.memory_space<vmem>>
          %dma_start3A_171 = arith.constant 0 : i32
          %dma_start3A_172 = tpu.memref_slice %arg17[%dma_start3A_171] : memref<50176xf32, #tpu.memory_space<vmem_shared>> -> memref<50176xf32, #tpu.memory_space<vmem_shared>>
          tpu.enqueue_indirect_dma source(%arg18 : memref<128xf32, #tpu.memory_space<vmem>>) target(%dma_start3A_172 : memref<50176xf32, #tpu.memory_space<vmem_shared>>) offsets(%dma_start3A_170 : memref<128xi32, #tpu.memory_space<vmem>>) semaphore(%run_scoped3A_168 : memref<!tpu.dma_semaphore, #tpu.memory_space<semaphore_mem>>) {add = true}
          %dma_wait3A = arith.constant 0 : i32
          %dma_wait3A_173 = tpu.memref_slice %arg14[%run_scoped3A_167, %dma_wait3A] : memref<8x128xi32, #tpu.memory_space<vmem>> -> memref<1x128xi32, #tpu.memory_space<vmem>>
          %dma_wait3A_174 = tpu.memref_squeeze %dma_wait3A_173 : memref<1x128xi32, #tpu.memory_space<vmem>> -> memref<128xi32, #tpu.memory_space<vmem>>
          %dma_wait3A_175 = arith.constant 0 : i32
          %dma_wait3A_176 = tpu.memref_slice %arg17[%dma_wait3A_175] : memref<50176xf32, #tpu.memory_space<vmem_shared>> -> memref<50176xf32, #tpu.memory_space<vmem_shared>>
          tpu.wait_indirect_dma semaphore(%run_scoped3A_168 : memref<!tpu.dma_semaphore, #tpu.memory_space<semaphore_mem>>) src(%arg18 : memref<128xf32, #tpu.memory_space<vmem>>) dst(%dma_wait3A_176 : memref<50176xf32, #tpu.memory_space<vmem_shared>>)
          tpu.yield
        }) : () -> ()
      } else {
      }
      %eq3A_135 = arith.constant 0 : i32
      %eq3A_136 = arith.cmpi eq, %arg0, %eq3A_135 : i32
      %convert_element_type3A_137 = arith.extui %eq3A_136 : i1 to i32
      %cond3A_138 = arith.constant 0 : i32
      %cond3A_139 = arith.cmpi ne, %convert_element_type3A_137, %cond3A_138 : i32
      scf.if %cond3A_139 {
        %dma_start3A = arith.constant 6 : i32
        %dma_start3A_167 = arith.constant 0 : i32
        %dma_start3A_168 = tpu.memref_slice %arg13[%dma_start3A, %dma_start3A_167] : memref<8x128xi32, #tpu.memory_space<vmem>> -> memref<1x128xi32, #tpu.memory_space<vmem>>
        %dma_start3A_169 = tpu.memref_squeeze %dma_start3A_168 : memref<1x128xi32, #tpu.memory_space<vmem>> -> memref<128xi32, #tpu.memory_space<vmem>>
        %dma_start3A_170 = arith.constant 0 : i32
        %dma_start3A_171 = arith.constant 0 : i32
        %dma_start3A_172 = tpu.memref_slice %arg2[%dma_start3A_170, %dma_start3A_171] : memref<50000x32xf32, #tpu.memory_space<hbm>> -> memref<50000x32xf32, #tpu.memory_space<hbm>>
        tpu.enqueue_indirect_dma source(%dma_start3A_172 : memref<50000x32xf32, #tpu.memory_space<hbm>>) target(%arg15 : memref<128x32xf32, #tpu.memory_space<vmem>>) offsets(%dma_start3A_169 : memref<128xi32, #tpu.memory_space<vmem>>) semaphore(%arg16 : memref<!tpu.dma_semaphore, #tpu.memory_space<semaphore_mem>>)
        %dma_wait3A = arith.constant 6 : i32
        %dma_wait3A_173 = arith.constant 0 : i32
        %dma_wait3A_174 = tpu.memref_slice %arg13[%dma_wait3A, %dma_wait3A_173] : memref<8x128xi32, #tpu.memory_space<vmem>> -> memref<1x128xi32, #tpu.memory_space<vmem>>
        %dma_wait3A_175 = tpu.memref_squeeze %dma_wait3A_174 : memref<1x128xi32, #tpu.memory_space<vmem>> -> memref<128xi32, #tpu.memory_space<vmem>>
        %dma_wait3A_176 = arith.constant 0 : i32
        %dma_wait3A_177 = arith.constant 0 : i32
        %dma_wait3A_178 = tpu.memref_slice %arg2[%dma_wait3A_176, %dma_wait3A_177] : memref<50000x32xf32, #tpu.memory_space<hbm>> -> memref<50000x32xf32, #tpu.memory_space<hbm>>
        tpu.wait_indirect_dma semaphore(%arg16 : memref<!tpu.dma_semaphore, #tpu.memory_space<semaphore_mem>>) src(%dma_wait3A_178 : memref<50000x32xf32, #tpu.memory_space<hbm>>) dst(%arg15 : memref<128x32xf32, #tpu.memory_space<vmem>>)
      } else {
      }
      %eq3A_140 = arith.constant 1 : i32
      %eq3A_141 = arith.cmpi eq, %arg0, %eq3A_140 : i32
      %convert_element_type3A_142 = arith.extui %eq3A_141 : i1 to i32
      %cond3A_143 = arith.constant 0 : i32
      %cond3A_144 = arith.cmpi ne, %convert_element_type3A_142, %cond3A_143 : i32
      scf.if %cond3A_144 {
        %dma_start3A = arith.constant 6 : i32
        %dma_start3A_167 = arith.constant 0 : i32
        %dma_start3A_168 = tpu.memref_slice %arg13[%dma_start3A, %dma_start3A_167] : memref<8x128xi32, #tpu.memory_space<vmem>> -> memref<1x128xi32, #tpu.memory_space<vmem>>
        %dma_start3A_169 = tpu.memref_squeeze %dma_start3A_168 : memref<1x128xi32, #tpu.memory_space<vmem>> -> memref<128xi32, #tpu.memory_space<vmem>>
        %dma_start3A_170 = arith.constant 0 : i32
        %dma_start3A_171 = arith.constant 0 : i32
        %dma_start3A_172 = tpu.memref_slice %arg3[%dma_start3A_170, %dma_start3A_171] : memref<50000x32xf32, #tpu.memory_space<hbm>> -> memref<50000x32xf32, #tpu.memory_space<hbm>>
        tpu.enqueue_indirect_dma source(%dma_start3A_172 : memref<50000x32xf32, #tpu.memory_space<hbm>>) target(%arg15 : memref<128x32xf32, #tpu.memory_space<vmem>>) offsets(%dma_start3A_169 : memref<128xi32, #tpu.memory_space<vmem>>) semaphore(%arg16 : memref<!tpu.dma_semaphore, #tpu.memory_space<semaphore_mem>>)
        %dma_wait3A = arith.constant 6 : i32
        %dma_wait3A_173 = arith.constant 0 : i32
        %dma_wait3A_174 = tpu.memref_slice %arg13[%dma_wait3A, %dma_wait3A_173] : memref<8x128xi32, #tpu.memory_space<vmem>> -> memref<1x128xi32, #tpu.memory_space<vmem>>
        %dma_wait3A_175 = tpu.memref_squeeze %dma_wait3A_174 : memref<1x128xi32, #tpu.memory_space<vmem>> -> memref<128xi32, #tpu.memory_space<vmem>>
        %dma_wait3A_176 = arith.constant 0 : i32
        %dma_wait3A_177 = arith.constant 0 : i32
        %dma_wait3A_178 = tpu.memref_slice %arg3[%dma_wait3A_176, %dma_wait3A_177] : memref<50000x32xf32, #tpu.memory_space<hbm>> -> memref<50000x32xf32, #tpu.memory_space<hbm>>
        tpu.wait_indirect_dma semaphore(%arg16 : memref<!tpu.dma_semaphore, #tpu.memory_space<semaphore_mem>>) src(%dma_wait3A_178 : memref<50000x32xf32, #tpu.memory_space<hbm>>) dst(%arg15 : memref<128x32xf32, #tpu.memory_space<vmem>>)
      } else {
      }
      %run_scoped3A_145 = arith.constant 6 : i32
      "tpu.region"() ({
        %run_scoped3A_167 = tpu.sem_alloc : memref<!tpu.dma_semaphore, #tpu.memory_space<semaphore_mem>>
        %dma_start3A = arith.constant 0 : i32
        %dma_start3A_168 = tpu.memref_slice %arg14[%run_scoped3A_145, %dma_start3A] : memref<8x128xi32, #tpu.memory_space<vmem>> -> memref<1x128xi32, #tpu.memory_space<vmem>>
        %dma_start3A_169 = tpu.memref_squeeze %dma_start3A_168 : memref<1x128xi32, #tpu.memory_space<vmem>> -> memref<128xi32, #tpu.memory_space<vmem>>
        %dma_start3A_170 = arith.constant 0 : i32
        %dma_start3A_171 = arith.constant 0 : i32
        %dma_start3A_172 = tpu.memref_slice %arg12[%dma_start3A_170, %dma_start3A_171] : memref<50008x32xf32, #tpu.memory_space<vmem_shared>> -> memref<50008x32xf32, #tpu.memory_space<vmem_shared>>
        tpu.enqueue_indirect_dma source(%arg15 : memref<128x32xf32, #tpu.memory_space<vmem>>) target(%dma_start3A_172 : memref<50008x32xf32, #tpu.memory_space<vmem_shared>>) offsets(%dma_start3A_169 : memref<128xi32, #tpu.memory_space<vmem>>) semaphore(%run_scoped3A_167 : memref<!tpu.dma_semaphore, #tpu.memory_space<semaphore_mem>>) {add = true}
        %dma_wait3A = arith.constant 0 : i32
        %dma_wait3A_173 = tpu.memref_slice %arg14[%run_scoped3A_145, %dma_wait3A] : memref<8x128xi32, #tpu.memory_space<vmem>> -> memref<1x128xi32, #tpu.memory_space<vmem>>
        %dma_wait3A_174 = tpu.memref_squeeze %dma_wait3A_173 : memref<1x128xi32, #tpu.memory_space<vmem>> -> memref<128xi32, #tpu.memory_space<vmem>>
        %dma_wait3A_175 = arith.constant 0 : i32
        %dma_wait3A_176 = arith.constant 0 : i32
        %dma_wait3A_177 = tpu.memref_slice %arg12[%dma_wait3A_175, %dma_wait3A_176] : memref<50008x32xf32, #tpu.memory_space<vmem_shared>> -> memref<50008x32xf32, #tpu.memory_space<vmem_shared>>
        tpu.wait_indirect_dma semaphore(%run_scoped3A_167 : memref<!tpu.dma_semaphore, #tpu.memory_space<semaphore_mem>>) src(%arg15 : memref<128x32xf32, #tpu.memory_space<vmem>>) dst(%dma_wait3A_177 : memref<50008x32xf32, #tpu.memory_space<vmem_shared>>)
        tpu.yield
      }) : () -> ()
      %eq3A_146 = arith.constant 0 : i32
      %eq3A_147 = arith.cmpi eq, %arg0, %eq3A_146 : i32
      %convert_element_type3A_148 = arith.extui %eq3A_147 : i1 to i32
      %cond3A_149 = arith.constant 0 : i32
      %cond3A_150 = arith.cmpi ne, %convert_element_type3A_148, %cond3A_149 : i32
      scf.if %cond3A_150 {
        %run_scoped3A_167 = arith.constant 6 : i32
        "tpu.region"() ({
          %run_scoped3A_168 = tpu.sem_alloc : memref<!tpu.dma_semaphore, #tpu.memory_space<semaphore_mem>>
          %dma_start3A = arith.constant 0 : i32
          %dma_start3A_169 = tpu.memref_slice %arg14[%run_scoped3A_167, %dma_start3A] : memref<8x128xi32, #tpu.memory_space<vmem>> -> memref<1x128xi32, #tpu.memory_space<vmem>>
          %dma_start3A_170 = tpu.memref_squeeze %dma_start3A_169 : memref<1x128xi32, #tpu.memory_space<vmem>> -> memref<128xi32, #tpu.memory_space<vmem>>
          %dma_start3A_171 = arith.constant 0 : i32
          %dma_start3A_172 = tpu.memref_slice %arg17[%dma_start3A_171] : memref<50176xf32, #tpu.memory_space<vmem_shared>> -> memref<50176xf32, #tpu.memory_space<vmem_shared>>
          tpu.enqueue_indirect_dma source(%arg18 : memref<128xf32, #tpu.memory_space<vmem>>) target(%dma_start3A_172 : memref<50176xf32, #tpu.memory_space<vmem_shared>>) offsets(%dma_start3A_170 : memref<128xi32, #tpu.memory_space<vmem>>) semaphore(%run_scoped3A_168 : memref<!tpu.dma_semaphore, #tpu.memory_space<semaphore_mem>>) {add = true}
          %dma_wait3A = arith.constant 0 : i32
          %dma_wait3A_173 = tpu.memref_slice %arg14[%run_scoped3A_167, %dma_wait3A] : memref<8x128xi32, #tpu.memory_space<vmem>> -> memref<1x128xi32, #tpu.memory_space<vmem>>
          %dma_wait3A_174 = tpu.memref_squeeze %dma_wait3A_173 : memref<1x128xi32, #tpu.memory_space<vmem>> -> memref<128xi32, #tpu.memory_space<vmem>>
          %dma_wait3A_175 = arith.constant 0 : i32
          %dma_wait3A_176 = tpu.memref_slice %arg17[%dma_wait3A_175] : memref<50176xf32, #tpu.memory_space<vmem_shared>> -> memref<50176xf32, #tpu.memory_space<vmem_shared>>
          tpu.wait_indirect_dma semaphore(%run_scoped3A_168 : memref<!tpu.dma_semaphore, #tpu.memory_space<semaphore_mem>>) src(%arg18 : memref<128xf32, #tpu.memory_space<vmem>>) dst(%dma_wait3A_176 : memref<50176xf32, #tpu.memory_space<vmem_shared>>)
          tpu.yield
        }) : () -> ()
      } else {
      }
      %eq3A_151 = arith.constant 0 : i32
      %eq3A_152 = arith.cmpi eq, %arg0, %eq3A_151 : i32
      %convert_element_type3A_153 = arith.extui %eq3A_152 : i1 to i32
      %cond3A_154 = arith.constant 0 : i32
      %cond3A_155 = arith.cmpi ne, %convert_element_type3A_153, %cond3A_154 : i32
      scf.if %cond3A_155 {
        %dma_start3A = arith.constant 7 : i32
        %dma_start3A_167 = arith.constant 0 : i32
        %dma_start3A_168 = tpu.memref_slice %arg13[%dma_start3A, %dma_start3A_167] : memref<8x128xi32, #tpu.memory_space<vmem>> -> memref<1x128xi32, #tpu.memory_space<vmem>>
        %dma_start3A_169 = tpu.memref_squeeze %dma_start3A_168 : memref<1x128xi32, #tpu.memory_space<vmem>> -> memref<128xi32, #tpu.memory_space<vmem>>
        %dma_start3A_170 = arith.constant 0 : i32
        %dma_start3A_171 = arith.constant 0 : i32
        %dma_start3A_172 = tpu.memref_slice %arg2[%dma_start3A_170, %dma_start3A_171] : memref<50000x32xf32, #tpu.memory_space<hbm>> -> memref<50000x32xf32, #tpu.memory_space<hbm>>
        tpu.enqueue_indirect_dma source(%dma_start3A_172 : memref<50000x32xf32, #tpu.memory_space<hbm>>) target(%arg15 : memref<128x32xf32, #tpu.memory_space<vmem>>) offsets(%dma_start3A_169 : memref<128xi32, #tpu.memory_space<vmem>>) semaphore(%arg16 : memref<!tpu.dma_semaphore, #tpu.memory_space<semaphore_mem>>)
        %dma_wait3A = arith.constant 7 : i32
        %dma_wait3A_173 = arith.constant 0 : i32
        %dma_wait3A_174 = tpu.memref_slice %arg13[%dma_wait3A, %dma_wait3A_173] : memref<8x128xi32, #tpu.memory_space<vmem>> -> memref<1x128xi32, #tpu.memory_space<vmem>>
        %dma_wait3A_175 = tpu.memref_squeeze %dma_wait3A_174 : memref<1x128xi32, #tpu.memory_space<vmem>> -> memref<128xi32, #tpu.memory_space<vmem>>
        %dma_wait3A_176 = arith.constant 0 : i32
        %dma_wait3A_177 = arith.constant 0 : i32
        %dma_wait3A_178 = tpu.memref_slice %arg2[%dma_wait3A_176, %dma_wait3A_177] : memref<50000x32xf32, #tpu.memory_space<hbm>> -> memref<50000x32xf32, #tpu.memory_space<hbm>>
        tpu.wait_indirect_dma semaphore(%arg16 : memref<!tpu.dma_semaphore, #tpu.memory_space<semaphore_mem>>) src(%dma_wait3A_178 : memref<50000x32xf32, #tpu.memory_space<hbm>>) dst(%arg15 : memref<128x32xf32, #tpu.memory_space<vmem>>)
      } else {
      }
      %eq3A_156 = arith.constant 1 : i32
      %eq3A_157 = arith.cmpi eq, %arg0, %eq3A_156 : i32
      %convert_element_type3A_158 = arith.extui %eq3A_157 : i1 to i32
      %cond3A_159 = arith.constant 0 : i32
      %cond3A_160 = arith.cmpi ne, %convert_element_type3A_158, %cond3A_159 : i32
      scf.if %cond3A_160 {
        %dma_start3A = arith.constant 7 : i32
        %dma_start3A_167 = arith.constant 0 : i32
        %dma_start3A_168 = tpu.memref_slice %arg13[%dma_start3A, %dma_start3A_167] : memref<8x128xi32, #tpu.memory_space<vmem>> -> memref<1x128xi32, #tpu.memory_space<vmem>>
        %dma_start3A_169 = tpu.memref_squeeze %dma_start3A_168 : memref<1x128xi32, #tpu.memory_space<vmem>> -> memref<128xi32, #tpu.memory_space<vmem>>
        %dma_start3A_170 = arith.constant 0 : i32
        %dma_start3A_171 = arith.constant 0 : i32
        %dma_start3A_172 = tpu.memref_slice %arg3[%dma_start3A_170, %dma_start3A_171] : memref<50000x32xf32, #tpu.memory_space<hbm>> -> memref<50000x32xf32, #tpu.memory_space<hbm>>
        tpu.enqueue_indirect_dma source(%dma_start3A_172 : memref<50000x32xf32, #tpu.memory_space<hbm>>) target(%arg15 : memref<128x32xf32, #tpu.memory_space<vmem>>) offsets(%dma_start3A_169 : memref<128xi32, #tpu.memory_space<vmem>>) semaphore(%arg16 : memref<!tpu.dma_semaphore, #tpu.memory_space<semaphore_mem>>)
        %dma_wait3A = arith.constant 7 : i32
        %dma_wait3A_173 = arith.constant 0 : i32
        %dma_wait3A_174 = tpu.memref_slice %arg13[%dma_wait3A, %dma_wait3A_173] : memref<8x128xi32, #tpu.memory_space<vmem>> -> memref<1x128xi32, #tpu.memory_space<vmem>>
        %dma_wait3A_175 = tpu.memref_squeeze %dma_wait3A_174 : memref<1x128xi32, #tpu.memory_space<vmem>> -> memref<128xi32, #tpu.memory_space<vmem>>
        %dma_wait3A_176 = arith.constant 0 : i32
        %dma_wait3A_177 = arith.constant 0 : i32
        %dma_wait3A_178 = tpu.memref_slice %arg3[%dma_wait3A_176, %dma_wait3A_177] : memref<50000x32xf32, #tpu.memory_space<hbm>> -> memref<50000x32xf32, #tpu.memory_space<hbm>>
        tpu.wait_indirect_dma semaphore(%arg16 : memref<!tpu.dma_semaphore, #tpu.memory_space<semaphore_mem>>) src(%dma_wait3A_178 : memref<50000x32xf32, #tpu.memory_space<hbm>>) dst(%arg15 : memref<128x32xf32, #tpu.memory_space<vmem>>)
      } else {
      }
      %run_scoped3A_161 = arith.constant 7 : i32
      "tpu.region"() ({
        %run_scoped3A_167 = tpu.sem_alloc : memref<!tpu.dma_semaphore, #tpu.memory_space<semaphore_mem>>
        %dma_start3A = arith.constant 0 : i32
        %dma_start3A_168 = tpu.memref_slice %arg14[%run_scoped3A_161, %dma_start3A] : memref<8x128xi32, #tpu.memory_space<vmem>> -> memref<1x128xi32, #tpu.memory_space<vmem>>
        %dma_start3A_169 = tpu.memref_squeeze %dma_start3A_168 : memref<1x128xi32, #tpu.memory_space<vmem>> -> memref<128xi32, #tpu.memory_space<vmem>>
        %dma_start3A_170 = arith.constant 0 : i32
        %dma_start3A_171 = arith.constant 0 : i32
        %dma_start3A_172 = tpu.memref_slice %arg12[%dma_start3A_170, %dma_start3A_171] : memref<50008x32xf32, #tpu.memory_space<vmem_shared>> -> memref<50008x32xf32, #tpu.memory_space<vmem_shared>>
        tpu.enqueue_indirect_dma source(%arg15 : memref<128x32xf32, #tpu.memory_space<vmem>>) target(%dma_start3A_172 : memref<50008x32xf32, #tpu.memory_space<vmem_shared>>) offsets(%dma_start3A_169 : memref<128xi32, #tpu.memory_space<vmem>>) semaphore(%run_scoped3A_167 : memref<!tpu.dma_semaphore, #tpu.memory_space<semaphore_mem>>) {add = true}
        %dma_wait3A = arith.constant 0 : i32
        %dma_wait3A_173 = tpu.memref_slice %arg14[%run_scoped3A_161, %dma_wait3A] : memref<8x128xi32, #tpu.memory_space<vmem>> -> memref<1x128xi32, #tpu.memory_space<vmem>>
        %dma_wait3A_174 = tpu.memref_squeeze %dma_wait3A_173 : memref<1x128xi32, #tpu.memory_space<vmem>> -> memref<128xi32, #tpu.memory_space<vmem>>
        %dma_wait3A_175 = arith.constant 0 : i32
        %dma_wait3A_176 = arith.constant 0 : i32
        %dma_wait3A_177 = tpu.memref_slice %arg12[%dma_wait3A_175, %dma_wait3A_176] : memref<50008x32xf32, #tpu.memory_space<vmem_shared>> -> memref<50008x32xf32, #tpu.memory_space<vmem_shared>>
        tpu.wait_indirect_dma semaphore(%run_scoped3A_167 : memref<!tpu.dma_semaphore, #tpu.memory_space<semaphore_mem>>) src(%arg15 : memref<128x32xf32, #tpu.memory_space<vmem>>) dst(%dma_wait3A_177 : memref<50008x32xf32, #tpu.memory_space<vmem_shared>>)
        tpu.yield
      }) : () -> ()
      %eq3A_162 = arith.constant 0 : i32
      %eq3A_163 = arith.cmpi eq, %arg0, %eq3A_162 : i32
      %convert_element_type3A_164 = arith.extui %eq3A_163 : i1 to i32
      %cond3A_165 = arith.constant 0 : i32
      %cond3A_166 = arith.cmpi ne, %convert_element_type3A_164, %cond3A_165 : i32
      scf.if %cond3A_166 {
        %run_scoped3A_167 = arith.constant 7 : i32
        "tpu.region"() ({
          %run_scoped3A_168 = tpu.sem_alloc : memref<!tpu.dma_semaphore, #tpu.memory_space<semaphore_mem>>
          %dma_start3A = arith.constant 0 : i32
          %dma_start3A_169 = tpu.memref_slice %arg14[%run_scoped3A_167, %dma_start3A] : memref<8x128xi32, #tpu.memory_space<vmem>> -> memref<1x128xi32, #tpu.memory_space<vmem>>
          %dma_start3A_170 = tpu.memref_squeeze %dma_start3A_169 : memref<1x128xi32, #tpu.memory_space<vmem>> -> memref<128xi32, #tpu.memory_space<vmem>>
          %dma_start3A_171 = arith.constant 0 : i32
          %dma_start3A_172 = tpu.memref_slice %arg17[%dma_start3A_171] : memref<50176xf32, #tpu.memory_space<vmem_shared>> -> memref<50176xf32, #tpu.memory_space<vmem_shared>>
          tpu.enqueue_indirect_dma source(%arg18 : memref<128xf32, #tpu.memory_space<vmem>>) target(%dma_start3A_172 : memref<50176xf32, #tpu.memory_space<vmem_shared>>) offsets(%dma_start3A_170 : memref<128xi32, #tpu.memory_space<vmem>>) semaphore(%run_scoped3A_168 : memref<!tpu.dma_semaphore, #tpu.memory_space<semaphore_mem>>) {add = true}
          %dma_wait3A = arith.constant 0 : i32
          %dma_wait3A_173 = tpu.memref_slice %arg14[%run_scoped3A_167, %dma_wait3A] : memref<8x128xi32, #tpu.memory_space<vmem>> -> memref<1x128xi32, #tpu.memory_space<vmem>>
          %dma_wait3A_174 = tpu.memref_squeeze %dma_wait3A_173 : memref<1x128xi32, #tpu.memory_space<vmem>> -> memref<128xi32, #tpu.memory_space<vmem>>
          %dma_wait3A_175 = arith.constant 0 : i32
          %dma_wait3A_176 = tpu.memref_slice %arg17[%dma_wait3A_175] : memref<50176xf32, #tpu.memory_space<vmem_shared>> -> memref<50176xf32, #tpu.memory_space<vmem_shared>>
          tpu.wait_indirect_dma semaphore(%run_scoped3A_168 : memref<!tpu.dma_semaphore, #tpu.memory_space<semaphore_mem>>) src(%arg18 : memref<128xf32, #tpu.memory_space<vmem>>) dst(%dma_wait3A_176 : memref<50176xf32, #tpu.memory_space<vmem_shared>>)
          tpu.yield
        }) : () -> ()
      } else {
      }
    }
    %scan3A_16 = arith.constant 49 : i32
    %barrier3A_17 = arith.constant 0 : index
    tpu.barrier barrier_id(%barrier3A_17)
    %eq3A_18 = arith.constant 0 : i32
    %eq3A_19 = arith.cmpi eq, %arg0, %eq3A_18 : i32
    %convert_element_type3A_20 = arith.extui %eq3A_19 : i1 to i32
    %cond3A_21 = arith.constant 0 : i32
    %cond3A_22 = arith.cmpi ne, %convert_element_type3A_20, %cond3A_21 : i32
    scf.if %cond3A_22 {
      %lt3A_35 = arith.constant 15 : i32
      %lt3A_36 = arith.cmpi slt, %arg1, %lt3A_35 : i32
      %convert_element_type3A_37 = arith.extui %lt3A_36 : i1 to i32
      %cond3A_38 = arith.constant 0 : i32
      %cond3A_39 = arith.cmpi ne, %convert_element_type3A_37, %cond3A_38 : i32
      scf.if %cond3A_39 {
        "tpu.region"() ({
          %run_scoped3A = tpu.sem_alloc : memref<!tpu.dma_semaphore, #tpu.memory_space<semaphore_mem>>
          %dma_start3A = arith.constant 0 : i32
          %dma_start3A_45 = tpu.memref_slice %arg9[%mul3A_0, %dma_start3A] : memref<50000x32xf32, #tpu.memory_space<hbm>> -> memref<3128x32xf32, #tpu.memory_space<hbm>>
          %dma_start3A_46 = arith.constant 0 : i32
          %dma_start3A_47 = tpu.memref_slice %arg12[%mul3A_0, %dma_start3A_46] : memref<50008x32xf32, #tpu.memory_space<vmem_shared>> -> memref<3128x32xf32, #tpu.memory_space<vmem_shared>>
          tpu.enqueue_dma source(%dma_start3A_47 : memref<3128x32xf32, #tpu.memory_space<vmem_shared>>) target(%dma_start3A_45 : memref<3128x32xf32, #tpu.memory_space<hbm>>) target_semaphore(%run_scoped3A : memref<!tpu.dma_semaphore, #tpu.memory_space<semaphore_mem>>)
          %dma_wait3A = arith.constant 0 : i32
          %dma_wait3A_48 = tpu.memref_slice %arg9[%mul3A_0, %dma_wait3A] : memref<50000x32xf32, #tpu.memory_space<hbm>> -> memref<3128x32xf32, #tpu.memory_space<hbm>>
          %dma_wait3A_49 = arith.constant 0 : i32
          %dma_wait3A_50 = tpu.memref_slice %arg12[%mul3A_0, %dma_wait3A_49] : memref<50008x32xf32, #tpu.memory_space<vmem_shared>> -> memref<3128x32xf32, #tpu.memory_space<vmem_shared>>
          tpu.wait_dma2 semaphore(%run_scoped3A : memref<!tpu.dma_semaphore, #tpu.memory_space<semaphore_mem>>) src(%dma_wait3A_50 : memref<3128x32xf32, #tpu.memory_space<vmem_shared>>) dst(%dma_wait3A_48 : memref<3128x32xf32, #tpu.memory_space<hbm>>)
          tpu.yield
        }) : () -> ()
      } else {
      }
      %eq3A_40 = arith.constant 15 : i32
      %eq3A_41 = arith.cmpi eq, %arg1, %eq3A_40 : i32
      %convert_element_type3A_42 = arith.extui %eq3A_41 : i1 to i32
      %cond3A_43 = arith.constant 0 : i32
      %cond3A_44 = arith.cmpi ne, %convert_element_type3A_42, %cond3A_43 : i32
      scf.if %cond3A_44 {
        "tpu.region"() ({
          %run_scoped3A = tpu.sem_alloc : memref<!tpu.dma_semaphore, #tpu.memory_space<semaphore_mem>>
          %dma_start3A = arith.constant 46920 : i32
          %dma_start3A_45 = arith.constant 0 : i32
          %dma_start3A_46 = tpu.memref_slice %arg9[%dma_start3A, %dma_start3A_45] : memref<50000x32xf32, #tpu.memory_space<hbm>> -> memref<3080x32xf32, #tpu.memory_space<hbm>>
          %dma_start3A_47 = arith.constant 46920 : i32
          %dma_start3A_48 = arith.constant 0 : i32
          %dma_start3A_49 = tpu.memref_slice %arg12[%dma_start3A_47, %dma_start3A_48] : memref<50008x32xf32, #tpu.memory_space<vmem_shared>> -> memref<3080x32xf32, #tpu.memory_space<vmem_shared>>
          tpu.enqueue_dma source(%dma_start3A_49 : memref<3080x32xf32, #tpu.memory_space<vmem_shared>>) target(%dma_start3A_46 : memref<3080x32xf32, #tpu.memory_space<hbm>>) target_semaphore(%run_scoped3A : memref<!tpu.dma_semaphore, #tpu.memory_space<semaphore_mem>>)
          %dma_wait3A = arith.constant 46920 : i32
          %dma_wait3A_50 = arith.constant 0 : i32
          %dma_wait3A_51 = tpu.memref_slice %arg9[%dma_wait3A, %dma_wait3A_50] : memref<50000x32xf32, #tpu.memory_space<hbm>> -> memref<3080x32xf32, #tpu.memory_space<hbm>>
          %dma_wait3A_52 = arith.constant 46920 : i32
          %dma_wait3A_53 = arith.constant 0 : i32
          %dma_wait3A_54 = tpu.memref_slice %arg12[%dma_wait3A_52, %dma_wait3A_53] : memref<50008x32xf32, #tpu.memory_space<vmem_shared>> -> memref<3080x32xf32, #tpu.memory_space<vmem_shared>>
          tpu.wait_dma2 semaphore(%run_scoped3A : memref<!tpu.dma_semaphore, #tpu.memory_space<semaphore_mem>>) src(%dma_wait3A_54 : memref<3080x32xf32, #tpu.memory_space<vmem_shared>>) dst(%dma_wait3A_51 : memref<3080x32xf32, #tpu.memory_space<hbm>>)
          tpu.yield
        }) : () -> ()
      } else {
      }
    } else {
    }
    %eq3A_23 = arith.constant 1 : i32
    %eq3A_24 = arith.cmpi eq, %arg0, %eq3A_23 : i32
    %convert_element_type3A_25 = arith.extui %eq3A_24 : i1 to i32
    %cond3A_26 = arith.constant 0 : i32
    %cond3A_27 = arith.cmpi ne, %convert_element_type3A_25, %cond3A_26 : i32
    scf.if %cond3A_27 {
      %lt3A_35 = arith.constant 15 : i32
      %lt3A_36 = arith.cmpi slt, %arg1, %lt3A_35 : i32
      %convert_element_type3A_37 = arith.extui %lt3A_36 : i1 to i32
      %cond3A_38 = arith.constant 0 : i32
      %cond3A_39 = arith.cmpi ne, %convert_element_type3A_37, %cond3A_38 : i32
      scf.if %cond3A_39 {
        "tpu.region"() ({
          %run_scoped3A = tpu.sem_alloc : memref<!tpu.dma_semaphore, #tpu.memory_space<semaphore_mem>>
          %dma_start3A = arith.constant 0 : i32
          %dma_start3A_45 = tpu.memref_slice %arg10[%mul3A_0, %dma_start3A] : memref<50000x32xf32, #tpu.memory_space<hbm>> -> memref<3128x32xf32, #tpu.memory_space<hbm>>
          %dma_start3A_46 = arith.constant 0 : i32
          %dma_start3A_47 = tpu.memref_slice %arg12[%mul3A_0, %dma_start3A_46] : memref<50008x32xf32, #tpu.memory_space<vmem_shared>> -> memref<3128x32xf32, #tpu.memory_space<vmem_shared>>
          tpu.enqueue_dma source(%dma_start3A_47 : memref<3128x32xf32, #tpu.memory_space<vmem_shared>>) target(%dma_start3A_45 : memref<3128x32xf32, #tpu.memory_space<hbm>>) target_semaphore(%run_scoped3A : memref<!tpu.dma_semaphore, #tpu.memory_space<semaphore_mem>>)
          %dma_wait3A = arith.constant 0 : i32
          %dma_wait3A_48 = tpu.memref_slice %arg10[%mul3A_0, %dma_wait3A] : memref<50000x32xf32, #tpu.memory_space<hbm>> -> memref<3128x32xf32, #tpu.memory_space<hbm>>
          %dma_wait3A_49 = arith.constant 0 : i32
          %dma_wait3A_50 = tpu.memref_slice %arg12[%mul3A_0, %dma_wait3A_49] : memref<50008x32xf32, #tpu.memory_space<vmem_shared>> -> memref<3128x32xf32, #tpu.memory_space<vmem_shared>>
          tpu.wait_dma2 semaphore(%run_scoped3A : memref<!tpu.dma_semaphore, #tpu.memory_space<semaphore_mem>>) src(%dma_wait3A_50 : memref<3128x32xf32, #tpu.memory_space<vmem_shared>>) dst(%dma_wait3A_48 : memref<3128x32xf32, #tpu.memory_space<hbm>>)
          tpu.yield
        }) : () -> ()
      } else {
      }
      %eq3A_40 = arith.constant 15 : i32
      %eq3A_41 = arith.cmpi eq, %arg1, %eq3A_40 : i32
      %convert_element_type3A_42 = arith.extui %eq3A_41 : i1 to i32
      %cond3A_43 = arith.constant 0 : i32
      %cond3A_44 = arith.cmpi ne, %convert_element_type3A_42, %cond3A_43 : i32
      scf.if %cond3A_44 {
        "tpu.region"() ({
          %run_scoped3A = tpu.sem_alloc : memref<!tpu.dma_semaphore, #tpu.memory_space<semaphore_mem>>
          %dma_start3A = arith.constant 46920 : i32
          %dma_start3A_45 = arith.constant 0 : i32
          %dma_start3A_46 = tpu.memref_slice %arg10[%dma_start3A, %dma_start3A_45] : memref<50000x32xf32, #tpu.memory_space<hbm>> -> memref<3080x32xf32, #tpu.memory_space<hbm>>
          %dma_start3A_47 = arith.constant 46920 : i32
          %dma_start3A_48 = arith.constant 0 : i32
          %dma_start3A_49 = tpu.memref_slice %arg12[%dma_start3A_47, %dma_start3A_48] : memref<50008x32xf32, #tpu.memory_space<vmem_shared>> -> memref<3080x32xf32, #tpu.memory_space<vmem_shared>>
          tpu.enqueue_dma source(%dma_start3A_49 : memref<3080x32xf32, #tpu.memory_space<vmem_shared>>) target(%dma_start3A_46 : memref<3080x32xf32, #tpu.memory_space<hbm>>) target_semaphore(%run_scoped3A : memref<!tpu.dma_semaphore, #tpu.memory_space<semaphore_mem>>)
          %dma_wait3A = arith.constant 46920 : i32
          %dma_wait3A_50 = arith.constant 0 : i32
          %dma_wait3A_51 = tpu.memref_slice %arg10[%dma_wait3A, %dma_wait3A_50] : memref<50000x32xf32, #tpu.memory_space<hbm>> -> memref<3080x32xf32, #tpu.memory_space<hbm>>
          %dma_wait3A_52 = arith.constant 46920 : i32
          %dma_wait3A_53 = arith.constant 0 : i32
          %dma_wait3A_54 = tpu.memref_slice %arg12[%dma_wait3A_52, %dma_wait3A_53] : memref<50008x32xf32, #tpu.memory_space<vmem_shared>> -> memref<3080x32xf32, #tpu.memory_space<vmem_shared>>
          tpu.wait_dma2 semaphore(%run_scoped3A : memref<!tpu.dma_semaphore, #tpu.memory_space<semaphore_mem>>) src(%dma_wait3A_54 : memref<3080x32xf32, #tpu.memory_space<vmem_shared>>) dst(%dma_wait3A_51 : memref<3080x32xf32, #tpu.memory_space<hbm>>)
          tpu.yield
        }) : () -> ()
      } else {
      }
    } else {
    }
    %eq3A_28 = arith.constant 0 : i32
    %eq3A_29 = arith.cmpi eq, %arg0, %eq3A_28 : i32
    %eq3A_30 = arith.constant 0 : i32
    %eq3A_31 = arith.cmpi eq, %arg1, %eq3A_30 : i32
    %and3A = arith.andi %eq3A_29, %eq3A_31 : i1
    %convert_element_type3A_32 = arith.extui %and3A : i1 to i32
    %cond3A_33 = arith.constant 0 : i32
    %cond3A_34 = arith.cmpi ne, %convert_element_type3A_32, %cond3A_33 : i32
    scf.if %cond3A_34 {
      "tpu.region"() ({
        %run_scoped3A = tpu.sem_alloc : memref<!tpu.dma_semaphore, #tpu.memory_space<semaphore_mem>>
        tpu.enqueue_dma source(%arg17 : memref<50176xf32, #tpu.memory_space<vmem_shared>>) target(%arg11 : memref<50176xf32, #tpu.memory_space<hbm>>) target_semaphore(%run_scoped3A : memref<!tpu.dma_semaphore, #tpu.memory_space<semaphore_mem>>)
        tpu.wait_dma2 semaphore(%run_scoped3A : memref<!tpu.dma_semaphore, #tpu.memory_space<semaphore_mem>>) src(%arg17 : memref<50176xf32, #tpu.memory_space<vmem_shared>>) dst(%arg11 : memref<50176xf32, #tpu.memory_space<hbm>>)
        tpu.yield
      }) : () -> ()
    } else {
    }
    return
  }
}

#map = affine_map<(d0, d1) -> (0, 0)>
#map1 = affine_map<(d0, d1) -> (0)>
module attributes {stable_mosaic.version = 14 : i64} {
  func.func @seg_sum(%arg0: i32, %arg1: i32, %arg2: memref<50000x32xf32, #tpu.memory_space<hbm>>, %arg3: memref<50000x32xf32, #tpu.memory_space<hbm>>, %arg4: memref<6272x128xi32, #tpu.memory_space<hbm>>, %arg5: memref<6272x128xi32, #tpu.memory_space<hbm>>, %arg6: memref<3128x32xf32, #tpu.memory_space<hbm>>, %arg7: memref<3200xf32, #tpu.memory_space<hbm>>, %arg8: memref<128xf32, #tpu.memory_space<hbm>>, %arg9: memref<50000x32xf32, #tpu.memory_space<hbm>>, %arg10: memref<50000x32xf32, #tpu.memory_space<hbm>>, %arg11: memref<50008x32xf32, #tpu.memory_space<vmem_shared>>, %arg12: memref<8x128xi32, #tpu.memory_space<vmem>>, %arg13: memref<8x128xi32, #tpu.memory_space<vmem>>, %arg14: memref<128x32xf32, #tpu.memory_space<vmem>>, %arg15: memref<!tpu.dma_semaphore, #tpu.memory_space<semaphore_mem>>) attributes {dimension_semantics = [#tpu.dimension_semantics<core_parallel>, #tpu.dimension_semantics<subcore_parallel>], iteration_bounds = array<i64: 2, 16>, scalar_prefetch = 0 : i64, scratch_operands = 5 : i64, tpu.core_type = #tpu.core_type<sc_vector_subcore>, window_params = [{transform_indices = #map}, {transform_indices = #map}, {transform_indices = #map}, {transform_indices = #map}, {transform_indices = #map}, {transform_indices = #map1}, {transform_indices = #map1}, {transform_indices = #map}, {transform_indices = #map}]} {
    %mul3A = arith.constant 3128 : i32
    %mul3A_0 = arith.muli %arg1, %mul3A : i32
    %lt3A = arith.constant 15 : i32
    %lt3A_1 = arith.cmpi slt, %arg1, %lt3A : i32
    %convert_element_type3A = arith.extui %lt3A_1 : i1 to i32
    %cond3A = arith.constant 0 : i32
    %cond3A_2 = arith.cmpi ne, %convert_element_type3A, %cond3A : i32
    scf.if %cond3A_2 {
      "tpu.region"() ({
        %run_scoped3A = tpu.sem_alloc : memref<!tpu.dma_semaphore, #tpu.memory_space<semaphore_mem>>
        %dma_start3A = arith.constant 0 : i32
        %dma_start3A_23 = tpu.memref_slice %arg11[%mul3A_0, %dma_start3A] : memref<50008x32xf32, #tpu.memory_space<vmem_shared>> -> memref<3128x32xf32, #tpu.memory_space<vmem_shared>>
        tpu.enqueue_dma source(%arg6 : memref<3128x32xf32, #tpu.memory_space<hbm>>) target(%dma_start3A_23 : memref<3128x32xf32, #tpu.memory_space<vmem_shared>>) target_semaphore(%run_scoped3A : memref<!tpu.dma_semaphore, #tpu.memory_space<semaphore_mem>>)
        %dma_wait3A = arith.constant 0 : i32
        %dma_wait3A_24 = tpu.memref_slice %arg11[%mul3A_0, %dma_wait3A] : memref<50008x32xf32, #tpu.memory_space<vmem_shared>> -> memref<3128x32xf32, #tpu.memory_space<vmem_shared>>
        tpu.wait_dma2 semaphore(%run_scoped3A : memref<!tpu.dma_semaphore, #tpu.memory_space<semaphore_mem>>) src(%arg6 : memref<3128x32xf32, #tpu.memory_space<hbm>>) dst(%dma_wait3A_24 : memref<3128x32xf32, #tpu.memory_space<vmem_shared>>)
        tpu.yield
      }) : () -> ()
    } else {
    }
    %eq3A = arith.constant 15 : i32
    %eq3A_3 = arith.cmpi eq, %arg1, %eq3A : i32
    %convert_element_type3A_4 = arith.extui %eq3A_3 : i1 to i32
    %cond3A_5 = arith.constant 0 : i32
    %cond3A_6 = arith.cmpi ne, %convert_element_type3A_4, %cond3A_5 : i32
    scf.if %cond3A_6 {
      "tpu.region"() ({
        %run_scoped3A = tpu.sem_alloc : memref<!tpu.dma_semaphore, #tpu.memory_space<semaphore_mem>>
        %dma_start3A = arith.constant 46920 : i32
        %dma_start3A_23 = arith.constant 0 : i32
        %dma_start3A_24 = tpu.memref_slice %arg11[%dma_start3A, %dma_start3A_23] : memref<50008x32xf32, #tpu.memory_space<vmem_shared>> -> memref<3088x32xf32, #tpu.memory_space<vmem_shared>>
        %dma_start3A_25 = arith.constant 0 : i32
        %dma_start3A_26 = arith.constant 0 : i32
        %dma_start3A_27 = tpu.memref_slice %arg6[%dma_start3A_25, %dma_start3A_26] : memref<3128x32xf32, #tpu.memory_space<hbm>> -> memref<3088x32xf32, #tpu.memory_space<hbm>>
        tpu.enqueue_dma source(%dma_start3A_27 : memref<3088x32xf32, #tpu.memory_space<hbm>>) target(%dma_start3A_24 : memref<3088x32xf32, #tpu.memory_space<vmem_shared>>) target_semaphore(%run_scoped3A : memref<!tpu.dma_semaphore, #tpu.memory_space<semaphore_mem>>)
        %dma_wait3A = arith.constant 46920 : i32
        %dma_wait3A_28 = arith.constant 0 : i32
        %dma_wait3A_29 = tpu.memref_slice %arg11[%dma_wait3A, %dma_wait3A_28] : memref<50008x32xf32, #tpu.memory_space<vmem_shared>> -> memref<3088x32xf32, #tpu.memory_space<vmem_shared>>
        %dma_wait3A_30 = arith.constant 0 : i32
        %dma_wait3A_31 = arith.constant 0 : i32
        %dma_wait3A_32 = tpu.memref_slice %arg6[%dma_wait3A_30, %dma_wait3A_31] : memref<3128x32xf32, #tpu.memory_space<hbm>> -> memref<3088x32xf32, #tpu.memory_space<hbm>>
        tpu.wait_dma2 semaphore(%run_scoped3A : memref<!tpu.dma_semaphore, #tpu.memory_space<semaphore_mem>>) src(%dma_wait3A_32 : memref<3088x32xf32, #tpu.memory_space<hbm>>) dst(%dma_wait3A_29 : memref<3088x32xf32, #tpu.memory_space<vmem_shared>>)
        tpu.yield
      }) : () -> ()
    } else {
    }
    %barrier3A = arith.constant 0 : index
    tpu.barrier barrier_id(%barrier3A)
    %scan3A = arith.constant 0 : i32
    %scan3A_7 = arith.constant 0 : i32
    %scan3A_8 = arith.constant 49 : i32
    %scan3A_9 = arith.addi %scan3A_7, %scan3A_8 : i32
    %scan3A_10 = arith.constant 1 : i32
    scf.for %scan3A_23 = %scan3A_7 to %scan3A_9 step %scan3A_10  : i32 {
      %mul3A_24 = arith.constant 392 : i32
      %mul3A_25 = arith.muli %arg1, %mul3A_24 : i32
      %mul3A_26 = arith.constant 8 : i32
      %mul3A_27 = arith.muli %scan3A_23, %mul3A_26 : i32
      %add3A = arith.addi %mul3A_25, %mul3A_27 : i32
      "tpu.region"() ({
        %run_scoped3A_115 = tpu.sem_alloc : memref<!tpu.dma_semaphore, #tpu.memory_space<semaphore_mem>>
        %dma_start3A = arith.constant 0 : i32
        %dma_start3A_116 = tpu.memref_slice %arg4[%add3A, %dma_start3A] : memref<6272x128xi32, #tpu.memory_space<hbm>> -> memref<8x128xi32, #tpu.memory_space<hbm>>
        %dma_start3A_117 = arith.constant 0 : i32
        %dma_start3A_118 = tpu.memref_slice %arg4[%add3A, %dma_start3A_117] : memref<6272x128xi32, #tpu.memory_space<hbm>> -> memref<8x128xi32, #tpu.memory_space<hbm>>
        tpu.enqueue_dma source(%dma_start3A_118 : memref<8x128xi32, #tpu.memory_space<hbm>>) target(%arg12 : memref<8x128xi32, #tpu.memory_space<vmem>>) target_semaphore(%run_scoped3A_115 : memref<!tpu.dma_semaphore, #tpu.memory_space<semaphore_mem>>)
        %dma_wait3A = arith.constant 0 : i32
        %dma_wait3A_119 = tpu.memref_slice %arg4[%add3A, %dma_wait3A] : memref<6272x128xi32, #tpu.memory_space<hbm>> -> memref<8x128xi32, #tpu.memory_space<hbm>>
        %dma_wait3A_120 = arith.constant 0 : i32
        %dma_wait3A_121 = tpu.memref_slice %arg4[%add3A, %dma_wait3A_120] : memref<6272x128xi32, #tpu.memory_space<hbm>> -> memref<8x128xi32, #tpu.memory_space<hbm>>
        tpu.wait_dma2 semaphore(%run_scoped3A_115 : memref<!tpu.dma_semaphore, #tpu.memory_space<semaphore_mem>>) src(%dma_wait3A_121 : memref<8x128xi32, #tpu.memory_space<hbm>>) dst(%arg12 : memref<8x128xi32, #tpu.memory_space<vmem>>)
        tpu.yield
      }) : () -> ()
      "tpu.region"() ({
        %run_scoped3A_115 = tpu.sem_alloc : memref<!tpu.dma_semaphore, #tpu.memory_space<semaphore_mem>>
        %dma_start3A = arith.constant 0 : i32
        %dma_start3A_116 = tpu.memref_slice %arg5[%add3A, %dma_start3A] : memref<6272x128xi32, #tpu.memory_space<hbm>> -> memref<8x128xi32, #tpu.memory_space<hbm>>
        %dma_start3A_117 = arith.constant 0 : i32
        %dma_start3A_118 = tpu.memref_slice %arg5[%add3A, %dma_start3A_117] : memref<6272x128xi32, #tpu.memory_space<hbm>> -> memref<8x128xi32, #tpu.memory_space<hbm>>
        tpu.enqueue_dma source(%dma_start3A_118 : memref<8x128xi32, #tpu.memory_space<hbm>>) target(%arg13 : memref<8x128xi32, #tpu.memory_space<vmem>>) target_semaphore(%run_scoped3A_115 : memref<!tpu.dma_semaphore, #tpu.memory_space<semaphore_mem>>)
        %dma_wait3A = arith.constant 0 : i32
        %dma_wait3A_119 = tpu.memref_slice %arg5[%add3A, %dma_wait3A] : memref<6272x128xi32, #tpu.memory_space<hbm>> -> memref<8x128xi32, #tpu.memory_space<hbm>>
        %dma_wait3A_120 = arith.constant 0 : i32
        %dma_wait3A_121 = tpu.memref_slice %arg5[%add3A, %dma_wait3A_120] : memref<6272x128xi32, #tpu.memory_space<hbm>> -> memref<8x128xi32, #tpu.memory_space<hbm>>
        tpu.wait_dma2 semaphore(%run_scoped3A_115 : memref<!tpu.dma_semaphore, #tpu.memory_space<semaphore_mem>>) src(%dma_wait3A_121 : memref<8x128xi32, #tpu.memory_space<hbm>>) dst(%arg13 : memref<8x128xi32, #tpu.memory_space<vmem>>)
        tpu.yield
      }) : () -> ()
      %eq3A_28 = arith.constant 0 : i32
      %eq3A_29 = arith.cmpi eq, %arg0, %eq3A_28 : i32
      %convert_element_type3A_30 = arith.extui %eq3A_29 : i1 to i32
      %cond3A_31 = arith.constant 0 : i32
      %cond3A_32 = arith.cmpi ne, %convert_element_type3A_30, %cond3A_31 : i32
      scf.if %cond3A_32 {
        %dma_start3A = arith.constant 0 : i32
        %dma_start3A_115 = arith.constant 0 : i32
        %dma_start3A_116 = tpu.memref_slice %arg12[%dma_start3A, %dma_start3A_115] : memref<8x128xi32, #tpu.memory_space<vmem>> -> memref<1x128xi32, #tpu.memory_space<vmem>>
        %dma_start3A_117 = tpu.memref_squeeze %dma_start3A_116 : memref<1x128xi32, #tpu.memory_space<vmem>> -> memref<128xi32, #tpu.memory_space<vmem>>
        %dma_start3A_118 = arith.constant 0 : i32
        %dma_start3A_119 = arith.constant 0 : i32
        %dma_start3A_120 = tpu.memref_slice %arg2[%dma_start3A_118, %dma_start3A_119] : memref<50000x32xf32, #tpu.memory_space<hbm>> -> memref<50000x32xf32, #tpu.memory_space<hbm>>
        tpu.enqueue_indirect_dma source(%dma_start3A_120 : memref<50000x32xf32, #tpu.memory_space<hbm>>) target(%arg14 : memref<128x32xf32, #tpu.memory_space<vmem>>) offsets(%dma_start3A_117 : memref<128xi32, #tpu.memory_space<vmem>>) semaphore(%arg15 : memref<!tpu.dma_semaphore, #tpu.memory_space<semaphore_mem>>)
        %dma_wait3A = arith.constant 0 : i32
        %dma_wait3A_121 = arith.constant 0 : i32
        %dma_wait3A_122 = tpu.memref_slice %arg12[%dma_wait3A, %dma_wait3A_121] : memref<8x128xi32, #tpu.memory_space<vmem>> -> memref<1x128xi32, #tpu.memory_space<vmem>>
        %dma_wait3A_123 = tpu.memref_squeeze %dma_wait3A_122 : memref<1x128xi32, #tpu.memory_space<vmem>> -> memref<128xi32, #tpu.memory_space<vmem>>
        %dma_wait3A_124 = arith.constant 0 : i32
        %dma_wait3A_125 = arith.constant 0 : i32
        %dma_wait3A_126 = tpu.memref_slice %arg2[%dma_wait3A_124, %dma_wait3A_125] : memref<50000x32xf32, #tpu.memory_space<hbm>> -> memref<50000x32xf32, #tpu.memory_space<hbm>>
        tpu.wait_indirect_dma semaphore(%arg15 : memref<!tpu.dma_semaphore, #tpu.memory_space<semaphore_mem>>) src(%dma_wait3A_126 : memref<50000x32xf32, #tpu.memory_space<hbm>>) dst(%arg14 : memref<128x32xf32, #tpu.memory_space<vmem>>)
      } else {
      }
      %eq3A_33 = arith.constant 1 : i32
      %eq3A_34 = arith.cmpi eq, %arg0, %eq3A_33 : i32
      %convert_element_type3A_35 = arith.extui %eq3A_34 : i1 to i32
      %cond3A_36 = arith.constant 0 : i32
      %cond3A_37 = arith.cmpi ne, %convert_element_type3A_35, %cond3A_36 : i32
      scf.if %cond3A_37 {
        %dma_start3A = arith.constant 0 : i32
        %dma_start3A_115 = arith.constant 0 : i32
        %dma_start3A_116 = tpu.memref_slice %arg12[%dma_start3A, %dma_start3A_115] : memref<8x128xi32, #tpu.memory_space<vmem>> -> memref<1x128xi32, #tpu.memory_space<vmem>>
        %dma_start3A_117 = tpu.memref_squeeze %dma_start3A_116 : memref<1x128xi32, #tpu.memory_space<vmem>> -> memref<128xi32, #tpu.memory_space<vmem>>
        %dma_start3A_118 = arith.constant 0 : i32
        %dma_start3A_119 = arith.constant 0 : i32
        %dma_start3A_120 = tpu.memref_slice %arg3[%dma_start3A_118, %dma_start3A_119] : memref<50000x32xf32, #tpu.memory_space<hbm>> -> memref<50000x32xf32, #tpu.memory_space<hbm>>
        tpu.enqueue_indirect_dma source(%dma_start3A_120 : memref<50000x32xf32, #tpu.memory_space<hbm>>) target(%arg14 : memref<128x32xf32, #tpu.memory_space<vmem>>) offsets(%dma_start3A_117 : memref<128xi32, #tpu.memory_space<vmem>>) semaphore(%arg15 : memref<!tpu.dma_semaphore, #tpu.memory_space<semaphore_mem>>)
        %dma_wait3A = arith.constant 0 : i32
        %dma_wait3A_121 = arith.constant 0 : i32
        %dma_wait3A_122 = tpu.memref_slice %arg12[%dma_wait3A, %dma_wait3A_121] : memref<8x128xi32, #tpu.memory_space<vmem>> -> memref<1x128xi32, #tpu.memory_space<vmem>>
        %dma_wait3A_123 = tpu.memref_squeeze %dma_wait3A_122 : memref<1x128xi32, #tpu.memory_space<vmem>> -> memref<128xi32, #tpu.memory_space<vmem>>
        %dma_wait3A_124 = arith.constant 0 : i32
        %dma_wait3A_125 = arith.constant 0 : i32
        %dma_wait3A_126 = tpu.memref_slice %arg3[%dma_wait3A_124, %dma_wait3A_125] : memref<50000x32xf32, #tpu.memory_space<hbm>> -> memref<50000x32xf32, #tpu.memory_space<hbm>>
        tpu.wait_indirect_dma semaphore(%arg15 : memref<!tpu.dma_semaphore, #tpu.memory_space<semaphore_mem>>) src(%dma_wait3A_126 : memref<50000x32xf32, #tpu.memory_space<hbm>>) dst(%arg14 : memref<128x32xf32, #tpu.memory_space<vmem>>)
      } else {
      }
      %run_scoped3A = arith.constant 0 : i32
      "tpu.region"() ({
        %run_scoped3A_115 = tpu.sem_alloc : memref<!tpu.dma_semaphore, #tpu.memory_space<semaphore_mem>>
        %dma_start3A = arith.constant 0 : i32
        %dma_start3A_116 = tpu.memref_slice %arg13[%run_scoped3A, %dma_start3A] : memref<8x128xi32, #tpu.memory_space<vmem>> -> memref<1x128xi32, #tpu.memory_space<vmem>>
        %dma_start3A_117 = tpu.memref_squeeze %dma_start3A_116 : memref<1x128xi32, #tpu.memory_space<vmem>> -> memref<128xi32, #tpu.memory_space<vmem>>
        %dma_start3A_118 = arith.constant 0 : i32
        %dma_start3A_119 = arith.constant 0 : i32
        %dma_start3A_120 = tpu.memref_slice %arg11[%dma_start3A_118, %dma_start3A_119] : memref<50008x32xf32, #tpu.memory_space<vmem_shared>> -> memref<50008x32xf32, #tpu.memory_space<vmem_shared>>
        tpu.enqueue_indirect_dma source(%arg14 : memref<128x32xf32, #tpu.memory_space<vmem>>) target(%dma_start3A_120 : memref<50008x32xf32, #tpu.memory_space<vmem_shared>>) offsets(%dma_start3A_117 : memref<128xi32, #tpu.memory_space<vmem>>) semaphore(%run_scoped3A_115 : memref<!tpu.dma_semaphore, #tpu.memory_space<semaphore_mem>>) {add = true}
        %dma_wait3A = arith.constant 0 : i32
        %dma_wait3A_121 = tpu.memref_slice %arg13[%run_scoped3A, %dma_wait3A] : memref<8x128xi32, #tpu.memory_space<vmem>> -> memref<1x128xi32, #tpu.memory_space<vmem>>
        %dma_wait3A_122 = tpu.memref_squeeze %dma_wait3A_121 : memref<1x128xi32, #tpu.memory_space<vmem>> -> memref<128xi32, #tpu.memory_space<vmem>>
        %dma_wait3A_123 = arith.constant 0 : i32
        %dma_wait3A_124 = arith.constant 0 : i32
        %dma_wait3A_125 = tpu.memref_slice %arg11[%dma_wait3A_123, %dma_wait3A_124] : memref<50008x32xf32, #tpu.memory_space<vmem_shared>> -> memref<50008x32xf32, #tpu.memory_space<vmem_shared>>
        tpu.wait_indirect_dma semaphore(%run_scoped3A_115 : memref<!tpu.dma_semaphore, #tpu.memory_space<semaphore_mem>>) src(%arg14 : memref<128x32xf32, #tpu.memory_space<vmem>>) dst(%dma_wait3A_125 : memref<50008x32xf32, #tpu.memory_space<vmem_shared>>)
        tpu.yield
      }) : () -> ()
      %eq3A_38 = arith.constant 0 : i32
      %eq3A_39 = arith.cmpi eq, %arg0, %eq3A_38 : i32
      %convert_element_type3A_40 = arith.extui %eq3A_39 : i1 to i32
      %cond3A_41 = arith.constant 0 : i32
      %cond3A_42 = arith.cmpi ne, %convert_element_type3A_40, %cond3A_41 : i32
      scf.if %cond3A_42 {
        %dma_start3A = arith.constant 1 : i32
        %dma_start3A_115 = arith.constant 0 : i32
        %dma_start3A_116 = tpu.memref_slice %arg12[%dma_start3A, %dma_start3A_115] : memref<8x128xi32, #tpu.memory_space<vmem>> -> memref<1x128xi32, #tpu.memory_space<vmem>>
        %dma_start3A_117 = tpu.memref_squeeze %dma_start3A_116 : memref<1x128xi32, #tpu.memory_space<vmem>> -> memref<128xi32, #tpu.memory_space<vmem>>
        %dma_start3A_118 = arith.constant 0 : i32
        %dma_start3A_119 = arith.constant 0 : i32
        %dma_start3A_120 = tpu.memref_slice %arg2[%dma_start3A_118, %dma_start3A_119] : memref<50000x32xf32, #tpu.memory_space<hbm>> -> memref<50000x32xf32, #tpu.memory_space<hbm>>
        tpu.enqueue_indirect_dma source(%dma_start3A_120 : memref<50000x32xf32, #tpu.memory_space<hbm>>) target(%arg14 : memref<128x32xf32, #tpu.memory_space<vmem>>) offsets(%dma_start3A_117 : memref<128xi32, #tpu.memory_space<vmem>>) semaphore(%arg15 : memref<!tpu.dma_semaphore, #tpu.memory_space<semaphore_mem>>)
        %dma_wait3A = arith.constant 1 : i32
        %dma_wait3A_121 = arith.constant 0 : i32
        %dma_wait3A_122 = tpu.memref_slice %arg12[%dma_wait3A, %dma_wait3A_121] : memref<8x128xi32, #tpu.memory_space<vmem>> -> memref<1x128xi32, #tpu.memory_space<vmem>>
        %dma_wait3A_123 = tpu.memref_squeeze %dma_wait3A_122 : memref<1x128xi32, #tpu.memory_space<vmem>> -> memref<128xi32, #tpu.memory_space<vmem>>
        %dma_wait3A_124 = arith.constant 0 : i32
        %dma_wait3A_125 = arith.constant 0 : i32
        %dma_wait3A_126 = tpu.memref_slice %arg2[%dma_wait3A_124, %dma_wait3A_125] : memref<50000x32xf32, #tpu.memory_space<hbm>> -> memref<50000x32xf32, #tpu.memory_space<hbm>>
        tpu.wait_indirect_dma semaphore(%arg15 : memref<!tpu.dma_semaphore, #tpu.memory_space<semaphore_mem>>) src(%dma_wait3A_126 : memref<50000x32xf32, #tpu.memory_space<hbm>>) dst(%arg14 : memref<128x32xf32, #tpu.memory_space<vmem>>)
      } else {
      }
      %eq3A_43 = arith.constant 1 : i32
      %eq3A_44 = arith.cmpi eq, %arg0, %eq3A_43 : i32
      %convert_element_type3A_45 = arith.extui %eq3A_44 : i1 to i32
      %cond3A_46 = arith.constant 0 : i32
      %cond3A_47 = arith.cmpi ne, %convert_element_type3A_45, %cond3A_46 : i32
      scf.if %cond3A_47 {
        %dma_start3A = arith.constant 1 : i32
        %dma_start3A_115 = arith.constant 0 : i32
        %dma_start3A_116 = tpu.memref_slice %arg12[%dma_start3A, %dma_start3A_115] : memref<8x128xi32, #tpu.memory_space<vmem>> -> memref<1x128xi32, #tpu.memory_space<vmem>>
        %dma_start3A_117 = tpu.memref_squeeze %dma_start3A_116 : memref<1x128xi32, #tpu.memory_space<vmem>> -> memref<128xi32, #tpu.memory_space<vmem>>
        %dma_start3A_118 = arith.constant 0 : i32
        %dma_start3A_119 = arith.constant 0 : i32
        %dma_start3A_120 = tpu.memref_slice %arg3[%dma_start3A_118, %dma_start3A_119] : memref<50000x32xf32, #tpu.memory_space<hbm>> -> memref<50000x32xf32, #tpu.memory_space<hbm>>
        tpu.enqueue_indirect_dma source(%dma_start3A_120 : memref<50000x32xf32, #tpu.memory_space<hbm>>) target(%arg14 : memref<128x32xf32, #tpu.memory_space<vmem>>) offsets(%dma_start3A_117 : memref<128xi32, #tpu.memory_space<vmem>>) semaphore(%arg15 : memref<!tpu.dma_semaphore, #tpu.memory_space<semaphore_mem>>)
        %dma_wait3A = arith.constant 1 : i32
        %dma_wait3A_121 = arith.constant 0 : i32
        %dma_wait3A_122 = tpu.memref_slice %arg12[%dma_wait3A, %dma_wait3A_121] : memref<8x128xi32, #tpu.memory_space<vmem>> -> memref<1x128xi32, #tpu.memory_space<vmem>>
        %dma_wait3A_123 = tpu.memref_squeeze %dma_wait3A_122 : memref<1x128xi32, #tpu.memory_space<vmem>> -> memref<128xi32, #tpu.memory_space<vmem>>
        %dma_wait3A_124 = arith.constant 0 : i32
        %dma_wait3A_125 = arith.constant 0 : i32
        %dma_wait3A_126 = tpu.memref_slice %arg3[%dma_wait3A_124, %dma_wait3A_125] : memref<50000x32xf32, #tpu.memory_space<hbm>> -> memref<50000x32xf32, #tpu.memory_space<hbm>>
        tpu.wait_indirect_dma semaphore(%arg15 : memref<!tpu.dma_semaphore, #tpu.memory_space<semaphore_mem>>) src(%dma_wait3A_126 : memref<50000x32xf32, #tpu.memory_space<hbm>>) dst(%arg14 : memref<128x32xf32, #tpu.memory_space<vmem>>)
      } else {
      }
      %run_scoped3A_48 = arith.constant 1 : i32
      "tpu.region"() ({
        %run_scoped3A_115 = tpu.sem_alloc : memref<!tpu.dma_semaphore, #tpu.memory_space<semaphore_mem>>
        %dma_start3A = arith.constant 0 : i32
        %dma_start3A_116 = tpu.memref_slice %arg13[%run_scoped3A_48, %dma_start3A] : memref<8x128xi32, #tpu.memory_space<vmem>> -> memref<1x128xi32, #tpu.memory_space<vmem>>
        %dma_start3A_117 = tpu.memref_squeeze %dma_start3A_116 : memref<1x128xi32, #tpu.memory_space<vmem>> -> memref<128xi32, #tpu.memory_space<vmem>>
        %dma_start3A_118 = arith.constant 0 : i32
        %dma_start3A_119 = arith.constant 0 : i32
        %dma_start3A_120 = tpu.memref_slice %arg11[%dma_start3A_118, %dma_start3A_119] : memref<50008x32xf32, #tpu.memory_space<vmem_shared>> -> memref<50008x32xf32, #tpu.memory_space<vmem_shared>>
        tpu.enqueue_indirect_dma source(%arg14 : memref<128x32xf32, #tpu.memory_space<vmem>>) target(%dma_start3A_120 : memref<50008x32xf32, #tpu.memory_space<vmem_shared>>) offsets(%dma_start3A_117 : memref<128xi32, #tpu.memory_space<vmem>>) semaphore(%run_scoped3A_115 : memref<!tpu.dma_semaphore, #tpu.memory_space<semaphore_mem>>) {add = true}
        %dma_wait3A = arith.constant 0 : i32
        %dma_wait3A_121 = tpu.memref_slice %arg13[%run_scoped3A_48, %dma_wait3A] : memref<8x128xi32, #tpu.memory_space<vmem>> -> memref<1x128xi32, #tpu.memory_space<vmem>>
        %dma_wait3A_122 = tpu.memref_squeeze %dma_wait3A_121 : memref<1x128xi32, #tpu.memory_space<vmem>> -> memref<128xi32, #tpu.memory_space<vmem>>
        %dma_wait3A_123 = arith.constant 0 : i32
        %dma_wait3A_124 = arith.constant 0 : i32
        %dma_wait3A_125 = tpu.memref_slice %arg11[%dma_wait3A_123, %dma_wait3A_124] : memref<50008x32xf32, #tpu.memory_space<vmem_shared>> -> memref<50008x32xf32, #tpu.memory_space<vmem_shared>>
        tpu.wait_indirect_dma semaphore(%run_scoped3A_115 : memref<!tpu.dma_semaphore, #tpu.memory_space<semaphore_mem>>) src(%arg14 : memref<128x32xf32, #tpu.memory_space<vmem>>) dst(%dma_wait3A_125 : memref<50008x32xf32, #tpu.memory_space<vmem_shared>>)
        tpu.yield
      }) : () -> ()
      %eq3A_49 = arith.constant 0 : i32
      %eq3A_50 = arith.cmpi eq, %arg0, %eq3A_49 : i32
      %convert_element_type3A_51 = arith.extui %eq3A_50 : i1 to i32
      %cond3A_52 = arith.constant 0 : i32
      %cond3A_53 = arith.cmpi ne, %convert_element_type3A_51, %cond3A_52 : i32
      scf.if %cond3A_53 {
        %dma_start3A = arith.constant 2 : i32
        %dma_start3A_115 = arith.constant 0 : i32
        %dma_start3A_116 = tpu.memref_slice %arg12[%dma_start3A, %dma_start3A_115] : memref<8x128xi32, #tpu.memory_space<vmem>> -> memref<1x128xi32, #tpu.memory_space<vmem>>
        %dma_start3A_117 = tpu.memref_squeeze %dma_start3A_116 : memref<1x128xi32, #tpu.memory_space<vmem>> -> memref<128xi32, #tpu.memory_space<vmem>>
        %dma_start3A_118 = arith.constant 0 : i32
        %dma_start3A_119 = arith.constant 0 : i32
        %dma_start3A_120 = tpu.memref_slice %arg2[%dma_start3A_118, %dma_start3A_119] : memref<50000x32xf32, #tpu.memory_space<hbm>> -> memref<50000x32xf32, #tpu.memory_space<hbm>>
        tpu.enqueue_indirect_dma source(%dma_start3A_120 : memref<50000x32xf32, #tpu.memory_space<hbm>>) target(%arg14 : memref<128x32xf32, #tpu.memory_space<vmem>>) offsets(%dma_start3A_117 : memref<128xi32, #tpu.memory_space<vmem>>) semaphore(%arg15 : memref<!tpu.dma_semaphore, #tpu.memory_space<semaphore_mem>>)
        %dma_wait3A = arith.constant 2 : i32
        %dma_wait3A_121 = arith.constant 0 : i32
        %dma_wait3A_122 = tpu.memref_slice %arg12[%dma_wait3A, %dma_wait3A_121] : memref<8x128xi32, #tpu.memory_space<vmem>> -> memref<1x128xi32, #tpu.memory_space<vmem>>
        %dma_wait3A_123 = tpu.memref_squeeze %dma_wait3A_122 : memref<1x128xi32, #tpu.memory_space<vmem>> -> memref<128xi32, #tpu.memory_space<vmem>>
        %dma_wait3A_124 = arith.constant 0 : i32
        %dma_wait3A_125 = arith.constant 0 : i32
        %dma_wait3A_126 = tpu.memref_slice %arg2[%dma_wait3A_124, %dma_wait3A_125] : memref<50000x32xf32, #tpu.memory_space<hbm>> -> memref<50000x32xf32, #tpu.memory_space<hbm>>
        tpu.wait_indirect_dma semaphore(%arg15 : memref<!tpu.dma_semaphore, #tpu.memory_space<semaphore_mem>>) src(%dma_wait3A_126 : memref<50000x32xf32, #tpu.memory_space<hbm>>) dst(%arg14 : memref<128x32xf32, #tpu.memory_space<vmem>>)
      } else {
      }
      %eq3A_54 = arith.constant 1 : i32
      %eq3A_55 = arith.cmpi eq, %arg0, %eq3A_54 : i32
      %convert_element_type3A_56 = arith.extui %eq3A_55 : i1 to i32
      %cond3A_57 = arith.constant 0 : i32
      %cond3A_58 = arith.cmpi ne, %convert_element_type3A_56, %cond3A_57 : i32
      scf.if %cond3A_58 {
        %dma_start3A = arith.constant 2 : i32
        %dma_start3A_115 = arith.constant 0 : i32
        %dma_start3A_116 = tpu.memref_slice %arg12[%dma_start3A, %dma_start3A_115] : memref<8x128xi32, #tpu.memory_space<vmem>> -> memref<1x128xi32, #tpu.memory_space<vmem>>
        %dma_start3A_117 = tpu.memref_squeeze %dma_start3A_116 : memref<1x128xi32, #tpu.memory_space<vmem>> -> memref<128xi32, #tpu.memory_space<vmem>>
        %dma_start3A_118 = arith.constant 0 : i32
        %dma_start3A_119 = arith.constant 0 : i32
        %dma_start3A_120 = tpu.memref_slice %arg3[%dma_start3A_118, %dma_start3A_119] : memref<50000x32xf32, #tpu.memory_space<hbm>> -> memref<50000x32xf32, #tpu.memory_space<hbm>>
        tpu.enqueue_indirect_dma source(%dma_start3A_120 : memref<50000x32xf32, #tpu.memory_space<hbm>>) target(%arg14 : memref<128x32xf32, #tpu.memory_space<vmem>>) offsets(%dma_start3A_117 : memref<128xi32, #tpu.memory_space<vmem>>) semaphore(%arg15 : memref<!tpu.dma_semaphore, #tpu.memory_space<semaphore_mem>>)
        %dma_wait3A = arith.constant 2 : i32
        %dma_wait3A_121 = arith.constant 0 : i32
        %dma_wait3A_122 = tpu.memref_slice %arg12[%dma_wait3A, %dma_wait3A_121] : memref<8x128xi32, #tpu.memory_space<vmem>> -> memref<1x128xi32, #tpu.memory_space<vmem>>
        %dma_wait3A_123 = tpu.memref_squeeze %dma_wait3A_122 : memref<1x128xi32, #tpu.memory_space<vmem>> -> memref<128xi32, #tpu.memory_space<vmem>>
        %dma_wait3A_124 = arith.constant 0 : i32
        %dma_wait3A_125 = arith.constant 0 : i32
        %dma_wait3A_126 = tpu.memref_slice %arg3[%dma_wait3A_124, %dma_wait3A_125] : memref<50000x32xf32, #tpu.memory_space<hbm>> -> memref<50000x32xf32, #tpu.memory_space<hbm>>
        tpu.wait_indirect_dma semaphore(%arg15 : memref<!tpu.dma_semaphore, #tpu.memory_space<semaphore_mem>>) src(%dma_wait3A_126 : memref<50000x32xf32, #tpu.memory_space<hbm>>) dst(%arg14 : memref<128x32xf32, #tpu.memory_space<vmem>>)
      } else {
      }
      %run_scoped3A_59 = arith.constant 2 : i32
      "tpu.region"() ({
        %run_scoped3A_115 = tpu.sem_alloc : memref<!tpu.dma_semaphore, #tpu.memory_space<semaphore_mem>>
        %dma_start3A = arith.constant 0 : i32
        %dma_start3A_116 = tpu.memref_slice %arg13[%run_scoped3A_59, %dma_start3A] : memref<8x128xi32, #tpu.memory_space<vmem>> -> memref<1x128xi32, #tpu.memory_space<vmem>>
        %dma_start3A_117 = tpu.memref_squeeze %dma_start3A_116 : memref<1x128xi32, #tpu.memory_space<vmem>> -> memref<128xi32, #tpu.memory_space<vmem>>
        %dma_start3A_118 = arith.constant 0 : i32
        %dma_start3A_119 = arith.constant 0 : i32
        %dma_start3A_120 = tpu.memref_slice %arg11[%dma_start3A_118, %dma_start3A_119] : memref<50008x32xf32, #tpu.memory_space<vmem_shared>> -> memref<50008x32xf32, #tpu.memory_space<vmem_shared>>
        tpu.enqueue_indirect_dma source(%arg14 : memref<128x32xf32, #tpu.memory_space<vmem>>) target(%dma_start3A_120 : memref<50008x32xf32, #tpu.memory_space<vmem_shared>>) offsets(%dma_start3A_117 : memref<128xi32, #tpu.memory_space<vmem>>) semaphore(%run_scoped3A_115 : memref<!tpu.dma_semaphore, #tpu.memory_space<semaphore_mem>>) {add = true}
        %dma_wait3A = arith.constant 0 : i32
        %dma_wait3A_121 = tpu.memref_slice %arg13[%run_scoped3A_59, %dma_wait3A] : memref<8x128xi32, #tpu.memory_space<vmem>> -> memref<1x128xi32, #tpu.memory_space<vmem>>
        %dma_wait3A_122 = tpu.memref_squeeze %dma_wait3A_121 : memref<1x128xi32, #tpu.memory_space<vmem>> -> memref<128xi32, #tpu.memory_space<vmem>>
        %dma_wait3A_123 = arith.constant 0 : i32
        %dma_wait3A_124 = arith.constant 0 : i32
        %dma_wait3A_125 = tpu.memref_slice %arg11[%dma_wait3A_123, %dma_wait3A_124] : memref<50008x32xf32, #tpu.memory_space<vmem_shared>> -> memref<50008x32xf32, #tpu.memory_space<vmem_shared>>
        tpu.wait_indirect_dma semaphore(%run_scoped3A_115 : memref<!tpu.dma_semaphore, #tpu.memory_space<semaphore_mem>>) src(%arg14 : memref<128x32xf32, #tpu.memory_space<vmem>>) dst(%dma_wait3A_125 : memref<50008x32xf32, #tpu.memory_space<vmem_shared>>)
        tpu.yield
      }) : () -> ()
      %eq3A_60 = arith.constant 0 : i32
      %eq3A_61 = arith.cmpi eq, %arg0, %eq3A_60 : i32
      %convert_element_type3A_62 = arith.extui %eq3A_61 : i1 to i32
      %cond3A_63 = arith.constant 0 : i32
      %cond3A_64 = arith.cmpi ne, %convert_element_type3A_62, %cond3A_63 : i32
      scf.if %cond3A_64 {
        %dma_start3A = arith.constant 3 : i32
        %dma_start3A_115 = arith.constant 0 : i32
        %dma_start3A_116 = tpu.memref_slice %arg12[%dma_start3A, %dma_start3A_115] : memref<8x128xi32, #tpu.memory_space<vmem>> -> memref<1x128xi32, #tpu.memory_space<vmem>>
        %dma_start3A_117 = tpu.memref_squeeze %dma_start3A_116 : memref<1x128xi32, #tpu.memory_space<vmem>> -> memref<128xi32, #tpu.memory_space<vmem>>
        %dma_start3A_118 = arith.constant 0 : i32
        %dma_start3A_119 = arith.constant 0 : i32
        %dma_start3A_120 = tpu.memref_slice %arg2[%dma_start3A_118, %dma_start3A_119] : memref<50000x32xf32, #tpu.memory_space<hbm>> -> memref<50000x32xf32, #tpu.memory_space<hbm>>
        tpu.enqueue_indirect_dma source(%dma_start3A_120 : memref<50000x32xf32, #tpu.memory_space<hbm>>) target(%arg14 : memref<128x32xf32, #tpu.memory_space<vmem>>) offsets(%dma_start3A_117 : memref<128xi32, #tpu.memory_space<vmem>>) semaphore(%arg15 : memref<!tpu.dma_semaphore, #tpu.memory_space<semaphore_mem>>)
        %dma_wait3A = arith.constant 3 : i32
        %dma_wait3A_121 = arith.constant 0 : i32
        %dma_wait3A_122 = tpu.memref_slice %arg12[%dma_wait3A, %dma_wait3A_121] : memref<8x128xi32, #tpu.memory_space<vmem>> -> memref<1x128xi32, #tpu.memory_space<vmem>>
        %dma_wait3A_123 = tpu.memref_squeeze %dma_wait3A_122 : memref<1x128xi32, #tpu.memory_space<vmem>> -> memref<128xi32, #tpu.memory_space<vmem>>
        %dma_wait3A_124 = arith.constant 0 : i32
        %dma_wait3A_125 = arith.constant 0 : i32
        %dma_wait3A_126 = tpu.memref_slice %arg2[%dma_wait3A_124, %dma_wait3A_125] : memref<50000x32xf32, #tpu.memory_space<hbm>> -> memref<50000x32xf32, #tpu.memory_space<hbm>>
        tpu.wait_indirect_dma semaphore(%arg15 : memref<!tpu.dma_semaphore, #tpu.memory_space<semaphore_mem>>) src(%dma_wait3A_126 : memref<50000x32xf32, #tpu.memory_space<hbm>>) dst(%arg14 : memref<128x32xf32, #tpu.memory_space<vmem>>)
      } else {
      }
      %eq3A_65 = arith.constant 1 : i32
      %eq3A_66 = arith.cmpi eq, %arg0, %eq3A_65 : i32
      %convert_element_type3A_67 = arith.extui %eq3A_66 : i1 to i32
      %cond3A_68 = arith.constant 0 : i32
      %cond3A_69 = arith.cmpi ne, %convert_element_type3A_67, %cond3A_68 : i32
      scf.if %cond3A_69 {
        %dma_start3A = arith.constant 3 : i32
        %dma_start3A_115 = arith.constant 0 : i32
        %dma_start3A_116 = tpu.memref_slice %arg12[%dma_start3A, %dma_start3A_115] : memref<8x128xi32, #tpu.memory_space<vmem>> -> memref<1x128xi32, #tpu.memory_space<vmem>>
        %dma_start3A_117 = tpu.memref_squeeze %dma_start3A_116 : memref<1x128xi32, #tpu.memory_space<vmem>> -> memref<128xi32, #tpu.memory_space<vmem>>
        %dma_start3A_118 = arith.constant 0 : i32
        %dma_start3A_119 = arith.constant 0 : i32
        %dma_start3A_120 = tpu.memref_slice %arg3[%dma_start3A_118, %dma_start3A_119] : memref<50000x32xf32, #tpu.memory_space<hbm>> -> memref<50000x32xf32, #tpu.memory_space<hbm>>
        tpu.enqueue_indirect_dma source(%dma_start3A_120 : memref<50000x32xf32, #tpu.memory_space<hbm>>) target(%arg14 : memref<128x32xf32, #tpu.memory_space<vmem>>) offsets(%dma_start3A_117 : memref<128xi32, #tpu.memory_space<vmem>>) semaphore(%arg15 : memref<!tpu.dma_semaphore, #tpu.memory_space<semaphore_mem>>)
        %dma_wait3A = arith.constant 3 : i32
        %dma_wait3A_121 = arith.constant 0 : i32
        %dma_wait3A_122 = tpu.memref_slice %arg12[%dma_wait3A, %dma_wait3A_121] : memref<8x128xi32, #tpu.memory_space<vmem>> -> memref<1x128xi32, #tpu.memory_space<vmem>>
        %dma_wait3A_123 = tpu.memref_squeeze %dma_wait3A_122 : memref<1x128xi32, #tpu.memory_space<vmem>> -> memref<128xi32, #tpu.memory_space<vmem>>
        %dma_wait3A_124 = arith.constant 0 : i32
        %dma_wait3A_125 = arith.constant 0 : i32
        %dma_wait3A_126 = tpu.memref_slice %arg3[%dma_wait3A_124, %dma_wait3A_125] : memref<50000x32xf32, #tpu.memory_space<hbm>> -> memref<50000x32xf32, #tpu.memory_space<hbm>>
        tpu.wait_indirect_dma semaphore(%arg15 : memref<!tpu.dma_semaphore, #tpu.memory_space<semaphore_mem>>) src(%dma_wait3A_126 : memref<50000x32xf32, #tpu.memory_space<hbm>>) dst(%arg14 : memref<128x32xf32, #tpu.memory_space<vmem>>)
      } else {
      }
      %run_scoped3A_70 = arith.constant 3 : i32
      "tpu.region"() ({
        %run_scoped3A_115 = tpu.sem_alloc : memref<!tpu.dma_semaphore, #tpu.memory_space<semaphore_mem>>
        %dma_start3A = arith.constant 0 : i32
        %dma_start3A_116 = tpu.memref_slice %arg13[%run_scoped3A_70, %dma_start3A] : memref<8x128xi32, #tpu.memory_space<vmem>> -> memref<1x128xi32, #tpu.memory_space<vmem>>
        %dma_start3A_117 = tpu.memref_squeeze %dma_start3A_116 : memref<1x128xi32, #tpu.memory_space<vmem>> -> memref<128xi32, #tpu.memory_space<vmem>>
        %dma_start3A_118 = arith.constant 0 : i32
        %dma_start3A_119 = arith.constant 0 : i32
        %dma_start3A_120 = tpu.memref_slice %arg11[%dma_start3A_118, %dma_start3A_119] : memref<50008x32xf32, #tpu.memory_space<vmem_shared>> -> memref<50008x32xf32, #tpu.memory_space<vmem_shared>>
        tpu.enqueue_indirect_dma source(%arg14 : memref<128x32xf32, #tpu.memory_space<vmem>>) target(%dma_start3A_120 : memref<50008x32xf32, #tpu.memory_space<vmem_shared>>) offsets(%dma_start3A_117 : memref<128xi32, #tpu.memory_space<vmem>>) semaphore(%run_scoped3A_115 : memref<!tpu.dma_semaphore, #tpu.memory_space<semaphore_mem>>) {add = true}
        %dma_wait3A = arith.constant 0 : i32
        %dma_wait3A_121 = tpu.memref_slice %arg13[%run_scoped3A_70, %dma_wait3A] : memref<8x128xi32, #tpu.memory_space<vmem>> -> memref<1x128xi32, #tpu.memory_space<vmem>>
        %dma_wait3A_122 = tpu.memref_squeeze %dma_wait3A_121 : memref<1x128xi32, #tpu.memory_space<vmem>> -> memref<128xi32, #tpu.memory_space<vmem>>
        %dma_wait3A_123 = arith.constant 0 : i32
        %dma_wait3A_124 = arith.constant 0 : i32
        %dma_wait3A_125 = tpu.memref_slice %arg11[%dma_wait3A_123, %dma_wait3A_124] : memref<50008x32xf32, #tpu.memory_space<vmem_shared>> -> memref<50008x32xf32, #tpu.memory_space<vmem_shared>>
        tpu.wait_indirect_dma semaphore(%run_scoped3A_115 : memref<!tpu.dma_semaphore, #tpu.memory_space<semaphore_mem>>) src(%arg14 : memref<128x32xf32, #tpu.memory_space<vmem>>) dst(%dma_wait3A_125 : memref<50008x32xf32, #tpu.memory_space<vmem_shared>>)
        tpu.yield
      }) : () -> ()
      %eq3A_71 = arith.constant 0 : i32
      %eq3A_72 = arith.cmpi eq, %arg0, %eq3A_71 : i32
      %convert_element_type3A_73 = arith.extui %eq3A_72 : i1 to i32
      %cond3A_74 = arith.constant 0 : i32
      %cond3A_75 = arith.cmpi ne, %convert_element_type3A_73, %cond3A_74 : i32
      scf.if %cond3A_75 {
        %dma_start3A = arith.constant 4 : i32
        %dma_start3A_115 = arith.constant 0 : i32
        %dma_start3A_116 = tpu.memref_slice %arg12[%dma_start3A, %dma_start3A_115] : memref<8x128xi32, #tpu.memory_space<vmem>> -> memref<1x128xi32, #tpu.memory_space<vmem>>
        %dma_start3A_117 = tpu.memref_squeeze %dma_start3A_116 : memref<1x128xi32, #tpu.memory_space<vmem>> -> memref<128xi32, #tpu.memory_space<vmem>>
        %dma_start3A_118 = arith.constant 0 : i32
        %dma_start3A_119 = arith.constant 0 : i32
        %dma_start3A_120 = tpu.memref_slice %arg2[%dma_start3A_118, %dma_start3A_119] : memref<50000x32xf32, #tpu.memory_space<hbm>> -> memref<50000x32xf32, #tpu.memory_space<hbm>>
        tpu.enqueue_indirect_dma source(%dma_start3A_120 : memref<50000x32xf32, #tpu.memory_space<hbm>>) target(%arg14 : memref<128x32xf32, #tpu.memory_space<vmem>>) offsets(%dma_start3A_117 : memref<128xi32, #tpu.memory_space<vmem>>) semaphore(%arg15 : memref<!tpu.dma_semaphore, #tpu.memory_space<semaphore_mem>>)
        %dma_wait3A = arith.constant 4 : i32
        %dma_wait3A_121 = arith.constant 0 : i32
        %dma_wait3A_122 = tpu.memref_slice %arg12[%dma_wait3A, %dma_wait3A_121] : memref<8x128xi32, #tpu.memory_space<vmem>> -> memref<1x128xi32, #tpu.memory_space<vmem>>
        %dma_wait3A_123 = tpu.memref_squeeze %dma_wait3A_122 : memref<1x128xi32, #tpu.memory_space<vmem>> -> memref<128xi32, #tpu.memory_space<vmem>>
        %dma_wait3A_124 = arith.constant 0 : i32
        %dma_wait3A_125 = arith.constant 0 : i32
        %dma_wait3A_126 = tpu.memref_slice %arg2[%dma_wait3A_124, %dma_wait3A_125] : memref<50000x32xf32, #tpu.memory_space<hbm>> -> memref<50000x32xf32, #tpu.memory_space<hbm>>
        tpu.wait_indirect_dma semaphore(%arg15 : memref<!tpu.dma_semaphore, #tpu.memory_space<semaphore_mem>>) src(%dma_wait3A_126 : memref<50000x32xf32, #tpu.memory_space<hbm>>) dst(%arg14 : memref<128x32xf32, #tpu.memory_space<vmem>>)
      } else {
      }
      %eq3A_76 = arith.constant 1 : i32
      %eq3A_77 = arith.cmpi eq, %arg0, %eq3A_76 : i32
      %convert_element_type3A_78 = arith.extui %eq3A_77 : i1 to i32
      %cond3A_79 = arith.constant 0 : i32
      %cond3A_80 = arith.cmpi ne, %convert_element_type3A_78, %cond3A_79 : i32
      scf.if %cond3A_80 {
        %dma_start3A = arith.constant 4 : i32
        %dma_start3A_115 = arith.constant 0 : i32
        %dma_start3A_116 = tpu.memref_slice %arg12[%dma_start3A, %dma_start3A_115] : memref<8x128xi32, #tpu.memory_space<vmem>> -> memref<1x128xi32, #tpu.memory_space<vmem>>
        %dma_start3A_117 = tpu.memref_squeeze %dma_start3A_116 : memref<1x128xi32, #tpu.memory_space<vmem>> -> memref<128xi32, #tpu.memory_space<vmem>>
        %dma_start3A_118 = arith.constant 0 : i32
        %dma_start3A_119 = arith.constant 0 : i32
        %dma_start3A_120 = tpu.memref_slice %arg3[%dma_start3A_118, %dma_start3A_119] : memref<50000x32xf32, #tpu.memory_space<hbm>> -> memref<50000x32xf32, #tpu.memory_space<hbm>>
        tpu.enqueue_indirect_dma source(%dma_start3A_120 : memref<50000x32xf32, #tpu.memory_space<hbm>>) target(%arg14 : memref<128x32xf32, #tpu.memory_space<vmem>>) offsets(%dma_start3A_117 : memref<128xi32, #tpu.memory_space<vmem>>) semaphore(%arg15 : memref<!tpu.dma_semaphore, #tpu.memory_space<semaphore_mem>>)
        %dma_wait3A = arith.constant 4 : i32
        %dma_wait3A_121 = arith.constant 0 : i32
        %dma_wait3A_122 = tpu.memref_slice %arg12[%dma_wait3A, %dma_wait3A_121] : memref<8x128xi32, #tpu.memory_space<vmem>> -> memref<1x128xi32, #tpu.memory_space<vmem>>
        %dma_wait3A_123 = tpu.memref_squeeze %dma_wait3A_122 : memref<1x128xi32, #tpu.memory_space<vmem>> -> memref<128xi32, #tpu.memory_space<vmem>>
        %dma_wait3A_124 = arith.constant 0 : i32
        %dma_wait3A_125 = arith.constant 0 : i32
        %dma_wait3A_126 = tpu.memref_slice %arg3[%dma_wait3A_124, %dma_wait3A_125] : memref<50000x32xf32, #tpu.memory_space<hbm>> -> memref<50000x32xf32, #tpu.memory_space<hbm>>
        tpu.wait_indirect_dma semaphore(%arg15 : memref<!tpu.dma_semaphore, #tpu.memory_space<semaphore_mem>>) src(%dma_wait3A_126 : memref<50000x32xf32, #tpu.memory_space<hbm>>) dst(%arg14 : memref<128x32xf32, #tpu.memory_space<vmem>>)
      } else {
      }
      %run_scoped3A_81 = arith.constant 4 : i32
      "tpu.region"() ({
        %run_scoped3A_115 = tpu.sem_alloc : memref<!tpu.dma_semaphore, #tpu.memory_space<semaphore_mem>>
        %dma_start3A = arith.constant 0 : i32
        %dma_start3A_116 = tpu.memref_slice %arg13[%run_scoped3A_81, %dma_start3A] : memref<8x128xi32, #tpu.memory_space<vmem>> -> memref<1x128xi32, #tpu.memory_space<vmem>>
        %dma_start3A_117 = tpu.memref_squeeze %dma_start3A_116 : memref<1x128xi32, #tpu.memory_space<vmem>> -> memref<128xi32, #tpu.memory_space<vmem>>
        %dma_start3A_118 = arith.constant 0 : i32
        %dma_start3A_119 = arith.constant 0 : i32
        %dma_start3A_120 = tpu.memref_slice %arg11[%dma_start3A_118, %dma_start3A_119] : memref<50008x32xf32, #tpu.memory_space<vmem_shared>> -> memref<50008x32xf32, #tpu.memory_space<vmem_shared>>
        tpu.enqueue_indirect_dma source(%arg14 : memref<128x32xf32, #tpu.memory_space<vmem>>) target(%dma_start3A_120 : memref<50008x32xf32, #tpu.memory_space<vmem_shared>>) offsets(%dma_start3A_117 : memref<128xi32, #tpu.memory_space<vmem>>) semaphore(%run_scoped3A_115 : memref<!tpu.dma_semaphore, #tpu.memory_space<semaphore_mem>>) {add = true}
        %dma_wait3A = arith.constant 0 : i32
        %dma_wait3A_121 = tpu.memref_slice %arg13[%run_scoped3A_81, %dma_wait3A] : memref<8x128xi32, #tpu.memory_space<vmem>> -> memref<1x128xi32, #tpu.memory_space<vmem>>
        %dma_wait3A_122 = tpu.memref_squeeze %dma_wait3A_121 : memref<1x128xi32, #tpu.memory_space<vmem>> -> memref<128xi32, #tpu.memory_space<vmem>>
        %dma_wait3A_123 = arith.constant 0 : i32
        %dma_wait3A_124 = arith.constant 0 : i32
        %dma_wait3A_125 = tpu.memref_slice %arg11[%dma_wait3A_123, %dma_wait3A_124] : memref<50008x32xf32, #tpu.memory_space<vmem_shared>> -> memref<50008x32xf32, #tpu.memory_space<vmem_shared>>
        tpu.wait_indirect_dma semaphore(%run_scoped3A_115 : memref<!tpu.dma_semaphore, #tpu.memory_space<semaphore_mem>>) src(%arg14 : memref<128x32xf32, #tpu.memory_space<vmem>>) dst(%dma_wait3A_125 : memref<50008x32xf32, #tpu.memory_space<vmem_shared>>)
        tpu.yield
      }) : () -> ()
      %eq3A_82 = arith.constant 0 : i32
      %eq3A_83 = arith.cmpi eq, %arg0, %eq3A_82 : i32
      %convert_element_type3A_84 = arith.extui %eq3A_83 : i1 to i32
      %cond3A_85 = arith.constant 0 : i32
      %cond3A_86 = arith.cmpi ne, %convert_element_type3A_84, %cond3A_85 : i32
      scf.if %cond3A_86 {
        %dma_start3A = arith.constant 5 : i32
        %dma_start3A_115 = arith.constant 0 : i32
        %dma_start3A_116 = tpu.memref_slice %arg12[%dma_start3A, %dma_start3A_115] : memref<8x128xi32, #tpu.memory_space<vmem>> -> memref<1x128xi32, #tpu.memory_space<vmem>>
        %dma_start3A_117 = tpu.memref_squeeze %dma_start3A_116 : memref<1x128xi32, #tpu.memory_space<vmem>> -> memref<128xi32, #tpu.memory_space<vmem>>
        %dma_start3A_118 = arith.constant 0 : i32
        %dma_start3A_119 = arith.constant 0 : i32
        %dma_start3A_120 = tpu.memref_slice %arg2[%dma_start3A_118, %dma_start3A_119] : memref<50000x32xf32, #tpu.memory_space<hbm>> -> memref<50000x32xf32, #tpu.memory_space<hbm>>
        tpu.enqueue_indirect_dma source(%dma_start3A_120 : memref<50000x32xf32, #tpu.memory_space<hbm>>) target(%arg14 : memref<128x32xf32, #tpu.memory_space<vmem>>) offsets(%dma_start3A_117 : memref<128xi32, #tpu.memory_space<vmem>>) semaphore(%arg15 : memref<!tpu.dma_semaphore, #tpu.memory_space<semaphore_mem>>)
        %dma_wait3A = arith.constant 5 : i32
        %dma_wait3A_121 = arith.constant 0 : i32
        %dma_wait3A_122 = tpu.memref_slice %arg12[%dma_wait3A, %dma_wait3A_121] : memref<8x128xi32, #tpu.memory_space<vmem>> -> memref<1x128xi32, #tpu.memory_space<vmem>>
        %dma_wait3A_123 = tpu.memref_squeeze %dma_wait3A_122 : memref<1x128xi32, #tpu.memory_space<vmem>> -> memref<128xi32, #tpu.memory_space<vmem>>
        %dma_wait3A_124 = arith.constant 0 : i32
        %dma_wait3A_125 = arith.constant 0 : i32
        %dma_wait3A_126 = tpu.memref_slice %arg2[%dma_wait3A_124, %dma_wait3A_125] : memref<50000x32xf32, #tpu.memory_space<hbm>> -> memref<50000x32xf32, #tpu.memory_space<hbm>>
        tpu.wait_indirect_dma semaphore(%arg15 : memref<!tpu.dma_semaphore, #tpu.memory_space<semaphore_mem>>) src(%dma_wait3A_126 : memref<50000x32xf32, #tpu.memory_space<hbm>>) dst(%arg14 : memref<128x32xf32, #tpu.memory_space<vmem>>)
      } else {
      }
      %eq3A_87 = arith.constant 1 : i32
      %eq3A_88 = arith.cmpi eq, %arg0, %eq3A_87 : i32
      %convert_element_type3A_89 = arith.extui %eq3A_88 : i1 to i32
      %cond3A_90 = arith.constant 0 : i32
      %cond3A_91 = arith.cmpi ne, %convert_element_type3A_89, %cond3A_90 : i32
      scf.if %cond3A_91 {
        %dma_start3A = arith.constant 5 : i32
        %dma_start3A_115 = arith.constant 0 : i32
        %dma_start3A_116 = tpu.memref_slice %arg12[%dma_start3A, %dma_start3A_115] : memref<8x128xi32, #tpu.memory_space<vmem>> -> memref<1x128xi32, #tpu.memory_space<vmem>>
        %dma_start3A_117 = tpu.memref_squeeze %dma_start3A_116 : memref<1x128xi32, #tpu.memory_space<vmem>> -> memref<128xi32, #tpu.memory_space<vmem>>
        %dma_start3A_118 = arith.constant 0 : i32
        %dma_start3A_119 = arith.constant 0 : i32
        %dma_start3A_120 = tpu.memref_slice %arg3[%dma_start3A_118, %dma_start3A_119] : memref<50000x32xf32, #tpu.memory_space<hbm>> -> memref<50000x32xf32, #tpu.memory_space<hbm>>
        tpu.enqueue_indirect_dma source(%dma_start3A_120 : memref<50000x32xf32, #tpu.memory_space<hbm>>) target(%arg14 : memref<128x32xf32, #tpu.memory_space<vmem>>) offsets(%dma_start3A_117 : memref<128xi32, #tpu.memory_space<vmem>>) semaphore(%arg15 : memref<!tpu.dma_semaphore, #tpu.memory_space<semaphore_mem>>)
        %dma_wait3A = arith.constant 5 : i32
        %dma_wait3A_121 = arith.constant 0 : i32
        %dma_wait3A_122 = tpu.memref_slice %arg12[%dma_wait3A, %dma_wait3A_121] : memref<8x128xi32, #tpu.memory_space<vmem>> -> memref<1x128xi32, #tpu.memory_space<vmem>>
        %dma_wait3A_123 = tpu.memref_squeeze %dma_wait3A_122 : memref<1x128xi32, #tpu.memory_space<vmem>> -> memref<128xi32, #tpu.memory_space<vmem>>
        %dma_wait3A_124 = arith.constant 0 : i32
        %dma_wait3A_125 = arith.constant 0 : i32
        %dma_wait3A_126 = tpu.memref_slice %arg3[%dma_wait3A_124, %dma_wait3A_125] : memref<50000x32xf32, #tpu.memory_space<hbm>> -> memref<50000x32xf32, #tpu.memory_space<hbm>>
        tpu.wait_indirect_dma semaphore(%arg15 : memref<!tpu.dma_semaphore, #tpu.memory_space<semaphore_mem>>) src(%dma_wait3A_126 : memref<50000x32xf32, #tpu.memory_space<hbm>>) dst(%arg14 : memref<128x32xf32, #tpu.memory_space<vmem>>)
      } else {
      }
      %run_scoped3A_92 = arith.constant 5 : i32
      "tpu.region"() ({
        %run_scoped3A_115 = tpu.sem_alloc : memref<!tpu.dma_semaphore, #tpu.memory_space<semaphore_mem>>
        %dma_start3A = arith.constant 0 : i32
        %dma_start3A_116 = tpu.memref_slice %arg13[%run_scoped3A_92, %dma_start3A] : memref<8x128xi32, #tpu.memory_space<vmem>> -> memref<1x128xi32, #tpu.memory_space<vmem>>
        %dma_start3A_117 = tpu.memref_squeeze %dma_start3A_116 : memref<1x128xi32, #tpu.memory_space<vmem>> -> memref<128xi32, #tpu.memory_space<vmem>>
        %dma_start3A_118 = arith.constant 0 : i32
        %dma_start3A_119 = arith.constant 0 : i32
        %dma_start3A_120 = tpu.memref_slice %arg11[%dma_start3A_118, %dma_start3A_119] : memref<50008x32xf32, #tpu.memory_space<vmem_shared>> -> memref<50008x32xf32, #tpu.memory_space<vmem_shared>>
        tpu.enqueue_indirect_dma source(%arg14 : memref<128x32xf32, #tpu.memory_space<vmem>>) target(%dma_start3A_120 : memref<50008x32xf32, #tpu.memory_space<vmem_shared>>) offsets(%dma_start3A_117 : memref<128xi32, #tpu.memory_space<vmem>>) semaphore(%run_scoped3A_115 : memref<!tpu.dma_semaphore, #tpu.memory_space<semaphore_mem>>) {add = true}
        %dma_wait3A = arith.constant 0 : i32
        %dma_wait3A_121 = tpu.memref_slice %arg13[%run_scoped3A_92, %dma_wait3A] : memref<8x128xi32, #tpu.memory_space<vmem>> -> memref<1x128xi32, #tpu.memory_space<vmem>>
        %dma_wait3A_122 = tpu.memref_squeeze %dma_wait3A_121 : memref<1x128xi32, #tpu.memory_space<vmem>> -> memref<128xi32, #tpu.memory_space<vmem>>
        %dma_wait3A_123 = arith.constant 0 : i32
        %dma_wait3A_124 = arith.constant 0 : i32
        %dma_wait3A_125 = tpu.memref_slice %arg11[%dma_wait3A_123, %dma_wait3A_124] : memref<50008x32xf32, #tpu.memory_space<vmem_shared>> -> memref<50008x32xf32, #tpu.memory_space<vmem_shared>>
        tpu.wait_indirect_dma semaphore(%run_scoped3A_115 : memref<!tpu.dma_semaphore, #tpu.memory_space<semaphore_mem>>) src(%arg14 : memref<128x32xf32, #tpu.memory_space<vmem>>) dst(%dma_wait3A_125 : memref<50008x32xf32, #tpu.memory_space<vmem_shared>>)
        tpu.yield
      }) : () -> ()
      %eq3A_93 = arith.constant 0 : i32
      %eq3A_94 = arith.cmpi eq, %arg0, %eq3A_93 : i32
      %convert_element_type3A_95 = arith.extui %eq3A_94 : i1 to i32
      %cond3A_96 = arith.constant 0 : i32
      %cond3A_97 = arith.cmpi ne, %convert_element_type3A_95, %cond3A_96 : i32
      scf.if %cond3A_97 {
        %dma_start3A = arith.constant 6 : i32
        %dma_start3A_115 = arith.constant 0 : i32
        %dma_start3A_116 = tpu.memref_slice %arg12[%dma_start3A, %dma_start3A_115] : memref<8x128xi32, #tpu.memory_space<vmem>> -> memref<1x128xi32, #tpu.memory_space<vmem>>
        %dma_start3A_117 = tpu.memref_squeeze %dma_start3A_116 : memref<1x128xi32, #tpu.memory_space<vmem>> -> memref<128xi32, #tpu.memory_space<vmem>>
        %dma_start3A_118 = arith.constant 0 : i32
        %dma_start3A_119 = arith.constant 0 : i32
        %dma_start3A_120 = tpu.memref_slice %arg2[%dma_start3A_118, %dma_start3A_119] : memref<50000x32xf32, #tpu.memory_space<hbm>> -> memref<50000x32xf32, #tpu.memory_space<hbm>>
        tpu.enqueue_indirect_dma source(%dma_start3A_120 : memref<50000x32xf32, #tpu.memory_space<hbm>>) target(%arg14 : memref<128x32xf32, #tpu.memory_space<vmem>>) offsets(%dma_start3A_117 : memref<128xi32, #tpu.memory_space<vmem>>) semaphore(%arg15 : memref<!tpu.dma_semaphore, #tpu.memory_space<semaphore_mem>>)
        %dma_wait3A = arith.constant 6 : i32
        %dma_wait3A_121 = arith.constant 0 : i32
        %dma_wait3A_122 = tpu.memref_slice %arg12[%dma_wait3A, %dma_wait3A_121] : memref<8x128xi32, #tpu.memory_space<vmem>> -> memref<1x128xi32, #tpu.memory_space<vmem>>
        %dma_wait3A_123 = tpu.memref_squeeze %dma_wait3A_122 : memref<1x128xi32, #tpu.memory_space<vmem>> -> memref<128xi32, #tpu.memory_space<vmem>>
        %dma_wait3A_124 = arith.constant 0 : i32
        %dma_wait3A_125 = arith.constant 0 : i32
        %dma_wait3A_126 = tpu.memref_slice %arg2[%dma_wait3A_124, %dma_wait3A_125] : memref<50000x32xf32, #tpu.memory_space<hbm>> -> memref<50000x32xf32, #tpu.memory_space<hbm>>
        tpu.wait_indirect_dma semaphore(%arg15 : memref<!tpu.dma_semaphore, #tpu.memory_space<semaphore_mem>>) src(%dma_wait3A_126 : memref<50000x32xf32, #tpu.memory_space<hbm>>) dst(%arg14 : memref<128x32xf32, #tpu.memory_space<vmem>>)
      } else {
      }
      %eq3A_98 = arith.constant 1 : i32
      %eq3A_99 = arith.cmpi eq, %arg0, %eq3A_98 : i32
      %convert_element_type3A_100 = arith.extui %eq3A_99 : i1 to i32
      %cond3A_101 = arith.constant 0 : i32
      %cond3A_102 = arith.cmpi ne, %convert_element_type3A_100, %cond3A_101 : i32
      scf.if %cond3A_102 {
        %dma_start3A = arith.constant 6 : i32
        %dma_start3A_115 = arith.constant 0 : i32
        %dma_start3A_116 = tpu.memref_slice %arg12[%dma_start3A, %dma_start3A_115] : memref<8x128xi32, #tpu.memory_space<vmem>> -> memref<1x128xi32, #tpu.memory_space<vmem>>
        %dma_start3A_117 = tpu.memref_squeeze %dma_start3A_116 : memref<1x128xi32, #tpu.memory_space<vmem>> -> memref<128xi32, #tpu.memory_space<vmem>>
        %dma_start3A_118 = arith.constant 0 : i32
        %dma_start3A_119 = arith.constant 0 : i32
        %dma_start3A_120 = tpu.memref_slice %arg3[%dma_start3A_118, %dma_start3A_119] : memref<50000x32xf32, #tpu.memory_space<hbm>> -> memref<50000x32xf32, #tpu.memory_space<hbm>>
        tpu.enqueue_indirect_dma source(%dma_start3A_120 : memref<50000x32xf32, #tpu.memory_space<hbm>>) target(%arg14 : memref<128x32xf32, #tpu.memory_space<vmem>>) offsets(%dma_start3A_117 : memref<128xi32, #tpu.memory_space<vmem>>) semaphore(%arg15 : memref<!tpu.dma_semaphore, #tpu.memory_space<semaphore_mem>>)
        %dma_wait3A = arith.constant 6 : i32
        %dma_wait3A_121 = arith.constant 0 : i32
        %dma_wait3A_122 = tpu.memref_slice %arg12[%dma_wait3A, %dma_wait3A_121] : memref<8x128xi32, #tpu.memory_space<vmem>> -> memref<1x128xi32, #tpu.memory_space<vmem>>
        %dma_wait3A_123 = tpu.memref_squeeze %dma_wait3A_122 : memref<1x128xi32, #tpu.memory_space<vmem>> -> memref<128xi32, #tpu.memory_space<vmem>>
        %dma_wait3A_124 = arith.constant 0 : i32
        %dma_wait3A_125 = arith.constant 0 : i32
        %dma_wait3A_126 = tpu.memref_slice %arg3[%dma_wait3A_124, %dma_wait3A_125] : memref<50000x32xf32, #tpu.memory_space<hbm>> -> memref<50000x32xf32, #tpu.memory_space<hbm>>
        tpu.wait_indirect_dma semaphore(%arg15 : memref<!tpu.dma_semaphore, #tpu.memory_space<semaphore_mem>>) src(%dma_wait3A_126 : memref<50000x32xf32, #tpu.memory_space<hbm>>) dst(%arg14 : memref<128x32xf32, #tpu.memory_space<vmem>>)
      } else {
      }
      %run_scoped3A_103 = arith.constant 6 : i32
      "tpu.region"() ({
        %run_scoped3A_115 = tpu.sem_alloc : memref<!tpu.dma_semaphore, #tpu.memory_space<semaphore_mem>>
        %dma_start3A = arith.constant 0 : i32
        %dma_start3A_116 = tpu.memref_slice %arg13[%run_scoped3A_103, %dma_start3A] : memref<8x128xi32, #tpu.memory_space<vmem>> -> memref<1x128xi32, #tpu.memory_space<vmem>>
        %dma_start3A_117 = tpu.memref_squeeze %dma_start3A_116 : memref<1x128xi32, #tpu.memory_space<vmem>> -> memref<128xi32, #tpu.memory_space<vmem>>
        %dma_start3A_118 = arith.constant 0 : i32
        %dma_start3A_119 = arith.constant 0 : i32
        %dma_start3A_120 = tpu.memref_slice %arg11[%dma_start3A_118, %dma_start3A_119] : memref<50008x32xf32, #tpu.memory_space<vmem_shared>> -> memref<50008x32xf32, #tpu.memory_space<vmem_shared>>
        tpu.enqueue_indirect_dma source(%arg14 : memref<128x32xf32, #tpu.memory_space<vmem>>) target(%dma_start3A_120 : memref<50008x32xf32, #tpu.memory_space<vmem_shared>>) offsets(%dma_start3A_117 : memref<128xi32, #tpu.memory_space<vmem>>) semaphore(%run_scoped3A_115 : memref<!tpu.dma_semaphore, #tpu.memory_space<semaphore_mem>>) {add = true}
        %dma_wait3A = arith.constant 0 : i32
        %dma_wait3A_121 = tpu.memref_slice %arg13[%run_scoped3A_103, %dma_wait3A] : memref<8x128xi32, #tpu.memory_space<vmem>> -> memref<1x128xi32, #tpu.memory_space<vmem>>
        %dma_wait3A_122 = tpu.memref_squeeze %dma_wait3A_121 : memref<1x128xi32, #tpu.memory_space<vmem>> -> memref<128xi32, #tpu.memory_space<vmem>>
        %dma_wait3A_123 = arith.constant 0 : i32
        %dma_wait3A_124 = arith.constant 0 : i32
        %dma_wait3A_125 = tpu.memref_slice %arg11[%dma_wait3A_123, %dma_wait3A_124] : memref<50008x32xf32, #tpu.memory_space<vmem_shared>> -> memref<50008x32xf32, #tpu.memory_space<vmem_shared>>
        tpu.wait_indirect_dma semaphore(%run_scoped3A_115 : memref<!tpu.dma_semaphore, #tpu.memory_space<semaphore_mem>>) src(%arg14 : memref<128x32xf32, #tpu.memory_space<vmem>>) dst(%dma_wait3A_125 : memref<50008x32xf32, #tpu.memory_space<vmem_shared>>)
        tpu.yield
      }) : () -> ()
      %eq3A_104 = arith.constant 0 : i32
      %eq3A_105 = arith.cmpi eq, %arg0, %eq3A_104 : i32
      %convert_element_type3A_106 = arith.extui %eq3A_105 : i1 to i32
      %cond3A_107 = arith.constant 0 : i32
      %cond3A_108 = arith.cmpi ne, %convert_element_type3A_106, %cond3A_107 : i32
      scf.if %cond3A_108 {
        %dma_start3A = arith.constant 7 : i32
        %dma_start3A_115 = arith.constant 0 : i32
        %dma_start3A_116 = tpu.memref_slice %arg12[%dma_start3A, %dma_start3A_115] : memref<8x128xi32, #tpu.memory_space<vmem>> -> memref<1x128xi32, #tpu.memory_space<vmem>>
        %dma_start3A_117 = tpu.memref_squeeze %dma_start3A_116 : memref<1x128xi32, #tpu.memory_space<vmem>> -> memref<128xi32, #tpu.memory_space<vmem>>
        %dma_start3A_118 = arith.constant 0 : i32
        %dma_start3A_119 = arith.constant 0 : i32
        %dma_start3A_120 = tpu.memref_slice %arg2[%dma_start3A_118, %dma_start3A_119] : memref<50000x32xf32, #tpu.memory_space<hbm>> -> memref<50000x32xf32, #tpu.memory_space<hbm>>
        tpu.enqueue_indirect_dma source(%dma_start3A_120 : memref<50000x32xf32, #tpu.memory_space<hbm>>) target(%arg14 : memref<128x32xf32, #tpu.memory_space<vmem>>) offsets(%dma_start3A_117 : memref<128xi32, #tpu.memory_space<vmem>>) semaphore(%arg15 : memref<!tpu.dma_semaphore, #tpu.memory_space<semaphore_mem>>)
        %dma_wait3A = arith.constant 7 : i32
        %dma_wait3A_121 = arith.constant 0 : i32
        %dma_wait3A_122 = tpu.memref_slice %arg12[%dma_wait3A, %dma_wait3A_121] : memref<8x128xi32, #tpu.memory_space<vmem>> -> memref<1x128xi32, #tpu.memory_space<vmem>>
        %dma_wait3A_123 = tpu.memref_squeeze %dma_wait3A_122 : memref<1x128xi32, #tpu.memory_space<vmem>> -> memref<128xi32, #tpu.memory_space<vmem>>
        %dma_wait3A_124 = arith.constant 0 : i32
        %dma_wait3A_125 = arith.constant 0 : i32
        %dma_wait3A_126 = tpu.memref_slice %arg2[%dma_wait3A_124, %dma_wait3A_125] : memref<50000x32xf32, #tpu.memory_space<hbm>> -> memref<50000x32xf32, #tpu.memory_space<hbm>>
        tpu.wait_indirect_dma semaphore(%arg15 : memref<!tpu.dma_semaphore, #tpu.memory_space<semaphore_mem>>) src(%dma_wait3A_126 : memref<50000x32xf32, #tpu.memory_space<hbm>>) dst(%arg14 : memref<128x32xf32, #tpu.memory_space<vmem>>)
      } else {
      }
      %eq3A_109 = arith.constant 1 : i32
      %eq3A_110 = arith.cmpi eq, %arg0, %eq3A_109 : i32
      %convert_element_type3A_111 = arith.extui %eq3A_110 : i1 to i32
      %cond3A_112 = arith.constant 0 : i32
      %cond3A_113 = arith.cmpi ne, %convert_element_type3A_111, %cond3A_112 : i32
      scf.if %cond3A_113 {
        %dma_start3A = arith.constant 7 : i32
        %dma_start3A_115 = arith.constant 0 : i32
        %dma_start3A_116 = tpu.memref_slice %arg12[%dma_start3A, %dma_start3A_115] : memref<8x128xi32, #tpu.memory_space<vmem>> -> memref<1x128xi32, #tpu.memory_space<vmem>>
        %dma_start3A_117 = tpu.memref_squeeze %dma_start3A_116 : memref<1x128xi32, #tpu.memory_space<vmem>> -> memref<128xi32, #tpu.memory_space<vmem>>
        %dma_start3A_118 = arith.constant 0 : i32
        %dma_start3A_119 = arith.constant 0 : i32
        %dma_start3A_120 = tpu.memref_slice %arg3[%dma_start3A_118, %dma_start3A_119] : memref<50000x32xf32, #tpu.memory_space<hbm>> -> memref<50000x32xf32, #tpu.memory_space<hbm>>
        tpu.enqueue_indirect_dma source(%dma_start3A_120 : memref<50000x32xf32, #tpu.memory_space<hbm>>) target(%arg14 : memref<128x32xf32, #tpu.memory_space<vmem>>) offsets(%dma_start3A_117 : memref<128xi32, #tpu.memory_space<vmem>>) semaphore(%arg15 : memref<!tpu.dma_semaphore, #tpu.memory_space<semaphore_mem>>)
        %dma_wait3A = arith.constant 7 : i32
        %dma_wait3A_121 = arith.constant 0 : i32
        %dma_wait3A_122 = tpu.memref_slice %arg12[%dma_wait3A, %dma_wait3A_121] : memref<8x128xi32, #tpu.memory_space<vmem>> -> memref<1x128xi32, #tpu.memory_space<vmem>>
        %dma_wait3A_123 = tpu.memref_squeeze %dma_wait3A_122 : memref<1x128xi32, #tpu.memory_space<vmem>> -> memref<128xi32, #tpu.memory_space<vmem>>
        %dma_wait3A_124 = arith.constant 0 : i32
        %dma_wait3A_125 = arith.constant 0 : i32
        %dma_wait3A_126 = tpu.memref_slice %arg3[%dma_wait3A_124, %dma_wait3A_125] : memref<50000x32xf32, #tpu.memory_space<hbm>> -> memref<50000x32xf32, #tpu.memory_space<hbm>>
        tpu.wait_indirect_dma semaphore(%arg15 : memref<!tpu.dma_semaphore, #tpu.memory_space<semaphore_mem>>) src(%dma_wait3A_126 : memref<50000x32xf32, #tpu.memory_space<hbm>>) dst(%arg14 : memref<128x32xf32, #tpu.memory_space<vmem>>)
      } else {
      }
      %run_scoped3A_114 = arith.constant 7 : i32
      "tpu.region"() ({
        %run_scoped3A_115 = tpu.sem_alloc : memref<!tpu.dma_semaphore, #tpu.memory_space<semaphore_mem>>
        %dma_start3A = arith.constant 0 : i32
        %dma_start3A_116 = tpu.memref_slice %arg13[%run_scoped3A_114, %dma_start3A] : memref<8x128xi32, #tpu.memory_space<vmem>> -> memref<1x128xi32, #tpu.memory_space<vmem>>
        %dma_start3A_117 = tpu.memref_squeeze %dma_start3A_116 : memref<1x128xi32, #tpu.memory_space<vmem>> -> memref<128xi32, #tpu.memory_space<vmem>>
        %dma_start3A_118 = arith.constant 0 : i32
        %dma_start3A_119 = arith.constant 0 : i32
        %dma_start3A_120 = tpu.memref_slice %arg11[%dma_start3A_118, %dma_start3A_119] : memref<50008x32xf32, #tpu.memory_space<vmem_shared>> -> memref<50008x32xf32, #tpu.memory_space<vmem_shared>>
        tpu.enqueue_indirect_dma source(%arg14 : memref<128x32xf32, #tpu.memory_space<vmem>>) target(%dma_start3A_120 : memref<50008x32xf32, #tpu.memory_space<vmem_shared>>) offsets(%dma_start3A_117 : memref<128xi32, #tpu.memory_space<vmem>>) semaphore(%run_scoped3A_115 : memref<!tpu.dma_semaphore, #tpu.memory_space<semaphore_mem>>) {add = true}
        %dma_wait3A = arith.constant 0 : i32
        %dma_wait3A_121 = tpu.memref_slice %arg13[%run_scoped3A_114, %dma_wait3A] : memref<8x128xi32, #tpu.memory_space<vmem>> -> memref<1x128xi32, #tpu.memory_space<vmem>>
        %dma_wait3A_122 = tpu.memref_squeeze %dma_wait3A_121 : memref<1x128xi32, #tpu.memory_space<vmem>> -> memref<128xi32, #tpu.memory_space<vmem>>
        %dma_wait3A_123 = arith.constant 0 : i32
        %dma_wait3A_124 = arith.constant 0 : i32
        %dma_wait3A_125 = tpu.memref_slice %arg11[%dma_wait3A_123, %dma_wait3A_124] : memref<50008x32xf32, #tpu.memory_space<vmem_shared>> -> memref<50008x32xf32, #tpu.memory_space<vmem_shared>>
        tpu.wait_indirect_dma semaphore(%run_scoped3A_115 : memref<!tpu.dma_semaphore, #tpu.memory_space<semaphore_mem>>) src(%arg14 : memref<128x32xf32, #tpu.memory_space<vmem>>) dst(%dma_wait3A_125 : memref<50008x32xf32, #tpu.memory_space<vmem_shared>>)
        tpu.yield
      }) : () -> ()
    }
    %scan3A_11 = arith.constant 49 : i32
    %barrier3A_12 = arith.constant 0 : index
    tpu.barrier barrier_id(%barrier3A_12)
    %eq3A_13 = arith.constant 0 : i32
    %eq3A_14 = arith.cmpi eq, %arg0, %eq3A_13 : i32
    %convert_element_type3A_15 = arith.extui %eq3A_14 : i1 to i32
    %cond3A_16 = arith.constant 0 : i32
    %cond3A_17 = arith.cmpi ne, %convert_element_type3A_15, %cond3A_16 : i32
    scf.if %cond3A_17 {
      %lt3A_23 = arith.constant 15 : i32
      %lt3A_24 = arith.cmpi slt, %arg1, %lt3A_23 : i32
      %convert_element_type3A_25 = arith.extui %lt3A_24 : i1 to i32
      %cond3A_26 = arith.constant 0 : i32
      %cond3A_27 = arith.cmpi ne, %convert_element_type3A_25, %cond3A_26 : i32
      scf.if %cond3A_27 {
        "tpu.region"() ({
          %run_scoped3A = tpu.sem_alloc : memref<!tpu.dma_semaphore, #tpu.memory_space<semaphore_mem>>
          %dma_start3A = arith.constant 0 : i32
          %dma_start3A_33 = tpu.memref_slice %arg9[%mul3A_0, %dma_start3A] : memref<50000x32xf32, #tpu.memory_space<hbm>> -> memref<3128x32xf32, #tpu.memory_space<hbm>>
          %dma_start3A_34 = arith.constant 0 : i32
          %dma_start3A_35 = tpu.memref_slice %arg11[%mul3A_0, %dma_start3A_34] : memref<50008x32xf32, #tpu.memory_space<vmem_shared>> -> memref<3128x32xf32, #tpu.memory_space<vmem_shared>>
          tpu.enqueue_dma source(%dma_start3A_35 : memref<3128x32xf32, #tpu.memory_space<vmem_shared>>) target(%dma_start3A_33 : memref<3128x32xf32, #tpu.memory_space<hbm>>) target_semaphore(%run_scoped3A : memref<!tpu.dma_semaphore, #tpu.memory_space<semaphore_mem>>)
          %dma_wait3A = arith.constant 0 : i32
          %dma_wait3A_36 = tpu.memref_slice %arg9[%mul3A_0, %dma_wait3A] : memref<50000x32xf32, #tpu.memory_space<hbm>> -> memref<3128x32xf32, #tpu.memory_space<hbm>>
          %dma_wait3A_37 = arith.constant 0 : i32
          %dma_wait3A_38 = tpu.memref_slice %arg11[%mul3A_0, %dma_wait3A_37] : memref<50008x32xf32, #tpu.memory_space<vmem_shared>> -> memref<3128x32xf32, #tpu.memory_space<vmem_shared>>
          tpu.wait_dma2 semaphore(%run_scoped3A : memref<!tpu.dma_semaphore, #tpu.memory_space<semaphore_mem>>) src(%dma_wait3A_38 : memref<3128x32xf32, #tpu.memory_space<vmem_shared>>) dst(%dma_wait3A_36 : memref<3128x32xf32, #tpu.memory_space<hbm>>)
          tpu.yield
        }) : () -> ()
      } else {
      }
      %eq3A_28 = arith.constant 15 : i32
      %eq3A_29 = arith.cmpi eq, %arg1, %eq3A_28 : i32
      %convert_element_type3A_30 = arith.extui %eq3A_29 : i1 to i32
      %cond3A_31 = arith.constant 0 : i32
      %cond3A_32 = arith.cmpi ne, %convert_element_type3A_30, %cond3A_31 : i32
      scf.if %cond3A_32 {
        "tpu.region"() ({
          %run_scoped3A = tpu.sem_alloc : memref<!tpu.dma_semaphore, #tpu.memory_space<semaphore_mem>>
          %dma_start3A = arith.constant 46920 : i32
          %dma_start3A_33 = arith.constant 0 : i32
          %dma_start3A_34 = tpu.memref_slice %arg9[%dma_start3A, %dma_start3A_33] : memref<50000x32xf32, #tpu.memory_space<hbm>> -> memref<3080x32xf32, #tpu.memory_space<hbm>>
          %dma_start3A_35 = arith.constant 46920 : i32
          %dma_start3A_36 = arith.constant 0 : i32
          %dma_start3A_37 = tpu.memref_slice %arg11[%dma_start3A_35, %dma_start3A_36] : memref<50008x32xf32, #tpu.memory_space<vmem_shared>> -> memref<3080x32xf32, #tpu.memory_space<vmem_shared>>
          tpu.enqueue_dma source(%dma_start3A_37 : memref<3080x32xf32, #tpu.memory_space<vmem_shared>>) target(%dma_start3A_34 : memref<3080x32xf32, #tpu.memory_space<hbm>>) target_semaphore(%run_scoped3A : memref<!tpu.dma_semaphore, #tpu.memory_space<semaphore_mem>>)
          %dma_wait3A = arith.constant 46920 : i32
          %dma_wait3A_38 = arith.constant 0 : i32
          %dma_wait3A_39 = tpu.memref_slice %arg9[%dma_wait3A, %dma_wait3A_38] : memref<50000x32xf32, #tpu.memory_space<hbm>> -> memref<3080x32xf32, #tpu.memory_space<hbm>>
          %dma_wait3A_40 = arith.constant 46920 : i32
          %dma_wait3A_41 = arith.constant 0 : i32
          %dma_wait3A_42 = tpu.memref_slice %arg11[%dma_wait3A_40, %dma_wait3A_41] : memref<50008x32xf32, #tpu.memory_space<vmem_shared>> -> memref<3080x32xf32, #tpu.memory_space<vmem_shared>>
          tpu.wait_dma2 semaphore(%run_scoped3A : memref<!tpu.dma_semaphore, #tpu.memory_space<semaphore_mem>>) src(%dma_wait3A_42 : memref<3080x32xf32, #tpu.memory_space<vmem_shared>>) dst(%dma_wait3A_39 : memref<3080x32xf32, #tpu.memory_space<hbm>>)
          tpu.yield
        }) : () -> ()
      } else {
      }
    } else {
    }
    %eq3A_18 = arith.constant 1 : i32
    %eq3A_19 = arith.cmpi eq, %arg0, %eq3A_18 : i32
    %convert_element_type3A_20 = arith.extui %eq3A_19 : i1 to i32
    %cond3A_21 = arith.constant 0 : i32
    %cond3A_22 = arith.cmpi ne, %convert_element_type3A_20, %cond3A_21 : i32
    scf.if %cond3A_22 {
      %lt3A_23 = arith.constant 15 : i32
      %lt3A_24 = arith.cmpi slt, %arg1, %lt3A_23 : i32
      %convert_element_type3A_25 = arith.extui %lt3A_24 : i1 to i32
      %cond3A_26 = arith.constant 0 : i32
      %cond3A_27 = arith.cmpi ne, %convert_element_type3A_25, %cond3A_26 : i32
      scf.if %cond3A_27 {
        "tpu.region"() ({
          %run_scoped3A = tpu.sem_alloc : memref<!tpu.dma_semaphore, #tpu.memory_space<semaphore_mem>>
          %dma_start3A = arith.constant 0 : i32
          %dma_start3A_33 = tpu.memref_slice %arg10[%mul3A_0, %dma_start3A] : memref<50000x32xf32, #tpu.memory_space<hbm>> -> memref<3128x32xf32, #tpu.memory_space<hbm>>
          %dma_start3A_34 = arith.constant 0 : i32
          %dma_start3A_35 = tpu.memref_slice %arg11[%mul3A_0, %dma_start3A_34] : memref<50008x32xf32, #tpu.memory_space<vmem_shared>> -> memref<3128x32xf32, #tpu.memory_space<vmem_shared>>
          tpu.enqueue_dma source(%dma_start3A_35 : memref<3128x32xf32, #tpu.memory_space<vmem_shared>>) target(%dma_start3A_33 : memref<3128x32xf32, #tpu.memory_space<hbm>>) target_semaphore(%run_scoped3A : memref<!tpu.dma_semaphore, #tpu.memory_space<semaphore_mem>>)
          %dma_wait3A = arith.constant 0 : i32
          %dma_wait3A_36 = tpu.memref_slice %arg10[%mul3A_0, %dma_wait3A] : memref<50000x32xf32, #tpu.memory_space<hbm>> -> memref<3128x32xf32, #tpu.memory_space<hbm>>
          %dma_wait3A_37 = arith.constant 0 : i32
          %dma_wait3A_38 = tpu.memref_slice %arg11[%mul3A_0, %dma_wait3A_37] : memref<50008x32xf32, #tpu.memory_space<vmem_shared>> -> memref<3128x32xf32, #tpu.memory_space<vmem_shared>>
          tpu.wait_dma2 semaphore(%run_scoped3A : memref<!tpu.dma_semaphore, #tpu.memory_space<semaphore_mem>>) src(%dma_wait3A_38 : memref<3128x32xf32, #tpu.memory_space<vmem_shared>>) dst(%dma_wait3A_36 : memref<3128x32xf32, #tpu.memory_space<hbm>>)
          tpu.yield
        }) : () -> ()
      } else {
      }
      %eq3A_28 = arith.constant 15 : i32
      %eq3A_29 = arith.cmpi eq, %arg1, %eq3A_28 : i32
      %convert_element_type3A_30 = arith.extui %eq3A_29 : i1 to i32
      %cond3A_31 = arith.constant 0 : i32
      %cond3A_32 = arith.cmpi ne, %convert_element_type3A_30, %cond3A_31 : i32
      scf.if %cond3A_32 {
        "tpu.region"() ({
          %run_scoped3A = tpu.sem_alloc : memref<!tpu.dma_semaphore, #tpu.memory_space<semaphore_mem>>
          %dma_start3A = arith.constant 46920 : i32
          %dma_start3A_33 = arith.constant 0 : i32
          %dma_start3A_34 = tpu.memref_slice %arg10[%dma_start3A, %dma_start3A_33] : memref<50000x32xf32, #tpu.memory_space<hbm>> -> memref<3080x32xf32, #tpu.memory_space<hbm>>
          %dma_start3A_35 = arith.constant 46920 : i32
          %dma_start3A_36 = arith.constant 0 : i32
          %dma_start3A_37 = tpu.memref_slice %arg11[%dma_start3A_35, %dma_start3A_36] : memref<50008x32xf32, #tpu.memory_space<vmem_shared>> -> memref<3080x32xf32, #tpu.memory_space<vmem_shared>>
          tpu.enqueue_dma source(%dma_start3A_37 : memref<3080x32xf32, #tpu.memory_space<vmem_shared>>) target(%dma_start3A_34 : memref<3080x32xf32, #tpu.memory_space<hbm>>) target_semaphore(%run_scoped3A : memref<!tpu.dma_semaphore, #tpu.memory_space<semaphore_mem>>)
          %dma_wait3A = arith.constant 46920 : i32
          %dma_wait3A_38 = arith.constant 0 : i32
          %dma_wait3A_39 = tpu.memref_slice %arg10[%dma_wait3A, %dma_wait3A_38] : memref<50000x32xf32, #tpu.memory_space<hbm>> -> memref<3080x32xf32, #tpu.memory_space<hbm>>
          %dma_wait3A_40 = arith.constant 46920 : i32
          %dma_wait3A_41 = arith.constant 0 : i32
          %dma_wait3A_42 = tpu.memref_slice %arg11[%dma_wait3A_40, %dma_wait3A_41] : memref<50008x32xf32, #tpu.memory_space<vmem_shared>> -> memref<3080x32xf32, #tpu.memory_space<vmem_shared>>
          tpu.wait_dma2 semaphore(%run_scoped3A : memref<!tpu.dma_semaphore, #tpu.memory_space<semaphore_mem>>) src(%dma_wait3A_42 : memref<3080x32xf32, #tpu.memory_space<vmem_shared>>) dst(%dma_wait3A_39 : memref<3080x32xf32, #tpu.memory_space<hbm>>)
          tpu.yield
        }) : () -> ()
      } else {
      }
    } else {
    }
    return
  }
}

#map = affine_map<(d0, d1) -> (0, 0)>
#map1 = affine_map<(d0, d1) -> (0)>
module attributes {stable_mosaic.version = 14 : i64} {
  func.func @seg_sum(%arg0: i32, %arg1: i32, %arg2: memref<50000x32xf32, #tpu.memory_space<hbm>>, %arg3: memref<50000x32xf32, #tpu.memory_space<hbm>>, %arg4: memref<6272x128xi32, #tpu.memory_space<hbm>>, %arg5: memref<6272x128xi32, #tpu.memory_space<hbm>>, %arg6: memref<3128x32xf32, #tpu.memory_space<hbm>>, %arg7: memref<3200xf32, #tpu.memory_space<hbm>>, %arg8: memref<128xf32, #tpu.memory_space<hbm>>, %arg9: memref<50000x32xf32, #tpu.memory_space<hbm>>, %arg10: memref<50000x32xf32, #tpu.memory_space<hbm>>, %arg11: memref<50008x32xf32, #tpu.memory_space<vmem_shared>>, %arg12: memref<8x128xi32, #tpu.memory_space<vmem>>, %arg13: memref<8x128xi32, #tpu.memory_space<vmem>>, %arg14: memref<128x32xf32, #tpu.memory_space<vmem>>, %arg15: memref<!tpu.dma_semaphore, #tpu.memory_space<semaphore_mem>>) attributes {dimension_semantics = [#tpu.dimension_semantics<core_parallel>, #tpu.dimension_semantics<subcore_parallel>], iteration_bounds = array<i64: 2, 16>, scalar_prefetch = 0 : i64, scratch_operands = 5 : i64, tpu.core_type = #tpu.core_type<sc_vector_subcore>, window_params = [{transform_indices = #map}, {transform_indices = #map}, {transform_indices = #map}, {transform_indices = #map}, {transform_indices = #map}, {transform_indices = #map1}, {transform_indices = #map1}, {transform_indices = #map}, {transform_indices = #map}]} {
    %mul3A = arith.constant 3128 : i32
    %mul3A_0 = arith.muli %arg1, %mul3A : i32
    %lt3A = arith.constant 15 : i32
    %lt3A_1 = arith.cmpi slt, %arg1, %lt3A : i32
    %convert_element_type3A = arith.extui %lt3A_1 : i1 to i32
    %cond3A = arith.constant 0 : i32
    %cond3A_2 = arith.cmpi ne, %convert_element_type3A, %cond3A : i32
    scf.if %cond3A_2 {
      "tpu.region"() ({
        %run_scoped3A = tpu.sem_alloc : memref<!tpu.dma_semaphore, #tpu.memory_space<semaphore_mem>>
        %dma_start3A = arith.constant 0 : i32
        %dma_start3A_23 = tpu.memref_slice %arg11[%mul3A_0, %dma_start3A] : memref<50008x32xf32, #tpu.memory_space<vmem_shared>> -> memref<3128x32xf32, #tpu.memory_space<vmem_shared>>
        tpu.enqueue_dma source(%arg6 : memref<3128x32xf32, #tpu.memory_space<hbm>>) target(%dma_start3A_23 : memref<3128x32xf32, #tpu.memory_space<vmem_shared>>) target_semaphore(%run_scoped3A : memref<!tpu.dma_semaphore, #tpu.memory_space<semaphore_mem>>)
        %dma_wait3A = arith.constant 0 : i32
        %dma_wait3A_24 = tpu.memref_slice %arg11[%mul3A_0, %dma_wait3A] : memref<50008x32xf32, #tpu.memory_space<vmem_shared>> -> memref<3128x32xf32, #tpu.memory_space<vmem_shared>>
        tpu.wait_dma2 semaphore(%run_scoped3A : memref<!tpu.dma_semaphore, #tpu.memory_space<semaphore_mem>>) src(%arg6 : memref<3128x32xf32, #tpu.memory_space<hbm>>) dst(%dma_wait3A_24 : memref<3128x32xf32, #tpu.memory_space<vmem_shared>>)
        tpu.yield
      }) : () -> ()
    } else {
    }
    %eq3A = arith.constant 15 : i32
    %eq3A_3 = arith.cmpi eq, %arg1, %eq3A : i32
    %convert_element_type3A_4 = arith.extui %eq3A_3 : i1 to i32
    %cond3A_5 = arith.constant 0 : i32
    %cond3A_6 = arith.cmpi ne, %convert_element_type3A_4, %cond3A_5 : i32
    scf.if %cond3A_6 {
      "tpu.region"() ({
        %run_scoped3A = tpu.sem_alloc : memref<!tpu.dma_semaphore, #tpu.memory_space<semaphore_mem>>
        %dma_start3A = arith.constant 46920 : i32
        %dma_start3A_23 = arith.constant 0 : i32
        %dma_start3A_24 = tpu.memref_slice %arg11[%dma_start3A, %dma_start3A_23] : memref<50008x32xf32, #tpu.memory_space<vmem_shared>> -> memref<3088x32xf32, #tpu.memory_space<vmem_shared>>
        %dma_start3A_25 = arith.constant 0 : i32
        %dma_start3A_26 = arith.constant 0 : i32
        %dma_start3A_27 = tpu.memref_slice %arg6[%dma_start3A_25, %dma_start3A_26] : memref<3128x32xf32, #tpu.memory_space<hbm>> -> memref<3088x32xf32, #tpu.memory_space<hbm>>
        tpu.enqueue_dma source(%dma_start3A_27 : memref<3088x32xf32, #tpu.memory_space<hbm>>) target(%dma_start3A_24 : memref<3088x32xf32, #tpu.memory_space<vmem_shared>>) target_semaphore(%run_scoped3A : memref<!tpu.dma_semaphore, #tpu.memory_space<semaphore_mem>>)
        %dma_wait3A = arith.constant 46920 : i32
        %dma_wait3A_28 = arith.constant 0 : i32
        %dma_wait3A_29 = tpu.memref_slice %arg11[%dma_wait3A, %dma_wait3A_28] : memref<50008x32xf32, #tpu.memory_space<vmem_shared>> -> memref<3088x32xf32, #tpu.memory_space<vmem_shared>>
        %dma_wait3A_30 = arith.constant 0 : i32
        %dma_wait3A_31 = arith.constant 0 : i32
        %dma_wait3A_32 = tpu.memref_slice %arg6[%dma_wait3A_30, %dma_wait3A_31] : memref<3128x32xf32, #tpu.memory_space<hbm>> -> memref<3088x32xf32, #tpu.memory_space<hbm>>
        tpu.wait_dma2 semaphore(%run_scoped3A : memref<!tpu.dma_semaphore, #tpu.memory_space<semaphore_mem>>) src(%dma_wait3A_32 : memref<3088x32xf32, #tpu.memory_space<hbm>>) dst(%dma_wait3A_29 : memref<3088x32xf32, #tpu.memory_space<vmem_shared>>)
        tpu.yield
      }) : () -> ()
    } else {
    }
    %barrier3A = arith.constant 0 : index
    tpu.barrier barrier_id(%barrier3A)
    %scan3A = arith.constant 0 : i32
    %scan3A_7 = arith.constant 0 : i32
    %scan3A_8 = arith.constant 49 : i32
    %scan3A_9 = arith.addi %scan3A_7, %scan3A_8 : i32
    %scan3A_10 = arith.constant 1 : i32
    scf.for %scan3A_23 = %scan3A_7 to %scan3A_9 step %scan3A_10  : i32 {
      %mul3A_24 = arith.constant 392 : i32
      %mul3A_25 = arith.muli %arg1, %mul3A_24 : i32
      %mul3A_26 = arith.constant 8 : i32
      %mul3A_27 = arith.muli %scan3A_23, %mul3A_26 : i32
      %add3A = arith.addi %mul3A_25, %mul3A_27 : i32
      "tpu.region"() ({
        %run_scoped3A_115 = tpu.sem_alloc : memref<!tpu.dma_semaphore, #tpu.memory_space<semaphore_mem>>
        %dma_start3A = arith.constant 0 : i32
        %dma_start3A_116 = tpu.memref_slice %arg4[%add3A, %dma_start3A] : memref<6272x128xi32, #tpu.memory_space<hbm>> -> memref<8x128xi32, #tpu.memory_space<hbm>>
        %dma_start3A_117 = arith.constant 0 : i32
        %dma_start3A_118 = tpu.memref_slice %arg4[%add3A, %dma_start3A_117] : memref<6272x128xi32, #tpu.memory_space<hbm>> -> memref<8x128xi32, #tpu.memory_space<hbm>>
        tpu.enqueue_dma source(%dma_start3A_118 : memref<8x128xi32, #tpu.memory_space<hbm>>) target(%arg12 : memref<8x128xi32, #tpu.memory_space<vmem>>) target_semaphore(%run_scoped3A_115 : memref<!tpu.dma_semaphore, #tpu.memory_space<semaphore_mem>>)
        %dma_wait3A = arith.constant 0 : i32
        %dma_wait3A_119 = tpu.memref_slice %arg4[%add3A, %dma_wait3A] : memref<6272x128xi32, #tpu.memory_space<hbm>> -> memref<8x128xi32, #tpu.memory_space<hbm>>
        %dma_wait3A_120 = arith.constant 0 : i32
        %dma_wait3A_121 = tpu.memref_slice %arg4[%add3A, %dma_wait3A_120] : memref<6272x128xi32, #tpu.memory_space<hbm>> -> memref<8x128xi32, #tpu.memory_space<hbm>>
        tpu.wait_dma2 semaphore(%run_scoped3A_115 : memref<!tpu.dma_semaphore, #tpu.memory_space<semaphore_mem>>) src(%dma_wait3A_121 : memref<8x128xi32, #tpu.memory_space<hbm>>) dst(%arg12 : memref<8x128xi32, #tpu.memory_space<vmem>>)
        tpu.yield
      }) : () -> ()
      "tpu.region"() ({
        %run_scoped3A_115 = tpu.sem_alloc : memref<!tpu.dma_semaphore, #tpu.memory_space<semaphore_mem>>
        %dma_start3A = arith.constant 0 : i32
        %dma_start3A_116 = tpu.memref_slice %arg5[%add3A, %dma_start3A] : memref<6272x128xi32, #tpu.memory_space<hbm>> -> memref<8x128xi32, #tpu.memory_space<hbm>>
        %dma_start3A_117 = arith.constant 0 : i32
        %dma_start3A_118 = tpu.memref_slice %arg5[%add3A, %dma_start3A_117] : memref<6272x128xi32, #tpu.memory_space<hbm>> -> memref<8x128xi32, #tpu.memory_space<hbm>>
        tpu.enqueue_dma source(%dma_start3A_118 : memref<8x128xi32, #tpu.memory_space<hbm>>) target(%arg13 : memref<8x128xi32, #tpu.memory_space<vmem>>) target_semaphore(%run_scoped3A_115 : memref<!tpu.dma_semaphore, #tpu.memory_space<semaphore_mem>>)
        %dma_wait3A = arith.constant 0 : i32
        %dma_wait3A_119 = tpu.memref_slice %arg5[%add3A, %dma_wait3A] : memref<6272x128xi32, #tpu.memory_space<hbm>> -> memref<8x128xi32, #tpu.memory_space<hbm>>
        %dma_wait3A_120 = arith.constant 0 : i32
        %dma_wait3A_121 = tpu.memref_slice %arg5[%add3A, %dma_wait3A_120] : memref<6272x128xi32, #tpu.memory_space<hbm>> -> memref<8x128xi32, #tpu.memory_space<hbm>>
        tpu.wait_dma2 semaphore(%run_scoped3A_115 : memref<!tpu.dma_semaphore, #tpu.memory_space<semaphore_mem>>) src(%dma_wait3A_121 : memref<8x128xi32, #tpu.memory_space<hbm>>) dst(%arg13 : memref<8x128xi32, #tpu.memory_space<vmem>>)
        tpu.yield
      }) : () -> ()
      %eq3A_28 = arith.constant 0 : i32
      %eq3A_29 = arith.cmpi eq, %arg0, %eq3A_28 : i32
      %convert_element_type3A_30 = arith.extui %eq3A_29 : i1 to i32
      %cond3A_31 = arith.constant 0 : i32
      %cond3A_32 = arith.cmpi ne, %convert_element_type3A_30, %cond3A_31 : i32
      scf.if %cond3A_32 {
        %dma_start3A = arith.constant 0 : i32
        %dma_start3A_115 = arith.constant 0 : i32
        %dma_start3A_116 = tpu.memref_slice %arg12[%dma_start3A, %dma_start3A_115] : memref<8x128xi32, #tpu.memory_space<vmem>> -> memref<1x128xi32, #tpu.memory_space<vmem>>
        %dma_start3A_117 = tpu.memref_squeeze %dma_start3A_116 : memref<1x128xi32, #tpu.memory_space<vmem>> -> memref<128xi32, #tpu.memory_space<vmem>>
        %dma_start3A_118 = arith.constant 0 : i32
        %dma_start3A_119 = arith.constant 0 : i32
        %dma_start3A_120 = tpu.memref_slice %arg2[%dma_start3A_118, %dma_start3A_119] : memref<50000x32xf32, #tpu.memory_space<hbm>> -> memref<50000x32xf32, #tpu.memory_space<hbm>>
        tpu.enqueue_indirect_dma source(%dma_start3A_120 : memref<50000x32xf32, #tpu.memory_space<hbm>>) target(%arg14 : memref<128x32xf32, #tpu.memory_space<vmem>>) offsets(%dma_start3A_117 : memref<128xi32, #tpu.memory_space<vmem>>) semaphore(%arg15 : memref<!tpu.dma_semaphore, #tpu.memory_space<semaphore_mem>>)
        %dma_wait3A = arith.constant 0 : i32
        %dma_wait3A_121 = arith.constant 0 : i32
        %dma_wait3A_122 = tpu.memref_slice %arg12[%dma_wait3A, %dma_wait3A_121] : memref<8x128xi32, #tpu.memory_space<vmem>> -> memref<1x128xi32, #tpu.memory_space<vmem>>
        %dma_wait3A_123 = tpu.memref_squeeze %dma_wait3A_122 : memref<1x128xi32, #tpu.memory_space<vmem>> -> memref<128xi32, #tpu.memory_space<vmem>>
        %dma_wait3A_124 = arith.constant 0 : i32
        %dma_wait3A_125 = arith.constant 0 : i32
        %dma_wait3A_126 = tpu.memref_slice %arg2[%dma_wait3A_124, %dma_wait3A_125] : memref<50000x32xf32, #tpu.memory_space<hbm>> -> memref<50000x32xf32, #tpu.memory_space<hbm>>
        tpu.wait_indirect_dma semaphore(%arg15 : memref<!tpu.dma_semaphore, #tpu.memory_space<semaphore_mem>>) src(%dma_wait3A_126 : memref<50000x32xf32, #tpu.memory_space<hbm>>) dst(%arg14 : memref<128x32xf32, #tpu.memory_space<vmem>>)
      } else {
      }
      %eq3A_33 = arith.constant 1 : i32
      %eq3A_34 = arith.cmpi eq, %arg0, %eq3A_33 : i32
      %convert_element_type3A_35 = arith.extui %eq3A_34 : i1 to i32
      %cond3A_36 = arith.constant 0 : i32
      %cond3A_37 = arith.cmpi ne, %convert_element_type3A_35, %cond3A_36 : i32
      scf.if %cond3A_37 {
        %dma_start3A = arith.constant 0 : i32
        %dma_start3A_115 = arith.constant 0 : i32
        %dma_start3A_116 = tpu.memref_slice %arg12[%dma_start3A, %dma_start3A_115] : memref<8x128xi32, #tpu.memory_space<vmem>> -> memref<1x128xi32, #tpu.memory_space<vmem>>
        %dma_start3A_117 = tpu.memref_squeeze %dma_start3A_116 : memref<1x128xi32, #tpu.memory_space<vmem>> -> memref<128xi32, #tpu.memory_space<vmem>>
        %dma_start3A_118 = arith.constant 0 : i32
        %dma_start3A_119 = arith.constant 0 : i32
        %dma_start3A_120 = tpu.memref_slice %arg3[%dma_start3A_118, %dma_start3A_119] : memref<50000x32xf32, #tpu.memory_space<hbm>> -> memref<50000x32xf32, #tpu.memory_space<hbm>>
        tpu.enqueue_indirect_dma source(%dma_start3A_120 : memref<50000x32xf32, #tpu.memory_space<hbm>>) target(%arg14 : memref<128x32xf32, #tpu.memory_space<vmem>>) offsets(%dma_start3A_117 : memref<128xi32, #tpu.memory_space<vmem>>) semaphore(%arg15 : memref<!tpu.dma_semaphore, #tpu.memory_space<semaphore_mem>>)
        %dma_wait3A = arith.constant 0 : i32
        %dma_wait3A_121 = arith.constant 0 : i32
        %dma_wait3A_122 = tpu.memref_slice %arg12[%dma_wait3A, %dma_wait3A_121] : memref<8x128xi32, #tpu.memory_space<vmem>> -> memref<1x128xi32, #tpu.memory_space<vmem>>
        %dma_wait3A_123 = tpu.memref_squeeze %dma_wait3A_122 : memref<1x128xi32, #tpu.memory_space<vmem>> -> memref<128xi32, #tpu.memory_space<vmem>>
        %dma_wait3A_124 = arith.constant 0 : i32
        %dma_wait3A_125 = arith.constant 0 : i32
        %dma_wait3A_126 = tpu.memref_slice %arg3[%dma_wait3A_124, %dma_wait3A_125] : memref<50000x32xf32, #tpu.memory_space<hbm>> -> memref<50000x32xf32, #tpu.memory_space<hbm>>
        tpu.wait_indirect_dma semaphore(%arg15 : memref<!tpu.dma_semaphore, #tpu.memory_space<semaphore_mem>>) src(%dma_wait3A_126 : memref<50000x32xf32, #tpu.memory_space<hbm>>) dst(%arg14 : memref<128x32xf32, #tpu.memory_space<vmem>>)
      } else {
      }
      %run_scoped3A = arith.constant 0 : i32
      "tpu.region"() ({
        %run_scoped3A_115 = tpu.sem_alloc : memref<!tpu.dma_semaphore, #tpu.memory_space<semaphore_mem>>
        %dma_start3A = arith.constant 0 : i32
        %dma_start3A_116 = tpu.memref_slice %arg13[%run_scoped3A, %dma_start3A] : memref<8x128xi32, #tpu.memory_space<vmem>> -> memref<1x128xi32, #tpu.memory_space<vmem>>
        %dma_start3A_117 = tpu.memref_squeeze %dma_start3A_116 : memref<1x128xi32, #tpu.memory_space<vmem>> -> memref<128xi32, #tpu.memory_space<vmem>>
        %dma_start3A_118 = arith.constant 0 : i32
        %dma_start3A_119 = arith.constant 0 : i32
        %dma_start3A_120 = tpu.memref_slice %arg11[%dma_start3A_118, %dma_start3A_119] : memref<50008x32xf32, #tpu.memory_space<vmem_shared>> -> memref<50008x32xf32, #tpu.memory_space<vmem_shared>>
        tpu.enqueue_indirect_dma source(%arg14 : memref<128x32xf32, #tpu.memory_space<vmem>>) target(%dma_start3A_120 : memref<50008x32xf32, #tpu.memory_space<vmem_shared>>) offsets(%dma_start3A_117 : memref<128xi32, #tpu.memory_space<vmem>>) semaphore(%run_scoped3A_115 : memref<!tpu.dma_semaphore, #tpu.memory_space<semaphore_mem>>) {add = true}
        %dma_wait3A = arith.constant 0 : i32
        %dma_wait3A_121 = tpu.memref_slice %arg13[%run_scoped3A, %dma_wait3A] : memref<8x128xi32, #tpu.memory_space<vmem>> -> memref<1x128xi32, #tpu.memory_space<vmem>>
        %dma_wait3A_122 = tpu.memref_squeeze %dma_wait3A_121 : memref<1x128xi32, #tpu.memory_space<vmem>> -> memref<128xi32, #tpu.memory_space<vmem>>
        %dma_wait3A_123 = arith.constant 0 : i32
        %dma_wait3A_124 = arith.constant 0 : i32
        %dma_wait3A_125 = tpu.memref_slice %arg11[%dma_wait3A_123, %dma_wait3A_124] : memref<50008x32xf32, #tpu.memory_space<vmem_shared>> -> memref<50008x32xf32, #tpu.memory_space<vmem_shared>>
        tpu.wait_indirect_dma semaphore(%run_scoped3A_115 : memref<!tpu.dma_semaphore, #tpu.memory_space<semaphore_mem>>) src(%arg14 : memref<128x32xf32, #tpu.memory_space<vmem>>) dst(%dma_wait3A_125 : memref<50008x32xf32, #tpu.memory_space<vmem_shared>>)
        tpu.yield
      }) : () -> ()
      %eq3A_38 = arith.constant 0 : i32
      %eq3A_39 = arith.cmpi eq, %arg0, %eq3A_38 : i32
      %convert_element_type3A_40 = arith.extui %eq3A_39 : i1 to i32
      %cond3A_41 = arith.constant 0 : i32
      %cond3A_42 = arith.cmpi ne, %convert_element_type3A_40, %cond3A_41 : i32
      scf.if %cond3A_42 {
        %dma_start3A = arith.constant 1 : i32
        %dma_start3A_115 = arith.constant 0 : i32
        %dma_start3A_116 = tpu.memref_slice %arg12[%dma_start3A, %dma_start3A_115] : memref<8x128xi32, #tpu.memory_space<vmem>> -> memref<1x128xi32, #tpu.memory_space<vmem>>
        %dma_start3A_117 = tpu.memref_squeeze %dma_start3A_116 : memref<1x128xi32, #tpu.memory_space<vmem>> -> memref<128xi32, #tpu.memory_space<vmem>>
        %dma_start3A_118 = arith.constant 0 : i32
        %dma_start3A_119 = arith.constant 0 : i32
        %dma_start3A_120 = tpu.memref_slice %arg2[%dma_start3A_118, %dma_start3A_119] : memref<50000x32xf32, #tpu.memory_space<hbm>> -> memref<50000x32xf32, #tpu.memory_space<hbm>>
        tpu.enqueue_indirect_dma source(%dma_start3A_120 : memref<50000x32xf32, #tpu.memory_space<hbm>>) target(%arg14 : memref<128x32xf32, #tpu.memory_space<vmem>>) offsets(%dma_start3A_117 : memref<128xi32, #tpu.memory_space<vmem>>) semaphore(%arg15 : memref<!tpu.dma_semaphore, #tpu.memory_space<semaphore_mem>>)
        %dma_wait3A = arith.constant 1 : i32
        %dma_wait3A_121 = arith.constant 0 : i32
        %dma_wait3A_122 = tpu.memref_slice %arg12[%dma_wait3A, %dma_wait3A_121] : memref<8x128xi32, #tpu.memory_space<vmem>> -> memref<1x128xi32, #tpu.memory_space<vmem>>
        %dma_wait3A_123 = tpu.memref_squeeze %dma_wait3A_122 : memref<1x128xi32, #tpu.memory_space<vmem>> -> memref<128xi32, #tpu.memory_space<vmem>>
        %dma_wait3A_124 = arith.constant 0 : i32
        %dma_wait3A_125 = arith.constant 0 : i32
        %dma_wait3A_126 = tpu.memref_slice %arg2[%dma_wait3A_124, %dma_wait3A_125] : memref<50000x32xf32, #tpu.memory_space<hbm>> -> memref<50000x32xf32, #tpu.memory_space<hbm>>
        tpu.wait_indirect_dma semaphore(%arg15 : memref<!tpu.dma_semaphore, #tpu.memory_space<semaphore_mem>>) src(%dma_wait3A_126 : memref<50000x32xf32, #tpu.memory_space<hbm>>) dst(%arg14 : memref<128x32xf32, #tpu.memory_space<vmem>>)
      } else {
      }
      %eq3A_43 = arith.constant 1 : i32
      %eq3A_44 = arith.cmpi eq, %arg0, %eq3A_43 : i32
      %convert_element_type3A_45 = arith.extui %eq3A_44 : i1 to i32
      %cond3A_46 = arith.constant 0 : i32
      %cond3A_47 = arith.cmpi ne, %convert_element_type3A_45, %cond3A_46 : i32
      scf.if %cond3A_47 {
        %dma_start3A = arith.constant 1 : i32
        %dma_start3A_115 = arith.constant 0 : i32
        %dma_start3A_116 = tpu.memref_slice %arg12[%dma_start3A, %dma_start3A_115] : memref<8x128xi32, #tpu.memory_space<vmem>> -> memref<1x128xi32, #tpu.memory_space<vmem>>
        %dma_start3A_117 = tpu.memref_squeeze %dma_start3A_116 : memref<1x128xi32, #tpu.memory_space<vmem>> -> memref<128xi32, #tpu.memory_space<vmem>>
        %dma_start3A_118 = arith.constant 0 : i32
        %dma_start3A_119 = arith.constant 0 : i32
        %dma_start3A_120 = tpu.memref_slice %arg3[%dma_start3A_118, %dma_start3A_119] : memref<50000x32xf32, #tpu.memory_space<hbm>> -> memref<50000x32xf32, #tpu.memory_space<hbm>>
        tpu.enqueue_indirect_dma source(%dma_start3A_120 : memref<50000x32xf32, #tpu.memory_space<hbm>>) target(%arg14 : memref<128x32xf32, #tpu.memory_space<vmem>>) offsets(%dma_start3A_117 : memref<128xi32, #tpu.memory_space<vmem>>) semaphore(%arg15 : memref<!tpu.dma_semaphore, #tpu.memory_space<semaphore_mem>>)
        %dma_wait3A = arith.constant 1 : i32
        %dma_wait3A_121 = arith.constant 0 : i32
        %dma_wait3A_122 = tpu.memref_slice %arg12[%dma_wait3A, %dma_wait3A_121] : memref<8x128xi32, #tpu.memory_space<vmem>> -> memref<1x128xi32, #tpu.memory_space<vmem>>
        %dma_wait3A_123 = tpu.memref_squeeze %dma_wait3A_122 : memref<1x128xi32, #tpu.memory_space<vmem>> -> memref<128xi32, #tpu.memory_space<vmem>>
        %dma_wait3A_124 = arith.constant 0 : i32
        %dma_wait3A_125 = arith.constant 0 : i32
        %dma_wait3A_126 = tpu.memref_slice %arg3[%dma_wait3A_124, %dma_wait3A_125] : memref<50000x32xf32, #tpu.memory_space<hbm>> -> memref<50000x32xf32, #tpu.memory_space<hbm>>
        tpu.wait_indirect_dma semaphore(%arg15 : memref<!tpu.dma_semaphore, #tpu.memory_space<semaphore_mem>>) src(%dma_wait3A_126 : memref<50000x32xf32, #tpu.memory_space<hbm>>) dst(%arg14 : memref<128x32xf32, #tpu.memory_space<vmem>>)
      } else {
      }
      %run_scoped3A_48 = arith.constant 1 : i32
      "tpu.region"() ({
        %run_scoped3A_115 = tpu.sem_alloc : memref<!tpu.dma_semaphore, #tpu.memory_space<semaphore_mem>>
        %dma_start3A = arith.constant 0 : i32
        %dma_start3A_116 = tpu.memref_slice %arg13[%run_scoped3A_48, %dma_start3A] : memref<8x128xi32, #tpu.memory_space<vmem>> -> memref<1x128xi32, #tpu.memory_space<vmem>>
        %dma_start3A_117 = tpu.memref_squeeze %dma_start3A_116 : memref<1x128xi32, #tpu.memory_space<vmem>> -> memref<128xi32, #tpu.memory_space<vmem>>
        %dma_start3A_118 = arith.constant 0 : i32
        %dma_start3A_119 = arith.constant 0 : i32
        %dma_start3A_120 = tpu.memref_slice %arg11[%dma_start3A_118, %dma_start3A_119] : memref<50008x32xf32, #tpu.memory_space<vmem_shared>> -> memref<50008x32xf32, #tpu.memory_space<vmem_shared>>
        tpu.enqueue_indirect_dma source(%arg14 : memref<128x32xf32, #tpu.memory_space<vmem>>) target(%dma_start3A_120 : memref<50008x32xf32, #tpu.memory_space<vmem_shared>>) offsets(%dma_start3A_117 : memref<128xi32, #tpu.memory_space<vmem>>) semaphore(%run_scoped3A_115 : memref<!tpu.dma_semaphore, #tpu.memory_space<semaphore_mem>>) {add = true}
        %dma_wait3A = arith.constant 0 : i32
        %dma_wait3A_121 = tpu.memref_slice %arg13[%run_scoped3A_48, %dma_wait3A] : memref<8x128xi32, #tpu.memory_space<vmem>> -> memref<1x128xi32, #tpu.memory_space<vmem>>
        %dma_wait3A_122 = tpu.memref_squeeze %dma_wait3A_121 : memref<1x128xi32, #tpu.memory_space<vmem>> -> memref<128xi32, #tpu.memory_space<vmem>>
        %dma_wait3A_123 = arith.constant 0 : i32
        %dma_wait3A_124 = arith.constant 0 : i32
        %dma_wait3A_125 = tpu.memref_slice %arg11[%dma_wait3A_123, %dma_wait3A_124] : memref<50008x32xf32, #tpu.memory_space<vmem_shared>> -> memref<50008x32xf32, #tpu.memory_space<vmem_shared>>
        tpu.wait_indirect_dma semaphore(%run_scoped3A_115 : memref<!tpu.dma_semaphore, #tpu.memory_space<semaphore_mem>>) src(%arg14 : memref<128x32xf32, #tpu.memory_space<vmem>>) dst(%dma_wait3A_125 : memref<50008x32xf32, #tpu.memory_space<vmem_shared>>)
        tpu.yield
      }) : () -> ()
      %eq3A_49 = arith.constant 0 : i32
      %eq3A_50 = arith.cmpi eq, %arg0, %eq3A_49 : i32
      %convert_element_type3A_51 = arith.extui %eq3A_50 : i1 to i32
      %cond3A_52 = arith.constant 0 : i32
      %cond3A_53 = arith.cmpi ne, %convert_element_type3A_51, %cond3A_52 : i32
      scf.if %cond3A_53 {
        %dma_start3A = arith.constant 2 : i32
        %dma_start3A_115 = arith.constant 0 : i32
        %dma_start3A_116 = tpu.memref_slice %arg12[%dma_start3A, %dma_start3A_115] : memref<8x128xi32, #tpu.memory_space<vmem>> -> memref<1x128xi32, #tpu.memory_space<vmem>>
        %dma_start3A_117 = tpu.memref_squeeze %dma_start3A_116 : memref<1x128xi32, #tpu.memory_space<vmem>> -> memref<128xi32, #tpu.memory_space<vmem>>
        %dma_start3A_118 = arith.constant 0 : i32
        %dma_start3A_119 = arith.constant 0 : i32
        %dma_start3A_120 = tpu.memref_slice %arg2[%dma_start3A_118, %dma_start3A_119] : memref<50000x32xf32, #tpu.memory_space<hbm>> -> memref<50000x32xf32, #tpu.memory_space<hbm>>
        tpu.enqueue_indirect_dma source(%dma_start3A_120 : memref<50000x32xf32, #tpu.memory_space<hbm>>) target(%arg14 : memref<128x32xf32, #tpu.memory_space<vmem>>) offsets(%dma_start3A_117 : memref<128xi32, #tpu.memory_space<vmem>>) semaphore(%arg15 : memref<!tpu.dma_semaphore, #tpu.memory_space<semaphore_mem>>)
        %dma_wait3A = arith.constant 2 : i32
        %dma_wait3A_121 = arith.constant 0 : i32
        %dma_wait3A_122 = tpu.memref_slice %arg12[%dma_wait3A, %dma_wait3A_121] : memref<8x128xi32, #tpu.memory_space<vmem>> -> memref<1x128xi32, #tpu.memory_space<vmem>>
        %dma_wait3A_123 = tpu.memref_squeeze %dma_wait3A_122 : memref<1x128xi32, #tpu.memory_space<vmem>> -> memref<128xi32, #tpu.memory_space<vmem>>
        %dma_wait3A_124 = arith.constant 0 : i32
        %dma_wait3A_125 = arith.constant 0 : i32
        %dma_wait3A_126 = tpu.memref_slice %arg2[%dma_wait3A_124, %dma_wait3A_125] : memref<50000x32xf32, #tpu.memory_space<hbm>> -> memref<50000x32xf32, #tpu.memory_space<hbm>>
        tpu.wait_indirect_dma semaphore(%arg15 : memref<!tpu.dma_semaphore, #tpu.memory_space<semaphore_mem>>) src(%dma_wait3A_126 : memref<50000x32xf32, #tpu.memory_space<hbm>>) dst(%arg14 : memref<128x32xf32, #tpu.memory_space<vmem>>)
      } else {
      }
      %eq3A_54 = arith.constant 1 : i32
      %eq3A_55 = arith.cmpi eq, %arg0, %eq3A_54 : i32
      %convert_element_type3A_56 = arith.extui %eq3A_55 : i1 to i32
      %cond3A_57 = arith.constant 0 : i32
      %cond3A_58 = arith.cmpi ne, %convert_element_type3A_56, %cond3A_57 : i32
      scf.if %cond3A_58 {
        %dma_start3A = arith.constant 2 : i32
        %dma_start3A_115 = arith.constant 0 : i32
        %dma_start3A_116 = tpu.memref_slice %arg12[%dma_start3A, %dma_start3A_115] : memref<8x128xi32, #tpu.memory_space<vmem>> -> memref<1x128xi32, #tpu.memory_space<vmem>>
        %dma_start3A_117 = tpu.memref_squeeze %dma_start3A_116 : memref<1x128xi32, #tpu.memory_space<vmem>> -> memref<128xi32, #tpu.memory_space<vmem>>
        %dma_start3A_118 = arith.constant 0 : i32
        %dma_start3A_119 = arith.constant 0 : i32
        %dma_start3A_120 = tpu.memref_slice %arg3[%dma_start3A_118, %dma_start3A_119] : memref<50000x32xf32, #tpu.memory_space<hbm>> -> memref<50000x32xf32, #tpu.memory_space<hbm>>
        tpu.enqueue_indirect_dma source(%dma_start3A_120 : memref<50000x32xf32, #tpu.memory_space<hbm>>) target(%arg14 : memref<128x32xf32, #tpu.memory_space<vmem>>) offsets(%dma_start3A_117 : memref<128xi32, #tpu.memory_space<vmem>>) semaphore(%arg15 : memref<!tpu.dma_semaphore, #tpu.memory_space<semaphore_mem>>)
        %dma_wait3A = arith.constant 2 : i32
        %dma_wait3A_121 = arith.constant 0 : i32
        %dma_wait3A_122 = tpu.memref_slice %arg12[%dma_wait3A, %dma_wait3A_121] : memref<8x128xi32, #tpu.memory_space<vmem>> -> memref<1x128xi32, #tpu.memory_space<vmem>>
        %dma_wait3A_123 = tpu.memref_squeeze %dma_wait3A_122 : memref<1x128xi32, #tpu.memory_space<vmem>> -> memref<128xi32, #tpu.memory_space<vmem>>
        %dma_wait3A_124 = arith.constant 0 : i32
        %dma_wait3A_125 = arith.constant 0 : i32
        %dma_wait3A_126 = tpu.memref_slice %arg3[%dma_wait3A_124, %dma_wait3A_125] : memref<50000x32xf32, #tpu.memory_space<hbm>> -> memref<50000x32xf32, #tpu.memory_space<hbm>>
        tpu.wait_indirect_dma semaphore(%arg15 : memref<!tpu.dma_semaphore, #tpu.memory_space<semaphore_mem>>) src(%dma_wait3A_126 : memref<50000x32xf32, #tpu.memory_space<hbm>>) dst(%arg14 : memref<128x32xf32, #tpu.memory_space<vmem>>)
      } else {
      }
      %run_scoped3A_59 = arith.constant 2 : i32
      "tpu.region"() ({
        %run_scoped3A_115 = tpu.sem_alloc : memref<!tpu.dma_semaphore, #tpu.memory_space<semaphore_mem>>
        %dma_start3A = arith.constant 0 : i32
        %dma_start3A_116 = tpu.memref_slice %arg13[%run_scoped3A_59, %dma_start3A] : memref<8x128xi32, #tpu.memory_space<vmem>> -> memref<1x128xi32, #tpu.memory_space<vmem>>
        %dma_start3A_117 = tpu.memref_squeeze %dma_start3A_116 : memref<1x128xi32, #tpu.memory_space<vmem>> -> memref<128xi32, #tpu.memory_space<vmem>>
        %dma_start3A_118 = arith.constant 0 : i32
        %dma_start3A_119 = arith.constant 0 : i32
        %dma_start3A_120 = tpu.memref_slice %arg11[%dma_start3A_118, %dma_start3A_119] : memref<50008x32xf32, #tpu.memory_space<vmem_shared>> -> memref<50008x32xf32, #tpu.memory_space<vmem_shared>>
        tpu.enqueue_indirect_dma source(%arg14 : memref<128x32xf32, #tpu.memory_space<vmem>>) target(%dma_start3A_120 : memref<50008x32xf32, #tpu.memory_space<vmem_shared>>) offsets(%dma_start3A_117 : memref<128xi32, #tpu.memory_space<vmem>>) semaphore(%run_scoped3A_115 : memref<!tpu.dma_semaphore, #tpu.memory_space<semaphore_mem>>) {add = true}
        %dma_wait3A = arith.constant 0 : i32
        %dma_wait3A_121 = tpu.memref_slice %arg13[%run_scoped3A_59, %dma_wait3A] : memref<8x128xi32, #tpu.memory_space<vmem>> -> memref<1x128xi32, #tpu.memory_space<vmem>>
        %dma_wait3A_122 = tpu.memref_squeeze %dma_wait3A_121 : memref<1x128xi32, #tpu.memory_space<vmem>> -> memref<128xi32, #tpu.memory_space<vmem>>
        %dma_wait3A_123 = arith.constant 0 : i32
        %dma_wait3A_124 = arith.constant 0 : i32
        %dma_wait3A_125 = tpu.memref_slice %arg11[%dma_wait3A_123, %dma_wait3A_124] : memref<50008x32xf32, #tpu.memory_space<vmem_shared>> -> memref<50008x32xf32, #tpu.memory_space<vmem_shared>>
        tpu.wait_indirect_dma semaphore(%run_scoped3A_115 : memref<!tpu.dma_semaphore, #tpu.memory_space<semaphore_mem>>) src(%arg14 : memref<128x32xf32, #tpu.memory_space<vmem>>) dst(%dma_wait3A_125 : memref<50008x32xf32, #tpu.memory_space<vmem_shared>>)
        tpu.yield
      }) : () -> ()
      %eq3A_60 = arith.constant 0 : i32
      %eq3A_61 = arith.cmpi eq, %arg0, %eq3A_60 : i32
      %convert_element_type3A_62 = arith.extui %eq3A_61 : i1 to i32
      %cond3A_63 = arith.constant 0 : i32
      %cond3A_64 = arith.cmpi ne, %convert_element_type3A_62, %cond3A_63 : i32
      scf.if %cond3A_64 {
        %dma_start3A = arith.constant 3 : i32
        %dma_start3A_115 = arith.constant 0 : i32
        %dma_start3A_116 = tpu.memref_slice %arg12[%dma_start3A, %dma_start3A_115] : memref<8x128xi32, #tpu.memory_space<vmem>> -> memref<1x128xi32, #tpu.memory_space<vmem>>
        %dma_start3A_117 = tpu.memref_squeeze %dma_start3A_116 : memref<1x128xi32, #tpu.memory_space<vmem>> -> memref<128xi32, #tpu.memory_space<vmem>>
        %dma_start3A_118 = arith.constant 0 : i32
        %dma_start3A_119 = arith.constant 0 : i32
        %dma_start3A_120 = tpu.memref_slice %arg2[%dma_start3A_118, %dma_start3A_119] : memref<50000x32xf32, #tpu.memory_space<hbm>> -> memref<50000x32xf32, #tpu.memory_space<hbm>>
        tpu.enqueue_indirect_dma source(%dma_start3A_120 : memref<50000x32xf32, #tpu.memory_space<hbm>>) target(%arg14 : memref<128x32xf32, #tpu.memory_space<vmem>>) offsets(%dma_start3A_117 : memref<128xi32, #tpu.memory_space<vmem>>) semaphore(%arg15 : memref<!tpu.dma_semaphore, #tpu.memory_space<semaphore_mem>>)
        %dma_wait3A = arith.constant 3 : i32
        %dma_wait3A_121 = arith.constant 0 : i32
        %dma_wait3A_122 = tpu.memref_slice %arg12[%dma_wait3A, %dma_wait3A_121] : memref<8x128xi32, #tpu.memory_space<vmem>> -> memref<1x128xi32, #tpu.memory_space<vmem>>
        %dma_wait3A_123 = tpu.memref_squeeze %dma_wait3A_122 : memref<1x128xi32, #tpu.memory_space<vmem>> -> memref<128xi32, #tpu.memory_space<vmem>>
        %dma_wait3A_124 = arith.constant 0 : i32
        %dma_wait3A_125 = arith.constant 0 : i32
        %dma_wait3A_126 = tpu.memref_slice %arg2[%dma_wait3A_124, %dma_wait3A_125] : memref<50000x32xf32, #tpu.memory_space<hbm>> -> memref<50000x32xf32, #tpu.memory_space<hbm>>
        tpu.wait_indirect_dma semaphore(%arg15 : memref<!tpu.dma_semaphore, #tpu.memory_space<semaphore_mem>>) src(%dma_wait3A_126 : memref<50000x32xf32, #tpu.memory_space<hbm>>) dst(%arg14 : memref<128x32xf32, #tpu.memory_space<vmem>>)
      } else {
      }
      %eq3A_65 = arith.constant 1 : i32
      %eq3A_66 = arith.cmpi eq, %arg0, %eq3A_65 : i32
      %convert_element_type3A_67 = arith.extui %eq3A_66 : i1 to i32
      %cond3A_68 = arith.constant 0 : i32
      %cond3A_69 = arith.cmpi ne, %convert_element_type3A_67, %cond3A_68 : i32
      scf.if %cond3A_69 {
        %dma_start3A = arith.constant 3 : i32
        %dma_start3A_115 = arith.constant 0 : i32
        %dma_start3A_116 = tpu.memref_slice %arg12[%dma_start3A, %dma_start3A_115] : memref<8x128xi32, #tpu.memory_space<vmem>> -> memref<1x128xi32, #tpu.memory_space<vmem>>
        %dma_start3A_117 = tpu.memref_squeeze %dma_start3A_116 : memref<1x128xi32, #tpu.memory_space<vmem>> -> memref<128xi32, #tpu.memory_space<vmem>>
        %dma_start3A_118 = arith.constant 0 : i32
        %dma_start3A_119 = arith.constant 0 : i32
        %dma_start3A_120 = tpu.memref_slice %arg3[%dma_start3A_118, %dma_start3A_119] : memref<50000x32xf32, #tpu.memory_space<hbm>> -> memref<50000x32xf32, #tpu.memory_space<hbm>>
        tpu.enqueue_indirect_dma source(%dma_start3A_120 : memref<50000x32xf32, #tpu.memory_space<hbm>>) target(%arg14 : memref<128x32xf32, #tpu.memory_space<vmem>>) offsets(%dma_start3A_117 : memref<128xi32, #tpu.memory_space<vmem>>) semaphore(%arg15 : memref<!tpu.dma_semaphore, #tpu.memory_space<semaphore_mem>>)
        %dma_wait3A = arith.constant 3 : i32
        %dma_wait3A_121 = arith.constant 0 : i32
        %dma_wait3A_122 = tpu.memref_slice %arg12[%dma_wait3A, %dma_wait3A_121] : memref<8x128xi32, #tpu.memory_space<vmem>> -> memref<1x128xi32, #tpu.memory_space<vmem>>
        %dma_wait3A_123 = tpu.memref_squeeze %dma_wait3A_122 : memref<1x128xi32, #tpu.memory_space<vmem>> -> memref<128xi32, #tpu.memory_space<vmem>>
        %dma_wait3A_124 = arith.constant 0 : i32
        %dma_wait3A_125 = arith.constant 0 : i32
        %dma_wait3A_126 = tpu.memref_slice %arg3[%dma_wait3A_124, %dma_wait3A_125] : memref<50000x32xf32, #tpu.memory_space<hbm>> -> memref<50000x32xf32, #tpu.memory_space<hbm>>
        tpu.wait_indirect_dma semaphore(%arg15 : memref<!tpu.dma_semaphore, #tpu.memory_space<semaphore_mem>>) src(%dma_wait3A_126 : memref<50000x32xf32, #tpu.memory_space<hbm>>) dst(%arg14 : memref<128x32xf32, #tpu.memory_space<vmem>>)
      } else {
      }
      %run_scoped3A_70 = arith.constant 3 : i32
      "tpu.region"() ({
        %run_scoped3A_115 = tpu.sem_alloc : memref<!tpu.dma_semaphore, #tpu.memory_space<semaphore_mem>>
        %dma_start3A = arith.constant 0 : i32
        %dma_start3A_116 = tpu.memref_slice %arg13[%run_scoped3A_70, %dma_start3A] : memref<8x128xi32, #tpu.memory_space<vmem>> -> memref<1x128xi32, #tpu.memory_space<vmem>>
        %dma_start3A_117 = tpu.memref_squeeze %dma_start3A_116 : memref<1x128xi32, #tpu.memory_space<vmem>> -> memref<128xi32, #tpu.memory_space<vmem>>
        %dma_start3A_118 = arith.constant 0 : i32
        %dma_start3A_119 = arith.constant 0 : i32
        %dma_start3A_120 = tpu.memref_slice %arg11[%dma_start3A_118, %dma_start3A_119] : memref<50008x32xf32, #tpu.memory_space<vmem_shared>> -> memref<50008x32xf32, #tpu.memory_space<vmem_shared>>
        tpu.enqueue_indirect_dma source(%arg14 : memref<128x32xf32, #tpu.memory_space<vmem>>) target(%dma_start3A_120 : memref<50008x32xf32, #tpu.memory_space<vmem_shared>>) offsets(%dma_start3A_117 : memref<128xi32, #tpu.memory_space<vmem>>) semaphore(%run_scoped3A_115 : memref<!tpu.dma_semaphore, #tpu.memory_space<semaphore_mem>>) {add = true}
        %dma_wait3A = arith.constant 0 : i32
        %dma_wait3A_121 = tpu.memref_slice %arg13[%run_scoped3A_70, %dma_wait3A] : memref<8x128xi32, #tpu.memory_space<vmem>> -> memref<1x128xi32, #tpu.memory_space<vmem>>
        %dma_wait3A_122 = tpu.memref_squeeze %dma_wait3A_121 : memref<1x128xi32, #tpu.memory_space<vmem>> -> memref<128xi32, #tpu.memory_space<vmem>>
        %dma_wait3A_123 = arith.constant 0 : i32
        %dma_wait3A_124 = arith.constant 0 : i32
        %dma_wait3A_125 = tpu.memref_slice %arg11[%dma_wait3A_123, %dma_wait3A_124] : memref<50008x32xf32, #tpu.memory_space<vmem_shared>> -> memref<50008x32xf32, #tpu.memory_space<vmem_shared>>
        tpu.wait_indirect_dma semaphore(%run_scoped3A_115 : memref<!tpu.dma_semaphore, #tpu.memory_space<semaphore_mem>>) src(%arg14 : memref<128x32xf32, #tpu.memory_space<vmem>>) dst(%dma_wait3A_125 : memref<50008x32xf32, #tpu.memory_space<vmem_shared>>)
        tpu.yield
      }) : () -> ()
      %eq3A_71 = arith.constant 0 : i32
      %eq3A_72 = arith.cmpi eq, %arg0, %eq3A_71 : i32
      %convert_element_type3A_73 = arith.extui %eq3A_72 : i1 to i32
      %cond3A_74 = arith.constant 0 : i32
      %cond3A_75 = arith.cmpi ne, %convert_element_type3A_73, %cond3A_74 : i32
      scf.if %cond3A_75 {
        %dma_start3A = arith.constant 4 : i32
        %dma_start3A_115 = arith.constant 0 : i32
        %dma_start3A_116 = tpu.memref_slice %arg12[%dma_start3A, %dma_start3A_115] : memref<8x128xi32, #tpu.memory_space<vmem>> -> memref<1x128xi32, #tpu.memory_space<vmem>>
        %dma_start3A_117 = tpu.memref_squeeze %dma_start3A_116 : memref<1x128xi32, #tpu.memory_space<vmem>> -> memref<128xi32, #tpu.memory_space<vmem>>
        %dma_start3A_118 = arith.constant 0 : i32
        %dma_start3A_119 = arith.constant 0 : i32
        %dma_start3A_120 = tpu.memref_slice %arg2[%dma_start3A_118, %dma_start3A_119] : memref<50000x32xf32, #tpu.memory_space<hbm>> -> memref<50000x32xf32, #tpu.memory_space<hbm>>
        tpu.enqueue_indirect_dma source(%dma_start3A_120 : memref<50000x32xf32, #tpu.memory_space<hbm>>) target(%arg14 : memref<128x32xf32, #tpu.memory_space<vmem>>) offsets(%dma_start3A_117 : memref<128xi32, #tpu.memory_space<vmem>>) semaphore(%arg15 : memref<!tpu.dma_semaphore, #tpu.memory_space<semaphore_mem>>)
        %dma_wait3A = arith.constant 4 : i32
        %dma_wait3A_121 = arith.constant 0 : i32
        %dma_wait3A_122 = tpu.memref_slice %arg12[%dma_wait3A, %dma_wait3A_121] : memref<8x128xi32, #tpu.memory_space<vmem>> -> memref<1x128xi32, #tpu.memory_space<vmem>>
        %dma_wait3A_123 = tpu.memref_squeeze %dma_wait3A_122 : memref<1x128xi32, #tpu.memory_space<vmem>> -> memref<128xi32, #tpu.memory_space<vmem>>
        %dma_wait3A_124 = arith.constant 0 : i32
        %dma_wait3A_125 = arith.constant 0 : i32
        %dma_wait3A_126 = tpu.memref_slice %arg2[%dma_wait3A_124, %dma_wait3A_125] : memref<50000x32xf32, #tpu.memory_space<hbm>> -> memref<50000x32xf32, #tpu.memory_space<hbm>>
        tpu.wait_indirect_dma semaphore(%arg15 : memref<!tpu.dma_semaphore, #tpu.memory_space<semaphore_mem>>) src(%dma_wait3A_126 : memref<50000x32xf32, #tpu.memory_space<hbm>>) dst(%arg14 : memref<128x32xf32, #tpu.memory_space<vmem>>)
      } else {
      }
      %eq3A_76 = arith.constant 1 : i32
      %eq3A_77 = arith.cmpi eq, %arg0, %eq3A_76 : i32
      %convert_element_type3A_78 = arith.extui %eq3A_77 : i1 to i32
      %cond3A_79 = arith.constant 0 : i32
      %cond3A_80 = arith.cmpi ne, %convert_element_type3A_78, %cond3A_79 : i32
      scf.if %cond3A_80 {
        %dma_start3A = arith.constant 4 : i32
        %dma_start3A_115 = arith.constant 0 : i32
        %dma_start3A_116 = tpu.memref_slice %arg12[%dma_start3A, %dma_start3A_115] : memref<8x128xi32, #tpu.memory_space<vmem>> -> memref<1x128xi32, #tpu.memory_space<vmem>>
        %dma_start3A_117 = tpu.memref_squeeze %dma_start3A_116 : memref<1x128xi32, #tpu.memory_space<vmem>> -> memref<128xi32, #tpu.memory_space<vmem>>
        %dma_start3A_118 = arith.constant 0 : i32
        %dma_start3A_119 = arith.constant 0 : i32
        %dma_start3A_120 = tpu.memref_slice %arg3[%dma_start3A_118, %dma_start3A_119] : memref<50000x32xf32, #tpu.memory_space<hbm>> -> memref<50000x32xf32, #tpu.memory_space<hbm>>
        tpu.enqueue_indirect_dma source(%dma_start3A_120 : memref<50000x32xf32, #tpu.memory_space<hbm>>) target(%arg14 : memref<128x32xf32, #tpu.memory_space<vmem>>) offsets(%dma_start3A_117 : memref<128xi32, #tpu.memory_space<vmem>>) semaphore(%arg15 : memref<!tpu.dma_semaphore, #tpu.memory_space<semaphore_mem>>)
        %dma_wait3A = arith.constant 4 : i32
        %dma_wait3A_121 = arith.constant 0 : i32
        %dma_wait3A_122 = tpu.memref_slice %arg12[%dma_wait3A, %dma_wait3A_121] : memref<8x128xi32, #tpu.memory_space<vmem>> -> memref<1x128xi32, #tpu.memory_space<vmem>>
        %dma_wait3A_123 = tpu.memref_squeeze %dma_wait3A_122 : memref<1x128xi32, #tpu.memory_space<vmem>> -> memref<128xi32, #tpu.memory_space<vmem>>
        %dma_wait3A_124 = arith.constant 0 : i32
        %dma_wait3A_125 = arith.constant 0 : i32
        %dma_wait3A_126 = tpu.memref_slice %arg3[%dma_wait3A_124, %dma_wait3A_125] : memref<50000x32xf32, #tpu.memory_space<hbm>> -> memref<50000x32xf32, #tpu.memory_space<hbm>>
        tpu.wait_indirect_dma semaphore(%arg15 : memref<!tpu.dma_semaphore, #tpu.memory_space<semaphore_mem>>) src(%dma_wait3A_126 : memref<50000x32xf32, #tpu.memory_space<hbm>>) dst(%arg14 : memref<128x32xf32, #tpu.memory_space<vmem>>)
      } else {
      }
      %run_scoped3A_81 = arith.constant 4 : i32
      "tpu.region"() ({
        %run_scoped3A_115 = tpu.sem_alloc : memref<!tpu.dma_semaphore, #tpu.memory_space<semaphore_mem>>
        %dma_start3A = arith.constant 0 : i32
        %dma_start3A_116 = tpu.memref_slice %arg13[%run_scoped3A_81, %dma_start3A] : memref<8x128xi32, #tpu.memory_space<vmem>> -> memref<1x128xi32, #tpu.memory_space<vmem>>
        %dma_start3A_117 = tpu.memref_squeeze %dma_start3A_116 : memref<1x128xi32, #tpu.memory_space<vmem>> -> memref<128xi32, #tpu.memory_space<vmem>>
        %dma_start3A_118 = arith.constant 0 : i32
        %dma_start3A_119 = arith.constant 0 : i32
        %dma_start3A_120 = tpu.memref_slice %arg11[%dma_start3A_118, %dma_start3A_119] : memref<50008x32xf32, #tpu.memory_space<vmem_shared>> -> memref<50008x32xf32, #tpu.memory_space<vmem_shared>>
        tpu.enqueue_indirect_dma source(%arg14 : memref<128x32xf32, #tpu.memory_space<vmem>>) target(%dma_start3A_120 : memref<50008x32xf32, #tpu.memory_space<vmem_shared>>) offsets(%dma_start3A_117 : memref<128xi32, #tpu.memory_space<vmem>>) semaphore(%run_scoped3A_115 : memref<!tpu.dma_semaphore, #tpu.memory_space<semaphore_mem>>) {add = true}
        %dma_wait3A = arith.constant 0 : i32
        %dma_wait3A_121 = tpu.memref_slice %arg13[%run_scoped3A_81, %dma_wait3A] : memref<8x128xi32, #tpu.memory_space<vmem>> -> memref<1x128xi32, #tpu.memory_space<vmem>>
        %dma_wait3A_122 = tpu.memref_squeeze %dma_wait3A_121 : memref<1x128xi32, #tpu.memory_space<vmem>> -> memref<128xi32, #tpu.memory_space<vmem>>
        %dma_wait3A_123 = arith.constant 0 : i32
        %dma_wait3A_124 = arith.constant 0 : i32
        %dma_wait3A_125 = tpu.memref_slice %arg11[%dma_wait3A_123, %dma_wait3A_124] : memref<50008x32xf32, #tpu.memory_space<vmem_shared>> -> memref<50008x32xf32, #tpu.memory_space<vmem_shared>>
        tpu.wait_indirect_dma semaphore(%run_scoped3A_115 : memref<!tpu.dma_semaphore, #tpu.memory_space<semaphore_mem>>) src(%arg14 : memref<128x32xf32, #tpu.memory_space<vmem>>) dst(%dma_wait3A_125 : memref<50008x32xf32, #tpu.memory_space<vmem_shared>>)
        tpu.yield
      }) : () -> ()
      %eq3A_82 = arith.constant 0 : i32
      %eq3A_83 = arith.cmpi eq, %arg0, %eq3A_82 : i32
      %convert_element_type3A_84 = arith.extui %eq3A_83 : i1 to i32
      %cond3A_85 = arith.constant 0 : i32
      %cond3A_86 = arith.cmpi ne, %convert_element_type3A_84, %cond3A_85 : i32
      scf.if %cond3A_86 {
        %dma_start3A = arith.constant 5 : i32
        %dma_start3A_115 = arith.constant 0 : i32
        %dma_start3A_116 = tpu.memref_slice %arg12[%dma_start3A, %dma_start3A_115] : memref<8x128xi32, #tpu.memory_space<vmem>> -> memref<1x128xi32, #tpu.memory_space<vmem>>
        %dma_start3A_117 = tpu.memref_squeeze %dma_start3A_116 : memref<1x128xi32, #tpu.memory_space<vmem>> -> memref<128xi32, #tpu.memory_space<vmem>>
        %dma_start3A_118 = arith.constant 0 : i32
        %dma_start3A_119 = arith.constant 0 : i32
        %dma_start3A_120 = tpu.memref_slice %arg2[%dma_start3A_118, %dma_start3A_119] : memref<50000x32xf32, #tpu.memory_space<hbm>> -> memref<50000x32xf32, #tpu.memory_space<hbm>>
        tpu.enqueue_indirect_dma source(%dma_start3A_120 : memref<50000x32xf32, #tpu.memory_space<hbm>>) target(%arg14 : memref<128x32xf32, #tpu.memory_space<vmem>>) offsets(%dma_start3A_117 : memref<128xi32, #tpu.memory_space<vmem>>) semaphore(%arg15 : memref<!tpu.dma_semaphore, #tpu.memory_space<semaphore_mem>>)
        %dma_wait3A = arith.constant 5 : i32
        %dma_wait3A_121 = arith.constant 0 : i32
        %dma_wait3A_122 = tpu.memref_slice %arg12[%dma_wait3A, %dma_wait3A_121] : memref<8x128xi32, #tpu.memory_space<vmem>> -> memref<1x128xi32, #tpu.memory_space<vmem>>
        %dma_wait3A_123 = tpu.memref_squeeze %dma_wait3A_122 : memref<1x128xi32, #tpu.memory_space<vmem>> -> memref<128xi32, #tpu.memory_space<vmem>>
        %dma_wait3A_124 = arith.constant 0 : i32
        %dma_wait3A_125 = arith.constant 0 : i32
        %dma_wait3A_126 = tpu.memref_slice %arg2[%dma_wait3A_124, %dma_wait3A_125] : memref<50000x32xf32, #tpu.memory_space<hbm>> -> memref<50000x32xf32, #tpu.memory_space<hbm>>
        tpu.wait_indirect_dma semaphore(%arg15 : memref<!tpu.dma_semaphore, #tpu.memory_space<semaphore_mem>>) src(%dma_wait3A_126 : memref<50000x32xf32, #tpu.memory_space<hbm>>) dst(%arg14 : memref<128x32xf32, #tpu.memory_space<vmem>>)
      } else {
      }
      %eq3A_87 = arith.constant 1 : i32
      %eq3A_88 = arith.cmpi eq, %arg0, %eq3A_87 : i32
      %convert_element_type3A_89 = arith.extui %eq3A_88 : i1 to i32
      %cond3A_90 = arith.constant 0 : i32
      %cond3A_91 = arith.cmpi ne, %convert_element_type3A_89, %cond3A_90 : i32
      scf.if %cond3A_91 {
        %dma_start3A = arith.constant 5 : i32
        %dma_start3A_115 = arith.constant 0 : i32
        %dma_start3A_116 = tpu.memref_slice %arg12[%dma_start3A, %dma_start3A_115] : memref<8x128xi32, #tpu.memory_space<vmem>> -> memref<1x128xi32, #tpu.memory_space<vmem>>
        %dma_start3A_117 = tpu.memref_squeeze %dma_start3A_116 : memref<1x128xi32, #tpu.memory_space<vmem>> -> memref<128xi32, #tpu.memory_space<vmem>>
        %dma_start3A_118 = arith.constant 0 : i32
        %dma_start3A_119 = arith.constant 0 : i32
        %dma_start3A_120 = tpu.memref_slice %arg3[%dma_start3A_118, %dma_start3A_119] : memref<50000x32xf32, #tpu.memory_space<hbm>> -> memref<50000x32xf32, #tpu.memory_space<hbm>>
        tpu.enqueue_indirect_dma source(%dma_start3A_120 : memref<50000x32xf32, #tpu.memory_space<hbm>>) target(%arg14 : memref<128x32xf32, #tpu.memory_space<vmem>>) offsets(%dma_start3A_117 : memref<128xi32, #tpu.memory_space<vmem>>) semaphore(%arg15 : memref<!tpu.dma_semaphore, #tpu.memory_space<semaphore_mem>>)
        %dma_wait3A = arith.constant 5 : i32
        %dma_wait3A_121 = arith.constant 0 : i32
        %dma_wait3A_122 = tpu.memref_slice %arg12[%dma_wait3A, %dma_wait3A_121] : memref<8x128xi32, #tpu.memory_space<vmem>> -> memref<1x128xi32, #tpu.memory_space<vmem>>
        %dma_wait3A_123 = tpu.memref_squeeze %dma_wait3A_122 : memref<1x128xi32, #tpu.memory_space<vmem>> -> memref<128xi32, #tpu.memory_space<vmem>>
        %dma_wait3A_124 = arith.constant 0 : i32
        %dma_wait3A_125 = arith.constant 0 : i32
        %dma_wait3A_126 = tpu.memref_slice %arg3[%dma_wait3A_124, %dma_wait3A_125] : memref<50000x32xf32, #tpu.memory_space<hbm>> -> memref<50000x32xf32, #tpu.memory_space<hbm>>
        tpu.wait_indirect_dma semaphore(%arg15 : memref<!tpu.dma_semaphore, #tpu.memory_space<semaphore_mem>>) src(%dma_wait3A_126 : memref<50000x32xf32, #tpu.memory_space<hbm>>) dst(%arg14 : memref<128x32xf32, #tpu.memory_space<vmem>>)
      } else {
      }
      %run_scoped3A_92 = arith.constant 5 : i32
      "tpu.region"() ({
        %run_scoped3A_115 = tpu.sem_alloc : memref<!tpu.dma_semaphore, #tpu.memory_space<semaphore_mem>>
        %dma_start3A = arith.constant 0 : i32
        %dma_start3A_116 = tpu.memref_slice %arg13[%run_scoped3A_92, %dma_start3A] : memref<8x128xi32, #tpu.memory_space<vmem>> -> memref<1x128xi32, #tpu.memory_space<vmem>>
        %dma_start3A_117 = tpu.memref_squeeze %dma_start3A_116 : memref<1x128xi32, #tpu.memory_space<vmem>> -> memref<128xi32, #tpu.memory_space<vmem>>
        %dma_start3A_118 = arith.constant 0 : i32
        %dma_start3A_119 = arith.constant 0 : i32
        %dma_start3A_120 = tpu.memref_slice %arg11[%dma_start3A_118, %dma_start3A_119] : memref<50008x32xf32, #tpu.memory_space<vmem_shared>> -> memref<50008x32xf32, #tpu.memory_space<vmem_shared>>
        tpu.enqueue_indirect_dma source(%arg14 : memref<128x32xf32, #tpu.memory_space<vmem>>) target(%dma_start3A_120 : memref<50008x32xf32, #tpu.memory_space<vmem_shared>>) offsets(%dma_start3A_117 : memref<128xi32, #tpu.memory_space<vmem>>) semaphore(%run_scoped3A_115 : memref<!tpu.dma_semaphore, #tpu.memory_space<semaphore_mem>>) {add = true}
        %dma_wait3A = arith.constant 0 : i32
        %dma_wait3A_121 = tpu.memref_slice %arg13[%run_scoped3A_92, %dma_wait3A] : memref<8x128xi32, #tpu.memory_space<vmem>> -> memref<1x128xi32, #tpu.memory_space<vmem>>
        %dma_wait3A_122 = tpu.memref_squeeze %dma_wait3A_121 : memref<1x128xi32, #tpu.memory_space<vmem>> -> memref<128xi32, #tpu.memory_space<vmem>>
        %dma_wait3A_123 = arith.constant 0 : i32
        %dma_wait3A_124 = arith.constant 0 : i32
        %dma_wait3A_125 = tpu.memref_slice %arg11[%dma_wait3A_123, %dma_wait3A_124] : memref<50008x32xf32, #tpu.memory_space<vmem_shared>> -> memref<50008x32xf32, #tpu.memory_space<vmem_shared>>
        tpu.wait_indirect_dma semaphore(%run_scoped3A_115 : memref<!tpu.dma_semaphore, #tpu.memory_space<semaphore_mem>>) src(%arg14 : memref<128x32xf32, #tpu.memory_space<vmem>>) dst(%dma_wait3A_125 : memref<50008x32xf32, #tpu.memory_space<vmem_shared>>)
        tpu.yield
      }) : () -> ()
      %eq3A_93 = arith.constant 0 : i32
      %eq3A_94 = arith.cmpi eq, %arg0, %eq3A_93 : i32
      %convert_element_type3A_95 = arith.extui %eq3A_94 : i1 to i32
      %cond3A_96 = arith.constant 0 : i32
      %cond3A_97 = arith.cmpi ne, %convert_element_type3A_95, %cond3A_96 : i32
      scf.if %cond3A_97 {
        %dma_start3A = arith.constant 6 : i32
        %dma_start3A_115 = arith.constant 0 : i32
        %dma_start3A_116 = tpu.memref_slice %arg12[%dma_start3A, %dma_start3A_115] : memref<8x128xi32, #tpu.memory_space<vmem>> -> memref<1x128xi32, #tpu.memory_space<vmem>>
        %dma_start3A_117 = tpu.memref_squeeze %dma_start3A_116 : memref<1x128xi32, #tpu.memory_space<vmem>> -> memref<128xi32, #tpu.memory_space<vmem>>
        %dma_start3A_118 = arith.constant 0 : i32
        %dma_start3A_119 = arith.constant 0 : i32
        %dma_start3A_120 = tpu.memref_slice %arg2[%dma_start3A_118, %dma_start3A_119] : memref<50000x32xf32, #tpu.memory_space<hbm>> -> memref<50000x32xf32, #tpu.memory_space<hbm>>
        tpu.enqueue_indirect_dma source(%dma_start3A_120 : memref<50000x32xf32, #tpu.memory_space<hbm>>) target(%arg14 : memref<128x32xf32, #tpu.memory_space<vmem>>) offsets(%dma_start3A_117 : memref<128xi32, #tpu.memory_space<vmem>>) semaphore(%arg15 : memref<!tpu.dma_semaphore, #tpu.memory_space<semaphore_mem>>)
        %dma_wait3A = arith.constant 6 : i32
        %dma_wait3A_121 = arith.constant 0 : i32
        %dma_wait3A_122 = tpu.memref_slice %arg12[%dma_wait3A, %dma_wait3A_121] : memref<8x128xi32, #tpu.memory_space<vmem>> -> memref<1x128xi32, #tpu.memory_space<vmem>>
        %dma_wait3A_123 = tpu.memref_squeeze %dma_wait3A_122 : memref<1x128xi32, #tpu.memory_space<vmem>> -> memref<128xi32, #tpu.memory_space<vmem>>
        %dma_wait3A_124 = arith.constant 0 : i32
        %dma_wait3A_125 = arith.constant 0 : i32
        %dma_wait3A_126 = tpu.memref_slice %arg2[%dma_wait3A_124, %dma_wait3A_125] : memref<50000x32xf32, #tpu.memory_space<hbm>> -> memref<50000x32xf32, #tpu.memory_space<hbm>>
        tpu.wait_indirect_dma semaphore(%arg15 : memref<!tpu.dma_semaphore, #tpu.memory_space<semaphore_mem>>) src(%dma_wait3A_126 : memref<50000x32xf32, #tpu.memory_space<hbm>>) dst(%arg14 : memref<128x32xf32, #tpu.memory_space<vmem>>)
      } else {
      }
      %eq3A_98 = arith.constant 1 : i32
      %eq3A_99 = arith.cmpi eq, %arg0, %eq3A_98 : i32
      %convert_element_type3A_100 = arith.extui %eq3A_99 : i1 to i32
      %cond3A_101 = arith.constant 0 : i32
      %cond3A_102 = arith.cmpi ne, %convert_element_type3A_100, %cond3A_101 : i32
      scf.if %cond3A_102 {
        %dma_start3A = arith.constant 6 : i32
        %dma_start3A_115 = arith.constant 0 : i32
        %dma_start3A_116 = tpu.memref_slice %arg12[%dma_start3A, %dma_start3A_115] : memref<8x128xi32, #tpu.memory_space<vmem>> -> memref<1x128xi32, #tpu.memory_space<vmem>>
        %dma_start3A_117 = tpu.memref_squeeze %dma_start3A_116 : memref<1x128xi32, #tpu.memory_space<vmem>> -> memref<128xi32, #tpu.memory_space<vmem>>
        %dma_start3A_118 = arith.constant 0 : i32
        %dma_start3A_119 = arith.constant 0 : i32
        %dma_start3A_120 = tpu.memref_slice %arg3[%dma_start3A_118, %dma_start3A_119] : memref<50000x32xf32, #tpu.memory_space<hbm>> -> memref<50000x32xf32, #tpu.memory_space<hbm>>
        tpu.enqueue_indirect_dma source(%dma_start3A_120 : memref<50000x32xf32, #tpu.memory_space<hbm>>) target(%arg14 : memref<128x32xf32, #tpu.memory_space<vmem>>) offsets(%dma_start3A_117 : memref<128xi32, #tpu.memory_space<vmem>>) semaphore(%arg15 : memref<!tpu.dma_semaphore, #tpu.memory_space<semaphore_mem>>)
        %dma_wait3A = arith.constant 6 : i32
        %dma_wait3A_121 = arith.constant 0 : i32
        %dma_wait3A_122 = tpu.memref_slice %arg12[%dma_wait3A, %dma_wait3A_121] : memref<8x128xi32, #tpu.memory_space<vmem>> -> memref<1x128xi32, #tpu.memory_space<vmem>>
        %dma_wait3A_123 = tpu.memref_squeeze %dma_wait3A_122 : memref<1x128xi32, #tpu.memory_space<vmem>> -> memref<128xi32, #tpu.memory_space<vmem>>
        %dma_wait3A_124 = arith.constant 0 : i32
        %dma_wait3A_125 = arith.constant 0 : i32
        %dma_wait3A_126 = tpu.memref_slice %arg3[%dma_wait3A_124, %dma_wait3A_125] : memref<50000x32xf32, #tpu.memory_space<hbm>> -> memref<50000x32xf32, #tpu.memory_space<hbm>>
        tpu.wait_indirect_dma semaphore(%arg15 : memref<!tpu.dma_semaphore, #tpu.memory_space<semaphore_mem>>) src(%dma_wait3A_126 : memref<50000x32xf32, #tpu.memory_space<hbm>>) dst(%arg14 : memref<128x32xf32, #tpu.memory_space<vmem>>)
      } else {
      }
      %run_scoped3A_103 = arith.constant 6 : i32
      "tpu.region"() ({
        %run_scoped3A_115 = tpu.sem_alloc : memref<!tpu.dma_semaphore, #tpu.memory_space<semaphore_mem>>
        %dma_start3A = arith.constant 0 : i32
        %dma_start3A_116 = tpu.memref_slice %arg13[%run_scoped3A_103, %dma_start3A] : memref<8x128xi32, #tpu.memory_space<vmem>> -> memref<1x128xi32, #tpu.memory_space<vmem>>
        %dma_start3A_117 = tpu.memref_squeeze %dma_start3A_116 : memref<1x128xi32, #tpu.memory_space<vmem>> -> memref<128xi32, #tpu.memory_space<vmem>>
        %dma_start3A_118 = arith.constant 0 : i32
        %dma_start3A_119 = arith.constant 0 : i32
        %dma_start3A_120 = tpu.memref_slice %arg11[%dma_start3A_118, %dma_start3A_119] : memref<50008x32xf32, #tpu.memory_space<vmem_shared>> -> memref<50008x32xf32, #tpu.memory_space<vmem_shared>>
        tpu.enqueue_indirect_dma source(%arg14 : memref<128x32xf32, #tpu.memory_space<vmem>>) target(%dma_start3A_120 : memref<50008x32xf32, #tpu.memory_space<vmem_shared>>) offsets(%dma_start3A_117 : memref<128xi32, #tpu.memory_space<vmem>>) semaphore(%run_scoped3A_115 : memref<!tpu.dma_semaphore, #tpu.memory_space<semaphore_mem>>) {add = true}
        %dma_wait3A = arith.constant 0 : i32
        %dma_wait3A_121 = tpu.memref_slice %arg13[%run_scoped3A_103, %dma_wait3A] : memref<8x128xi32, #tpu.memory_space<vmem>> -> memref<1x128xi32, #tpu.memory_space<vmem>>
        %dma_wait3A_122 = tpu.memref_squeeze %dma_wait3A_121 : memref<1x128xi32, #tpu.memory_space<vmem>> -> memref<128xi32, #tpu.memory_space<vmem>>
        %dma_wait3A_123 = arith.constant 0 : i32
        %dma_wait3A_124 = arith.constant 0 : i32
        %dma_wait3A_125 = tpu.memref_slice %arg11[%dma_wait3A_123, %dma_wait3A_124] : memref<50008x32xf32, #tpu.memory_space<vmem_shared>> -> memref<50008x32xf32, #tpu.memory_space<vmem_shared>>
        tpu.wait_indirect_dma semaphore(%run_scoped3A_115 : memref<!tpu.dma_semaphore, #tpu.memory_space<semaphore_mem>>) src(%arg14 : memref<128x32xf32, #tpu.memory_space<vmem>>) dst(%dma_wait3A_125 : memref<50008x32xf32, #tpu.memory_space<vmem_shared>>)
        tpu.yield
      }) : () -> ()
      %eq3A_104 = arith.constant 0 : i32
      %eq3A_105 = arith.cmpi eq, %arg0, %eq3A_104 : i32
      %convert_element_type3A_106 = arith.extui %eq3A_105 : i1 to i32
      %cond3A_107 = arith.constant 0 : i32
      %cond3A_108 = arith.cmpi ne, %convert_element_type3A_106, %cond3A_107 : i32
      scf.if %cond3A_108 {
        %dma_start3A = arith.constant 7 : i32
        %dma_start3A_115 = arith.constant 0 : i32
        %dma_start3A_116 = tpu.memref_slice %arg12[%dma_start3A, %dma_start3A_115] : memref<8x128xi32, #tpu.memory_space<vmem>> -> memref<1x128xi32, #tpu.memory_space<vmem>>
        %dma_start3A_117 = tpu.memref_squeeze %dma_start3A_116 : memref<1x128xi32, #tpu.memory_space<vmem>> -> memref<128xi32, #tpu.memory_space<vmem>>
        %dma_start3A_118 = arith.constant 0 : i32
        %dma_start3A_119 = arith.constant 0 : i32
        %dma_start3A_120 = tpu.memref_slice %arg2[%dma_start3A_118, %dma_start3A_119] : memref<50000x32xf32, #tpu.memory_space<hbm>> -> memref<50000x32xf32, #tpu.memory_space<hbm>>
        tpu.enqueue_indirect_dma source(%dma_start3A_120 : memref<50000x32xf32, #tpu.memory_space<hbm>>) target(%arg14 : memref<128x32xf32, #tpu.memory_space<vmem>>) offsets(%dma_start3A_117 : memref<128xi32, #tpu.memory_space<vmem>>) semaphore(%arg15 : memref<!tpu.dma_semaphore, #tpu.memory_space<semaphore_mem>>)
        %dma_wait3A = arith.constant 7 : i32
        %dma_wait3A_121 = arith.constant 0 : i32
        %dma_wait3A_122 = tpu.memref_slice %arg12[%dma_wait3A, %dma_wait3A_121] : memref<8x128xi32, #tpu.memory_space<vmem>> -> memref<1x128xi32, #tpu.memory_space<vmem>>
        %dma_wait3A_123 = tpu.memref_squeeze %dma_wait3A_122 : memref<1x128xi32, #tpu.memory_space<vmem>> -> memref<128xi32, #tpu.memory_space<vmem>>
        %dma_wait3A_124 = arith.constant 0 : i32
        %dma_wait3A_125 = arith.constant 0 : i32
        %dma_wait3A_126 = tpu.memref_slice %arg2[%dma_wait3A_124, %dma_wait3A_125] : memref<50000x32xf32, #tpu.memory_space<hbm>> -> memref<50000x32xf32, #tpu.memory_space<hbm>>
        tpu.wait_indirect_dma semaphore(%arg15 : memref<!tpu.dma_semaphore, #tpu.memory_space<semaphore_mem>>) src(%dma_wait3A_126 : memref<50000x32xf32, #tpu.memory_space<hbm>>) dst(%arg14 : memref<128x32xf32, #tpu.memory_space<vmem>>)
      } else {
      }
      %eq3A_109 = arith.constant 1 : i32
      %eq3A_110 = arith.cmpi eq, %arg0, %eq3A_109 : i32
      %convert_element_type3A_111 = arith.extui %eq3A_110 : i1 to i32
      %cond3A_112 = arith.constant 0 : i32
      %cond3A_113 = arith.cmpi ne, %convert_element_type3A_111, %cond3A_112 : i32
      scf.if %cond3A_113 {
        %dma_start3A = arith.constant 7 : i32
        %dma_start3A_115 = arith.constant 0 : i32
        %dma_start3A_116 = tpu.memref_slice %arg12[%dma_start3A, %dma_start3A_115] : memref<8x128xi32, #tpu.memory_space<vmem>> -> memref<1x128xi32, #tpu.memory_space<vmem>>
        %dma_start3A_117 = tpu.memref_squeeze %dma_start3A_116 : memref<1x128xi32, #tpu.memory_space<vmem>> -> memref<128xi32, #tpu.memory_space<vmem>>
        %dma_start3A_118 = arith.constant 0 : i32
        %dma_start3A_119 = arith.constant 0 : i32
        %dma_start3A_120 = tpu.memref_slice %arg3[%dma_start3A_118, %dma_start3A_119] : memref<50000x32xf32, #tpu.memory_space<hbm>> -> memref<50000x32xf32, #tpu.memory_space<hbm>>
        tpu.enqueue_indirect_dma source(%dma_start3A_120 : memref<50000x32xf32, #tpu.memory_space<hbm>>) target(%arg14 : memref<128x32xf32, #tpu.memory_space<vmem>>) offsets(%dma_start3A_117 : memref<128xi32, #tpu.memory_space<vmem>>) semaphore(%arg15 : memref<!tpu.dma_semaphore, #tpu.memory_space<semaphore_mem>>)
        %dma_wait3A = arith.constant 7 : i32
        %dma_wait3A_121 = arith.constant 0 : i32
        %dma_wait3A_122 = tpu.memref_slice %arg12[%dma_wait3A, %dma_wait3A_121] : memref<8x128xi32, #tpu.memory_space<vmem>> -> memref<1x128xi32, #tpu.memory_space<vmem>>
        %dma_wait3A_123 = tpu.memref_squeeze %dma_wait3A_122 : memref<1x128xi32, #tpu.memory_space<vmem>> -> memref<128xi32, #tpu.memory_space<vmem>>
        %dma_wait3A_124 = arith.constant 0 : i32
        %dma_wait3A_125 = arith.constant 0 : i32
        %dma_wait3A_126 = tpu.memref_slice %arg3[%dma_wait3A_124, %dma_wait3A_125] : memref<50000x32xf32, #tpu.memory_space<hbm>> -> memref<50000x32xf32, #tpu.memory_space<hbm>>
        tpu.wait_indirect_dma semaphore(%arg15 : memref<!tpu.dma_semaphore, #tpu.memory_space<semaphore_mem>>) src(%dma_wait3A_126 : memref<50000x32xf32, #tpu.memory_space<hbm>>) dst(%arg14 : memref<128x32xf32, #tpu.memory_space<vmem>>)
      } else {
      }
      %run_scoped3A_114 = arith.constant 7 : i32
      "tpu.region"() ({
        %run_scoped3A_115 = tpu.sem_alloc : memref<!tpu.dma_semaphore, #tpu.memory_space<semaphore_mem>>
        %dma_start3A = arith.constant 0 : i32
        %dma_start3A_116 = tpu.memref_slice %arg13[%run_scoped3A_114, %dma_start3A] : memref<8x128xi32, #tpu.memory_space<vmem>> -> memref<1x128xi32, #tpu.memory_space<vmem>>
        %dma_start3A_117 = tpu.memref_squeeze %dma_start3A_116 : memref<1x128xi32, #tpu.memory_space<vmem>> -> memref<128xi32, #tpu.memory_space<vmem>>
        %dma_start3A_118 = arith.constant 0 : i32
        %dma_start3A_119 = arith.constant 0 : i32
        %dma_start3A_120 = tpu.memref_slice %arg11[%dma_start3A_118, %dma_start3A_119] : memref<50008x32xf32, #tpu.memory_space<vmem_shared>> -> memref<50008x32xf32, #tpu.memory_space<vmem_shared>>
        tpu.enqueue_indirect_dma source(%arg14 : memref<128x32xf32, #tpu.memory_space<vmem>>) target(%dma_start3A_120 : memref<50008x32xf32, #tpu.memory_space<vmem_shared>>) offsets(%dma_start3A_117 : memref<128xi32, #tpu.memory_space<vmem>>) semaphore(%run_scoped3A_115 : memref<!tpu.dma_semaphore, #tpu.memory_space<semaphore_mem>>) {add = true}
        %dma_wait3A = arith.constant 0 : i32
        %dma_wait3A_121 = tpu.memref_slice %arg13[%run_scoped3A_114, %dma_wait3A] : memref<8x128xi32, #tpu.memory_space<vmem>> -> memref<1x128xi32, #tpu.memory_space<vmem>>
        %dma_wait3A_122 = tpu.memref_squeeze %dma_wait3A_121 : memref<1x128xi32, #tpu.memory_space<vmem>> -> memref<128xi32, #tpu.memory_space<vmem>>
        %dma_wait3A_123 = arith.constant 0 : i32
        %dma_wait3A_124 = arith.constant 0 : i32
        %dma_wait3A_125 = tpu.memref_slice %arg11[%dma_wait3A_123, %dma_wait3A_124] : memref<50008x32xf32, #tpu.memory_space<vmem_shared>> -> memref<50008x32xf32, #tpu.memory_space<vmem_shared>>
        tpu.wait_indirect_dma semaphore(%run_scoped3A_115 : memref<!tpu.dma_semaphore, #tpu.memory_space<semaphore_mem>>) src(%arg14 : memref<128x32xf32, #tpu.memory_space<vmem>>) dst(%dma_wait3A_125 : memref<50008x32xf32, #tpu.memory_space<vmem_shared>>)
        tpu.yield
      }) : () -> ()
    }
    %scan3A_11 = arith.constant 49 : i32
    %barrier3A_12 = arith.constant 0 : index
    tpu.barrier barrier_id(%barrier3A_12)
    %eq3A_13 = arith.constant 0 : i32
    %eq3A_14 = arith.cmpi eq, %arg0, %eq3A_13 : i32
    %convert_element_type3A_15 = arith.extui %eq3A_14 : i1 to i32
    %cond3A_16 = arith.constant 0 : i32
    %cond3A_17 = arith.cmpi ne, %convert_element_type3A_15, %cond3A_16 : i32
    scf.if %cond3A_17 {
      %lt3A_23 = arith.constant 15 : i32
      %lt3A_24 = arith.cmpi slt, %arg1, %lt3A_23 : i32
      %convert_element_type3A_25 = arith.extui %lt3A_24 : i1 to i32
      %cond3A_26 = arith.constant 0 : i32
      %cond3A_27 = arith.cmpi ne, %convert_element_type3A_25, %cond3A_26 : i32
      scf.if %cond3A_27 {
        "tpu.region"() ({
          %run_scoped3A = tpu.sem_alloc : memref<!tpu.dma_semaphore, #tpu.memory_space<semaphore_mem>>
          %dma_start3A = arith.constant 0 : i32
          %dma_start3A_33 = tpu.memref_slice %arg9[%mul3A_0, %dma_start3A] : memref<50000x32xf32, #tpu.memory_space<hbm>> -> memref<3128x32xf32, #tpu.memory_space<hbm>>
          %dma_start3A_34 = arith.constant 0 : i32
          %dma_start3A_35 = tpu.memref_slice %arg11[%mul3A_0, %dma_start3A_34] : memref<50008x32xf32, #tpu.memory_space<vmem_shared>> -> memref<3128x32xf32, #tpu.memory_space<vmem_shared>>
          tpu.enqueue_dma source(%dma_start3A_35 : memref<3128x32xf32, #tpu.memory_space<vmem_shared>>) target(%dma_start3A_33 : memref<3128x32xf32, #tpu.memory_space<hbm>>) target_semaphore(%run_scoped3A : memref<!tpu.dma_semaphore, #tpu.memory_space<semaphore_mem>>)
          %dma_wait3A = arith.constant 0 : i32
          %dma_wait3A_36 = tpu.memref_slice %arg9[%mul3A_0, %dma_wait3A] : memref<50000x32xf32, #tpu.memory_space<hbm>> -> memref<3128x32xf32, #tpu.memory_space<hbm>>
          %dma_wait3A_37 = arith.constant 0 : i32
          %dma_wait3A_38 = tpu.memref_slice %arg11[%mul3A_0, %dma_wait3A_37] : memref<50008x32xf32, #tpu.memory_space<vmem_shared>> -> memref<3128x32xf32, #tpu.memory_space<vmem_shared>>
          tpu.wait_dma2 semaphore(%run_scoped3A : memref<!tpu.dma_semaphore, #tpu.memory_space<semaphore_mem>>) src(%dma_wait3A_38 : memref<3128x32xf32, #tpu.memory_space<vmem_shared>>) dst(%dma_wait3A_36 : memref<3128x32xf32, #tpu.memory_space<hbm>>)
          tpu.yield
        }) : () -> ()
      } else {
      }
      %eq3A_28 = arith.constant 15 : i32
      %eq3A_29 = arith.cmpi eq, %arg1, %eq3A_28 : i32
      %convert_element_type3A_30 = arith.extui %eq3A_29 : i1 to i32
      %cond3A_31 = arith.constant 0 : i32
      %cond3A_32 = arith.cmpi ne, %convert_element_type3A_30, %cond3A_31 : i32
      scf.if %cond3A_32 {
        "tpu.region"() ({
          %run_scoped3A = tpu.sem_alloc : memref<!tpu.dma_semaphore, #tpu.memory_space<semaphore_mem>>
          %dma_start3A = arith.constant 46920 : i32
          %dma_start3A_33 = arith.constant 0 : i32
          %dma_start3A_34 = tpu.memref_slice %arg9[%dma_start3A, %dma_start3A_33] : memref<50000x32xf32, #tpu.memory_space<hbm>> -> memref<3080x32xf32, #tpu.memory_space<hbm>>
          %dma_start3A_35 = arith.constant 46920 : i32
          %dma_start3A_36 = arith.constant 0 : i32
          %dma_start3A_37 = tpu.memref_slice %arg11[%dma_start3A_35, %dma_start3A_36] : memref<50008x32xf32, #tpu.memory_space<vmem_shared>> -> memref<3080x32xf32, #tpu.memory_space<vmem_shared>>
          tpu.enqueue_dma source(%dma_start3A_37 : memref<3080x32xf32, #tpu.memory_space<vmem_shared>>) target(%dma_start3A_34 : memref<3080x32xf32, #tpu.memory_space<hbm>>) target_semaphore(%run_scoped3A : memref<!tpu.dma_semaphore, #tpu.memory_space<semaphore_mem>>)
          %dma_wait3A = arith.constant 46920 : i32
          %dma_wait3A_38 = arith.constant 0 : i32
          %dma_wait3A_39 = tpu.memref_slice %arg9[%dma_wait3A, %dma_wait3A_38] : memref<50000x32xf32, #tpu.memory_space<hbm>> -> memref<3080x32xf32, #tpu.memory_space<hbm>>
          %dma_wait3A_40 = arith.constant 46920 : i32
          %dma_wait3A_41 = arith.constant 0 : i32
          %dma_wait3A_42 = tpu.memref_slice %arg11[%dma_wait3A_40, %dma_wait3A_41] : memref<50008x32xf32, #tpu.memory_space<vmem_shared>> -> memref<3080x32xf32, #tpu.memory_space<vmem_shared>>
          tpu.wait_dma2 semaphore(%run_scoped3A : memref<!tpu.dma_semaphore, #tpu.memory_space<semaphore_mem>>) src(%dma_wait3A_42 : memref<3080x32xf32, #tpu.memory_space<vmem_shared>>) dst(%dma_wait3A_39 : memref<3080x32xf32, #tpu.memory_space<hbm>>)
          tpu.yield
        }) : () -> ()
      } else {
      }
    } else {
    }
    %eq3A_18 = arith.constant 1 : i32
    %eq3A_19 = arith.cmpi eq, %arg0, %eq3A_18 : i32
    %convert_element_type3A_20 = arith.extui %eq3A_19 : i1 to i32
    %cond3A_21 = arith.constant 0 : i32
    %cond3A_22 = arith.cmpi ne, %convert_element_type3A_20, %cond3A_21 : i32
    scf.if %cond3A_22 {
      %lt3A_23 = arith.constant 15 : i32
      %lt3A_24 = arith.cmpi slt, %arg1, %lt3A_23 : i32
      %convert_element_type3A_25 = arith.extui %lt3A_24 : i1 to i32
      %cond3A_26 = arith.constant 0 : i32
      %cond3A_27 = arith.cmpi ne, %convert_element_type3A_25, %cond3A_26 : i32
      scf.if %cond3A_27 {
        "tpu.region"() ({
          %run_scoped3A = tpu.sem_alloc : memref<!tpu.dma_semaphore, #tpu.memory_space<semaphore_mem>>
          %dma_start3A = arith.constant 0 : i32
          %dma_start3A_33 = tpu.memref_slice %arg10[%mul3A_0, %dma_start3A] : memref<50000x32xf32, #tpu.memory_space<hbm>> -> memref<3128x32xf32, #tpu.memory_space<hbm>>
          %dma_start3A_34 = arith.constant 0 : i32
          %dma_start3A_35 = tpu.memref_slice %arg11[%mul3A_0, %dma_start3A_34] : memref<50008x32xf32, #tpu.memory_space<vmem_shared>> -> memref<3128x32xf32, #tpu.memory_space<vmem_shared>>
          tpu.enqueue_dma source(%dma_start3A_35 : memref<3128x32xf32, #tpu.memory_space<vmem_shared>>) target(%dma_start3A_33 : memref<3128x32xf32, #tpu.memory_space<hbm>>) target_semaphore(%run_scoped3A : memref<!tpu.dma_semaphore, #tpu.memory_space<semaphore_mem>>)
          %dma_wait3A = arith.constant 0 : i32
          %dma_wait3A_36 = tpu.memref_slice %arg10[%mul3A_0, %dma_wait3A] : memref<50000x32xf32, #tpu.memory_space<hbm>> -> memref<3128x32xf32, #tpu.memory_space<hbm>>
          %dma_wait3A_37 = arith.constant 0 : i32
          %dma_wait3A_38 = tpu.memref_slice %arg11[%mul3A_0, %dma_wait3A_37] : memref<50008x32xf32, #tpu.memory_space<vmem_shared>> -> memref<3128x32xf32, #tpu.memory_space<vmem_shared>>
          tpu.wait_dma2 semaphore(%run_scoped3A : memref<!tpu.dma_semaphore, #tpu.memory_space<semaphore_mem>>) src(%dma_wait3A_38 : memref<3128x32xf32, #tpu.memory_space<vmem_shared>>) dst(%dma_wait3A_36 : memref<3128x32xf32, #tpu.memory_space<hbm>>)
          tpu.yield
        }) : () -> ()
      } else {
      }
      %eq3A_28 = arith.constant 15 : i32
      %eq3A_29 = arith.cmpi eq, %arg1, %eq3A_28 : i32
      %convert_element_type3A_30 = arith.extui %eq3A_29 : i1 to i32
      %cond3A_31 = arith.constant 0 : i32
      %cond3A_32 = arith.cmpi ne, %convert_element_type3A_30, %cond3A_31 : i32
      scf.if %cond3A_32 {
        "tpu.region"() ({
          %run_scoped3A = tpu.sem_alloc : memref<!tpu.dma_semaphore, #tpu.memory_space<semaphore_mem>>
          %dma_start3A = arith.constant 46920 : i32
          %dma_start3A_33 = arith.constant 0 : i32
          %dma_start3A_34 = tpu.memref_slice %arg10[%dma_start3A, %dma_start3A_33] : memref<50000x32xf32, #tpu.memory_space<hbm>> -> memref<3080x32xf32, #tpu.memory_space<hbm>>
          %dma_start3A_35 = arith.constant 46920 : i32
          %dma_start3A_36 = arith.constant 0 : i32
          %dma_start3A_37 = tpu.memref_slice %arg11[%dma_start3A_35, %dma_start3A_36] : memref<50008x32xf32, #tpu.memory_space<vmem_shared>> -> memref<3080x32xf32, #tpu.memory_space<vmem_shared>>
          tpu.enqueue_dma source(%dma_start3A_37 : memref<3080x32xf32, #tpu.memory_space<vmem_shared>>) target(%dma_start3A_34 : memref<3080x32xf32, #tpu.memory_space<hbm>>) target_semaphore(%run_scoped3A : memref<!tpu.dma_semaphore, #tpu.memory_space<semaphore_mem>>)
          %dma_wait3A = arith.constant 46920 : i32
          %dma_wait3A_38 = arith.constant 0 : i32
          %dma_wait3A_39 = tpu.memref_slice %arg10[%dma_wait3A, %dma_wait3A_38] : memref<50000x32xf32, #tpu.memory_space<hbm>> -> memref<3080x32xf32, #tpu.memory_space<hbm>>
          %dma_wait3A_40 = arith.constant 46920 : i32
          %dma_wait3A_41 = arith.constant 0 : i32
          %dma_wait3A_42 = tpu.memref_slice %arg11[%dma_wait3A_40, %dma_wait3A_41] : memref<50008x32xf32, #tpu.memory_space<vmem_shared>> -> memref<3080x32xf32, #tpu.memory_space<vmem_shared>>
          tpu.wait_dma2 semaphore(%run_scoped3A : memref<!tpu.dma_semaphore, #tpu.memory_space<semaphore_mem>>) src(%dma_wait3A_42 : memref<3080x32xf32, #tpu.memory_space<vmem_shared>>) dst(%dma_wait3A_39 : memref<3080x32xf32, #tpu.memory_space<hbm>>)
          tpu.yield
        }) : () -> ()
      } else {
      }
    } else {
    }
    return
  }
}

module attributes {stable_mosaic.version = 14 : i64} {
  func.func @_proj_body(%arg0: i32, %arg1: memref<2000x32xf32, #tpu.memory_space<vmem>>, %arg2: memref<2000x32xf32, #tpu.memory_space<vmem>>, %arg3: memref<64x64xf32, #tpu.memory_space<vmem>>, %arg4: memref<1x64xf32, #tpu.memory_space<vmem>>, %arg5: memref<2000x32xf32, #tpu.memory_space<vmem>>, %arg6: memref<2000x32xf32, #tpu.memory_space<vmem>>) attributes {dimension_semantics = [#tpu.dimension_semantics<arbitrary>], iteration_bounds = array<i64: 25>, scalar_prefetch = 0 : i64, scratch_operands = 0 : i64, tpu.core_type = #tpu.core_type<tc>, window_params = [{transform_indices = @transform_0, window_bounds = array<i64: 2000, 32>}, {transform_indices = @transform_1, window_bounds = array<i64: 2000, 32>}, {pipeline_mode = #tpu.pipeline_mode<synchronous>, transform_indices = @transform_2, window_bounds = array<i64: 64, 64>}, {pipeline_mode = #tpu.pipeline_mode<synchronous>, transform_indices = @transform_3, window_bounds = array<i64: 1, 64>}, {transform_indices = @transform_4, window_bounds = array<i64: 2000, 32>}, {transform_indices = @transform_5, window_bounds = array<i64: 2000, 32>}]} {
    %get3A = arith.constant 0 : index
    %get3A_0 = arith.constant 0 : index
    %get3A_1 = vector.load %arg1[%get3A, %get3A_0] : memref<2000x32xf32, #tpu.memory_space<vmem>>, vector<2000x32xf32>
    %get3A_2 = arith.constant 0 : index
    %get3A_3 = arith.constant 0 : index
    %get3A_4 = vector.load %arg2[%get3A_2, %get3A_3] : memref<2000x32xf32, #tpu.memory_space<vmem>>, vector<2000x32xf32>
    %concatenate3A = tpu.concatenate %get3A_1, %get3A_4 in 1 : vector<2000x32xf32>, vector<2000x32xf32> -> vector<2000x64xf32>
    %get3A_5 = arith.constant 0 : index
    %get3A_6 = arith.constant 0 : index
    %get3A_7 = vector.load %arg3[%get3A_5, %get3A_6] : memref<64x64xf32, #tpu.memory_space<vmem>>, vector<64x64xf32>
    %dot_general3A = arith.constant dense<0.000000e+00> : vector<2000x64xf32>
    %dot_general3A_8 = tpu.matmul %concatenate3A, %get3A_7, %dot_general3A {dimension_numbers = #tpu.dot_dimension_numbers<[1], [0], [0], [1], [0, 0, 1, 1], [], []>, transpose_lhs_hint = false} : vector<2000x64xf32>, vector<64x64xf32>, vector<2000x64xf32> -> vector<2000x64xf32>
    %get3A_9 = arith.constant 0 : index
    %get3A_10 = arith.constant 0 : index
    %get3A_11 = vector.load %arg4[%get3A_9, %get3A_10] : memref<1x64xf32, #tpu.memory_space<vmem>>, vector<1x64xf32>
    %add3A = vector.broadcast %get3A_11 : vector<1x64xf32> to vector<2000x64xf32>
    %add3A_12 = arith.addf %dot_general3A_8, %add3A : vector<2000x64xf32>
    %slice3A = vector.extract_strided_slice %add3A_12 {offsets = [0, 0], sizes = [2000, 32], strides = [1, 1]} : vector<2000x64xf32> to vector<2000x32xf32>
    %swap3A = arith.constant 0 : index
    %swap3A_13 = arith.constant 0 : index
    %swap3A_14 = vector.load %arg5[%swap3A, %swap3A_13] : memref<2000x32xf32, #tpu.memory_space<vmem>>, vector<2000x32xf32>
    tpu.vector_store %arg5[%swap3A, %swap3A_13], %slice3A {strides = array<i32>} : memref<2000x32xf32, #tpu.memory_space<vmem>>, vector<2000x32xf32>,
    %slice3A_15 = vector.extract_strided_slice %add3A_12 {offsets = [0, 32], sizes = [2000, 32], strides = [1, 1]} : vector<2000x64xf32> to vector<2000x32xf32>
    %swap3A_16 = arith.constant 0 : index
    %swap3A_17 = arith.constant 0 : index
    %swap3A_18 = vector.load %arg6[%swap3A_16, %swap3A_17] : memref<2000x32xf32, #tpu.memory_space<vmem>>, vector<2000x32xf32>
    tpu.vector_store %arg6[%swap3A_16, %swap3A_17], %slice3A_15 {strides = array<i32>} : memref<2000x32xf32, #tpu.memory_space<vmem>>, vector<2000x32xf32>,
    return
  }
  func.func @transform_0(%arg0: i32) -> (i32, i32) {
    %c0_i32 = arith.constant 0 : i32
    %c0_i32_0 = arith.constant 0 : i32
    return %arg0, %c0_i32 : i32, i32
  }
  func.func @transform_1(%arg0: i32) -> (i32, i32) {
    %c0_i32 = arith.constant 0 : i32
    %c0_i32_0 = arith.constant 0 : i32
    return %arg0, %c0_i32 : i32, i32
  }
  func.func @transform_2(%arg0: i32) -> (i32, i32) {
    %c0_i32 = arith.constant 0 : i32
    %c0_i32_0 = arith.constant 0 : i32
    %c0_i32_1 = arith.constant 0 : i32
    return %c0_i32, %c0_i32_0 : i32, i32
  }
  func.func @transform_3(%arg0: i32) -> (i32, i32) {
    %c0_i32 = arith.constant 0 : i32
    %c0_i32_0 = arith.constant 0 : i32
    %c0_i32_1 = arith.constant 0 : i32
    return %c0_i32, %c0_i32_0 : i32, i32
  }
  func.func @transform_4(%arg0: i32) -> (i32, i32) {
    %c0_i32 = arith.constant 0 : i32
    %c0_i32_0 = arith.constant 0 : i32
    return %arg0, %c0_i32 : i32, i32
  }
  func.func @transform_5(%arg0: i32) -> (i32, i32) {
    %c0_i32 = arith.constant 0 : i32
    %c0_i32_0 = arith.constant 0 : i32
    return %arg0, %c0_i32 : i32, i32
  }
}

module attributes {stable_mosaic.version = 14 : i64} {
  func.func @_temb_body(%arg0: i32, %arg1: memref<1x1xf32, #tpu.memory_space<vmem>>, %arg2: memref<64x64xf32, #tpu.memory_space<vmem>>, %arg3: memref<1x64xf32, #tpu.memory_space<vmem>>, %arg4: memref<64x64xf32, #tpu.memory_space<vmem>>, %arg5: memref<1x64xf32, #tpu.memory_space<vmem>>, %arg6: memref<4x64x64xf32, #tpu.memory_space<vmem>>, %arg7: memref<4x64xf32, #tpu.memory_space<vmem>>, %arg8: memref<4x64xf32, #tpu.memory_space<vmem>>) attributes {dimension_semantics = [#tpu.dimension_semantics<arbitrary>], iteration_bounds = array<i64: 1>, scalar_prefetch = 0 : i64, scratch_operands = 0 : i64, tpu.core_type = #tpu.core_type<tc>, window_params = [{pipeline_mode = #tpu.pipeline_mode<synchronous>, transform_indices = @transform_0, window_bounds = array<i64: 1, 1>}, {pipeline_mode = #tpu.pipeline_mode<synchronous>, transform_indices = @transform_1, window_bounds = array<i64: 64, 64>}, {pipeline_mode = #tpu.pipeline_mode<synchronous>, transform_indices = @transform_2, window_bounds = array<i64: 1, 64>}, {pipeline_mode = #tpu.pipeline_mode<synchronous>, transform_indices = @transform_3, window_bounds = array<i64: 64, 64>}, {pipeline_mode = #tpu.pipeline_mode<synchronous>, transform_indices = @transform_4, window_bounds = array<i64: 1, 64>}, {pipeline_mode = #tpu.pipeline_mode<synchronous>, transform_indices = @transform_5, window_bounds = array<i64: 4, 64, 64>}, {pipeline_mode = #tpu.pipeline_mode<synchronous>, transform_indices = @transform_6, window_bounds = array<i64: 4, 64>}, {pipeline_mode = #tpu.pipeline_mode<synchronous>, transform_indices = @transform_7, window_bounds = array<i64: 4, 64>}]} {
    %get3A = arith.constant 0 : index
    %get3A_0 = arith.constant 0 : index
    %get3A_1 = vector.load %arg1[%get3A, %get3A_0] : memref<1x1xf32, #tpu.memory_space<vmem>>, vector<1x1xf32>
    %get3A_2 = vector.extract %get3A_1[0, 0] : f32 from vector<1x1xf32>
    %iota3A = tpu.iota {dimensions = array<i32: 1>} : vector<1x32xi32>
    %convert_element_type3A = arith.sitofp %iota3A : vector<1x32xi32> to vector<1x32xf32>
    %log3A = arith.constant 1.000000e+04 : f32
    %log3A_3 = math.log %log3A : f32
    %neg3A = arith.constant 0.000000e+00 : f32
    %neg3A_4 = arith.subf %neg3A, %log3A_3 : f32
    %mul3A = vector.broadcast %neg3A_4 : f32 to vector<1x32xf32>
    %mul3A_5 = arith.mulf %mul3A, %convert_element_type3A : vector<1x32xf32>
    %div3A = arith.constant 3.200000e+01 : f32
    %div3A_6 = vector.broadcast %div3A : f32 to vector<1x32xf32>
    %div3A_7 = arith.divf %mul3A_5, %div3A_6 : vector<1x32xf32>
    %exp3A = math.exp %div3A_7 : vector<1x32xf32>
    %mul3A_8 = vector.broadcast %get3A_2 : f32 to vector<1x32xf32>
    %mul3A_9 = arith.mulf %mul3A_8, %exp3A : vector<1x32xf32>
    %sin3A = math.sin %mul3A_9 : vector<1x32xf32>
    %cos3A = math.cos %mul3A_9 : vector<1x32xf32>
    %concatenate3A = tpu.concatenate %sin3A, %cos3A in 1 : vector<1x32xf32>, vector<1x32xf32> -> vector<1x64xf32>
    %get3A_10 = arith.constant 0 : index
    %get3A_11 = arith.constant 0 : index
    %get3A_12 = vector.load %arg2[%get3A_10, %get3A_11] : memref<64x64xf32, #tpu.memory_space<vmem>>, vector<64x64xf32>
    %dot_general3A = arith.constant dense<0.000000e+00> : vector<1x64xf32>
    %dot_general3A_13 = tpu.matmul %concatenate3A, %get3A_12, %dot_general3A {dimension_numbers = #tpu.dot_dimension_numbers<[1], [0], [0], [1], [0, 0, 1, 1], [], []>, transpose_lhs_hint = false} : vector<1x64xf32>, vector<64x64xf32>, vector<1x64xf32> -> vector<1x64xf32>
    %get3A_14 = arith.constant 0 : index
    %get3A_15 = arith.constant 0 : index
    %get3A_16 = vector.load %arg3[%get3A_14, %get3A_15] : memref<1x64xf32, #tpu.memory_space<vmem>>, vector<1x64xf32>
    %add3A = arith.addf %dot_general3A_13, %get3A_16 : vector<1x64xf32>
    %logistic3A = arith.negf %add3A : vector<1x64xf32>
    %logistic3A_17 = math.exp %logistic3A : vector<1x64xf32>
    %logistic3A_18 = arith.constant 1.000000e+00 : f32
    %logistic3A_19 = vector.broadcast %logistic3A_18 : f32 to vector<1x64xf32>
    %logistic3A_20 = arith.addf %logistic3A_19, %logistic3A_17 : vector<1x64xf32>
    %logistic3A_21 = arith.divf %logistic3A_19, %logistic3A_20 : vector<1x64xf32>
    %mul3A_22 = arith.mulf %add3A, %logistic3A_21 : vector<1x64xf32>
    %get3A_23 = arith.constant 0 : index
    %get3A_24 = arith.constant 0 : index
    %get3A_25 = vector.load %arg4[%get3A_23, %get3A_24] : memref<64x64xf32, #tpu.memory_space<vmem>>, vector<64x64xf32>
    %dot_general3A_26 = arith.constant dense<0.000000e+00> : vector<1x64xf32>
    %dot_general3A_27 = tpu.matmul %mul3A_22, %get3A_25, %dot_general3A_26 {dimension_numbers = #tpu.dot_dimension_numbers<[1], [0], [0], [1], [0, 0, 1, 1], [], []>, transpose_lhs_hint = false} : vector<1x64xf32>, vector<64x64xf32>, vector<1x64xf32> -> vector<1x64xf32>
    %get3A_28 = arith.constant 0 : index
    %get3A_29 = arith.constant 0 : index
    %get3A_30 = vector.load %arg5[%get3A_28, %get3A_29] : memref<1x64xf32, #tpu.memory_space<vmem>>, vector<1x64xf32>
    %add3A_31 = arith.addf %dot_general3A_27, %get3A_30 : vector<1x64xf32>
    %get3A_32 = arith.constant 0 : index
    %get3A_33 = arith.constant 0 : index
    %get3A_34 = arith.constant 0 : index
    %get3A_35 = vector.load %arg6[%get3A_32, %get3A_33, %get3A_34] : memref<4x64x64xf32, #tpu.memory_space<vmem>>, vector<1x64x64xf32>
    %get3A_36 = vector.shape_cast %get3A_35 : vector<1x64x64xf32> to vector<64x64xf32>
    %dot_general3A_37 = arith.constant dense<0.000000e+00> : vector<1x64xf32>
    %dot_general3A_38 = tpu.matmul %add3A_31, %get3A_36, %dot_general3A_37 {dimension_numbers = #tpu.dot_dimension_numbers<[1], [0], [0], [1], [0, 0, 1, 1], [], []>, transpose_lhs_hint = false} : vector<1x64xf32>, vector<64x64xf32>, vector<1x64xf32> -> vector<1x64xf32>
    %get3A_39 = arith.constant 0 : index
    %get3A_40 = arith.constant 0 : index
    %get3A_41 = vector.load %arg7[%get3A_39, %get3A_40] : memref<4x64xf32, #tpu.memory_space<vmem>>, vector<1x64xf32>
    %add3A_42 = arith.addf %dot_general3A_38, %get3A_41 : vector<1x64xf32>
    %get3A_43 = arith.constant 1 : index
    %get3A_44 = arith.constant 0 : index
    %get3A_45 = arith.constant 0 : index
    %get3A_46 = vector.load %arg6[%get3A_43, %get3A_44, %get3A_45] : memref<4x64x64xf32, #tpu.memory_space<vmem>>, vector<1x64x64xf32>
    %get3A_47 = vector.shape_cast %get3A_46 : vector<1x64x64xf32> to vector<64x64xf32>
    %dot_general3A_48 = arith.constant dense<0.000000e+00> : vector<1x64xf32>
    %dot_general3A_49 = tpu.matmul %add3A_31, %get3A_47, %dot_general3A_48 {dimension_numbers = #tpu.dot_dimension_numbers<[1], [0], [0], [1], [0, 0, 1, 1], [], []>, transpose_lhs_hint = false} : vector<1x64xf32>, vector<64x64xf32>, vector<1x64xf32> -> vector<1x64xf32>
    %get3A_50 = arith.constant 1 : index
    %get3A_51 = arith.constant 0 : index
    %get3A_52 = vector.load %arg7[%get3A_50, %get3A_51] : memref<4x64xf32, #tpu.memory_space<vmem>>, vector<1x64xf32>
    %add3A_53 = arith.addf %dot_general3A_49, %get3A_52 : vector<1x64xf32>
    %get3A_54 = arith.constant 2 : index
    %get3A_55 = arith.constant 0 : index
    %get3A_56 = arith.constant 0 : index
    %get3A_57 = vector.load %arg6[%get3A_54, %get3A_55, %get3A_56] : memref<4x64x64xf32, #tpu.memory_space<vmem>>, vector<1x64x64xf32>
    %get3A_58 = vector.shape_cast %get3A_57 : vector<1x64x64xf32> to vector<64x64xf32>
    %dot_general3A_59 = arith.constant dense<0.000000e+00> : vector<1x64xf32>
    %dot_general3A_60 = tpu.matmul %add3A_31, %get3A_58, %dot_general3A_59 {dimension_numbers = #tpu.dot_dimension_numbers<[1], [0], [0], [1], [0, 0, 1, 1], [], []>, transpose_lhs_hint = false} : vector<1x64xf32>, vector<64x64xf32>, vector<1x64xf32> -> vector<1x64xf32>
    %get3A_61 = arith.constant 2 : index
    %get3A_62 = arith.constant 0 : index
    %get3A_63 = vector.load %arg7[%get3A_61, %get3A_62] : memref<4x64xf32, #tpu.memory_space<vmem>>, vector<1x64xf32>
    %add3A_64 = arith.addf %dot_general3A_60, %get3A_63 : vector<1x64xf32>
    %get3A_65 = arith.constant 3 : index
    %get3A_66 = arith.constant 0 : index
    %get3A_67 = arith.constant 0 : index
    %get3A_68 = vector.load %arg6[%get3A_65, %get3A_66, %get3A_67] : memref<4x64x64xf32, #tpu.memory_space<vmem>>, vector<1x64x64xf32>
    %get3A_69 = vector.shape_cast %get3A_68 : vector<1x64x64xf32> to vector<64x64xf32>
    %dot_general3A_70 = arith.constant dense<0.000000e+00> : vector<1x64xf32>
    %dot_general3A_71 = tpu.matmul %add3A_31, %get3A_69, %dot_general3A_70 {dimension_numbers = #tpu.dot_dimension_numbers<[1], [0], [0], [1], [0, 0, 1, 1], [], []>, transpose_lhs_hint = false} : vector<1x64xf32>, vector<64x64xf32>, vector<1x64xf32> -> vector<1x64xf32>
    %get3A_72 = arith.constant 3 : index
    %get3A_73 = arith.constant 0 : index
    %get3A_74 = vector.load %arg7[%get3A_72, %get3A_73] : memref<4x64xf32, #tpu.memory_space<vmem>>, vector<1x64xf32>
    %add3A_75 = arith.addf %dot_general3A_71, %get3A_74 : vector<1x64xf32>
    %concatenate3A_76 = tpu.concatenate %add3A_42, %add3A_53, %add3A_64, %add3A_75 in 0 : vector<1x64xf32>, vector<1x64xf32>, vector<1x64xf32>, vector<1x64xf32> -> vector<4x64xf32>
    %swap3A = arith.constant 0 : index
    %swap3A_77 = arith.constant 0 : index
    %swap3A_78 = vector.load %arg8[%swap3A, %swap3A_77] : memref<4x64xf32, #tpu.memory_space<vmem>>, vector<4x64xf32>
    tpu.vector_store %arg8[%swap3A, %swap3A_77], %concatenate3A_76 {strides = array<i32>} : memref<4x64xf32, #tpu.memory_space<vmem>>, vector<4x64xf32>,
    return
  }
  func.func @transform_0(%arg0: i32) -> (i32, i32) {
    %c0_i32 = arith.constant 0 : i32
    %c0_i32_0 = arith.constant 0 : i32
    %c0_i32_1 = arith.constant 0 : i32
    return %c0_i32, %c0_i32_0 : i32, i32
  }
  func.func @transform_1(%arg0: i32) -> (i32, i32) {
    %c0_i32 = arith.constant 0 : i32
    %c0_i32_0 = arith.constant 0 : i32
    %c0_i32_1 = arith.constant 0 : i32
    return %c0_i32, %c0_i32_0 : i32, i32
  }
  func.func @transform_2(%arg0: i32) -> (i32, i32) {
    %c0_i32 = arith.constant 0 : i32
    %c0_i32_0 = arith.constant 0 : i32
    %c0_i32_1 = arith.constant 0 : i32
    return %c0_i32, %c0_i32_0 : i32, i32
  }
  func.func @transform_3(%arg0: i32) -> (i32, i32) {
    %c0_i32 = arith.constant 0 : i32
    %c0_i32_0 = arith.constant 0 : i32
    %c0_i32_1 = arith.constant 0 : i32
    return %c0_i32, %c0_i32_0 : i32, i32
  }
  func.func @transform_4(%arg0: i32) -> (i32, i32) {
    %c0_i32 = arith.constant 0 : i32
    %c0_i32_0 = arith.constant 0 : i32
    %c0_i32_1 = arith.constant 0 : i32
    return %c0_i32, %c0_i32_0 : i32, i32
  }
  func.func @transform_5(%arg0: i32) -> (i32, i32, i32) {
    %c0_i32 = arith.constant 0 : i32
    %c0_i32_0 = arith.constant 0 : i32
    %c0_i32_1 = arith.constant 0 : i32
    %c0_i32_2 = arith.constant 0 : i32
    return %c0_i32, %c0_i32_0, %c0_i32_1 : i32, i32, i32
  }
  func.func @transform_6(%arg0: i32) -> (i32, i32) {
    %c0_i32 = arith.constant 0 : i32
    %c0_i32_0 = arith.constant 0 : i32
    %c0_i32_1 = arith.constant 0 : i32
    return %c0_i32, %c0_i32_0 : i32, i32
  }
  func.func @transform_7(%arg0: i32) -> (i32, i32) {
    %c0_i32 = arith.constant 0 : i32
    %c0_i32_0 = arith.constant 0 : i32
    %c0_i32_1 = arith.constant 0 : i32
    return %c0_i32, %c0_i32_0 : i32, i32
  }
}

module attributes {stable_mosaic.version = 14 : i64} {
  func.func @body(%arg0: i32, %arg1: memref<2000x32xf32, #tpu.memory_space<vmem>>, %arg2: memref<2000x32xf32, #tpu.memory_space<vmem>>, %arg3: memref<2000x32xf32, #tpu.memory_space<vmem>>, %arg4: memref<2000x32xf32, #tpu.memory_space<vmem>>, %arg5: memref<2000x1xf32, #tpu.memory_space<vmem>>, %arg6: memref<1x64xf32, #tpu.memory_space<vmem>>, %arg7: memref<128x64xf32, #tpu.memory_space<vmem>>, %arg8: memref<2000x32xf32, #tpu.memory_space<vmem>>, %arg9: memref<2000x32xf32, #tpu.memory_space<vmem>>) attributes {dimension_semantics = [#tpu.dimension_semantics<arbitrary>], iteration_bounds = array<i64: 25>, scalar_prefetch = 0 : i64, scratch_operands = 0 : i64, tpu.core_type = #tpu.core_type<tc>, window_params = [{transform_indices = @transform_0, window_bounds = array<i64: 2000, 32>}, {transform_indices = @transform_1, window_bounds = array<i64: 2000, 32>}, {transform_indices = @transform_2, window_bounds = array<i64: 2000, 32>}, {transform_indices = @transform_3, window_bounds = array<i64: 2000, 32>}, {transform_indices = @transform_4, window_bounds = array<i64: 2000, 1>}, {pipeline_mode = #tpu.pipeline_mode<synchronous>, transform_indices = @transform_5, window_bounds = array<i64: 1, 64>}, {pipeline_mode = #tpu.pipeline_mode<synchronous>, transform_indices = @transform_6, window_bounds = array<i64: 128, 64>}, {transform_indices = @transform_7, window_bounds = array<i64: 2000, 32>}, {transform_indices = @transform_8, window_bounds = array<i64: 2000, 32>}]} {
    %get3A = arith.constant 0 : index
    %get3A_0 = arith.constant 0 : index
    %get3A_1 = vector.load %arg1[%get3A, %get3A_0] : memref<2000x32xf32, #tpu.memory_space<vmem>>, vector<2000x32xf32>
    %get3A_2 = arith.constant 0 : index
    %get3A_3 = arith.constant 0 : index
    %get3A_4 = vector.load %arg2[%get3A_2, %get3A_3] : memref<2000x32xf32, #tpu.memory_space<vmem>>, vector<2000x32xf32>
    %concatenate3A = tpu.concatenate %get3A_1, %get3A_4 in 1 : vector<2000x32xf32>, vector<2000x32xf32> -> vector<2000x64xf32>
    %get3A_5 = arith.constant 0 : index
    %get3A_6 = arith.constant 0 : index
    %get3A_7 = vector.load %arg3[%get3A_5, %get3A_6] : memref<2000x32xf32, #tpu.memory_space<vmem>>, vector<2000x32xf32>
    %get3A_8 = arith.constant 0 : index
    %get3A_9 = arith.constant 0 : index
    %get3A_10 = vector.load %arg4[%get3A_8, %get3A_9] : memref<2000x32xf32, #tpu.memory_space<vmem>>, vector<2000x32xf32>
    %concatenate3A_11 = tpu.concatenate %get3A_7, %get3A_10 in 1 : vector<2000x32xf32>, vector<2000x32xf32> -> vector<2000x64xf32>
    %get3A_12 = arith.constant 0 : index
    %get3A_13 = arith.constant 0 : index
    %get3A_14 = vector.load %arg5[%get3A_12, %get3A_13] : memref<2000x1xf32, #tpu.memory_space<vmem>>, vector<2000x1xf32>
    %max3A = arith.constant 1.000000e+00 : f32
    %max3A_15 = vector.broadcast %max3A : f32 to vector<2000x1xf32>
    %max3A_16 = arith.maximumf %get3A_14, %max3A_15 : vector<2000x1xf32>
    %div3A = vector.broadcast %max3A_16 : vector<2000x1xf32> to vector<2000x64xf32>
    %div3A_17 = arith.divf %concatenate3A_11, %div3A : vector<2000x64xf32>
    %concatenate3A_18 = tpu.concatenate %concatenate3A, %div3A_17 in 1 : vector<2000x64xf32>, vector<2000x64xf32> -> vector<2000x128xf32>
    %get3A_19 = arith.constant 0 : index
    %get3A_20 = arith.constant 0 : index
    %get3A_21 = vector.load %arg7[%get3A_19, %get3A_20] : memref<128x64xf32, #tpu.memory_space<vmem>>, vector<128x64xf32>
    %dot_general3A = arith.constant dense<0.000000e+00> : vector<2000x64xf32>
    %dot_general3A_22 = tpu.matmul %concatenate3A_18, %get3A_21, %dot_general3A {dimension_numbers = #tpu.dot_dimension_numbers<[1], [0], [0], [1], [0, 0, 1, 1], [], []>, transpose_lhs_hint = false} : vector<2000x128xf32>, vector<128x64xf32>, vector<2000x64xf32> -> vector<2000x64xf32>
    %get3A_23 = arith.constant 0 : index
    %get3A_24 = arith.constant 0 : index
    %get3A_25 = vector.load %arg6[%get3A_23, %get3A_24] : memref<1x64xf32, #tpu.memory_space<vmem>>, vector<1x64xf32>
    %add3A = vector.broadcast %get3A_25 : vector<1x64xf32> to vector<2000x64xf32>
    %add3A_26 = arith.addf %dot_general3A_22, %add3A : vector<2000x64xf32>
    %max3A_27 = arith.constant 0.000000e+00 : f32
    %max3A_28 = vector.broadcast %max3A_27 : f32 to vector<2000x64xf32>
    %max3A_29 = arith.maximumf %add3A_26, %max3A_28 : vector<2000x64xf32>
    %slice3A = vector.extract_strided_slice %max3A_29 {offsets = [0, 0], sizes = [2000, 32], strides = [1, 1]} : vector<2000x64xf32> to vector<2000x32xf32>
    %swap3A = arith.constant 0 : index
    %swap3A_30 = arith.constant 0 : index
    %swap3A_31 = vector.load %arg8[%swap3A, %swap3A_30] : memref<2000x32xf32, #tpu.memory_space<vmem>>, vector<2000x32xf32>
    tpu.vector_store %arg8[%swap3A, %swap3A_30], %slice3A {strides = array<i32>} : memref<2000x32xf32, #tpu.memory_space<vmem>>, vector<2000x32xf32>,
    %slice3A_32 = vector.extract_strided_slice %max3A_29 {offsets = [0, 32], sizes = [2000, 32], strides = [1, 1]} : vector<2000x64xf32> to vector<2000x32xf32>
    %swap3A_33 = arith.constant 0 : index
    %swap3A_34 = arith.constant 0 : index
    %swap3A_35 = vector.load %arg9[%swap3A_33, %swap3A_34] : memref<2000x32xf32, #tpu.memory_space<vmem>>, vector<2000x32xf32>
    tpu.vector_store %arg9[%swap3A_33, %swap3A_34], %slice3A_32 {strides = array<i32>} : memref<2000x32xf32, #tpu.memory_space<vmem>>, vector<2000x32xf32>,
    return
  }
  func.func @transform_0(%arg0: i32) -> (i32, i32) {
    %c0_i32 = arith.constant 0 : i32
    %c0_i32_0 = arith.constant 0 : i32
    return %arg0, %c0_i32 : i32, i32
  }
  func.func @transform_1(%arg0: i32) -> (i32, i32) {
    %c0_i32 = arith.constant 0 : i32
    %c0_i32_0 = arith.constant 0 : i32
    return %arg0, %c0_i32 : i32, i32
  }
  func.func @transform_2(%arg0: i32) -> (i32, i32) {
    %c0_i32 = arith.constant 0 : i32
    %c0_i32_0 = arith.constant 0 : i32
    return %arg0, %c0_i32 : i32, i32
  }
  func.func @transform_3(%arg0: i32) -> (i32, i32) {
    %c0_i32 = arith.constant 0 : i32
    %c0_i32_0 = arith.constant 0 : i32
    return %arg0, %c0_i32 : i32, i32
  }
  func.func @transform_4(%arg0: i32) -> (i32, i32) {
    %c0_i32 = arith.constant 0 : i32
    %c0_i32_0 = arith.constant 0 : i32
    return %arg0, %c0_i32 : i32, i32
  }
  func.func @transform_5(%arg0: i32) -> (i32, i32) {
    %c0_i32 = arith.constant 0 : i32
    %c0_i32_0 = arith.constant 0 : i32
    %c0_i32_1 = arith.constant 0 : i32
    return %c0_i32, %c0_i32_0 : i32, i32
  }
  func.func @transform_6(%arg0: i32) -> (i32, i32) {
    %c0_i32 = arith.constant 0 : i32
    %c0_i32_0 = arith.constant 0 : i32
    %c0_i32_1 = arith.constant 0 : i32
    return %c0_i32, %c0_i32_0 : i32, i32
  }
  func.func @transform_7(%arg0: i32) -> (i32, i32) {
    %c0_i32 = arith.constant 0 : i32
    %c0_i32_0 = arith.constant 0 : i32
    return %arg0, %c0_i32 : i32, i32
  }
  func.func @transform_8(%arg0: i32) -> (i32, i32) {
    %c0_i32 = arith.constant 0 : i32
    %c0_i32_0 = arith.constant 0 : i32
    return %arg0, %c0_i32 : i32, i32
  }
}

module attributes {stable_mosaic.version = 14 : i64} {
  func.func @body(%arg0: i32, %arg1: memref<2000x32xf32, #tpu.memory_space<vmem>>, %arg2: memref<2000x32xf32, #tpu.memory_space<vmem>>, %arg3: memref<2000x32xf32, #tpu.memory_space<vmem>>, %arg4: memref<2000x32xf32, #tpu.memory_space<vmem>>, %arg5: memref<2000x1xf32, #tpu.memory_space<vmem>>, %arg6: memref<1x64xf32, #tpu.memory_space<vmem>>, %arg7: memref<128x64xf32, #tpu.memory_space<vmem>>, %arg8: memref<2000x32xf32, #tpu.memory_space<vmem>>, %arg9: memref<2000x32xf32, #tpu.memory_space<vmem>>, %arg10: memref<2000x32xf32, #tpu.memory_space<vmem>>, %arg11: memref<2000x32xf32, #tpu.memory_space<vmem>>) attributes {dimension_semantics = [#tpu.dimension_semantics<arbitrary>], iteration_bounds = array<i64: 25>, scalar_prefetch = 0 : i64, scratch_operands = 0 : i64, tpu.core_type = #tpu.core_type<tc>, window_params = [{transform_indices = @transform_0, window_bounds = array<i64: 2000, 32>}, {transform_indices = @transform_1, window_bounds = array<i64: 2000, 32>}, {transform_indices = @transform_2, window_bounds = array<i64: 2000, 32>}, {transform_indices = @transform_3, window_bounds = array<i64: 2000, 32>}, {transform_indices = @transform_4, window_bounds = array<i64: 2000, 1>}, {pipeline_mode = #tpu.pipeline_mode<synchronous>, transform_indices = @transform_5, window_bounds = array<i64: 1, 64>}, {pipeline_mode = #tpu.pipeline_mode<synchronous>, transform_indices = @transform_6, window_bounds = array<i64: 128, 64>}, {transform_indices = @transform_7, window_bounds = array<i64: 2000, 32>}, {transform_indices = @transform_8, window_bounds = array<i64: 2000, 32>}, {transform_indices = @transform_9, window_bounds = array<i64: 2000, 32>}, {transform_indices = @transform_10, window_bounds = array<i64: 2000, 32>}]} {
    %get3A = arith.constant 0 : index
    %get3A_0 = arith.constant 0 : index
    %get3A_1 = vector.load %arg1[%get3A, %get3A_0] : memref<2000x32xf32, #tpu.memory_space<vmem>>, vector<2000x32xf32>
    %get3A_2 = arith.constant 0 : index
    %get3A_3 = arith.constant 0 : index
    %get3A_4 = vector.load %arg2[%get3A_2, %get3A_3] : memref<2000x32xf32, #tpu.memory_space<vmem>>, vector<2000x32xf32>
    %concatenate3A = tpu.concatenate %get3A_1, %get3A_4 in 1 : vector<2000x32xf32>, vector<2000x32xf32> -> vector<2000x64xf32>
    %get3A_5 = arith.constant 0 : index
    %get3A_6 = arith.constant 0 : index
    %get3A_7 = vector.load %arg3[%get3A_5, %get3A_6] : memref<2000x32xf32, #tpu.memory_space<vmem>>, vector<2000x32xf32>
    %get3A_8 = arith.constant 0 : index
    %get3A_9 = arith.constant 0 : index
    %get3A_10 = vector.load %arg4[%get3A_8, %get3A_9] : memref<2000x32xf32, #tpu.memory_space<vmem>>, vector<2000x32xf32>
    %concatenate3A_11 = tpu.concatenate %get3A_7, %get3A_10 in 1 : vector<2000x32xf32>, vector<2000x32xf32> -> vector<2000x64xf32>
    %get3A_12 = arith.constant 0 : index
    %get3A_13 = arith.constant 0 : index
    %get3A_14 = vector.load %arg5[%get3A_12, %get3A_13] : memref<2000x1xf32, #tpu.memory_space<vmem>>, vector<2000x1xf32>
    %max3A = arith.constant 1.000000e+00 : f32
    %max3A_15 = vector.broadcast %max3A : f32 to vector<2000x1xf32>
    %max3A_16 = arith.maximumf %get3A_14, %max3A_15 : vector<2000x1xf32>
    %div3A = vector.broadcast %max3A_16 : vector<2000x1xf32> to vector<2000x64xf32>
    %div3A_17 = arith.divf %concatenate3A_11, %div3A : vector<2000x64xf32>
    %concatenate3A_18 = tpu.concatenate %concatenate3A, %div3A_17 in 1 : vector<2000x64xf32>, vector<2000x64xf32> -> vector<2000x128xf32>
    %get3A_19 = arith.constant 0 : index
    %get3A_20 = arith.constant 0 : index
    %get3A_21 = vector.load %arg7[%get3A_19, %get3A_20] : memref<128x64xf32, #tpu.memory_space<vmem>>, vector<128x64xf32>
    %dot_general3A = arith.constant dense<0.000000e+00> : vector<2000x64xf32>
    %dot_general3A_22 = tpu.matmul %concatenate3A_18, %get3A_21, %dot_general3A {dimension_numbers = #tpu.dot_dimension_numbers<[1], [0], [0], [1], [0, 0, 1, 1], [], []>, transpose_lhs_hint = false} : vector<2000x128xf32>, vector<128x64xf32>, vector<2000x64xf32> -> vector<2000x64xf32>
    %get3A_23 = arith.constant 0 : index
    %get3A_24 = arith.constant 0 : index
    %get3A_25 = vector.load %arg6[%get3A_23, %get3A_24] : memref<1x64xf32, #tpu.memory_space<vmem>>, vector<1x64xf32>
    %add3A = vector.broadcast %get3A_25 : vector<1x64xf32> to vector<2000x64xf32>
    %add3A_26 = arith.addf %dot_general3A_22, %add3A : vector<2000x64xf32>
    %max3A_27 = arith.constant 0.000000e+00 : f32
    %max3A_28 = vector.broadcast %max3A_27 : f32 to vector<2000x64xf32>
    %max3A_29 = arith.maximumf %add3A_26, %max3A_28 : vector<2000x64xf32>
    %get3A_30 = arith.constant 0 : index
    %get3A_31 = arith.constant 0 : index
    %get3A_32 = vector.load %arg8[%get3A_30, %get3A_31] : memref<2000x32xf32, #tpu.memory_space<vmem>>, vector<2000x32xf32>
    %get3A_33 = arith.constant 0 : index
    %get3A_34 = arith.constant 0 : index
    %get3A_35 = vector.load %arg9[%get3A_33, %get3A_34] : memref<2000x32xf32, #tpu.memory_space<vmem>>, vector<2000x32xf32>
    %concatenate3A_36 = tpu.concatenate %get3A_32, %get3A_35 in 1 : vector<2000x32xf32>, vector<2000x32xf32> -> vector<2000x64xf32>
    %add3A_37 = arith.addf %max3A_29, %concatenate3A_36 : vector<2000x64xf32>
    %slice3A = vector.extract_strided_slice %add3A_37 {offsets = [0, 0], sizes = [2000, 32], strides = [1, 1]} : vector<2000x64xf32> to vector<2000x32xf32>
    %swap3A = arith.constant 0 : index
    %swap3A_38 = arith.constant 0 : index
    %swap3A_39 = vector.load %arg10[%swap3A, %swap3A_38] : memref<2000x32xf32, #tpu.memory_space<vmem>>, vector<2000x32xf32>
    tpu.vector_store %arg10[%swap3A, %swap3A_38], %slice3A {strides = array<i32>} : memref<2000x32xf32, #tpu.memory_space<vmem>>, vector<2000x32xf32>,
    %slice3A_40 = vector.extract_strided_slice %add3A_37 {offsets = [0, 32], sizes = [2000, 32], strides = [1, 1]} : vector<2000x64xf32> to vector<2000x32xf32>
    %swap3A_41 = arith.constant 0 : index
    %swap3A_42 = arith.constant 0 : index
    %swap3A_43 = vector.load %arg11[%swap3A_41, %swap3A_42] : memref<2000x32xf32, #tpu.memory_space<vmem>>, vector<2000x32xf32>
    tpu.vector_store %arg11[%swap3A_41, %swap3A_42], %slice3A_40 {strides = array<i32>} : memref<2000x32xf32, #tpu.memory_space<vmem>>, vector<2000x32xf32>,
    return
  }
  func.func @transform_0(%arg0: i32) -> (i32, i32) {
    %c0_i32 = arith.constant 0 : i32
    %c0_i32_0 = arith.constant 0 : i32
    return %arg0, %c0_i32 : i32, i32
  }
  func.func @transform_1(%arg0: i32) -> (i32, i32) {
    %c0_i32 = arith.constant 0 : i32
    %c0_i32_0 = arith.constant 0 : i32
    return %arg0, %c0_i32 : i32, i32
  }
  func.func @transform_2(%arg0: i32) -> (i32, i32) {
    %c0_i32 = arith.constant 0 : i32
    %c0_i32_0 = arith.constant 0 : i32
    return %arg0, %c0_i32 : i32, i32
  }
  func.func @transform_3(%arg0: i32) -> (i32, i32) {
    %c0_i32 = arith.constant 0 : i32
    %c0_i32_0 = arith.constant 0 : i32
    return %arg0, %c0_i32 : i32, i32
  }
  func.func @transform_4(%arg0: i32) -> (i32, i32) {
    %c0_i32 = arith.constant 0 : i32
    %c0_i32_0 = arith.constant 0 : i32
    return %arg0, %c0_i32 : i32, i32
  }
  func.func @transform_5(%arg0: i32) -> (i32, i32) {
    %c0_i32 = arith.constant 0 : i32
    %c0_i32_0 = arith.constant 0 : i32
    %c0_i32_1 = arith.constant 0 : i32
    return %c0_i32, %c0_i32_0 : i32, i32
  }
  func.func @transform_6(%arg0: i32) -> (i32, i32) {
    %c0_i32 = arith.constant 0 : i32
    %c0_i32_0 = arith.constant 0 : i32
    %c0_i32_1 = arith.constant 0 : i32
    return %c0_i32, %c0_i32_0 : i32, i32
  }
  func.func @transform_7(%arg0: i32) -> (i32, i32) {
    %c0_i32 = arith.constant 0 : i32
    %c0_i32_0 = arith.constant 0 : i32
    return %arg0, %c0_i32 : i32, i32
  }
  func.func @transform_8(%arg0: i32) -> (i32, i32) {
    %c0_i32 = arith.constant 0 : i32
    %c0_i32_0 = arith.constant 0 : i32
    return %arg0, %c0_i32 : i32, i32
  }
  func.func @transform_9(%arg0: i32) -> (i32, i32) {
    %c0_i32 = arith.constant 0 : i32
    %c0_i32_0 = arith.constant 0 : i32
    return %arg0, %c0_i32 : i32, i32
  }
  func.func @transform_10(%arg0: i32) -> (i32, i32) {
    %c0_i32 = arith.constant 0 : i32
    %c0_i32_0 = arith.constant 0 : i32
    return %arg0, %c0_i32 : i32, i32
  }
}

module attributes {stable_mosaic.version = 14 : i64} {
  func.func @_final_body(%arg0: i32, %arg1: memref<2000x32xf32, #tpu.memory_space<vmem>>, %arg2: memref<2000x32xf32, #tpu.memory_space<vmem>>, %arg3: memref<2000x32xf32, #tpu.memory_space<vmem>>, %arg4: memref<2000x32xf32, #tpu.memory_space<vmem>>, %arg5: memref<2000x1xf32, #tpu.memory_space<vmem>>, %arg6: memref<1x64xf32, #tpu.memory_space<vmem>>, %arg7: memref<128x64xf32, #tpu.memory_space<vmem>>, %arg8: memref<2000x32xf32, #tpu.memory_space<vmem>>, %arg9: memref<2000x32xf32, #tpu.memory_space<vmem>>, %arg10: memref<2000x32xf32, #tpu.memory_space<vmem>>, %arg11: memref<64x64xf32, #tpu.memory_space<vmem>>, %arg12: memref<1x64xf32, #tpu.memory_space<vmem>>, %arg13: memref<2000x32xf32, #tpu.memory_space<vmem>>) attributes {dimension_semantics = [#tpu.dimension_semantics<arbitrary>], iteration_bounds = array<i64: 25>, scalar_prefetch = 0 : i64, scratch_operands = 0 : i64, tpu.core_type = #tpu.core_type<tc>, window_params = [{transform_indices = @transform_0, window_bounds = array<i64: 2000, 32>}, {transform_indices = @transform_1, window_bounds = array<i64: 2000, 32>}, {transform_indices = @transform_2, window_bounds = array<i64: 2000, 32>}, {transform_indices = @transform_3, window_bounds = array<i64: 2000, 32>}, {transform_indices = @transform_4, window_bounds = array<i64: 2000, 1>}, {pipeline_mode = #tpu.pipeline_mode<synchronous>, transform_indices = @transform_5, window_bounds = array<i64: 1, 64>}, {pipeline_mode = #tpu.pipeline_mode<synchronous>, transform_indices = @transform_6, window_bounds = array<i64: 128, 64>}, {transform_indices = @transform_7, window_bounds = array<i64: 2000, 32>}, {transform_indices = @transform_8, window_bounds = array<i64: 2000, 32>}, {transform_indices = @transform_9, window_bounds = array<i64: 2000, 32>}, {pipeline_mode = #tpu.pipeline_mode<synchronous>, transform_indices = @transform_10, window_bounds = array<i64: 64, 64>}, {pipeline_mode = #tpu.pipeline_mode<synchronous>, transform_indices = @transform_11, window_bounds = array<i64: 1, 64>}, {transform_indices = @transform_12, window_bounds = array<i64: 2000, 32>}]} {
    %get3A = arith.constant 0 : index
    %get3A_0 = arith.constant 0 : index
    %get3A_1 = vector.load %arg1[%get3A, %get3A_0] : memref<2000x32xf32, #tpu.memory_space<vmem>>, vector<2000x32xf32>
    %get3A_2 = arith.constant 0 : index
    %get3A_3 = arith.constant 0 : index
    %get3A_4 = vector.load %arg2[%get3A_2, %get3A_3] : memref<2000x32xf32, #tpu.memory_space<vmem>>, vector<2000x32xf32>
    %concatenate3A = tpu.concatenate %get3A_1, %get3A_4 in 1 : vector<2000x32xf32>, vector<2000x32xf32> -> vector<2000x64xf32>
    %get3A_5 = arith.constant 0 : index
    %get3A_6 = arith.constant 0 : index
    %get3A_7 = vector.load %arg3[%get3A_5, %get3A_6] : memref<2000x32xf32, #tpu.memory_space<vmem>>, vector<2000x32xf32>
    %get3A_8 = arith.constant 0 : index
    %get3A_9 = arith.constant 0 : index
    %get3A_10 = vector.load %arg4[%get3A_8, %get3A_9] : memref<2000x32xf32, #tpu.memory_space<vmem>>, vector<2000x32xf32>
    %concatenate3A_11 = tpu.concatenate %get3A_7, %get3A_10 in 1 : vector<2000x32xf32>, vector<2000x32xf32> -> vector<2000x64xf32>
    %get3A_12 = arith.constant 0 : index
    %get3A_13 = arith.constant 0 : index
    %get3A_14 = vector.load %arg5[%get3A_12, %get3A_13] : memref<2000x1xf32, #tpu.memory_space<vmem>>, vector<2000x1xf32>
    %max3A = arith.constant 1.000000e+00 : f32
    %max3A_15 = vector.broadcast %max3A : f32 to vector<2000x1xf32>
    %max3A_16 = arith.maximumf %get3A_14, %max3A_15 : vector<2000x1xf32>
    %div3A = vector.broadcast %max3A_16 : vector<2000x1xf32> to vector<2000x64xf32>
    %div3A_17 = arith.divf %concatenate3A_11, %div3A : vector<2000x64xf32>
    %concatenate3A_18 = tpu.concatenate %concatenate3A, %div3A_17 in 1 : vector<2000x64xf32>, vector<2000x64xf32> -> vector<2000x128xf32>
    %get3A_19 = arith.constant 0 : index
    %get3A_20 = arith.constant 0 : index
    %get3A_21 = vector.load %arg7[%get3A_19, %get3A_20] : memref<128x64xf32, #tpu.memory_space<vmem>>, vector<128x64xf32>
    %dot_general3A = arith.constant dense<0.000000e+00> : vector<2000x64xf32>
    %dot_general3A_22 = tpu.matmul %concatenate3A_18, %get3A_21, %dot_general3A {dimension_numbers = #tpu.dot_dimension_numbers<[1], [0], [0], [1], [0, 0, 1, 1], [], []>, transpose_lhs_hint = false} : vector<2000x128xf32>, vector<128x64xf32>, vector<2000x64xf32> -> vector<2000x64xf32>
    %get3A_23 = arith.constant 0 : index
    %get3A_24 = arith.constant 0 : index
    %get3A_25 = vector.load %arg6[%get3A_23, %get3A_24] : memref<1x64xf32, #tpu.memory_space<vmem>>, vector<1x64xf32>
    %add3A = vector.broadcast %get3A_25 : vector<1x64xf32> to vector<2000x64xf32>
    %add3A_26 = arith.addf %dot_general3A_22, %add3A : vector<2000x64xf32>
    %max3A_27 = arith.constant 0.000000e+00 : f32
    %max3A_28 = vector.broadcast %max3A_27 : f32 to vector<2000x64xf32>
    %max3A_29 = arith.maximumf %add3A_26, %max3A_28 : vector<2000x64xf32>
    %get3A_30 = arith.constant 0 : index
    %get3A_31 = arith.constant 0 : index
    %get3A_32 = vector.load %arg8[%get3A_30, %get3A_31] : memref<2000x32xf32, #tpu.memory_space<vmem>>, vector<2000x32xf32>
    %get3A_33 = arith.constant 0 : index
    %get3A_34 = arith.constant 0 : index
    %get3A_35 = vector.load %arg9[%get3A_33, %get3A_34] : memref<2000x32xf32, #tpu.memory_space<vmem>>, vector<2000x32xf32>
    %concatenate3A_36 = tpu.concatenate %get3A_32, %get3A_35 in 1 : vector<2000x32xf32>, vector<2000x32xf32> -> vector<2000x64xf32>
    %add3A_37 = arith.addf %max3A_29, %concatenate3A_36 : vector<2000x64xf32>
    %get3A_38 = arith.constant 0 : index
    %get3A_39 = arith.constant 0 : index
    %get3A_40 = vector.load %arg11[%get3A_38, %get3A_39] : memref<64x64xf32, #tpu.memory_space<vmem>>, vector<64x64xf32>
    %dot_general3A_41 = arith.constant dense<0.000000e+00> : vector<2000x64xf32>
    %dot_general3A_42 = tpu.matmul %add3A_37, %get3A_40, %dot_general3A_41 {dimension_numbers = #tpu.dot_dimension_numbers<[1], [0], [0], [1], [0, 0, 1, 1], [], []>, transpose_lhs_hint = false} : vector<2000x64xf32>, vector<64x64xf32>, vector<2000x64xf32> -> vector<2000x64xf32>
    %get3A_43 = arith.constant 0 : index
    %get3A_44 = arith.constant 0 : index
    %get3A_45 = vector.load %arg12[%get3A_43, %get3A_44] : memref<1x64xf32, #tpu.memory_space<vmem>>, vector<1x64xf32>
    %add3A_46 = vector.broadcast %get3A_45 : vector<1x64xf32> to vector<2000x64xf32>
    %add3A_47 = arith.addf %dot_general3A_42, %add3A_46 : vector<2000x64xf32>
    %logistic3A = arith.negf %add3A_47 : vector<2000x64xf32>
    %logistic3A_48 = math.exp %logistic3A : vector<2000x64xf32>
    %logistic3A_49 = arith.constant 1.000000e+00 : f32
    %logistic3A_50 = vector.broadcast %logistic3A_49 : f32 to vector<2000x64xf32>
    %logistic3A_51 = arith.addf %logistic3A_50, %logistic3A_48 : vector<2000x64xf32>
    %logistic3A_52 = arith.divf %logistic3A_50, %logistic3A_51 : vector<2000x64xf32>
    %get3A_53 = arith.constant 0 : index
    %get3A_54 = arith.constant 0 : index
    %get3A_55 = vector.load %arg10[%get3A_53, %get3A_54] : memref<2000x32xf32, #tpu.memory_space<vmem>>, vector<2000x32xf32>
    %neg3A = arith.constant 0.000000e+00 : f32
    %neg3A_56 = vector.broadcast %neg3A : f32 to vector<2000x32xf32>
    %neg3A_57 = arith.subf %neg3A_56, %get3A_55 : vector<2000x32xf32>
    %slice3A = vector.extract_strided_slice %logistic3A_52 {offsets = [0, 0], sizes = [2000, 32], strides = [1, 1]} : vector<2000x64xf32> to vector<2000x32xf32>
    %mul3A = arith.mulf %neg3A_57, %slice3A : vector<2000x32xf32>
    %slice3A_58 = vector.extract_strided_slice %logistic3A_52 {offsets = [0, 32], sizes = [2000, 32], strides = [1, 1]} : vector<2000x64xf32> to vector<2000x32xf32>
    %mul3A_59 = arith.constant 2.000000e+00 : f32
    %mul3A_60 = vector.broadcast %mul3A_59 : f32 to vector<2000x32xf32>
    %mul3A_61 = arith.mulf %slice3A_58, %mul3A_60 : vector<2000x32xf32>
    %sub3A = arith.constant 1.000000e+00 : f32
    %sub3A_62 = vector.broadcast %sub3A : f32 to vector<2000x32xf32>
    %sub3A_63 = arith.subf %mul3A_61, %sub3A_62 : vector<2000x32xf32>
    %add3A_64 = arith.addf %mul3A, %sub3A_63 : vector<2000x32xf32>
    %swap3A = arith.constant 0 : index
    %swap3A_65 = arith.constant 0 : index
    %swap3A_66 = vector.load %arg13[%swap3A, %swap3A_65] : memref<2000x32xf32, #tpu.memory_space<vmem>>, vector<2000x32xf32>
    tpu.vector_store %arg13[%swap3A, %swap3A_65], %add3A_64 {strides = array<i32>} : memref<2000x32xf32, #tpu.memory_space<vmem>>, vector<2000x32xf32>,
    return
  }
  func.func @transform_0(%arg0: i32) -> (i32, i32) {
    %c0_i32 = arith.constant 0 : i32
    %c0_i32_0 = arith.constant 0 : i32
    return %arg0, %c0_i32 : i32, i32
  }
  func.func @transform_1(%arg0: i32) -> (i32, i32) {
    %c0_i32 = arith.constant 0 : i32
    %c0_i32_0 = arith.constant 0 : i32
    return %arg0, %c0_i32 : i32, i32
  }
  func.func @transform_2(%arg0: i32) -> (i32, i32) {
    %c0_i32 = arith.constant 0 : i32
    %c0_i32_0 = arith.constant 0 : i32
    return %arg0, %c0_i32 : i32, i32
  }
  func.func @transform_3(%arg0: i32) -> (i32, i32) {
    %c0_i32 = arith.constant 0 : i32
    %c0_i32_0 = arith.constant 0 : i32
    return %arg0, %c0_i32 : i32, i32
  }
  func.func @transform_4(%arg0: i32) -> (i32, i32) {
    %c0_i32 = arith.constant 0 : i32
    %c0_i32_0 = arith.constant 0 : i32
    return %arg0, %c0_i32 : i32, i32
  }
  func.func @transform_5(%arg0: i32) -> (i32, i32) {
    %c0_i32 = arith.constant 0 : i32
    %c0_i32_0 = arith.constant 0 : i32
    %c0_i32_1 = arith.constant 0 : i32
    return %c0_i32, %c0_i32_0 : i32, i32
  }
  func.func @transform_6(%arg0: i32) -> (i32, i32) {
    %c0_i32 = arith.constant 0 : i32
    %c0_i32_0 = arith.constant 0 : i32
    %c0_i32_1 = arith.constant 0 : i32
    return %c0_i32, %c0_i32_0 : i32, i32
  }
  func.func @transform_7(%arg0: i32) -> (i32, i32) {
    %c0_i32 = arith.constant 0 : i32
    %c0_i32_0 = arith.constant 0 : i32
    return %arg0, %c0_i32 : i32, i32
  }
  func.func @transform_8(%arg0: i32) -> (i32, i32) {
    %c0_i32 = arith.constant 0 : i32
    %c0_i32_0 = arith.constant 0 : i32
    return %arg0, %c0_i32 : i32, i32
  }
  func.func @transform_9(%arg0: i32) -> (i32, i32) {
    %c0_i32 = arith.constant 0 : i32
    %c0_i32_0 = arith.constant 0 : i32
    return %arg0, %c0_i32 : i32, i32
  }
  func.func @transform_10(%arg0: i32) -> (i32, i32) {
    %c0_i32 = arith.constant 0 : i32
    %c0_i32_0 = arith.constant 0 : i32
    %c0_i32_1 = arith.constant 0 : i32
    return %c0_i32, %c0_i32_0 : i32, i32
  }
  func.func @transform_11(%arg0: i32) -> (i32, i32) {
    %c0_i32 = arith.constant 0 : i32
    %c0_i32_0 = arith.constant 0 : i32
    %c0_i32_1 = arith.constant 0 : i32
    return %c0_i32, %c0_i32_0 : i32, i32
  }
  func.func @transform_12(%arg0: i32) -> (i32, i32) {
    %c0_i32 = arith.constant 0 : i32
    %c0_i32_0 = arith.constant 0 : i32
    return %arg0, %c0_i32 : i32, i32
  }
}

</mosaic_0001>

<sc_bundles>
// kernel: seg_sum.11.cloned.1.call-start
scs
__scs_entry_jumppad:
0x0: {  	(pc) =	sbr.rel $0x88, $3  }
0x1: {  	(tag) =	ssettag $0x0;
	lr =	simm.s32 $0x1  }
0x2: {  	[smem:$0x3F90] =	sst lr;
	_ =	strace $0xD0000000  }
0x3: {  	_ = 	snop  }
0x4: {  	_ = 	snop  }
0x5: {  	_ = 	snop  }
0x6: {  	_ = 	snop  }
0x7: {  	_ = 	snop  }
__scs_overlays_trampoline_lowered:
0x8: {  	[smem:$0x3F9F] =	sst s0  }
0x9: {  	[smem:$0x3FA0] =	sst s1  }
0xa: {  	[smem:$0x3FA1] =	sst s2  }
0xb: {  	[smem:$0x3FA2] =	sst s3  }
0xc: {  	[smem:$0x3FA3] =	sst s4  }
0xd: {  	[smem:$0x3FA4] =	sst s5  }
0xe: {  	[smem:$0x3FA5] =	sst s6  }
0xf: {  	[smem:$0x3FA6] =	sst s7  }
0x10: {  	[smem:$0x3FA7] =	sst s8  }
0x11: {  	[smem:$0x3FA8] =	sst s9;
	s0 =	simm.s32 @!p0 $0x0  }
0x12: {  	s1 =	sld [smem:$0x3F8E];
	s0 =	simm.s32 @p0 $0x1  }
0x13: {  	[smem:$0x3FA9] =	sst s0;
	s0 =	simm.s32 @!p1 $0x0  }
0x14: {  	s2 =	sld [smem:$0x3F8D];
	s0 =	simm.s32 @p1 $0x1  }
0x15: {  	[smem:$0x3FAA] =	sst s0;
	s0 =	simm.s32 @!p2 $0x0  }
0x16: {  	s3 =	sld [smem:$0x3FDB];
	s0 =	simm.s32 @p2 $0x1  }
0x17: {  	s4 =	simm.s32 $0x1BF5;
	[smem:$0x3FAC] =	sst s0  }
0x18: {  	s0 =	sld [smem:$0x3F8F];
	_ =	swait.ge [sflag:s4], $0x0  }
0x19: {  	s7 =	sld [smem:$0x3F90]  }
0x1a: {  	s8 =	sadd.s32 $0xFFFFE003, lr  }
0x1b: {  	s9 =	sadd.s32 $0xFFFFFEF7, lr;
	s5 =	simm.s32 $0xFFFFFFFF;
	p2 =	slt.u32 s8, $0xFFFFF086  }
0x1c: {  	p1 =	slt.u32 s9, $0xF7A;
	s5 =	simm.s32 @!p2 $0x0  }
0x1d: {  	s5 =	simm.s32 @p1 $0x1;
	p0 =	seq.s32 s7, s2  }
0x1e: {  	s7 =	smul.u32 @!p0 $0xF7A, s2;
	p2 =	seq.s32 @!p0 s5, $0x0  }
0x1f: {  	s9 =	smul.u32 $0xF7A, s1;
	s8 =	simm.s32 @!p0 $0x1BF5;
	p2 =	por !p2, p0  }
0x20: {  	[sflag:s8] =	ssyncset.s32 @!p0 $0xFFFFF086;
	s6 =	sadd.s32 @!p0 s3, s7;
	s7 =	simm.s32 @!p0 $0x108  }
0x21: {  	s3 =	sadd.s32 s3, s9;
	s6 =	sadd.s32 @!p0 $0x88, s6;
	s7 =	simm.s32 @p2 $0x1082  }
0x22: {  	[simem:s7], [sflag:s8] =	dma.local @!p0 [hbm:s6], $0xF7A  }
0x23: {  	s9 =	sor.u32 $0xD0000000, s2;
	s6 =	simm.s32 $0x108;
	_ =	swait.ge @!p0 [sflag:s8], $0x0  }
0x24: {  	s3 =	sadd.s32 $0x88, s3;
	s6 =	simm.s32 @!p1 $0x1082;
	[sflag:s4] =	ssyncset.s32 $0xFFFFF086  }
0x25: {  	[simem:s6], [sflag:s4] =	dma.local [hbm:s3], $0xF7A  }
0x26: {  	[smem:$0x3F90] =	sst s1;
	(tag) =	ssettag s2;
	_ =	strace s9  }
0x27: {  	s1 =	sld [smem:$0x3FA0]  }
0x28: {  	s2 =	sld [smem:$0x3FA1]  }
0x29: {  	s4 =	sld [smem:$0x3FA3]  }
0x2a: {  	p0 =	seq.s32 s5, $0x0;
	s5 =	sld [smem:$0x3FA4]  }
0x2b: {  	s6 =	sld [smem:$0x3FA5]  }
0x2c: {  	s7 =	sld [smem:$0x3FA6]  }
0x2d: {  	s3 =	simm.s32 $0x108;
	s8 =	sld [smem:$0x3FA7]  }
0x2e: {  	s3 =	simm.s32 @!p0 $0x1082;
	s9 =	sld [smem:$0x3FA8]  }
0x2f: {  	lr =	sadd.s32 s0, s3;
	s0 =	sld [smem:$0x3F9F]  }
0x30: {  	s3 =	sld [smem:$0x3FA2]  }
0x31: {  	[smem:$0x3FAB] =	sst s10  }
0x32: {  	s10 =	sld [smem:$0x3FA9];
	_ =	sdelay $0x3  }
0x33: {  	p0 =	seq.s32 s10, $0x1;
	s10 =	sld [smem:$0x3FAB];
	_ =	sdelay $0x3  }
0x34: {  	[smem:$0x3FAB] =	sst s10  }
0x35: {  	s10 =	sld [smem:$0x3FAA];
	_ =	sdelay $0x3  }
0x36: {  	p1 =	seq.s32 s10, $0x1;
	s10 =	sld [smem:$0x3FAB];
	_ =	sdelay $0x3  }
0x37: {  	[smem:$0x3FAB] =	sst s10  }
0x38: {  	s10 =	sld [smem:$0x3FAC]  }
0x39: {  	_ = 	snop;
	(pc) =	sbr.ind lr, $3  }
0x3a: {  	_ = 	snop  }
0x3b: {  	_ = 	snop  }
0x3c: {  	p2 =	seq.s32 s10, $0x1;
	s10 =	sld [smem:$0x3FAB]  }
0x3d: {  	_ =	shalt  }
0x3e: {  	_ =	shalt  }
0x3f: {  	_ =	shalt  }
0x40: {  	_ =	shalt  }
0x41: {  	_ =	shalt  }
0x42: {  	_ =	shalt  }
0x43: {  	_ =	shalt  }
0x44: {  	_ =	shalt  }
0x45: {  	_ =	shalt  }
0x46: {  	_ =	shalt  }
0x47: {  	_ =	shalt  }
0x48: {  	_ =	shalt  }
0x49: {  	_ =	shalt  }
0x4a: {  	_ =	shalt  }
0x4b: {  	_ =	shalt  }
0x4c: {  	_ =	shalt  }
0x4d: {  	_ =	shalt  }
0x4e: {  	_ =	shalt  }
0x4f: {  	_ =	shalt  }
0x50: {  	_ =	shalt  }
0x51: {  	_ =	shalt  }
0x52: {  	_ =	shalt  }
0x53: {  	_ =	shalt  }
0x54: {  	_ =	shalt  }
0x55: {  	_ =	shalt  }
0x56: {  	_ =	shalt  }
0x57: {  	_ =	shalt  }
0x58: {  	_ =	shalt  }
0x59: {  	_ =	shalt  }
0x5a: {  	_ =	shalt  }
0x5b: {  	_ =	shalt  }
0x5c: {  	_ =	shalt  }
0x5d: {  	_ =	shalt  }
0x5e: {  	_ =	shalt  }
0x5f: {  	_ =	shalt  }
0x60: {  	_ =	shalt  }
0x61: {  	_ =	shalt  }
0x62: {  	_ =	shalt  }
0x63: {  	_ =	shalt  }
0x64: {  	_ =	shalt  }
0x65: {  	_ =	shalt  }
0x66: {  	_ =	shalt  }
0x67: {  	_ =	shalt  }
0x68: {  	_ =	shalt  }
0x69: {  	_ =	shalt  }
0x6a: {  	_ =	shalt  }
0x6b: {  	_ =	shalt  }
0x6c: {  	_ =	shalt  }
0x6d: {  	_ =	shalt  }
0x6e: {  	_ =	shalt  }
0x6f: {  	_ =	shalt  }
0x70: {  	_ =	shalt  }
0x71: {  	_ =	shalt  }
0x72: {  	_ =	shalt  }
0x73: {  	_ =	shalt  }
0x74: {  	_ =	shalt  }
0x75: {  	_ =	shalt  }
0x76: {  	_ =	shalt  }
0x77: {  	_ =	shalt  }
0x78: {  	_ =	shalt  }
0x79: {  	_ =	shalt  }
0x7a: {  	_ =	shalt  }
0x7b: {  	_ =	shalt  }
0x7c: {  	_ =	shalt  }
0x7d: {  	_ =	shalt  }
0x7e: {  	_ =	shalt  }
0x7f: {  	_ =	shalt  }
0x80: {  	_ =	shalt  }
0x81: {  	_ =	shalt  }
0x82: {  	_ =	shalt  }
0x83: {  	_ =	shalt  }
0x84: {  	_ =	shalt  }
0x85: {  	_ =	shalt  }
0x86: {  	_ =	shalt  }
0x87: {  	_ =	shalt  }
.Lfunc_end0:
.L_simem_size_0:
called_computation.3_lowered:
.L_overlay_start_0:
0x88: {  	s2 =	sld [smem:$0x3FD9]  }
0x89: {  	s3 =	sld [smem:$0x3FFE];
	_ =	sdelay $0x1  }
0x8a: {  	s1 =	srdreg.scid  }
0x8b: {  	s0 =	sand.u32 $0x1, s1  }
0x8c: {  	s14 =	sshll.u32 s0, $0xA;
	s2 =	sadd.s32 s3, s2  }
0x8d: {  	s2 =	sadd.s32 s2, s14  }
0x8e: {  	[smem:$0x3FB7] =	sst s2  }
0x8f: {  	_ = 	snop  }
0x90: {  	s2 =	sld [smem:$0x3FD0];
	_ =	sdelay $0x2  }
0x91: {  	s15 =	simm.s32 $0xA;
	s4 =	simm.s32 $0x10  }
0x92: {  	[smem:s4], [sflag:s15] =	dma.local [hbm:s2], $0x1  }
0x93: {  	_ =	swait.eq [sflag:s15], $0x1  }
0x94: {  	[sflag:s15] =	ssyncset.done $0x0  }
0x95: {  	s16 =	sld [smem:$0x10];
	[sflag:s15] =	ssyncadd.s32 $0xFFFFFFFF  }
0x96: {  	s17 =	sld [smem:$0x11];
	(tm) =	ssettm $0x1  }
0x97: {  	s18 =	sld [smem:$0x3FFB];
	_ =	sdelay $0x3  }
0x98: {  	_ =	strace s18  }
0x99: {  	s4 =	sld [smem:$0x3FFC];
	_ =	sdelay $0x3  }
0x9a: {  	_ =	strace s4  }
0x9b: {  	s4 =	sld [smem:$0x3FFD];
	_ =	sdelay $0x3  }
0x9c: {  	_ =	strace s4  }
0x9d: {  	_ =	strace $0x8FFFFFFF  }
0x9e: {  	s19 =	sld [smem:$0x3FDB];
	_ =	sdelay $0x1  }
0x9f: {  	s5 =	simm.s32 $_scs_section_size  }
0xa0: {  	s6 =	simm.s32 $_size__tile_overlayer_lowered;
	s7 =	simm.s32 $_tile_overlayer_lowered  }
0xa1: {  	s22 =	simm.s32 $0x1BFF;
	s21 =	sshll.u32 s7, $0x1;
	s4 =	sadd.s32 s5, s19  }
0xa2: {  	s8 =	simm.s32 $0x0;
	s20 =	sshll.u32 s6, $0x1;
	s6 =	sadd.s32 s21, s4  }
0xa3: {  	[timem:s8], [sflag:s22] =	dma.local [hbm:s6], s20  }
0xa4: {  	_ =	swait.ge [sflag:s22], s20  }
0xa5: {  	s5 =	ssub.s32 $0x0, s20;
	[sflag:s22] =	ssyncset.done $0x0  }
0xa6: {  	[sflag:s22] =	ssyncadd.s32 s5;
	_ =	sdelay $0x1  }
0xa7: {  	s23 =	simm.s32 $0x1B8B  }
0xa8: {  	_ =	swait.ge [sflag:s23], $0x1  }
0xa9: {  	[sflag:s23] =	ssyncset.done $0x0  }
0xaa: {  	s25 =	simm.s32 $0x1B8E;
	s24 =	sld [smem:$0x3FFE];
	[sflag:s23] =	ssyncadd.s32 $0xFFFFFFFF  }
0xab: {  	s26 =	simm.s32 $execute0_lowered;
	[smem:$0x3FD2] =	sst s25  }
0xac: {  	s6 =	sshll.u32 s26, $0x1;
	_ =	strace $0x8000004F;
	[dreg:$0x1] =	wrdreg $0xFFFFFFFF  }
0xad: {  	s28 =	simm.s32 $_size_execute0_lowered;
	s4 =	sadd.s32 s4, s6;
	[dreg:$0x0] =	wrdreg $0x0  }
0xae: {  	s6 =	sshll.u32 s28, $0x1;
	[dreg:$0x2] =	wrdreg s4  }
0xaf: {  	[dreg:$0x3] =	wrdreg s6  }
0xb0: {  	[dreg:$0x4] =	wrdreg $0xC0  }
0xb1: {  	_ =	task [dreg:s8], $0x5FFFF  }
0xb2: {  	[dreg:$0x1] =	wrdreg $0xFFFFFFFF  }
0xb3: {  	[dreg:$0x0] =	wrdreg $0x60  }
0xb4: {  	[dreg:$0x2] =	wrdreg s16  }
0xb5: {  	[dreg:$0x3] =	wrdreg s24  }
0xb6: {  	[dreg:$0x4] =	wrdreg s17  }
0xb7: {  	[dreg:$0x5] =	wrdreg $0x0  }
0xb8: {  	[dreg:$0x6] =	wrdreg $0x9  }
0xb9: {  	_ =	task.clear_ibuf [dreg:s8], $0x7FFFF;
	_ =	strace $0x9000004F  }
0xba: {  	s29 =	simm.s32 $0x9;
	_ =	strace $0x80000051  }
0xbb: {  	_ =	swait.ge [sflag:s29], $0x1  }
0xbc: {  	[sflag:s29] =	ssyncadd.s32 $0xFFFFFFFF  }
0xbd: {  	_ =	strace $0x90000051  }
0xbe: {  	_ =	sfence  }
0xbf: {  	s30 =	sld [smem:$0x0];
	_ =	sdelay $0x2  }
0xc0: {  	s31 =	sshll.u32 s1, $0xD;
	s1 =	sshrl.u32 s1, $0x2  }
0xc1: {  	s3 =	sand.u32 $0x4000, s31;
	s1 =	sadd.s32 s1, s30  }
0xc2: {  	s0 =	sor.u32 s3, s0;
	s1 =	sshll.u32 s1, $0x11  }
0xc3: {  	s0 =	sor.u32 s1, s0  }
0xc4: {  	s0 =	sadd.s32 $0x8F2B, s0  }
0xc5: {  	[sflag:s0] =	ssyncadd.remote.s32 $0x1  }
0xc6: {  	_ =	sfence.sel $0xFFFF  }
0xc7: {  	[dreg:$0x0] =	wrdreg $0xFFFFFFFF;
	(pc) =	sbr.abs _section_cstart, $3  }
0xc8: {  	[dreg:$0x1] =	wrdreg $0xFFFFFFFF  }
0xc9: {  	_ =	task.clear_ibuf [dreg:s8], $0x2FFFF;
	_ =	strace $0x9FFFFFFF  }
0xca: {  	(tm) =	ssettm $0x7FFFFFFF  }
0xcb: {  	_ =	shalt  }
tec
execute0_lowered:
.L_overlay_start_1:
0x0: {  	(tag) =	ssettag $0x1  }
0x1: {  	s0 =	rddreg [dreg:$0x0]  }
0x2: {  	s1 =	rddreg [dreg:$0x1]  }
0x3: {  	s3 =	rddreg [dreg:$0x3]  }
0x4: {  	s4 =	simm.s32 $0x0;
	s15 =	stileid.u32;
	s5 =	srdreg.scid  }
0x5: {  	s18 =	simm.s32 $0x186B0;
	s19 =	simm.s32 $0x2;
	s20 =	simm.s32 $0x18AB0  }
0x6: {  	s21 =	simm.s32 $0x80;
	s28 =	simm.s32 $0x18BB0;
	s29 =	simm.s32 $0x18830  }
0x7: {  	s30 =	simm.s32 $0x18C30;
	s31 =	simm.s32 $0x188B0;
	s2 =	smul.u32 $0x1880, s15  }
0x8: {  	[smem:$0x7FF] =	sst s4;
	s7 =	smul.u32 $0x18700, s15;
	s8 =	sand.u32 $0x1, s5  }
0x9: {  	s5 =	sadd.s32 $0xCA200, s1;
	s9 =	smul.u32 $0x61C00, s15;
	s24 =	sadd.s32 $0x436520, s1  }
0xa: {  	_ =	strace $0x80000050;
	s6 =	ssub.s32 $0x2, s8;
	p0 =	seq.s32 s8, $0x0  }
0xb: {  	p4 =	seq.s32 s8, $0x1;
	[dreg:$0x7] =	wrdreg s24;
	s24 =	simm.s32 $0x18730  }
0xc: {  	s8 =	simm.s32 $0x189B0;
	s2 =	sadd.s32 s2, s1;
	s10 =	sshrl.u32 s7, $0x3  }
0xd: {  	s11 =	sshrl.u32 s6, $0x1;
	s22 =	sshrl.u32 s9, $0x2;
	s7 =	sadd.s32 s7, s3  }
0xe: {  	s5 =	smov.u32 @p0 s0;
	p0 =	seq.s32 s15, $0xF;
	p2 =	seq.s32 @p4 s15, $0xF  }
0xf: {  	p5 =	seq.s32 @!p4 s15, $0xF;
	s10 =	sadd.s32 s10, s1;
	s11 =	ssub.s32 s6, s11  }
0x10: {  	s12 =	sadd.s32 s22, s3;
	s6 =	sadd.s32 $0x16E900, s3;
	s1 =	sadd.s32 $0x15A120, s1  }
0x11: {  	[dreg:$0x8] =	wrdreg s7;
	s13 =	sadd.s32 $0xFB000, s2;
	s14 =	sadd.s32 $0x113800, s2  }
0x12: {  	s0 =	sshll.u32 @!p0 s15, $0x6;
	s22 =	simm.s32 $0x18EB0;
	p1 =	por !p2, !p4  }
0x13: {  	p2 =	por p2, !p4;
	p3 =	por !p5, p4;
	[dreg:$0xa] =	wrdreg s1  }
0x14: {  	p4 =	por p5, p4;
	s23 =	sadd.s32 $0x408800, s10;
	[dreg:$0x5] =	wrdreg s6  }
0x15: {  	s7 =	simm.s32 $0x18D30;
	s25 =	sadd.s32 $0x12C400, s10;
	[dreg:$0x6] =	wrdreg s23  }
0x16: {  	s15 =	simm.s32 $0x0;
	s26 =	smax.u32 s11, $0x1;
	[dreg:$0x9] =	wrdreg s25  }
0x17: {  	s1 =	sshrl.u32 @p0 s6, $0x3;
	s0 =	sor.u32 @!p0 $0x1C02, s0;
	[dreg:$0xb] =	wrdreg s26  }
0x18: {  	s10 =	simm.s32 $0x18DB0;
	s11 =	simm.s32 $0x18A30;
	[dreg:$0xc] =	wrdreg s1  }
0x19: {  	[dreg:$0xd] =	wrdreg s0;
	s0 =	sshrl.u32 @!p0 s12, $0x3;
	s23 =	simm.s32 $0x1  }
0x1a: {  	s25 =	simm.s32 $0x18B30;
	s26 =	simm.s32 $0x187B0;
	s1 =	simm.s32 $0x18930  }
0x1b: {  	s12 =	simm.s32 $0x18E30;
	[dreg:$0xe] =	wrdreg s0;
	s0 =	simm.s32 $0x18CB0  }
.LBB2_1:
0x1c: {  	[dreg:$0xf] =	wrdreg s15  }
0x1d: {  	s6 =	rddreg [dreg:$0x2]  }
0x1e: {  	s2 =	simm.s32 @p0 $0x1FC2;
	s9 =	rddreg [dreg:$0xc]  }
0x1f: {  	[spmem:s9], [sflag:s2] =	dma.local @p0 [hbm:s6], $0x3040  }
0x20: {  	s2 =	simm.s32 @p0 $0x2  }
0x21: {  	_ =	swait.ge @p0 [sflag:s2], $0x3040  }
0x22: {  	[sflag:s2] =	ssyncset.done @p0 $0x0;
	s9 =	rddreg [dreg:$0xe]  }
0x23: {  	[sflag:s2] =	ssyncadd.s32 @p0 $0xFFFFCFC0;
	s2 =	rddreg [dreg:$0xd]  }
0x24: {  	[spmem:s9], [sflag:s2] =	dma.local @!p0 [hbm:s6], $0x30E0  }
0x25: {  	s2 =	simm.s32 @!p0 $0x2  }
0x26: {  	_ =	swait.ge @!p0 [sflag:s2], $0x30E0  }
0x27: {  	[sflag:s2] =	ssyncset.done @!p0 $0x0  }
0x28: {  	[sflag:s2] =	ssyncadd.s32 @!p0 $0xFFFFCF20  }
0x29: {  	s16 =	sadd.s32 $0x0, s14;
	[bflag:$0x0] =	sbarrier.arrive $0xFFFF  }
0x2a: {  	[tilespmem:s18], [sflag:$0x2] =	stream.linear.gather [hbm4b:s16+s4], $0x400, $0x38;
	[tilespmem:$0x19EB0] =	vst v63  }
0x2b: {  	_ =	swait.ge [sflag:s19], $0x400  }
0x2c: {  	[sflag:s19] =	ssyncset.done $0x0  }
0x2d: {  	s17 =	sadd.s32 $0x0, s13;
	[sflag:s19] =	ssyncadd.s32 $0xFFFFFC00  }
0x2e: {  	[tilespmem:s20], [sflag:$0x2] =	stream.linear.gather [hbm4b:s17+s4], $0x400, $0x38;
	[tilespmem:$0x19EB0] =	vst v63  }
0x2f: {  	_ =	swait.ge [sflag:s19], $0x400  }
0x30: {  	[sflag:s19] =	ssyncset.done $0x0  }
0x31: {  	[sflag:s19] =	ssyncadd.s32 $0xFFFFFC00  }
0x32: {  	[tilespmem:s22], [sflag:$0x1] =	stream.indirect.gather [hbm4b:s5+s21], $0x20, s18, s21, $0xb8;
	[tilespmem:$0x19EB0] =	vst v63  }
0x33: {  	_ =	swait.ge [sflag:s23], $0x1000  }
0x34: {  	[sflag:s23] =	ssyncset.done $0x0  }
0x35: {  	[sflag:s23] =	ssyncadd.s32 $0xFFFFF000  }
0x36: {  	[spmem:s3] =	stream.indirect.scatter.add.f32 [tilespmem:s22], [sflag:$0x2], $0x20, s20, s21, $0xb8;
	[tilespmem:$0x19EB0] =	vst v63  }
0x37: {  	_ =	swait.ge [sflag:s19], $0x1000  }
0x38: {  	[sflag:s19] =	ssyncset.done $0x0  }
0x39: {  	[sflag:s19] =	ssyncadd.s32 $0xFFFFF000  }
0x3a: {  	[tilespmem:s22], [sflag:$0x1] =	stream.indirect.gather [hbm4b:s5+s21], $0x20, s24, s21, $0xb8;
	[tilespmem:$0x19EB0] =	vst v63  }
0x3b: {  	_ =	swait.ge [sflag:s23], $0x1000  }
0x3c: {  	[sflag:s23] =	ssyncset.done $0x0  }
0x3d: {  	[sflag:s23] =	ssyncadd.s32 $0xFFFFF000  }
0x3e: {  	[spmem:s3] =	stream.indirect.scatter.add.f32 [tilespmem:s22], [sflag:$0x2], $0x20, s25, s21, $0xb8;
	[tilespmem:$0x19EB0] =	vst v63  }
0x3f: {  	_ =	swait.ge [sflag:s19], $0x1000  }
0x40: {  	[sflag:s19] =	ssyncset.done $0x0  }
0x41: {  	[sflag:s19] =	ssyncadd.s32 $0xFFFFF000  }
0x42: {  	[tilespmem:s22], [sflag:$0x1] =	stream.indirect.gather [hbm4b:s5+s21], $0x20, s26, s21, $0xb8;
	[tilespmem:$0x19EB0] =	vst v63  }
0x43: {  	_ =	swait.ge [sflag:s23], $0x1000  }
0x44: {  	[sflag:s23] =	ssyncset.done $0x0  }
0x45: {  	[sflag:s23] =	ssyncadd.s32 $0xFFFFF000  }
0x46: {  	[spmem:s3] =	stream.indirect.scatter.add.f32 [tilespmem:s22], [sflag:$0x2], $0x20, s28, s21, $0xb8;
	[tilespmem:$0x19EB0] =	vst v63  }
0x47: {  	_ =	swait.ge [sflag:s19], $0x1000  }
0x48: {  	[sflag:s19] =	ssyncset.done $0x0  }
0x49: {  	[sflag:s19] =	ssyncadd.s32 $0xFFFFF000  }
0x4a: {  	[tilespmem:s22], [sflag:$0x1] =	stream.indirect.gather [hbm4b:s5+s21], $0x20, s29, s21, $0xb8;
	[tilespmem:$0x19EB0] =	vst v63  }
0x4b: {  	_ =	swait.ge [sflag:s23], $0x1000  }
0x4c: {  	[sflag:s23] =	ssyncset.done $0x0  }
0x4d: {  	[sflag:s23] =	ssyncadd.s32 $0xFFFFF000  }
0x4e: {  	[spmem:s3] =	stream.indirect.scatter.add.f32 [tilespmem:s22], [sflag:$0x2], $0x20, s30, s21, $0xb8;
	[tilespmem:$0x19EB0] =	vst v63  }
0x4f: {  	_ =	swait.ge [sflag:s19], $0x1000  }
0x50: {  	[sflag:s19] =	ssyncset.done $0x0  }
0x51: {  	[sflag:s19] =	ssyncadd.s32 $0xFFFFF000  }
0x52: {  	[tilespmem:s22], [sflag:$0x1] =	stream.indirect.gather [hbm4b:s5+s21], $0x20, s31, s21, $0xb8;
	[tilespmem:$0x19EB0] =	vst v63  }
0x53: {  	_ =	swait.ge [sflag:s23], $0x1000  }
0x54: {  	[sflag:s23] =	ssyncset.done $0x0  }
0x55: {  	[sflag:s23] =	ssyncadd.s32 $0xFFFFF000  }
0x56: {  	[spmem:s3] =	stream.indirect.scatter.add.f32 [tilespmem:s22], [sflag:$0x2], $0x20, s0, s21, $0xb8;
	[tilespmem:$0x19EB0] =	vst v63  }
0x57: {  	_ =	swait.ge [sflag:s19], $0x1000  }
0x58: {  	[sflag:s19] =	ssyncset.done $0x0  }
0x59: {  	[sflag:s19] =	ssyncadd.s32 $0xFFFFF000  }
0x5a: {  	[tilespmem:s22], [sflag:$0x1] =	stream.indirect.gather [hbm4b:s5+s21], $0x20, s1, s21, $0xb8;
	[tilespmem:$0x19EB0] =	vst v63  }
0x5b: {  	_ =	swait.ge [sflag:s23], $0x1000  }
0x5c: {  	[sflag:s23] =	ssyncset.done $0x0  }
0x5d: {  	[sflag:s23] =	ssyncadd.s32 $0xFFFFF000  }
0x5e: {  	[spmem:s3] =	stream.indirect.scatter.add.f32 [tilespmem:s22], [sflag:$0x2], $0x20, s7, s21, $0xb8;
	[tilespmem:$0x19EB0] =	vst v63  }
0x5f: {  	_ =	swait.ge [sflag:s19], $0x1000  }
0x60: {  	[sflag:s19] =	ssyncset.done $0x0  }
0x61: {  	[sflag:s19] =	ssyncadd.s32 $0xFFFFF000  }
0x62: {  	[tilespmem:s22], [sflag:$0x1] =	stream.indirect.gather [hbm4b:s5+s21], $0x20, s8, s21, $0xb8;
	[tilespmem:$0x19EB0] =	vst v63  }
0x63: {  	_ =	swait.ge [sflag:s23], $0x1000  }
0x64: {  	[sflag:s23] =	ssyncset.done $0x0  }
0x65: {  	[sflag:s23] =	ssyncadd.s32 $0xFFFFF000  }
0x66: {  	[spmem:s3] =	stream.indirect.scatter.add.f32 [tilespmem:s22], [sflag:$0x2], $0x20, s10, s21, $0xb8;
	[tilespmem:$0x19EB0] =	vst v63  }
0x67: {  	_ =	swait.ge [sflag:s19], $0x1000  }
0x68: {  	[sflag:s19] =	ssyncset.done $0x0  }
0x69: {  	[sflag:s19] =	ssyncadd.s32 $0xFFFFF000  }
0x6a: {  	[tilespmem:s22], [sflag:$0x1] =	stream.indirect.gather [hbm4b:s5+s21], $0x20, s11, s21, $0xb8;
	[tilespmem:$0x19EB0] =	vst v63  }
0x6b: {  	_ =	swait.ge [sflag:s23], $0x1000  }
0x6c: {  	[sflag:s23] =	ssyncset.done $0x0  }
0x6d: {  	[sflag:s23] =	ssyncadd.s32 $0xFFFFF000  }
0x6e: {  	[spmem:s3] =	stream.indirect.scatter.add.f32 [tilespmem:s22], [sflag:$0x2], $0x20, s12, s21, $0xb8;
	[tilespmem:$0x19EB0] =	vst v63  }
0x6f: {  	_ =	swait.ge [sflag:s19], $0x1000  }
0x70: {  	s16 =	simm.s32 $0x80;
	s17 =	simm.s32 $0x100;
	[sflag:s19] =	ssyncset.done $0x0  }
.LBB2_2:
0x71: {  	s9 =	sadd.s32 s16, s14  }
0x72: {  	[sflag:s19] =	ssyncadd.s32 $0xFFFFF000;
	s6 =	smov.u32 s17;
	s2 =	sadd.s32 $0x80, s17  }
0x73: {  	[tilespmem:s18], [sflag:$0x2] =	stream.linear.gather [hbm4b:s9+s4], $0x400, $0x38;
	[tilespmem:$0x19EB0] =	vst v63  }
0x74: {  	p5 =	sne.s32 s17, $0x1800;
	_ =	swait.ge [sflag:s19], $0x400  }
0x75: {  	[sflag:s19] =	ssyncset.done $0x0  }
0x76: {  	s9 =	sadd.s32 s16, s13;
	s16 =	smov.u32 s6;
	[sflag:s19] =	ssyncadd.s32 $0xFFFFFC00  }
0x77: {  	[tilespmem:s20], [sflag:$0x2] =	stream.linear.gather [hbm4b:s9+s4], $0x400, $0x38;
	[tilespmem:$0x19EB0] =	vst v63  }
0x78: {  	_ =	swait.ge [sflag:s19], $0x400  }
0x79: {  	[sflag:s19] =	ssyncset.done $0x0  }
0x7a: {  	[sflag:s19] =	ssyncadd.s32 $0xFFFFFC00  }
0x7b: {  	[tilespmem:s22], [sflag:$0x1] =	stream.indirect.gather [hbm4b:s5+s21], $0x20, s18, s21, $0xb8;
	[tilespmem:$0x19EB0] =	vst v63  }
0x7c: {  	_ =	swait.ge [sflag:s23], $0x1000  }
0x7d: {  	[sflag:s23] =	ssyncset.done $0x0  }
0x7e: {  	[sflag:s23] =	ssyncadd.s32 $0xFFFFF000  }
0x7f: {  	[spmem:s3] =	stream.indirect.scatter.add.f32 [tilespmem:s22], [sflag:$0x2], $0x20, s20, s21, $0xb8;
	[tilespmem:$0x19EB0] =	vst v63  }
0x80: {  	_ =	swait.ge [sflag:s19], $0x1000  }
0x81: {  	[sflag:s19] =	ssyncset.done $0x0  }
0x82: {  	[sflag:s19] =	ssyncadd.s32 $0xFFFFF000  }
0x83: {  	[tilespmem:s22], [sflag:$0x1] =	stream.indirect.gather [hbm4b:s5+s21], $0x20, s24, s21, $0xb8;
	[tilespmem:$0x19EB0] =	vst v63  }
0x84: {  	_ =	swait.ge [sflag:s23], $0x1000  }
0x85: {  	[sflag:s23] =	ssyncset.done $0x0  }
0x86: {  	[sflag:s23] =	ssyncadd.s32 $0xFFFFF000  }
0x87: {  	[spmem:s3] =	stream.indirect.scatter.add.f32 [tilespmem:s22], [sflag:$0x2], $0x20, s25, s21, $0xb8;
	[tilespmem:$0x19EB0] =	vst v63  }
0x88: {  	_ =	swait.ge [sflag:s19], $0x1000  }
0x89: {  	[sflag:s19] =	ssyncset.done $0x0  }
0x8a: {  	[sflag:s19] =	ssyncadd.s32 $0xFFFFF000  }
0x8b: {  	[tilespmem:s22], [sflag:$0x1] =	stream.indirect.gather [hbm4b:s5+s21], $0x20, s26, s21, $0xb8;
	[tilespmem:$0x19EB0] =	vst v63  }
0x8c: {  	_ =	swait.ge [sflag:s23], $0x1000  }
0x8d: {  	[sflag:s23] =	ssyncset.done $0x0  }
0x8e: {  	[sflag:s23] =	ssyncadd.s32 $0xFFFFF000  }
0x8f: {  	[spmem:s3] =	stream.indirect.scatter.add.f32 [tilespmem:s22], [sflag:$0x2], $0x20, s28, s21, $0xb8;
	[tilespmem:$0x19EB0] =	vst v63  }
0x90: {  	_ =	swait.ge [sflag:s19], $0x1000  }
0x91: {  	[sflag:s19] =	ssyncset.done $0x0  }
0x92: {  	[sflag:s19] =	ssyncadd.s32 $0xFFFFF000  }
0x93: {  	[tilespmem:s22], [sflag:$0x1] =	stream.indirect.gather [hbm4b:s5+s21], $0x20, s29, s21, $0xb8;
	[tilespmem:$0x19EB0] =	vst v63  }
0x94: {  	_ =	swait.ge [sflag:s23], $0x1000  }
0x95: {  	[sflag:s23] =	ssyncset.done $0x0  }
0x96: {  	[sflag:s23] =	ssyncadd.s32 $0xFFFFF000  }
0x97: {  	[spmem:s3] =	stream.indirect.scatter.add.f32 [tilespmem:s22], [sflag:$0x2], $0x20, s30, s21, $0xb8;
	[tilespmem:$0x19EB0] =	vst v63  }
0x98: {  	_ =	swait.ge [sflag:s19], $0x1000  }
0x99: {  	[sflag:s19] =	ssyncset.done $0x0  }
0x9a: {  	[sflag:s19] =	ssyncadd.s32 $0xFFFFF000  }
0x9b: {  	[tilespmem:s22], [sflag:$0x1] =	stream.indirect.gather [hbm4b:s5+s21], $0x20, s31, s21, $0xb8;
	[tilespmem:$0x19EB0] =	vst v63  }
0x9c: {  	_ =	swait.ge [sflag:s23], $0x1000  }
0x9d: {  	[sflag:s23] =	ssyncset.done $0x0  }
0x9e: {  	[sflag:s23] =	ssyncadd.s32 $0xFFFFF000  }
0x9f: {  	[spmem:s3] =	stream.indirect.scatter.add.f32 [tilespmem:s22], [sflag:$0x2], $0x20, s0, s21, $0xb8;
	[tilespmem:$0x19EB0] =	vst v63  }
0xa0: {  	_ =	swait.ge [sflag:s19], $0x1000  }
0xa1: {  	[sflag:s19] =	ssyncset.done $0x0  }
0xa2: {  	[sflag:s19] =	ssyncadd.s32 $0xFFFFF000  }
0xa3: {  	[tilespmem:s22], [sflag:$0x1] =	stream.indirect.gather [hbm4b:s5+s21], $0x20, s1, s21, $0xb8;
	[tilespmem:$0x19EB0] =	vst v63  }
0xa4: {  	_ =	swait.ge [sflag:s23], $0x1000  }
0xa5: {  	[sflag:s23] =	ssyncset.done $0x0  }
0xa6: {  	[sflag:s23] =	ssyncadd.s32 $0xFFFFF000  }
0xa7: {  	[spmem:s3] =	stream.indirect.scatter.add.f32 [tilespmem:s22], [sflag:$0x2], $0x20, s7, s21, $0xb8;
	[tilespmem:$0x19EB0] =	vst v63  }
0xa8: {  	_ =	swait.ge [sflag:s19], $0x1000  }
0xa9: {  	[sflag:s19] =	ssyncset.done $0x0  }
0xaa: {  	[sflag:s19] =	ssyncadd.s32 $0xFFFFF000  }
0xab: {  	[tilespmem:s22], [sflag:$0x1] =	stream.indirect.gather [hbm4b:s5+s21], $0x20, s8, s21, $0xb8;
	[tilespmem:$0x19EB0] =	vst v63  }
0xac: {  	_ =	swait.ge [sflag:s23], $0x1000  }
0xad: {  	[sflag:s23] =	ssyncset.done $0x0  }
0xae: {  	[sflag:s23] =	ssyncadd.s32 $0xFFFFF000  }
0xaf: {  	[spmem:s3] =	stream.indirect.scatter.add.f32 [tilespmem:s22], [sflag:$0x2], $0x20, s10, s21, $0xb8;
	[tilespmem:$0x19EB0] =	vst v63  }
0xb0: {  	_ =	swait.ge [sflag:s19], $0x1000  }
0xb1: {  	[sflag:s19] =	ssyncset.done $0x0  }
0xb2: {  	[sflag:s19] =	ssyncadd.s32 $0xFFFFF000  }
0xb3: {  	[tilespmem:s22], [sflag:$0x1] =	stream.indirect.gather [hbm4b:s5+s21], $0x20, s11, s21, $0xb8;
	[tilespmem:$0x19EB0] =	vst v63  }
0xb4: {  	_ =	swait.ge [sflag:s23], $0x1000  }
.Ltmp0:
0xb5: {  	[sflag:s23] =	ssyncset.done $0x0;
	(pc) =	sbr.rel @p5 .LBB2_2-.Ltmp0, $4  }
0xb6: {  	[sflag:s23] =	ssyncadd.s32 $0xFFFFF000  }
0xb7: {  	[spmem:s3] =	stream.indirect.scatter.add.f32 [tilespmem:s22], [sflag:$0x2], $0x20, s12, s21, $0xb8;
	[tilespmem:$0x19EB0] =	vst v63  }
0xb8: {  	_ =	swait.ge [sflag:s19], $0x1000  }
0xb9: {  	s17 =	smov.u32 s2;
	[sflag:s19] =	ssyncset.done $0x0  }
0xba: {  	s2 =	sadd.s32 s16, s14;
	[sflag:s19] =	ssyncadd.s32 $0xFFFFF000  }
0xbb: {  	[tilespmem:s18], [sflag:$0x2] =	stream.linear.gather [hbm4b:s2+s4], $0x400, $0x38;
	[tilespmem:$0x19EB0] =	vst v63  }
0xbc: {  	_ =	swait.ge [sflag:s19], $0x400  }
0xbd: {  	[sflag:s19] =	ssyncset.done $0x0  }
0xbe: {  	s15 =	sadd.s32 s16, s13;
	[sflag:s19] =	ssyncadd.s32 $0xFFFFFC00  }
0xbf: {  	[tilespmem:s20], [sflag:$0x2] =	stream.linear.gather [hbm4b:s15+s4], $0x400, $0x38;
	[tilespmem:$0x19EB0] =	vst v63  }
0xc0: {  	_ =	swait.ge [sflag:s19], $0x400  }
0xc1: {  	[sflag:s19] =	ssyncset.done $0x0  }
0xc2: {  	[sflag:s19] =	ssyncadd.s32 $0xFFFFFC00  }
0xc3: {  	[tilespmem:s22], [sflag:$0x1] =	stream.indirect.gather [hbm4b:s5+s21], $0x20, s18, s21, $0xb8;
	[tilespmem:$0x19EB0] =	vst v63  }
0xc4: {  	_ =	swait.ge [sflag:s23], $0x1000  }
0xc5: {  	[sflag:s23] =	ssyncset.done $0x0  }
0xc6: {  	[sflag:s23] =	ssyncadd.s32 $0xFFFFF000  }
0xc7: {  	[spmem:s3] =	stream.indirect.scatter.add.f32 [tilespmem:s22], [sflag:$0x2], $0x20, s20, s21, $0xb8;
	[tilespmem:$0x19EB0] =	vst v63  }
0xc8: {  	_ =	swait.ge [sflag:s19], $0x1000  }
0xc9: {  	[sflag:s19] =	ssyncset.done $0x0  }
0xca: {  	[sflag:s19] =	ssyncadd.s32 $0xFFFFF000  }
0xcb: {  	[tilespmem:s22], [sflag:$0x1] =	stream.indirect.gather [hbm4b:s5+s21], $0x20, s24, s21, $0xb8;
	[tilespmem:$0x19EB0] =	vst v63  }
0xcc: {  	_ =	swait.ge [sflag:s23], $0x1000  }
0xcd: {  	[sflag:s23] =	ssyncset.done $0x0  }
0xce: {  	[sflag:s23] =	ssyncadd.s32 $0xFFFFF000  }
0xcf: {  	[spmem:s3] =	stream.indirect.scatter.add.f32 [tilespmem:s22], [sflag:$0x2], $0x20, s25, s21, $0xb8;
	[tilespmem:$0x19EB0] =	vst v63  }
0xd0: {  	_ =	swait.ge [sflag:s19], $0x1000  }
0xd1: {  	[sflag:s19] =	ssyncset.done $0x0  }
0xd2: {  	[sflag:s19] =	ssyncadd.s32 $0xFFFFF000  }
0xd3: {  	[tilespmem:s22], [sflag:$0x1] =	stream.indirect.gather [hbm4b:s5+s21], $0x20, s26, s21, $0xb8;
	[tilespmem:$0x19EB0] =	vst v63  }
0xd4: {  	_ =	swait.ge [sflag:s23], $0x1000  }
0xd5: {  	[sflag:s23] =	ssyncset.done $0x0  }
0xd6: {  	[sflag:s23] =	ssyncadd.s32 $0xFFFFF000  }
0xd7: {  	[spmem:s3] =	stream.indirect.scatter.add.f32 [tilespmem:s22], [sflag:$0x2], $0x20, s28, s21, $0xb8;
	[tilespmem:$0x19EB0] =	vst v63  }
0xd8: {  	_ =	swait.ge [sflag:s19], $0x1000  }
0xd9: {  	[sflag:s19] =	ssyncset.done $0x0  }
0xda: {  	[sflag:s19] =	ssyncadd.s32 $0xFFFFF000  }
0xdb: {  	[tilespmem:s22], [sflag:$0x1] =	stream.indirect.gather [hbm4b:s5+s21], $0x20, s29, s21, $0xb8;
	[tilespmem:$0x19EB0] =	vst v63  }
0xdc: {  	_ =	swait.ge [sflag:s23], $0x1000  }
0xdd: {  	[sflag:s23] =	ssyncset.done $0x0  }
0xde: {  	[sflag:s23] =	ssyncadd.s32 $0xFFFFF000  }
0xdf: {  	[spmem:s3] =	stream.indirect.scatter.add.f32 [tilespmem:s22], [sflag:$0x2], $0x20, s30, s21, $0xb8;
	[tilespmem:$0x19EB0] =	vst v63  }
0xe0: {  	_ =	swait.ge [sflag:s19], $0x1000  }
0xe1: {  	[sflag:s19] =	ssyncset.done $0x0  }
0xe2: {  	[sflag:s19] =	ssyncadd.s32 $0xFFFFF000  }
0xe3: {  	[tilespmem:s22], [sflag:$0x1] =	stream.indirect.gather [hbm4b:s5+s21], $0x20, s31, s21, $0xb8;
	[tilespmem:$0x19EB0] =	vst v63  }
0xe4: {  	_ =	swait.ge [sflag:s23], $0x1000  }
0xe5: {  	[sflag:s23] =	ssyncset.done $0x0  }
0xe6: {  	[sflag:s23] =	ssyncadd.s32 $0xFFFFF000  }
0xe7: {  	[spmem:s3] =	stream.indirect.scatter.add.f32 [tilespmem:s22], [sflag:$0x2], $0x20, s0, s21, $0xb8;
	[tilespmem:$0x19EB0] =	vst v63  }
0xe8: {  	_ =	swait.ge [sflag:s19], $0x1000  }
0xe9: {  	[sflag:s19] =	ssyncset.done $0x0  }
0xea: {  	[sflag:s19] =	ssyncadd.s32 $0xFFFFF000  }
0xeb: {  	[tilespmem:s22], [sflag:$0x1] =	stream.indirect.gather [hbm4b:s5+s21], $0x20, s1, s21, $0xb8;
	[tilespmem:$0x19EB0] =	vst v63  }
0xec: {  	_ =	swait.ge [sflag:s23], $0x1000  }
0xed: {  	[sflag:s23] =	ssyncset.done $0x0  }
0xee: {  	[sflag:s23] =	ssyncadd.s32 $0xFFFFF000  }
0xef: {  	[spmem:s3] =	stream.indirect.scatter.add.f32 [tilespmem:s22], [sflag:$0x2], $0x20, s7, s21, $0xb8;
	[tilespmem:$0x19EB0] =	vst v63  }
0xf0: {  	_ =	swait.ge [sflag:s19], $0x1000  }
0xf1: {  	[sflag:s19] =	ssyncset.done $0x0  }
0xf2: {  	[sflag:s19] =	ssyncadd.s32 $0xFFFFF000  }
0xf3: {  	[tilespmem:s22], [sflag:$0x1] =	stream.indirect.gather [hbm4b:s5+s21], $0x20, s8, s21, $0xb8;
	[tilespmem:$0x19EB0] =	vst v63  }
0xf4: {  	_ =	swait.ge [sflag:s23], $0x1000  }
0xf5: {  	[sflag:s23] =	ssyncset.done $0x0  }
0xf6: {  	[sflag:s23] =	ssyncadd.s32 $0xFFFFF000  }
0xf7: {  	[spmem:s3] =	stream.indirect.scatter.add.f32 [tilespmem:s22], [sflag:$0x2], $0x20, s10, s21, $0xb8;
	[tilespmem:$0x19EB0] =	vst v63  }
0xf8: {  	_ =	swait.ge [sflag:s19], $0x1000  }
0xf9: {  	[sflag:s19] =	ssyncset.done $0x0  }
0xfa: {  	[sflag:s19] =	ssyncadd.s32 $0xFFFFF000  }
0xfb: {  	[tilespmem:s22], [sflag:$0x1] =	stream.indirect.gather [hbm4b:s5+s21], $0x20, s11, s21, $0xb8;
	[tilespmem:$0x19EB0] =	vst v63  }
0xfc: {  	_ =	swait.ge [sflag:s23], $0x1000  }
0xfd: {  	[sflag:s23] =	ssyncset.done $0x0  }
0xfe: {  	[sflag:s23] =	ssyncadd.s32 $0xFFFFF000  }
0xff: {  	[spmem:s3] =	stream.indirect.scatter.add.f32 [tilespmem:s22], [sflag:$0x2], $0x20, s12, s21, $0xb8;
	[tilespmem:$0x19EB0] =	vst v63  }
0x100: {  	_ =	swait.ge [sflag:s19], $0x1000  }
0x101: {  	[sflag:s19] =	ssyncset.done $0x0  }
0x102: {  	[sflag:s19] =	ssyncadd.s32 $0xFFFFF000  }
0x103: {  	[bflag:$0x0] =	sbarrier.arrive $0xFFFF  }
0x104: {  	s9 =	rddreg [dreg:$0x5]  }
0x105: {  	s6 =	simm.s32 @!p1 $0x1FC2;
	s15 =	rddreg [dreg:$0xa];
	s2 =	sshrl.u32 @!p1 s9, $0x3  }
0x106: {  	[hbm:s15], [sflag:s6] =	dma.local @!p1 [spmem:s2], $0x3020  }
0x107: {  	s2 =	simm.s32 @!p1 $0x2  }
0x108: {  	_ =	swait.ge @!p1 [sflag:s2], $0x3020  }
0x109: {  	s16 =	stileid.u32;
	s17 =	rddreg [dreg:$0x8]  }
0x10a: {  	s6 =	sshll.u32 @!p2 s16, $0x6;
	[sflag:s2] =	ssyncset.done @!p1 $0x0;
	s15 =	rddreg [dreg:$0x9]  }
0x10b: {  	[sflag:s2] =	ssyncadd.s32 @!p1 $0xFFFFCFE0;
	s2 =	sor.u32 @!p2 $0x1C02, s6;
	s6 =	sshrl.u32 @!p2 s17, $0x3  }
0x10c: {  	[hbm:s15], [sflag:s2] =	dma.local @!p2 [spmem:s6], $0x30E0  }
0x10d: {  	s2 =	simm.s32 @!p2 $0x2  }
0x10e: {  	_ =	swait.ge @!p2 [sflag:s2], $0x30E0  }
0x10f: {  	s6 =	simm.s32 @!p3 $0x1FC2;
	[sflag:s2] =	ssyncset.done @!p2 $0x0  }
0x110: {  	[sflag:s2] =	ssyncadd.s32 @!p2 $0xFFFFCF20;
	s2 =	sshrl.u32 @!p3 s9, $0x3;
	s9 =	rddreg [dreg:$0x7]  }
0x111: {  	[hbm:s9], [sflag:s6] =	dma.local @!p3 [spmem:s2], $0x3020  }
0x112: {  	s2 =	simm.s32 @!p3 $0x2  }
0x113: {  	_ =	swait.ge @!p3 [sflag:s2], $0x3020  }
0x114: {  	s6 =	sshll.u32 @!p4 s16, $0x6;
	[sflag:s2] =	ssyncset.done @!p3 $0x0;
	s16 =	rddreg [dreg:$0x6]  }
0x115: {  	[sflag:s2] =	ssyncadd.s32 @!p3 $0xFFFFCFE0;
	s2 =	sor.u32 @!p4 $0x1C02, s6;
	s6 =	sshrl.u32 @!p4 s17, $0x3  }
0x116: {  	[hbm:s16], [sflag:s2] =	dma.local @!p4 [spmem:s6], $0x30E0  }
0x117: {  	s2 =	simm.s32 @!p4 $0x2  }
0x118: {  	_ =	swait.ge @!p4 [sflag:s2], $0x30E0  }
0x119: {  	s16 =	rddreg [dreg:$0xf]  }
0x11a: {  	s17 =	rddreg [dreg:$0xb];
	s15 =	sadd.s32 $0x1, s16  }
0x11b: {  	p5 =	sne.s32 s15, s17  }
.Ltmp1:
0x11c: {  	_ = 	snop;
	(pc) =	sbr.rel @p5 .LBB2_1-.Ltmp1, $3  }
0x11d: {  	_ =	sdelay $0x1  }
0x11e: {  	[sflag:s2] =	ssyncset.done @!p4 $0x0  }
0x11f: {  	s9 =	stileid.u32;
	[sflag:s2] =	ssyncadd.s32 @!p4 $0xFFFFCF20  }
0x120: {  	_ =	sfence.sel $0x180000  }
0x121: {  	[bflag:$0x0] =	sbarrier.arrive $0xFFFF  }
0x122: {  	_ =	strace $0x90000050  }
0x123: {  	[bflag:$0x2] =	sbarrier.arrive $0xFFFF  }
0x124: {  	p0 =	sne.s32 s9, $0x0;
	s0 =	rddreg [dreg:$0x4]  }
0x125: {  	s0 =	sadd.s32 @!p0 $0x100000, s0  }
0x126: {  	[sflag:s0] =	ssyncadd.tile.s32 @!p0 $0x1;
	_ =	shalt  }
.Lfunc_end2:
_tile_overlayer_lowered:
.L_overlay_start_2:
0x127: {  	(tag) =	ssettag $0x2  }
0x128: {  	s0 =	rddreg [dreg:$0x0];
	s2 =	stileid.u32  }
0x129: {  	s1 =	rddreg [dreg:$0x1];
	p0 =	sne.s32 s2, $0x0  }
0x12a: {  	s3 =	rddreg [dreg:$0x2];
	[bflag:$0x3] =	sbarrier.arrive $0xFFFF;
	s2 =	simm.s32 @!p0 $0x1C02  }
0x12b: {  	[timem:s3], [sflag:s2] =	dma.local @!p0 [hbm:s0], s1  }
0x12c: {  	s0 =	simm.s32 @!p0 $0x2  }
0x12d: {  	_ =	swait.ge @!p0 [sflag:s0], s1  }
0x12e: {  	s1 =	ssub.s32 @!p0 $0x0, s1;
	[sflag:s0] =	ssyncset.done @!p0 $0x0  }
0x12f: {  	[sflag:s0] =	ssyncadd.s32 @!p0 s1  }
0x130: {  	[bflag:$0x3] =	sbarrier.arrive $0xFFFF  }
0x131: {  	_ =	shalt  }

// kernel: seg_sum.5.cloned.1.call-start
scs
__scs_entry_jumppad:
0x0: {  	(pc) =	sbr.rel $0x88, $3  }
0x1: {  	(tag) =	ssettag $0x0;
	lr =	simm.s32 $0x1  }
0x2: {  	[smem:$0x3F90] =	sst lr;
	_ =	strace $0xD0000000  }
0x3: {  	_ = 	snop  }
0x4: {  	_ = 	snop  }
0x5: {  	_ = 	snop  }
0x6: {  	_ = 	snop  }
0x7: {  	_ = 	snop  }
__scs_overlays_trampoline_lowered:
0x8: {  	[smem:$0x3F9F] =	sst s0  }
0x9: {  	[smem:$0x3FA0] =	sst s1  }
0xa: {  	[smem:$0x3FA1] =	sst s2  }
0xb: {  	[smem:$0x3FA2] =	sst s3  }
0xc: {  	[smem:$0x3FA3] =	sst s4  }
0xd: {  	[smem:$0x3FA4] =	sst s5  }
0xe: {  	[smem:$0x3FA5] =	sst s6  }
0xf: {  	[smem:$0x3FA6] =	sst s7  }
0x10: {  	[smem:$0x3FA7] =	sst s8  }
0x11: {  	[smem:$0x3FA8] =	sst s9;
	s0 =	simm.s32 @!p0 $0x0  }
0x12: {  	s1 =	sld [smem:$0x3F8E];
	s0 =	simm.s32 @p0 $0x1  }
0x13: {  	[smem:$0x3FA9] =	sst s0;
	s0 =	simm.s32 @!p1 $0x0  }
0x14: {  	s2 =	sld [smem:$0x3F8D];
	s0 =	simm.s32 @p1 $0x1  }
0x15: {  	[smem:$0x3FAA] =	sst s0;
	s0 =	simm.s32 @!p2 $0x0  }
0x16: {  	s3 =	sld [smem:$0x3FDB];
	s0 =	simm.s32 @p2 $0x1  }
0x17: {  	s4 =	simm.s32 $0x1BF5;
	[smem:$0x3FAC] =	sst s0  }
0x18: {  	s0 =	sld [smem:$0x3F8F];
	_ =	swait.ge [sflag:s4], $0x0  }
0x19: {  	s7 =	sld [smem:$0x3F90]  }
0x1a: {  	s8 =	sadd.s32 $0xFFFFE003, lr  }
0x1b: {  	s9 =	sadd.s32 $0xFFFFFEF7, lr;
	s5 =	simm.s32 $0xFFFFFFFF;
	p2 =	slt.u32 s8, $0xFFFFF086  }
0x1c: {  	p1 =	slt.u32 s9, $0xF7A;
	s5 =	simm.s32 @!p2 $0x0  }
0x1d: {  	s5 =	simm.s32 @p1 $0x1;
	p0 =	seq.s32 s7, s2  }
0x1e: {  	s7 =	smul.u32 @!p0 $0xF7A, s2;
	p2 =	seq.s32 @!p0 s5, $0x0  }
0x1f: {  	s9 =	smul.u32 $0xF7A, s1;
	s8 =	simm.s32 @!p0 $0x1BF5;
	p2 =	por !p2, p0  }
0x20: {  	[sflag:s8] =	ssyncset.s32 @!p0 $0xFFFFF086;
	s6 =	sadd.s32 @!p0 s3, s7;
	s7 =	simm.s32 @!p0 $0x108  }
0x21: {  	s3 =	sadd.s32 s3, s9;
	s6 =	sadd.s32 @!p0 $0x88, s6;
	s7 =	simm.s32 @p2 $0x1082  }
0x22: {  	[simem:s7], [sflag:s8] =	dma.local @!p0 [hbm:s6], $0xF7A  }
0x23: {  	s9 =	sor.u32 $0xD0000000, s2;
	s6 =	simm.s32 $0x108;
	_ =	swait.ge @!p0 [sflag:s8], $0x0  }
0x24: {  	s3 =	sadd.s32 $0x88, s3;
	s6 =	simm.s32 @!p1 $0x1082;
	[sflag:s4] =	ssyncset.s32 $0xFFFFF086  }
0x25: {  	[simem:s6], [sflag:s4] =	dma.local [hbm:s3], $0xF7A  }
0x26: {  	[smem:$0x3F90] =	sst s1;
	(tag) =	ssettag s2;
	_ =	strace s9  }
0x27: {  	s1 =	sld [smem:$0x3FA0]  }
0x28: {  	s2 =	sld [smem:$0x3FA1]  }
0x29: {  	s4 =	sld [smem:$0x3FA3]  }
0x2a: {  	p0 =	seq.s32 s5, $0x0;
	s5 =	sld [smem:$0x3FA4]  }
0x2b: {  	s6 =	sld [smem:$0x3FA5]  }
0x2c: {  	s7 =	sld [smem:$0x3FA6]  }
0x2d: {  	s3 =	simm.s32 $0x108;
	s8 =	sld [smem:$0x3FA7]  }
0x2e: {  	s3 =	simm.s32 @!p0 $0x1082;
	s9 =	sld [smem:$0x3FA8]  }
0x2f: {  	lr =	sadd.s32 s0, s3;
	s0 =	sld [smem:$0x3F9F]  }
0x30: {  	s3 =	sld [smem:$0x3FA2]  }
0x31: {  	[smem:$0x3FAB] =	sst s10  }
0x32: {  	s10 =	sld [smem:$0x3FA9];
	_ =	sdelay $0x3  }
0x33: {  	p0 =	seq.s32 s10, $0x1;
	s10 =	sld [smem:$0x3FAB];
	_ =	sdelay $0x3  }
0x34: {  	[smem:$0x3FAB] =	sst s10  }
0x35: {  	s10 =	sld [smem:$0x3FAA];
	_ =	sdelay $0x3  }
0x36: {  	p1 =	seq.s32 s10, $0x1;
	s10 =	sld [smem:$0x3FAB];
	_ =	sdelay $0x3  }
0x37: {  	[smem:$0x3FAB] =	sst s10  }
0x38: {  	s10 =	sld [smem:$0x3FAC]  }
0x39: {  	_ = 	snop;
	(pc) =	sbr.ind lr, $3  }
0x3a: {  	_ = 	snop  }
0x3b: {  	_ = 	snop  }
0x3c: {  	p2 =	seq.s32 s10, $0x1;
	s10 =	sld [smem:$0x3FAB]  }
0x3d: {  	_ =	shalt  }
0x3e: {  	_ =	shalt  }
0x3f: {  	_ =	shalt  }
0x40: {  	_ =	shalt  }
0x41: {  	_ =	shalt  }
0x42: {  	_ =	shalt  }
0x43: {  	_ =	shalt  }
0x44: {  	_ =	shalt  }
0x45: {  	_ =	shalt  }
0x46: {  	_ =	shalt  }
0x47: {  	_ =	shalt  }
0x48: {  	_ =	shalt  }
0x49: {  	_ =	shalt  }
0x4a: {  	_ =	shalt  }
0x4b: {  	_ =	shalt  }
0x4c: {  	_ =	shalt  }
0x4d: {  	_ =	shalt  }
0x4e: {  	_ =	shalt  }
0x4f: {  	_ =	shalt  }
0x50: {  	_ =	shalt  }
0x51: {  	_ =	shalt  }
0x52: {  	_ =	shalt  }
0x53: {  	_ =	shalt  }
0x54: {  	_ =	shalt  }
0x55: {  	_ =	shalt  }
0x56: {  	_ =	shalt  }
0x57: {  	_ =	shalt  }
0x58: {  	_ =	shalt  }
0x59: {  	_ =	shalt  }
0x5a: {  	_ =	shalt  }
0x5b: {  	_ =	shalt  }
0x5c: {  	_ =	shalt  }
0x5d: {  	_ =	shalt  }
0x5e: {  	_ =	shalt  }
0x5f: {  	_ =	shalt  }
0x60: {  	_ =	shalt  }
0x61: {  	_ =	shalt  }
0x62: {  	_ =	shalt  }
0x63: {  	_ =	shalt  }
0x64: {  	_ =	shalt  }
0x65: {  	_ =	shalt  }
0x66: {  	_ =	shalt  }
0x67: {  	_ =	shalt  }
0x68: {  	_ =	shalt  }
0x69: {  	_ =	shalt  }
0x6a: {  	_ =	shalt  }
0x6b: {  	_ =	shalt  }
0x6c: {  	_ =	shalt  }
0x6d: {  	_ =	shalt  }
0x6e: {  	_ =	shalt  }
0x6f: {  	_ =	shalt  }
0x70: {  	_ =	shalt  }
0x71: {  	_ =	shalt  }
0x72: {  	_ =	shalt  }
0x73: {  	_ =	shalt  }
0x74: {  	_ =	shalt  }
0x75: {  	_ =	shalt  }
0x76: {  	_ =	shalt  }
0x77: {  	_ =	shalt  }
0x78: {  	_ =	shalt  }
0x79: {  	_ =	shalt  }
0x7a: {  	_ =	shalt  }
0x7b: {  	_ =	shalt  }
0x7c: {  	_ =	shalt  }
0x7d: {  	_ =	shalt  }
0x7e: {  	_ =	shalt  }
0x7f: {  	_ =	shalt  }
0x80: {  	_ =	shalt  }
0x81: {  	_ =	shalt  }
0x82: {  	_ =	shalt  }
0x83: {  	_ =	shalt  }
0x84: {  	_ =	shalt  }
0x85: {  	_ =	shalt  }
0x86: {  	_ =	shalt  }
0x87: {  	_ =	shalt  }
.Lfunc_end0:
.L_simem_size_0:
called_computation.1_lowered:
.L_overlay_start_0:
0x88: {  	s2 =	sld [smem:$0x3FD9]  }
0x89: {  	s3 =	sld [smem:$0x3FFE];
	_ =	sdelay $0x1  }
0x8a: {  	s1 =	srdreg.scid  }
0x8b: {  	s0 =	sand.u32 $0x1, s1  }
0x8c: {  	s14 =	sshll.u32 s0, $0xA;
	s2 =	sadd.s32 s3, s2  }
0x8d: {  	s2 =	sadd.s32 s2, s14  }
0x8e: {  	[smem:$0x3FB7] =	sst s2  }
0x8f: {  	_ = 	snop  }
0x90: {  	s2 =	sld [smem:$0x3FD0];
	_ =	sdelay $0x2  }
0x91: {  	s15 =	simm.s32 $0xA;
	s4 =	simm.s32 $0x10  }
0x92: {  	[smem:s4], [sflag:s15] =	dma.local [hbm:s2], $0x1  }
0x93: {  	_ =	swait.eq [sflag:s15], $0x1  }
0x94: {  	[sflag:s15] =	ssyncset.done $0x0  }
0x95: {  	s16 =	sld [smem:$0x10];
	[sflag:s15] =	ssyncadd.s32 $0xFFFFFFFF  }
0x96: {  	s17 =	sld [smem:$0x11];
	(tm) =	ssettm $0x1  }
0x97: {  	s18 =	sld [smem:$0x3FFB];
	_ =	sdelay $0x3  }
0x98: {  	_ =	strace s18  }
0x99: {  	s4 =	sld [smem:$0x3FFC];
	_ =	sdelay $0x3  }
0x9a: {  	_ =	strace s4  }
0x9b: {  	s4 =	sld [smem:$0x3FFD];
	_ =	sdelay $0x3  }
0x9c: {  	_ =	strace s4  }
0x9d: {  	_ =	strace $0x8FFFFFFF  }
0x9e: {  	s19 =	sld [smem:$0x3FDB];
	_ =	sdelay $0x1  }
0x9f: {  	s5 =	simm.s32 $_scs_section_size  }
0xa0: {  	s6 =	simm.s32 $_size__tile_overlayer_lowered;
	s7 =	simm.s32 $_tile_overlayer_lowered  }
0xa1: {  	s22 =	simm.s32 $0x1BFF;
	s21 =	sshll.u32 s7, $0x1;
	s4 =	sadd.s32 s5, s19  }
0xa2: {  	s8 =	simm.s32 $0x0;
	s20 =	sshll.u32 s6, $0x1;
	s6 =	sadd.s32 s21, s4  }
0xa3: {  	[timem:s8], [sflag:s22] =	dma.local [hbm:s6], s20  }
0xa4: {  	_ =	swait.ge [sflag:s22], s20  }
0xa5: {  	s5 =	ssub.s32 $0x0, s20;
	[sflag:s22] =	ssyncset.done $0x0  }
0xa6: {  	[sflag:s22] =	ssyncadd.s32 s5;
	_ =	sdelay $0x1  }
0xa7: {  	s23 =	simm.s32 $0x1B8B  }
0xa8: {  	_ =	swait.ge [sflag:s23], $0x1  }
0xa9: {  	[sflag:s23] =	ssyncset.done $0x0  }
0xaa: {  	s25 =	simm.s32 $0x1B8E;
	s24 =	sld [smem:$0x3FFE];
	[sflag:s23] =	ssyncadd.s32 $0xFFFFFFFF  }
0xab: {  	s26 =	simm.s32 $execute0_lowered;
	[smem:$0x3FD2] =	sst s25  }
0xac: {  	s6 =	sshll.u32 s26, $0x1;
	_ =	strace $0x80000049;
	[dreg:$0x1] =	wrdreg $0xFFFFFFFF  }
0xad: {  	s28 =	simm.s32 $_size_execute0_lowered;
	s4 =	sadd.s32 s4, s6;
	[dreg:$0x0] =	wrdreg $0x0  }
0xae: {  	s6 =	sshll.u32 s28, $0x1;
	[dreg:$0x2] =	wrdreg s4  }
0xaf: {  	[dreg:$0x3] =	wrdreg s6  }
0xb0: {  	[dreg:$0x4] =	wrdreg $0xC0  }
0xb1: {  	_ =	task [dreg:s8], $0x5FFFF  }
0xb2: {  	[dreg:$0x1] =	wrdreg $0xFFFFFFFF  }
0xb3: {  	[dreg:$0x0] =	wrdreg $0x60  }
0xb4: {  	[dreg:$0x2] =	wrdreg s16  }
0xb5: {  	[dreg:$0x3] =	wrdreg s24  }
0xb6: {  	[dreg:$0x4] =	wrdreg s17  }
0xb7: {  	[dreg:$0x5] =	wrdreg $0x0  }
0xb8: {  	[dreg:$0x6] =	wrdreg $0x9  }
0xb9: {  	_ =	task.clear_ibuf [dreg:s8], $0x7FFFF;
	_ =	strace $0x90000049  }
0xba: {  	s29 =	simm.s32 $0x9;
	_ =	strace $0x8000004B  }
0xbb: {  	_ =	swait.ge [sflag:s29], $0x1  }
0xbc: {  	[sflag:s29] =	ssyncadd.s32 $0xFFFFFFFF  }
0xbd: {  	_ =	strace $0x9000004B  }
0xbe: {  	_ =	sfence  }
0xbf: {  	s30 =	sld [smem:$0x0];
	_ =	sdelay $0x2  }
0xc0: {  	s31 =	sshll.u32 s1, $0xD;
	s1 =	sshrl.u32 s1, $0x2  }
0xc1: {  	s3 =	sand.u32 $0x4000, s31;
	s1 =	sadd.s32 s1, s30  }
0xc2: {  	s0 =	sor.u32 s3, s0;
	s1 =	sshll.u32 s1, $0x11  }
0xc3: {  	s0 =	sor.u32 s1, s0  }
0xc4: {  	s0 =	sadd.s32 $0x8F2B, s0  }
0xc5: {  	[sflag:s0] =	ssyncadd.remote.s32 $0x1  }
0xc6: {  	_ =	sfence.sel $0xFFFF  }
0xc7: {  	[dreg:$0x0] =	wrdreg $0xFFFFFFFF;
	(pc) =	sbr.abs _section_cstart, $3  }
0xc8: {  	[dreg:$0x1] =	wrdreg $0xFFFFFFFF  }
0xc9: {  	_ =	task.clear_ibuf [dreg:s8], $0x2FFFF;
	_ =	strace $0x9FFFFFFF  }
0xca: {  	(tm) =	ssettm $0x7FFFFFFF  }
0xcb: {  	_ =	shalt  }
tec
execute0_lowered:
.L_overlay_start_1:
0x0: {  	(tag) =	ssettag $0x1  }
0x1: {  	s0 =	rddreg [dreg:$0x0]  }
0x2: {  	s1 =	rddreg [dreg:$0x1]  }
0x3: {  	s3 =	rddreg [dreg:$0x3]  }
0x4: {  	s4 =	simm.s32 $0x0;
	s15 =	stileid.u32;
	s5 =	srdreg.scid  }
0x5: {  	s18 =	simm.s32 $0x186B0;
	s19 =	simm.s32 $0x2;
	s20 =	simm.s32 $0x18AB0  }
0x6: {  	s21 =	simm.s32 $0x80;
	s28 =	simm.s32 $0x18BB0;
	s29 =	simm.s32 $0x18830  }
0x7: {  	s30 =	simm.s32 $0x18C30;
	s31 =	simm.s32 $0x188B0;
	s2 =	smul.u32 $0x1880, s15  }
0x8: {  	[smem:$0x7FF] =	sst s4;
	s7 =	smul.u32 $0x18700, s15;
	s8 =	sand.u32 $0x1, s5  }
0x9: {  	s5 =	sadd.s32 $0xCA200, s1;
	s9 =	smul.u32 $0x61C00, s15;
	s24 =	sadd.s32 $0x436520, s1  }
0xa: {  	_ =	strace $0x8000004A;
	s6 =	ssub.s32 $0x2, s8;
	p0 =	seq.s32 s8, $0x0  }
0xb: {  	p4 =	seq.s32 s8, $0x1;
	[dreg:$0x7] =	wrdreg s24;
	s24 =	simm.s32 $0x18730  }
0xc: {  	s8 =	simm.s32 $0x189B0;
	s2 =	sadd.s32 s2, s1;
	s10 =	sshrl.u32 s7, $0x3  }
0xd: {  	s11 =	sshrl.u32 s6, $0x1;
	s22 =	sshrl.u32 s9, $0x2;
	s7 =	sadd.s32 s7, s3  }
0xe: {  	s5 =	smov.u32 @p0 s0;
	p0 =	seq.s32 s15, $0xF;
	p2 =	seq.s32 @p4 s15, $0xF  }
0xf: {  	p5 =	seq.s32 @!p4 s15, $0xF;
	s10 =	sadd.s32 s10, s1;
	s11 =	ssub.s32 s6, s11  }
0x10: {  	s12 =	sadd.s32 s22, s3;
	s6 =	sadd.s32 $0x16E900, s3;
	s1 =	sadd.s32 $0x15A120, s1  }
0x11: {  	[dreg:$0x8] =	wrdreg s7;
	s13 =	sadd.s32 $0xFB000, s2;
	s14 =	sadd.s32 $0x113800, s2  }
0x12: {  	s0 =	sshll.u32 @!p0 s15, $0x6;
	s22 =	simm.s32 $0x18EB0;
	p1 =	por !p2, !p4  }
0x13: {  	p2 =	por p2, !p4;
	p3 =	por !p5, p4;
	[dreg:$0xa] =	wrdreg s1  }
0x14: {  	p4 =	por p5, p4;
	s23 =	sadd.s32 $0x408800, s10;
	[dreg:$0x5] =	wrdreg s6  }
0x15: {  	s7 =	simm.s32 $0x18D30;
	s25 =	sadd.s32 $0x12C400, s10;
	[dreg:$0x6] =	wrdreg s23  }
0x16: {  	s15 =	simm.s32 $0x0;
	s26 =	smax.u32 s11, $0x1;
	[dreg:$0x9] =	wrdreg s25  }
0x17: {  	s1 =	sshrl.u32 @p0 s6, $0x3;
	s0 =	sor.u32 @!p0 $0x1C02, s0;
	[dreg:$0xb] =	wrdreg s26  }
0x18: {  	s10 =	simm.s32 $0x18DB0;
	s11 =	simm.s32 $0x18A30;
	[dreg:$0xc] =	wrdreg s1  }
0x19: {  	[dreg:$0xd] =	wrdreg s0;
	s0 =	sshrl.u32 @!p0 s12, $0x3;
	s23 =	simm.s32 $0x1  }
0x1a: {  	s25 =	simm.s32 $0x18B30;
	s26 =	simm.s32 $0x187B0;
	s1 =	simm.s32 $0x18930  }
0x1b: {  	s12 =	simm.s32 $0x18E30;
	[dreg:$0xe] =	wrdreg s0;
	s0 =	simm.s32 $0x18CB0  }
.LBB2_1:
0x1c: {  	[dreg:$0xf] =	wrdreg s15  }
0x1d: {  	s6 =	rddreg [dreg:$0x2]  }
0x1e: {  	s2 =	simm.s32 @p0 $0x1FC2;
	s9 =	rddreg [dreg:$0xc]  }
0x1f: {  	[spmem:s9], [sflag:s2] =	dma.local @p0 [hbm:s6], $0x3040  }
0x20: {  	s2 =	simm.s32 @p0 $0x2  }
0x21: {  	_ =	swait.ge @p0 [sflag:s2], $0x3040  }
0x22: {  	[sflag:s2] =	ssyncset.done @p0 $0x0;
	s9 =	rddreg [dreg:$0xe]  }
0x23: {  	[sflag:s2] =	ssyncadd.s32 @p0 $0xFFFFCFC0;
	s2 =	rddreg [dreg:$0xd]  }
0x24: {  	[spmem:s9], [sflag:s2] =	dma.local @!p0 [hbm:s6], $0x30E0  }
0x25: {  	s2 =	simm.s32 @!p0 $0x2  }
0x26: {  	_ =	swait.ge @!p0 [sflag:s2], $0x30E0  }
0x27: {  	[sflag:s2] =	ssyncset.done @!p0 $0x0  }
0x28: {  	[sflag:s2] =	ssyncadd.s32 @!p0 $0xFFFFCF20  }
0x29: {  	s16 =	sadd.s32 $0x0, s14;
	[bflag:$0x0] =	sbarrier.arrive $0xFFFF  }
0x2a: {  	[tilespmem:s18], [sflag:$0x2] =	stream.linear.gather [hbm4b:s16+s4], $0x400, $0x38;
	[tilespmem:$0x19EB0] =	vst v63  }
0x2b: {  	_ =	swait.ge [sflag:s19], $0x400  }
0x2c: {  	[sflag:s19] =	ssyncset.done $0x0  }
0x2d: {  	s17 =	sadd.s32 $0x0, s13;
	[sflag:s19] =	ssyncadd.s32 $0xFFFFFC00  }
0x2e: {  	[tilespmem:s20], [sflag:$0x2] =	stream.linear.gather [hbm4b:s17+s4], $0x400, $0x38;
	[tilespmem:$0x19EB0] =	vst v63  }
0x2f: {  	_ =	swait.ge [sflag:s19], $0x400  }
0x30: {  	[sflag:s19] =	ssyncset.done $0x0  }
0x31: {  	[sflag:s19] =	ssyncadd.s32 $0xFFFFFC00  }
0x32: {  	[tilespmem:s22], [sflag:$0x1] =	stream.indirect.gather [hbm4b:s5+s21], $0x20, s18, s21, $0xb8;
	[tilespmem:$0x19EB0] =	vst v63  }
0x33: {  	_ =	swait.ge [sflag:s23], $0x1000  }
0x34: {  	[sflag:s23] =	ssyncset.done $0x0  }
0x35: {  	[sflag:s23] =	ssyncadd.s32 $0xFFFFF000  }
0x36: {  	[spmem:s3] =	stream.indirect.scatter.add.f32 [tilespmem:s22], [sflag:$0x2], $0x20, s20, s21, $0xb8;
	[tilespmem:$0x19EB0] =	vst v63  }
0x37: {  	_ =	swait.ge [sflag:s19], $0x1000  }
0x38: {  	[sflag:s19] =	ssyncset.done $0x0  }
0x39: {  	[sflag:s19] =	ssyncadd.s32 $0xFFFFF000  }
0x3a: {  	[tilespmem:s22], [sflag:$0x1] =	stream.indirect.gather [hbm4b:s5+s21], $0x20, s24, s21, $0xb8;
	[tilespmem:$0x19EB0] =	vst v63  }
0x3b: {  	_ =	swait.ge [sflag:s23], $0x1000  }
0x3c: {  	[sflag:s23] =	ssyncset.done $0x0  }
0x3d: {  	[sflag:s23] =	ssyncadd.s32 $0xFFFFF000  }
0x3e: {  	[spmem:s3] =	stream.indirect.scatter.add.f32 [tilespmem:s22], [sflag:$0x2], $0x20, s25, s21, $0xb8;
	[tilespmem:$0x19EB0] =	vst v63  }
0x3f: {  	_ =	swait.ge [sflag:s19], $0x1000  }
0x40: {  	[sflag:s19] =	ssyncset.done $0x0  }
0x41: {  	[sflag:s19] =	ssyncadd.s32 $0xFFFFF000  }
0x42: {  	[tilespmem:s22], [sflag:$0x1] =	stream.indirect.gather [hbm4b:s5+s21], $0x20, s26, s21, $0xb8;
	[tilespmem:$0x19EB0] =	vst v63  }
0x43: {  	_ =	swait.ge [sflag:s23], $0x1000  }
0x44: {  	[sflag:s23] =	ssyncset.done $0x0  }
0x45: {  	[sflag:s23] =	ssyncadd.s32 $0xFFFFF000  }
0x46: {  	[spmem:s3] =	stream.indirect.scatter.add.f32 [tilespmem:s22], [sflag:$0x2], $0x20, s28, s21, $0xb8;
	[tilespmem:$0x19EB0] =	vst v63  }
0x47: {  	_ =	swait.ge [sflag:s19], $0x1000  }
0x48: {  	[sflag:s19] =	ssyncset.done $0x0  }
0x49: {  	[sflag:s19] =	ssyncadd.s32 $0xFFFFF000  }
0x4a: {  	[tilespmem:s22], [sflag:$0x1] =	stream.indirect.gather [hbm4b:s5+s21], $0x20, s29, s21, $0xb8;
	[tilespmem:$0x19EB0] =	vst v63  }
0x4b: {  	_ =	swait.ge [sflag:s23], $0x1000  }
0x4c: {  	[sflag:s23] =	ssyncset.done $0x0  }
0x4d: {  	[sflag:s23] =	ssyncadd.s32 $0xFFFFF000  }
0x4e: {  	[spmem:s3] =	stream.indirect.scatter.add.f32 [tilespmem:s22], [sflag:$0x2], $0x20, s30, s21, $0xb8;
	[tilespmem:$0x19EB0] =	vst v63  }
0x4f: {  	_ =	swait.ge [sflag:s19], $0x1000  }
0x50: {  	[sflag:s19] =	ssyncset.done $0x0  }
0x51: {  	[sflag:s19] =	ssyncadd.s32 $0xFFFFF000  }
0x52: {  	[tilespmem:s22], [sflag:$0x1] =	stream.indirect.gather [hbm4b:s5+s21], $0x20, s31, s21, $0xb8;
	[tilespmem:$0x19EB0] =	vst v63  }
0x53: {  	_ =	swait.ge [sflag:s23], $0x1000  }
0x54: {  	[sflag:s23] =	ssyncset.done $0x0  }
0x55: {  	[sflag:s23] =	ssyncadd.s32 $0xFFFFF000  }
0x56: {  	[spmem:s3] =	stream.indirect.scatter.add.f32 [tilespmem:s22], [sflag:$0x2], $0x20, s0, s21, $0xb8;
	[tilespmem:$0x19EB0] =	vst v63  }
0x57: {  	_ =	swait.ge [sflag:s19], $0x1000  }
0x58: {  	[sflag:s19] =	ssyncset.done $0x0  }
0x59: {  	[sflag:s19] =	ssyncadd.s32 $0xFFFFF000  }
0x5a: {  	[tilespmem:s22], [sflag:$0x1] =	stream.indirect.gather [hbm4b:s5+s21], $0x20, s1, s21, $0xb8;
	[tilespmem:$0x19EB0] =	vst v63  }
0x5b: {  	_ =	swait.ge [sflag:s23], $0x1000  }
0x5c: {  	[sflag:s23] =	ssyncset.done $0x0  }
0x5d: {  	[sflag:s23] =	ssyncadd.s32 $0xFFFFF000  }
0x5e: {  	[spmem:s3] =	stream.indirect.scatter.add.f32 [tilespmem:s22], [sflag:$0x2], $0x20, s7, s21, $0xb8;
	[tilespmem:$0x19EB0] =	vst v63  }
0x5f: {  	_ =	swait.ge [sflag:s19], $0x1000  }
0x60: {  	[sflag:s19] =	ssyncset.done $0x0  }
0x61: {  	[sflag:s19] =	ssyncadd.s32 $0xFFFFF000  }
0x62: {  	[tilespmem:s22], [sflag:$0x1] =	stream.indirect.gather [hbm4b:s5+s21], $0x20, s8, s21, $0xb8;
	[tilespmem:$0x19EB0] =	vst v63  }
0x63: {  	_ =	swait.ge [sflag:s23], $0x1000  }
0x64: {  	[sflag:s23] =	ssyncset.done $0x0  }
0x65: {  	[sflag:s23] =	ssyncadd.s32 $0xFFFFF000  }
0x66: {  	[spmem:s3] =	stream.indirect.scatter.add.f32 [tilespmem:s22], [sflag:$0x2], $0x20, s10, s21, $0xb8;
	[tilespmem:$0x19EB0] =	vst v63  }
0x67: {  	_ =	swait.ge [sflag:s19], $0x1000  }
0x68: {  	[sflag:s19] =	ssyncset.done $0x0  }
0x69: {  	[sflag:s19] =	ssyncadd.s32 $0xFFFFF000  }
0x6a: {  	[tilespmem:s22], [sflag:$0x1] =	stream.indirect.gather [hbm4b:s5+s21], $0x20, s11, s21, $0xb8;
	[tilespmem:$0x19EB0] =	vst v63  }
0x6b: {  	_ =	swait.ge [sflag:s23], $0x1000  }
0x6c: {  	[sflag:s23] =	ssyncset.done $0x0  }
0x6d: {  	[sflag:s23] =	ssyncadd.s32 $0xFFFFF000  }
0x6e: {  	[spmem:s3] =	stream.indirect.scatter.add.f32 [tilespmem:s22], [sflag:$0x2], $0x20, s12, s21, $0xb8;
	[tilespmem:$0x19EB0] =	vst v63  }
0x6f: {  	_ =	swait.ge [sflag:s19], $0x1000  }
0x70: {  	s16 =	simm.s32 $0x80;
	s17 =	simm.s32 $0x100;
	[sflag:s19] =	ssyncset.done $0x0  }
.LBB2_2:
0x71: {  	s9 =	sadd.s32 s16, s14  }
0x72: {  	[sflag:s19] =	ssyncadd.s32 $0xFFFFF000;
	s6 =	smov.u32 s17;
	s2 =	sadd.s32 $0x80, s17  }
0x73: {  	[tilespmem:s18], [sflag:$0x2] =	stream.linear.gather [hbm4b:s9+s4], $0x400, $0x38;
	[tilespmem:$0x19EB0] =	vst v63  }
0x74: {  	p5 =	sne.s32 s17, $0x1800;
	_ =	swait.ge [sflag:s19], $0x400  }
0x75: {  	[sflag:s19] =	ssyncset.done $0x0  }
0x76: {  	s9 =	sadd.s32 s16, s13;
	s16 =	smov.u32 s6;
	[sflag:s19] =	ssyncadd.s32 $0xFFFFFC00  }
0x77: {  	[tilespmem:s20], [sflag:$0x2] =	stream.linear.gather [hbm4b:s9+s4], $0x400, $0x38;
	[tilespmem:$0x19EB0] =	vst v63  }
0x78: {  	_ =	swait.ge [sflag:s19], $0x400  }
0x79: {  	[sflag:s19] =	ssyncset.done $0x0  }
0x7a: {  	[sflag:s19] =	ssyncadd.s32 $0xFFFFFC00  }
0x7b: {  	[tilespmem:s22], [sflag:$0x1] =	stream.indirect.gather [hbm4b:s5+s21], $0x20, s18, s21, $0xb8;
	[tilespmem:$0x19EB0] =	vst v63  }
0x7c: {  	_ =	swait.ge [sflag:s23], $0x1000  }
0x7d: {  	[sflag:s23] =	ssyncset.done $0x0  }
0x7e: {  	[sflag:s23] =	ssyncadd.s32 $0xFFFFF000  }
0x7f: {  	[spmem:s3] =	stream.indirect.scatter.add.f32 [tilespmem:s22], [sflag:$0x2], $0x20, s20, s21, $0xb8;
	[tilespmem:$0x19EB0] =	vst v63  }
0x80: {  	_ =	swait.ge [sflag:s19], $0x1000  }
0x81: {  	[sflag:s19] =	ssyncset.done $0x0  }
0x82: {  	[sflag:s19] =	ssyncadd.s32 $0xFFFFF000  }
0x83: {  	[tilespmem:s22], [sflag:$0x1] =	stream.indirect.gather [hbm4b:s5+s21], $0x20, s24, s21, $0xb8;
	[tilespmem:$0x19EB0] =	vst v63  }
0x84: {  	_ =	swait.ge [sflag:s23], $0x1000  }
0x85: {  	[sflag:s23] =	ssyncset.done $0x0  }
0x86: {  	[sflag:s23] =	ssyncadd.s32 $0xFFFFF000  }
0x87: {  	[spmem:s3] =	stream.indirect.scatter.add.f32 [tilespmem:s22], [sflag:$0x2], $0x20, s25, s21, $0xb8;
	[tilespmem:$0x19EB0] =	vst v63  }
0x88: {  	_ =	swait.ge [sflag:s19], $0x1000  }
0x89: {  	[sflag:s19] =	ssyncset.done $0x0  }
0x8a: {  	[sflag:s19] =	ssyncadd.s32 $0xFFFFF000  }
0x8b: {  	[tilespmem:s22], [sflag:$0x1] =	stream.indirect.gather [hbm4b:s5+s21], $0x20, s26, s21, $0xb8;
	[tilespmem:$0x19EB0] =	vst v63  }
0x8c: {  	_ =	swait.ge [sflag:s23], $0x1000  }
0x8d: {  	[sflag:s23] =	ssyncset.done $0x0  }
0x8e: {  	[sflag:s23] =	ssyncadd.s32 $0xFFFFF000  }
0x8f: {  	[spmem:s3] =	stream.indirect.scatter.add.f32 [tilespmem:s22], [sflag:$0x2], $0x20, s28, s21, $0xb8;
	[tilespmem:$0x19EB0] =	vst v63  }
0x90: {  	_ =	swait.ge [sflag:s19], $0x1000  }
0x91: {  	[sflag:s19] =	ssyncset.done $0x0  }
0x92: {  	[sflag:s19] =	ssyncadd.s32 $0xFFFFF000  }
0x93: {  	[tilespmem:s22], [sflag:$0x1] =	stream.indirect.gather [hbm4b:s5+s21], $0x20, s29, s21, $0xb8;
	[tilespmem:$0x19EB0] =	vst v63  }
0x94: {  	_ =	swait.ge [sflag:s23], $0x1000  }
0x95: {  	[sflag:s23] =	ssyncset.done $0x0  }
0x96: {  	[sflag:s23] =	ssyncadd.s32 $0xFFFFF000  }
0x97: {  	[spmem:s3] =	stream.indirect.scatter.add.f32 [tilespmem:s22], [sflag:$0x2], $0x20, s30, s21, $0xb8;
	[tilespmem:$0x19EB0] =	vst v63  }
0x98: {  	_ =	swait.ge [sflag:s19], $0x1000  }
0x99: {  	[sflag:s19] =	ssyncset.done $0x0  }
0x9a: {  	[sflag:s19] =	ssyncadd.s32 $0xFFFFF000  }
0x9b: {  	[tilespmem:s22], [sflag:$0x1] =	stream.indirect.gather [hbm4b:s5+s21], $0x20, s31, s21, $0xb8;
	[tilespmem:$0x19EB0] =	vst v63  }
0x9c: {  	_ =	swait.ge [sflag:s23], $0x1000  }
0x9d: {  	[sflag:s23] =	ssyncset.done $0x0  }
0x9e: {  	[sflag:s23] =	ssyncadd.s32 $0xFFFFF000  }
0x9f: {  	[spmem:s3] =	stream.indirect.scatter.add.f32 [tilespmem:s22], [sflag:$0x2], $0x20, s0, s21, $0xb8;
	[tilespmem:$0x19EB0] =	vst v63  }
0xa0: {  	_ =	swait.ge [sflag:s19], $0x1000  }
0xa1: {  	[sflag:s19] =	ssyncset.done $0x0  }
0xa2: {  	[sflag:s19] =	ssyncadd.s32 $0xFFFFF000  }
0xa3: {  	[tilespmem:s22], [sflag:$0x1] =	stream.indirect.gather [hbm4b:s5+s21], $0x20, s1, s21, $0xb8;
	[tilespmem:$0x19EB0] =	vst v63  }
0xa4: {  	_ =	swait.ge [sflag:s23], $0x1000  }
0xa5: {  	[sflag:s23] =	ssyncset.done $0x0  }
0xa6: {  	[sflag:s23] =	ssyncadd.s32 $0xFFFFF000  }
0xa7: {  	[spmem:s3] =	stream.indirect.scatter.add.f32 [tilespmem:s22], [sflag:$0x2], $0x20, s7, s21, $0xb8;
	[tilespmem:$0x19EB0] =	vst v63  }
0xa8: {  	_ =	swait.ge [sflag:s19], $0x1000  }
0xa9: {  	[sflag:s19] =	ssyncset.done $0x0  }
0xaa: {  	[sflag:s19] =	ssyncadd.s32 $0xFFFFF000  }
0xab: {  	[tilespmem:s22], [sflag:$0x1] =	stream.indirect.gather [hbm4b:s5+s21], $0x20, s8, s21, $0xb8;
	[tilespmem:$0x19EB0] =	vst v63  }
0xac: {  	_ =	swait.ge [sflag:s23], $0x1000  }
0xad: {  	[sflag:s23] =	ssyncset.done $0x0  }
0xae: {  	[sflag:s23] =	ssyncadd.s32 $0xFFFFF000  }
0xaf: {  	[spmem:s3] =	stream.indirect.scatter.add.f32 [tilespmem:s22], [sflag:$0x2], $0x20, s10, s21, $0xb8;
	[tilespmem:$0x19EB0] =	vst v63  }
0xb0: {  	_ =	swait.ge [sflag:s19], $0x1000  }
0xb1: {  	[sflag:s19] =	ssyncset.done $0x0  }
0xb2: {  	[sflag:s19] =	ssyncadd.s32 $0xFFFFF000  }
0xb3: {  	[tilespmem:s22], [sflag:$0x1] =	stream.indirect.gather [hbm4b:s5+s21], $0x20, s11, s21, $0xb8;
	[tilespmem:$0x19EB0] =	vst v63  }
0xb4: {  	_ =	swait.ge [sflag:s23], $0x1000  }
.Ltmp0:
0xb5: {  	[sflag:s23] =	ssyncset.done $0x0;
	(pc) =	sbr.rel @p5 .LBB2_2-.Ltmp0, $4  }
0xb6: {  	[sflag:s23] =	ssyncadd.s32 $0xFFFFF000  }
0xb7: {  	[spmem:s3] =	stream.indirect.scatter.add.f32 [tilespmem:s22], [sflag:$0x2], $0x20, s12, s21, $0xb8;
	[tilespmem:$0x19EB0] =	vst v63  }
0xb8: {  	_ =	swait.ge [sflag:s19], $0x1000  }
0xb9: {  	s17 =	smov.u32 s2;
	[sflag:s19] =	ssyncset.done $0x0  }
0xba: {  	s2 =	sadd.s32 s16, s14;
	[sflag:s19] =	ssyncadd.s32 $0xFFFFF000  }
0xbb: {  	[tilespmem:s18], [sflag:$0x2] =	stream.linear.gather [hbm4b:s2+s4], $0x400, $0x38;
	[tilespmem:$0x19EB0] =	vst v63  }
0xbc: {  	_ =	swait.ge [sflag:s19], $0x400  }
0xbd: {  	[sflag:s19] =	ssyncset.done $0x0  }
0xbe: {  	s15 =	sadd.s32 s16, s13;
	[sflag:s19] =	ssyncadd.s32 $0xFFFFFC00  }
0xbf: {  	[tilespmem:s20], [sflag:$0x2] =	stream.linear.gather [hbm4b:s15+s4], $0x400, $0x38;
	[tilespmem:$0x19EB0] =	vst v63  }
0xc0: {  	_ =	swait.ge [sflag:s19], $0x400  }
0xc1: {  	[sflag:s19] =	ssyncset.done $0x0  }
0xc2: {  	[sflag:s19] =	ssyncadd.s32 $0xFFFFFC00  }
0xc3: {  	[tilespmem:s22], [sflag:$0x1] =	stream.indirect.gather [hbm4b:s5+s21], $0x20, s18, s21, $0xb8;
	[tilespmem:$0x19EB0] =	vst v63  }
0xc4: {  	_ =	swait.ge [sflag:s23], $0x1000  }
0xc5: {  	[sflag:s23] =	ssyncset.done $0x0  }
0xc6: {  	[sflag:s23] =	ssyncadd.s32 $0xFFFFF000  }
0xc7: {  	[spmem:s3] =	stream.indirect.scatter.add.f32 [tilespmem:s22], [sflag:$0x2], $0x20, s20, s21, $0xb8;
	[tilespmem:$0x19EB0] =	vst v63  }
0xc8: {  	_ =	swait.ge [sflag:s19], $0x1000  }
0xc9: {  	[sflag:s19] =	ssyncset.done $0x0  }
0xca: {  	[sflag:s19] =	ssyncadd.s32 $0xFFFFF000  }
0xcb: {  	[tilespmem:s22], [sflag:$0x1] =	stream.indirect.gather [hbm4b:s5+s21], $0x20, s24, s21, $0xb8;
	[tilespmem:$0x19EB0] =	vst v63  }
0xcc: {  	_ =	swait.ge [sflag:s23], $0x1000  }
0xcd: {  	[sflag:s23] =	ssyncset.done $0x0  }
0xce: {  	[sflag:s23] =	ssyncadd.s32 $0xFFFFF000  }
0xcf: {  	[spmem:s3] =	stream.indirect.scatter.add.f32 [tilespmem:s22], [sflag:$0x2], $0x20, s25, s21, $0xb8;
	[tilespmem:$0x19EB0] =	vst v63  }
0xd0: {  	_ =	swait.ge [sflag:s19], $0x1000  }
0xd1: {  	[sflag:s19] =	ssyncset.done $0x0  }
0xd2: {  	[sflag:s19] =	ssyncadd.s32 $0xFFFFF000  }
0xd3: {  	[tilespmem:s22], [sflag:$0x1] =	stream.indirect.gather [hbm4b:s5+s21], $0x20, s26, s21, $0xb8;
	[tilespmem:$0x19EB0] =	vst v63  }
0xd4: {  	_ =	swait.ge [sflag:s23], $0x1000  }
0xd5: {  	[sflag:s23] =	ssyncset.done $0x0  }
0xd6: {  	[sflag:s23] =	ssyncadd.s32 $0xFFFFF000  }
0xd7: {  	[spmem:s3] =	stream.indirect.scatter.add.f32 [tilespmem:s22], [sflag:$0x2], $0x20, s28, s21, $0xb8;
	[tilespmem:$0x19EB0] =	vst v63  }
0xd8: {  	_ =	swait.ge [sflag:s19], $0x1000  }
0xd9: {  	[sflag:s19] =	ssyncset.done $0x0  }
0xda: {  	[sflag:s19] =	ssyncadd.s32 $0xFFFFF000  }
0xdb: {  	[tilespmem:s22], [sflag:$0x1] =	stream.indirect.gather [hbm4b:s5+s21], $0x20, s29, s21, $0xb8;
	[tilespmem:$0x19EB0] =	vst v63  }
0xdc: {  	_ =	swait.ge [sflag:s23], $0x1000  }
0xdd: {  	[sflag:s23] =	ssyncset.done $0x0  }
0xde: {  	[sflag:s23] =	ssyncadd.s32 $0xFFFFF000  }
0xdf: {  	[spmem:s3] =	stream.indirect.scatter.add.f32 [tilespmem:s22], [sflag:$0x2], $0x20, s30, s21, $0xb8;
	[tilespmem:$0x19EB0] =	vst v63  }
0xe0: {  	_ =	swait.ge [sflag:s19], $0x1000  }
0xe1: {  	[sflag:s19] =	ssyncset.done $0x0  }
0xe2: {  	[sflag:s19] =	ssyncadd.s32 $0xFFFFF000  }
0xe3: {  	[tilespmem:s22], [sflag:$0x1] =	stream.indirect.gather [hbm4b:s5+s21], $0x20, s31, s21, $0xb8;
	[tilespmem:$0x19EB0] =	vst v63  }
0xe4: {  	_ =	swait.ge [sflag:s23], $0x1000  }
0xe5: {  	[sflag:s23] =	ssyncset.done $0x0  }
0xe6: {  	[sflag:s23] =	ssyncadd.s32 $0xFFFFF000  }
0xe7: {  	[spmem:s3] =	stream.indirect.scatter.add.f32 [tilespmem:s22], [sflag:$0x2], $0x20, s0, s21, $0xb8;
	[tilespmem:$0x19EB0] =	vst v63  }
0xe8: {  	_ =	swait.ge [sflag:s19], $0x1000  }
0xe9: {  	[sflag:s19] =	ssyncset.done $0x0  }
0xea: {  	[sflag:s19] =	ssyncadd.s32 $0xFFFFF000  }
0xeb: {  	[tilespmem:s22], [sflag:$0x1] =	stream.indirect.gather [hbm4b:s5+s21], $0x20, s1, s21, $0xb8;
	[tilespmem:$0x19EB0] =	vst v63  }
0xec: {  	_ =	swait.ge [sflag:s23], $0x1000  }
0xed: {  	[sflag:s23] =	ssyncset.done $0x0  }
0xee: {  	[sflag:s23] =	ssyncadd.s32 $0xFFFFF000  }
0xef: {  	[spmem:s3] =	stream.indirect.scatter.add.f32 [tilespmem:s22], [sflag:$0x2], $0x20, s7, s21, $0xb8;
	[tilespmem:$0x19EB0] =	vst v63  }
0xf0: {  	_ =	swait.ge [sflag:s19], $0x1000  }
0xf1: {  	[sflag:s19] =	ssyncset.done $0x0  }
0xf2: {  	[sflag:s19] =	ssyncadd.s32 $0xFFFFF000  }
0xf3: {  	[tilespmem:s22], [sflag:$0x1] =	stream.indirect.gather [hbm4b:s5+s21], $0x20, s8, s21, $0xb8;
	[tilespmem:$0x19EB0] =	vst v63  }
0xf4: {  	_ =	swait.ge [sflag:s23], $0x1000  }
0xf5: {  	[sflag:s23] =	ssyncset.done $0x0  }
0xf6: {  	[sflag:s23] =	ssyncadd.s32 $0xFFFFF000  }
0xf7: {  	[spmem:s3] =	stream.indirect.scatter.add.f32 [tilespmem:s22], [sflag:$0x2], $0x20, s10, s21, $0xb8;
	[tilespmem:$0x19EB0] =	vst v63  }
0xf8: {  	_ =	swait.ge [sflag:s19], $0x1000  }
0xf9: {  	[sflag:s19] =	ssyncset.done $0x0  }
0xfa: {  	[sflag:s19] =	ssyncadd.s32 $0xFFFFF000  }
0xfb: {  	[tilespmem:s22], [sflag:$0x1] =	stream.indirect.gather [hbm4b:s5+s21], $0x20, s11, s21, $0xb8;
	[tilespmem:$0x19EB0] =	vst v63  }
0xfc: {  	_ =	swait.ge [sflag:s23], $0x1000  }
0xfd: {  	[sflag:s23] =	ssyncset.done $0x0  }
0xfe: {  	[sflag:s23] =	ssyncadd.s32 $0xFFFFF000  }
0xff: {  	[spmem:s3] =	stream.indirect.scatter.add.f32 [tilespmem:s22], [sflag:$0x2], $0x20, s12, s21, $0xb8;
	[tilespmem:$0x19EB0] =	vst v63  }
0x100: {  	_ =	swait.ge [sflag:s19], $0x1000  }
0x101: {  	[sflag:s19] =	ssyncset.done $0x0  }
0x102: {  	[sflag:s19] =	ssyncadd.s32 $0xFFFFF000  }
0x103: {  	[bflag:$0x0] =	sbarrier.arrive $0xFFFF  }
0x104: {  	s9 =	rddreg [dreg:$0x5]  }
0x105: {  	s6 =	simm.s32 @!p1 $0x1FC2;
	s15 =	rddreg [dreg:$0xa];
	s2 =	sshrl.u32 @!p1 s9, $0x3  }
0x106: {  	[hbm:s15], [sflag:s6] =	dma.local @!p1 [spmem:s2], $0x3020  }
0x107: {  	s2 =	simm.s32 @!p1 $0x2  }
0x108: {  	_ =	swait.ge @!p1 [sflag:s2], $0x3020  }
0x109: {  	s16 =	stileid.u32;
	s17 =	rddreg [dreg:$0x8]  }
0x10a: {  	s6 =	sshll.u32 @!p2 s16, $0x6;
	[sflag:s2] =	ssyncset.done @!p1 $0x0;
	s15 =	rddreg [dreg:$0x9]  }
0x10b: {  	[sflag:s2] =	ssyncadd.s32 @!p1 $0xFFFFCFE0;
	s2 =	sor.u32 @!p2 $0x1C02, s6;
	s6 =	sshrl.u32 @!p2 s17, $0x3  }
0x10c: {  	[hbm:s15], [sflag:s2] =	dma.local @!p2 [spmem:s6], $0x30E0  }
0x10d: {  	s2 =	simm.s32 @!p2 $0x2  }
0x10e: {  	_ =	swait.ge @!p2 [sflag:s2], $0x30E0  }
0x10f: {  	s6 =	simm.s32 @!p3 $0x1FC2;
	[sflag:s2] =	ssyncset.done @!p2 $0x0  }
0x110: {  	[sflag:s2] =	ssyncadd.s32 @!p2 $0xFFFFCF20;
	s2 =	sshrl.u32 @!p3 s9, $0x3;
	s9 =	rddreg [dreg:$0x7]  }
0x111: {  	[hbm:s9], [sflag:s6] =	dma.local @!p3 [spmem:s2], $0x3020  }
0x112: {  	s2 =	simm.s32 @!p3 $0x2  }
0x113: {  	_ =	swait.ge @!p3 [sflag:s2], $0x3020  }
0x114: {  	s6 =	sshll.u32 @!p4 s16, $0x6;
	[sflag:s2] =	ssyncset.done @!p3 $0x0;
	s16 =	rddreg [dreg:$0x6]  }
0x115: {  	[sflag:s2] =	ssyncadd.s32 @!p3 $0xFFFFCFE0;
	s2 =	sor.u32 @!p4 $0x1C02, s6;
	s6 =	sshrl.u32 @!p4 s17, $0x3  }
0x116: {  	[hbm:s16], [sflag:s2] =	dma.local @!p4 [spmem:s6], $0x30E0  }
0x117: {  	s2 =	simm.s32 @!p4 $0x2  }
0x118: {  	_ =	swait.ge @!p4 [sflag:s2], $0x30E0  }
0x119: {  	s16 =	rddreg [dreg:$0xf]  }
0x11a: {  	s17 =	rddreg [dreg:$0xb];
	s15 =	sadd.s32 $0x1, s16  }
0x11b: {  	p5 =	sne.s32 s15, s17  }
.Ltmp1:
0x11c: {  	_ = 	snop;
	(pc) =	sbr.rel @p5 .LBB2_1-.Ltmp1, $3  }
0x11d: {  	_ =	sdelay $0x1  }
0x11e: {  	[sflag:s2] =	ssyncset.done @!p4 $0x0  }
0x11f: {  	s9 =	stileid.u32;
	[sflag:s2] =	ssyncadd.s32 @!p4 $0xFFFFCF20  }
0x120: {  	_ =	sfence.sel $0x180000  }
0x121: {  	[bflag:$0x0] =	sbarrier.arrive $0xFFFF  }
0x122: {  	_ =	strace $0x9000004A  }
0x123: {  	[bflag:$0x2] =	sbarrier.arrive $0xFFFF  }
0x124: {  	p0 =	sne.s32 s9, $0x0;
	s0 =	rddreg [dreg:$0x4]  }
0x125: {  	s0 =	sadd.s32 @!p0 $0x100000, s0  }
0x126: {  	[sflag:s0] =	ssyncadd.tile.s32 @!p0 $0x1;
	_ =	shalt  }
.Lfunc_end2:
_tile_overlayer_lowered:
.L_overlay_start_2:
0x127: {  	(tag) =	ssettag $0x2  }
0x128: {  	s0 =	rddreg [dreg:$0x0];
	s2 =	stileid.u32  }
0x129: {  	s1 =	rddreg [dreg:$0x1];
	p0 =	sne.s32 s2, $0x0  }
0x12a: {  	s3 =	rddreg [dreg:$0x2];
	[bflag:$0x3] =	sbarrier.arrive $0xFFFF;
	s2 =	simm.s32 @!p0 $0x1C02  }
0x12b: {  	[timem:s3], [sflag:s2] =	dma.local @!p0 [hbm:s0], s1  }
0x12c: {  	s0 =	simm.s32 @!p0 $0x2  }
0x12d: {  	_ =	swait.ge @!p0 [sflag:s0], s1  }
0x12e: {  	s1 =	ssub.s32 @!p0 $0x0, s1;
	[sflag:s0] =	ssyncset.done @!p0 $0x0  }
0x12f: {  	[sflag:s0] =	ssyncadd.s32 @!p0 s1  }
0x130: {  	[bflag:$0x3] =	sbarrier.arrive $0xFFFF  }
0x131: {  	_ =	shalt  }

// kernel: seg_sum.8.cloned.1.call-start
scs
__scs_entry_jumppad:
0x0: {  	(pc) =	sbr.rel $0x88, $3  }
0x1: {  	(tag) =	ssettag $0x0;
	lr =	simm.s32 $0x1  }
0x2: {  	[smem:$0x3F90] =	sst lr;
	_ =	strace $0xD0000000  }
0x3: {  	_ = 	snop  }
0x4: {  	_ = 	snop  }
0x5: {  	_ = 	snop  }
0x6: {  	_ = 	snop  }
0x7: {  	_ = 	snop  }
__scs_overlays_trampoline_lowered:
0x8: {  	[smem:$0x3F9F] =	sst s0  }
0x9: {  	[smem:$0x3FA0] =	sst s1  }
0xa: {  	[smem:$0x3FA1] =	sst s2  }
0xb: {  	[smem:$0x3FA2] =	sst s3  }
0xc: {  	[smem:$0x3FA3] =	sst s4  }
0xd: {  	[smem:$0x3FA4] =	sst s5  }
0xe: {  	[smem:$0x3FA5] =	sst s6  }
0xf: {  	[smem:$0x3FA6] =	sst s7  }
0x10: {  	[smem:$0x3FA7] =	sst s8  }
0x11: {  	[smem:$0x3FA8] =	sst s9;
	s0 =	simm.s32 @!p0 $0x0  }
0x12: {  	s1 =	sld [smem:$0x3F8E];
	s0 =	simm.s32 @p0 $0x1  }
0x13: {  	[smem:$0x3FA9] =	sst s0;
	s0 =	simm.s32 @!p1 $0x0  }
0x14: {  	s2 =	sld [smem:$0x3F8D];
	s0 =	simm.s32 @p1 $0x1  }
0x15: {  	[smem:$0x3FAA] =	sst s0;
	s0 =	simm.s32 @!p2 $0x0  }
0x16: {  	s3 =	sld [smem:$0x3FDB];
	s0 =	simm.s32 @p2 $0x1  }
0x17: {  	s4 =	simm.s32 $0x1BF5;
	[smem:$0x3FAC] =	sst s0  }
0x18: {  	s0 =	sld [smem:$0x3F8F];
	_ =	swait.ge [sflag:s4], $0x0  }
0x19: {  	s7 =	sld [smem:$0x3F90]  }
0x1a: {  	s8 =	sadd.s32 $0xFFFFE003, lr  }
0x1b: {  	s9 =	sadd.s32 $0xFFFFFEF7, lr;
	s5 =	simm.s32 $0xFFFFFFFF;
	p2 =	slt.u32 s8, $0xFFFFF086  }
0x1c: {  	p1 =	slt.u32 s9, $0xF7A;
	s5 =	simm.s32 @!p2 $0x0  }
0x1d: {  	s5 =	simm.s32 @p1 $0x1;
	p0 =	seq.s32 s7, s2  }
0x1e: {  	s7 =	smul.u32 @!p0 $0xF7A, s2;
	p2 =	seq.s32 @!p0 s5, $0x0  }
0x1f: {  	s9 =	smul.u32 $0xF7A, s1;
	s8 =	simm.s32 @!p0 $0x1BF5;
	p2 =	por !p2, p0  }
0x20: {  	[sflag:s8] =	ssyncset.s32 @!p0 $0xFFFFF086;
	s6 =	sadd.s32 @!p0 s3, s7;
	s7 =	simm.s32 @!p0 $0x108  }
0x21: {  	s3 =	sadd.s32 s3, s9;
	s6 =	sadd.s32 @!p0 $0x88, s6;
	s7 =	simm.s32 @p2 $0x1082  }
0x22: {  	[simem:s7], [sflag:s8] =	dma.local @!p0 [hbm:s6], $0xF7A  }
0x23: {  	s9 =	sor.u32 $0xD0000000, s2;
	s6 =	simm.s32 $0x108;
	_ =	swait.ge @!p0 [sflag:s8], $0x0  }
0x24: {  	s3 =	sadd.s32 $0x88, s3;
	s6 =	simm.s32 @!p1 $0x1082;
	[sflag:s4] =	ssyncset.s32 $0xFFFFF086  }
0x25: {  	[simem:s6], [sflag:s4] =	dma.local [hbm:s3], $0xF7A  }
0x26: {  	[smem:$0x3F90] =	sst s1;
	(tag) =	ssettag s2;
	_ =	strace s9  }
0x27: {  	s1 =	sld [smem:$0x3FA0]  }
0x28: {  	s2 =	sld [smem:$0x3FA1]  }
0x29: {  	s4 =	sld [smem:$0x3FA3]  }
0x2a: {  	p0 =	seq.s32 s5, $0x0;
	s5 =	sld [smem:$0x3FA4]  }
0x2b: {  	s6 =	sld [smem:$0x3FA5]  }
0x2c: {  	s7 =	sld [smem:$0x3FA6]  }
0x2d: {  	s3 =	simm.s32 $0x108;
	s8 =	sld [smem:$0x3FA7]  }
0x2e: {  	s3 =	simm.s32 @!p0 $0x1082;
	s9 =	sld [smem:$0x3FA8]  }
0x2f: {  	lr =	sadd.s32 s0, s3;
	s0 =	sld [smem:$0x3F9F]  }
0x30: {  	s3 =	sld [smem:$0x3FA2]  }
0x31: {  	[smem:$0x3FAB] =	sst s10  }
0x32: {  	s10 =	sld [smem:$0x3FA9];
	_ =	sdelay $0x3  }
0x33: {  	p0 =	seq.s32 s10, $0x1;
	s10 =	sld [smem:$0x3FAB];
	_ =	sdelay $0x3  }
0x34: {  	[smem:$0x3FAB] =	sst s10  }
0x35: {  	s10 =	sld [smem:$0x3FAA];
	_ =	sdelay $0x3  }
0x36: {  	p1 =	seq.s32 s10, $0x1;
	s10 =	sld [smem:$0x3FAB];
	_ =	sdelay $0x3  }
0x37: {  	[smem:$0x3FAB] =	sst s10  }
0x38: {  	s10 =	sld [smem:$0x3FAC]  }
0x39: {  	_ = 	snop;
	(pc) =	sbr.ind lr, $3  }
0x3a: {  	_ = 	snop  }
0x3b: {  	_ = 	snop  }
0x3c: {  	p2 =	seq.s32 s10, $0x1;
	s10 =	sld [smem:$0x3FAB]  }
0x3d: {  	_ =	shalt  }
0x3e: {  	_ =	shalt  }
0x3f: {  	_ =	shalt  }
0x40: {  	_ =	shalt  }
0x41: {  	_ =	shalt  }
0x42: {  	_ =	shalt  }
0x43: {  	_ =	shalt  }
0x44: {  	_ =	shalt  }
0x45: {  	_ =	shalt  }
0x46: {  	_ =	shalt  }
0x47: {  	_ =	shalt  }
0x48: {  	_ =	shalt  }
0x49: {  	_ =	shalt  }
0x4a: {  	_ =	shalt  }
0x4b: {  	_ =	shalt  }
0x4c: {  	_ =	shalt  }
0x4d: {  	_ =	shalt  }
0x4e: {  	_ =	shalt  }
0x4f: {  	_ =	shalt  }
0x50: {  	_ =	shalt  }
0x51: {  	_ =	shalt  }
0x52: {  	_ =	shalt  }
0x53: {  	_ =	shalt  }
0x54: {  	_ =	shalt  }
0x55: {  	_ =	shalt  }
0x56: {  	_ =	shalt  }
0x57: {  	_ =	shalt  }
0x58: {  	_ =	shalt  }
0x59: {  	_ =	shalt  }
0x5a: {  	_ =	shalt  }
0x5b: {  	_ =	shalt  }
0x5c: {  	_ =	shalt  }
0x5d: {  	_ =	shalt  }
0x5e: {  	_ =	shalt  }
0x5f: {  	_ =	shalt  }
0x60: {  	_ =	shalt  }
0x61: {  	_ =	shalt  }
0x62: {  	_ =	shalt  }
0x63: {  	_ =	shalt  }
0x64: {  	_ =	shalt  }
0x65: {  	_ =	shalt  }
0x66: {  	_ =	shalt  }
0x67: {  	_ =	shalt  }
0x68: {  	_ =	shalt  }
0x69: {  	_ =	shalt  }
0x6a: {  	_ =	shalt  }
0x6b: {  	_ =	shalt  }
0x6c: {  	_ =	shalt  }
0x6d: {  	_ =	shalt  }
0x6e: {  	_ =	shalt  }
0x6f: {  	_ =	shalt  }
0x70: {  	_ =	shalt  }
0x71: {  	_ =	shalt  }
0x72: {  	_ =	shalt  }
0x73: {  	_ =	shalt  }
0x74: {  	_ =	shalt  }
0x75: {  	_ =	shalt  }
0x76: {  	_ =	shalt  }
0x77: {  	_ =	shalt  }
0x78: {  	_ =	shalt  }
0x79: {  	_ =	shalt  }
0x7a: {  	_ =	shalt  }
0x7b: {  	_ =	shalt  }
0x7c: {  	_ =	shalt  }
0x7d: {  	_ =	shalt  }
0x7e: {  	_ =	shalt  }
0x7f: {  	_ =	shalt  }
0x80: {  	_ =	shalt  }
0x81: {  	_ =	shalt  }
0x82: {  	_ =	shalt  }
0x83: {  	_ =	shalt  }
0x84: {  	_ =	shalt  }
0x85: {  	_ =	shalt  }
0x86: {  	_ =	shalt  }
0x87: {  	_ =	shalt  }
.Lfunc_end0:
.L_simem_size_0:
called_computation.2_lowered:
.L_overlay_start_0:
0x88: {  	s2 =	sld [smem:$0x3FD9]  }
0x89: {  	s3 =	sld [smem:$0x3FFE];
	_ =	sdelay $0x1  }
0x8a: {  	s1 =	srdreg.scid  }
0x8b: {  	s0 =	sand.u32 $0x1, s1  }
0x8c: {  	s14 =	sshll.u32 s0, $0xA;
	s2 =	sadd.s32 s3, s2  }
0x8d: {  	s2 =	sadd.s32 s2, s14  }
0x8e: {  	[smem:$0x3FB7] =	sst s2  }
0x8f: {  	_ = 	snop  }
0x90: {  	s2 =	sld [smem:$0x3FD0];
	_ =	sdelay $0x2  }
0x91: {  	s15 =	simm.s32 $0xA;
	s4 =	simm.s32 $0x10  }
0x92: {  	[smem:s4], [sflag:s15] =	dma.local [hbm:s2], $0x1  }
0x93: {  	_ =	swait.eq [sflag:s15], $0x1  }
0x94: {  	[sflag:s15] =	ssyncset.done $0x0  }
0x95: {  	s16 =	sld [smem:$0x10];
	[sflag:s15] =	ssyncadd.s32 $0xFFFFFFFF  }
0x96: {  	s17 =	sld [smem:$0x11];
	(tm) =	ssettm $0x1  }
0x97: {  	s18 =	sld [smem:$0x3FFB];
	_ =	sdelay $0x3  }
0x98: {  	_ =	strace s18  }
0x99: {  	s4 =	sld [smem:$0x3FFC];
	_ =	sdelay $0x3  }
0x9a: {  	_ =	strace s4  }
0x9b: {  	s4 =	sld [smem:$0x3FFD];
	_ =	sdelay $0x3  }
0x9c: {  	_ =	strace s4  }
0x9d: {  	_ =	strace $0x8FFFFFFF  }
0x9e: {  	s19 =	sld [smem:$0x3FDB];
	_ =	sdelay $0x1  }
0x9f: {  	s5 =	simm.s32 $_scs_section_size  }
0xa0: {  	s6 =	simm.s32 $_size__tile_overlayer_lowered;
	s7 =	simm.s32 $_tile_overlayer_lowered  }
0xa1: {  	s22 =	simm.s32 $0x1BFF;
	s21 =	sshll.u32 s7, $0x1;
	s4 =	sadd.s32 s5, s19  }
0xa2: {  	s8 =	simm.s32 $0x0;
	s20 =	sshll.u32 s6, $0x1;
	s6 =	sadd.s32 s21, s4  }
0xa3: {  	[timem:s8], [sflag:s22] =	dma.local [hbm:s6], s20  }
0xa4: {  	_ =	swait.ge [sflag:s22], s20  }
0xa5: {  	s5 =	ssub.s32 $0x0, s20;
	[sflag:s22] =	ssyncset.done $0x0  }
0xa6: {  	[sflag:s22] =	ssyncadd.s32 s5;
	_ =	sdelay $0x1  }
0xa7: {  	s23 =	simm.s32 $0x1B8B  }
0xa8: {  	_ =	swait.ge [sflag:s23], $0x1  }
0xa9: {  	[sflag:s23] =	ssyncset.done $0x0  }
0xaa: {  	s25 =	simm.s32 $0x1B8E;
	s24 =	sld [smem:$0x3FFE];
	[sflag:s23] =	ssyncadd.s32 $0xFFFFFFFF  }
0xab: {  	s26 =	simm.s32 $execute0_lowered;
	[smem:$0x3FD2] =	sst s25  }
0xac: {  	s6 =	sshll.u32 s26, $0x1;
	_ =	strace $0x8000004C;
	[dreg:$0x1] =	wrdreg $0xFFFFFFFF  }
0xad: {  	s28 =	simm.s32 $_size_execute0_lowered;
	s4 =	sadd.s32 s4, s6;
	[dreg:$0x0] =	wrdreg $0x0  }
0xae: {  	s6 =	sshll.u32 s28, $0x1;
	[dreg:$0x2] =	wrdreg s4  }
0xaf: {  	[dreg:$0x3] =	wrdreg s6  }
0xb0: {  	[dreg:$0x4] =	wrdreg $0xC0  }
0xb1: {  	_ =	task [dreg:s8], $0x5FFFF  }
0xb2: {  	[dreg:$0x1] =	wrdreg $0xFFFFFFFF  }
0xb3: {  	[dreg:$0x0] =	wrdreg $0x60  }
0xb4: {  	[dreg:$0x2] =	wrdreg s16  }
0xb5: {  	[dreg:$0x3] =	wrdreg s24  }
0xb6: {  	[dreg:$0x4] =	wrdreg s17  }
0xb7: {  	[dreg:$0x5] =	wrdreg $0x0  }
0xb8: {  	[dreg:$0x6] =	wrdreg $0x9  }
0xb9: {  	_ =	task.clear_ibuf [dreg:s8], $0x7FFFF;
	_ =	strace $0x9000004C  }
0xba: {  	s29 =	simm.s32 $0x9;
	_ =	strace $0x8000004E  }
0xbb: {  	_ =	swait.ge [sflag:s29], $0x1  }
0xbc: {  	[sflag:s29] =	ssyncadd.s32 $0xFFFFFFFF  }
0xbd: {  	_ =	strace $0x9000004E  }
0xbe: {  	_ =	sfence  }
0xbf: {  	s30 =	sld [smem:$0x0];
	_ =	sdelay $0x2  }
0xc0: {  	s31 =	sshll.u32 s1, $0xD;
	s1 =	sshrl.u32 s1, $0x2  }
0xc1: {  	s3 =	sand.u32 $0x4000, s31;
	s1 =	sadd.s32 s1, s30  }
0xc2: {  	s0 =	sor.u32 s3, s0;
	s1 =	sshll.u32 s1, $0x11  }
0xc3: {  	s0 =	sor.u32 s1, s0  }
0xc4: {  	s0 =	sadd.s32 $0x8F2B, s0  }
0xc5: {  	[sflag:s0] =	ssyncadd.remote.s32 $0x1  }
0xc6: {  	_ =	sfence.sel $0xFFFF  }
0xc7: {  	[dreg:$0x0] =	wrdreg $0xFFFFFFFF;
	(pc) =	sbr.abs _section_cstart, $3  }
0xc8: {  	[dreg:$0x1] =	wrdreg $0xFFFFFFFF  }
0xc9: {  	_ =	task.clear_ibuf [dreg:s8], $0x2FFFF;
	_ =	strace $0x9FFFFFFF  }
0xca: {  	(tm) =	ssettm $0x7FFFFFFF  }
0xcb: {  	_ =	shalt  }
tec
execute0_lowered:
.L_overlay_start_1:
0x0: {  	(tag) =	ssettag $0x1  }
0x1: {  	s0 =	rddreg [dreg:$0x0]  }
0x2: {  	s1 =	rddreg [dreg:$0x1]  }
0x3: {  	s3 =	rddreg [dreg:$0x3]  }
0x4: {  	s4 =	simm.s32 $0x0;
	s15 =	stileid.u32;
	s5 =	srdreg.scid  }
0x5: {  	s18 =	simm.s32 $0x186B0;
	s19 =	simm.s32 $0x2;
	s20 =	simm.s32 $0x18AB0  }
0x6: {  	s21 =	simm.s32 $0x80;
	s28 =	simm.s32 $0x18BB0;
	s29 =	simm.s32 $0x18830  }
0x7: {  	s30 =	simm.s32 $0x18C30;
	s31 =	simm.s32 $0x188B0;
	s2 =	smul.u32 $0x1880, s15  }
0x8: {  	[smem:$0x7FF] =	sst s4;
	s7 =	smul.u32 $0x18700, s15;
	s8 =	sand.u32 $0x1, s5  }
0x9: {  	s5 =	sadd.s32 $0xCA200, s1;
	s9 =	smul.u32 $0x61C00, s15;
	s24 =	sadd.s32 $0x15A120, s1  }
0xa: {  	_ =	strace $0x8000004D;
	s6 =	ssub.s32 $0x2, s8;
	p0 =	seq.s32 s8, $0x0  }
0xb: {  	p4 =	seq.s32 s8, $0x1;
	[dreg:$0x7] =	wrdreg s24;
	s24 =	simm.s32 $0x18730  }
0xc: {  	s8 =	simm.s32 $0x189B0;
	s2 =	sadd.s32 s2, s1;
	s10 =	sshrl.u32 s7, $0x3  }
0xd: {  	s11 =	sshrl.u32 s6, $0x1;
	s22 =	sshrl.u32 s9, $0x2;
	s7 =	sadd.s32 s7, s3  }
0xe: {  	s5 =	smov.u32 @p0 s0;
	p0 =	seq.s32 s15, $0xF;
	p2 =	seq.s32 @p4 s15, $0xF  }
0xf: {  	p5 =	seq.s32 @!p4 s15, $0xF;
	s10 =	sadd.s32 s10, s1;
	s11 =	ssub.s32 s6, s11  }
0x10: {  	s12 =	sadd.s32 s22, s3;
	s6 =	sadd.s32 $0x16E900, s3;
	s1 =	sadd.s32 $0x314920, s1  }
0x11: {  	[dreg:$0x8] =	wrdreg s7;
	s13 =	sadd.s32 $0xFB000, s2;
	s14 =	sadd.s32 $0x113800, s2  }
0x12: {  	s0 =	sshll.u32 @!p0 s15, $0x6;
	s22 =	simm.s32 $0x18EB0;
	p1 =	por !p2, !p4  }
0x13: {  	p2 =	por p2, !p4;
	p3 =	por !p5, p4;
	[dreg:$0xa] =	wrdreg s1  }
0x14: {  	p4 =	por p5, p4;
	s23 =	sadd.s32 $0x12C400, s10;
	[dreg:$0x5] =	wrdreg s6  }
0x15: {  	s7 =	simm.s32 $0x18D30;
	s25 =	sadd.s32 $0x2E6C00, s10;
	[dreg:$0x6] =	wrdreg s23  }
0x16: {  	s15 =	simm.s32 $0x0;
	s26 =	smax.u32 s11, $0x1;
	[dreg:$0x9] =	wrdreg s25  }
0x17: {  	s1 =	sshrl.u32 @p0 s6, $0x3;
	s0 =	sor.u32 @!p0 $0x1C02, s0;
	[dreg:$0xb] =	wrdreg s26  }
0x18: {  	s10 =	simm.s32 $0x18DB0;
	s11 =	simm.s32 $0x18A30;
	[dreg:$0xc] =	wrdreg s1  }
0x19: {  	[dreg:$0xd] =	wrdreg s0;
	s0 =	sshrl.u32 @!p0 s12, $0x3;
	s23 =	simm.s32 $0x1  }
0x1a: {  	s25 =	simm.s32 $0x18B30;
	s26 =	simm.s32 $0x187B0;
	s1 =	simm.s32 $0x18930  }
0x1b: {  	s12 =	simm.s32 $0x18E30;
	[dreg:$0xe] =	wrdreg s0;
	s0 =	simm.s32 $0x18CB0  }
.LBB2_1:
0x1c: {  	[dreg:$0xf] =	wrdreg s15  }
0x1d: {  	s6 =	rddreg [dreg:$0x2]  }
0x1e: {  	s2 =	simm.s32 @p0 $0x1FC2;
	s9 =	rddreg [dreg:$0xc]  }
0x1f: {  	[spmem:s9], [sflag:s2] =	dma.local @p0 [hbm:s6], $0x3040  }
0x20: {  	s2 =	simm.s32 @p0 $0x2  }
0x21: {  	_ =	swait.ge @p0 [sflag:s2], $0x3040  }
0x22: {  	[sflag:s2] =	ssyncset.done @p0 $0x0;
	s9 =	rddreg [dreg:$0xe]  }
0x23: {  	[sflag:s2] =	ssyncadd.s32 @p0 $0xFFFFCFC0;
	s2 =	rddreg [dreg:$0xd]  }
0x24: {  	[spmem:s9], [sflag:s2] =	dma.local @!p0 [hbm:s6], $0x30E0  }
0x25: {  	s2 =	simm.s32 @!p0 $0x2  }
0x26: {  	_ =	swait.ge @!p0 [sflag:s2], $0x30E0  }
0x27: {  	[sflag:s2] =	ssyncset.done @!p0 $0x0  }
0x28: {  	[sflag:s2] =	ssyncadd.s32 @!p0 $0xFFFFCF20  }
0x29: {  	s16 =	sadd.s32 $0x0, s14;
	[bflag:$0x0] =	sbarrier.arrive $0xFFFF  }
0x2a: {  	[tilespmem:s18], [sflag:$0x2] =	stream.linear.gather [hbm4b:s16+s4], $0x400, $0x38;
	[tilespmem:$0x19EB0] =	vst v63  }
0x2b: {  	_ =	swait.ge [sflag:s19], $0x400  }
0x2c: {  	[sflag:s19] =	ssyncset.done $0x0  }
0x2d: {  	s17 =	sadd.s32 $0x0, s13;
	[sflag:s19] =	ssyncadd.s32 $0xFFFFFC00  }
0x2e: {  	[tilespmem:s20], [sflag:$0x2] =	stream.linear.gather [hbm4b:s17+s4], $0x400, $0x38;
	[tilespmem:$0x19EB0] =	vst v63  }
0x2f: {  	_ =	swait.ge [sflag:s19], $0x400  }
0x30: {  	[sflag:s19] =	ssyncset.done $0x0  }
0x31: {  	[sflag:s19] =	ssyncadd.s32 $0xFFFFFC00  }
0x32: {  	[tilespmem:s22], [sflag:$0x1] =	stream.indirect.gather [hbm4b:s5+s21], $0x20, s18, s21, $0xb8;
	[tilespmem:$0x19EB0] =	vst v63  }
0x33: {  	_ =	swait.ge [sflag:s23], $0x1000  }
0x34: {  	[sflag:s23] =	ssyncset.done $0x0  }
0x35: {  	[sflag:s23] =	ssyncadd.s32 $0xFFFFF000  }
0x36: {  	[spmem:s3] =	stream.indirect.scatter.add.f32 [tilespmem:s22], [sflag:$0x2], $0x20, s20, s21, $0xb8;
	[tilespmem:$0x19EB0] =	vst v63  }
0x37: {  	_ =	swait.ge [sflag:s19], $0x1000  }
0x38: {  	[sflag:s19] =	ssyncset.done $0x0  }
0x39: {  	[sflag:s19] =	ssyncadd.s32 $0xFFFFF000  }
0x3a: {  	[tilespmem:s22], [sflag:$0x1] =	stream.indirect.gather [hbm4b:s5+s21], $0x20, s24, s21, $0xb8;
	[tilespmem:$0x19EB0] =	vst v63  }
0x3b: {  	_ =	swait.ge [sflag:s23], $0x1000  }
0x3c: {  	[sflag:s23] =	ssyncset.done $0x0  }
0x3d: {  	[sflag:s23] =	ssyncadd.s32 $0xFFFFF000  }
0x3e: {  	[spmem:s3] =	stream.indirect.scatter.add.f32 [tilespmem:s22], [sflag:$0x2], $0x20, s25, s21, $0xb8;
	[tilespmem:$0x19EB0] =	vst v63  }
0x3f: {  	_ =	swait.ge [sflag:s19], $0x1000  }
0x40: {  	[sflag:s19] =	ssyncset.done $0x0  }
0x41: {  	[sflag:s19] =	ssyncadd.s32 $0xFFFFF000  }
0x42: {  	[tilespmem:s22], [sflag:$0x1] =	stream.indirect.gather [hbm4b:s5+s21], $0x20, s26, s21, $0xb8;
	[tilespmem:$0x19EB0] =	vst v63  }
0x43: {  	_ =	swait.ge [sflag:s23], $0x1000  }
0x44: {  	[sflag:s23] =	ssyncset.done $0x0  }
0x45: {  	[sflag:s23] =	ssyncadd.s32 $0xFFFFF000  }
0x46: {  	[spmem:s3] =	stream.indirect.scatter.add.f32 [tilespmem:s22], [sflag:$0x2], $0x20, s28, s21, $0xb8;
	[tilespmem:$0x19EB0] =	vst v63  }
0x47: {  	_ =	swait.ge [sflag:s19], $0x1000  }
0x48: {  	[sflag:s19] =	ssyncset.done $0x0  }
0x49: {  	[sflag:s19] =	ssyncadd.s32 $0xFFFFF000  }
0x4a: {  	[tilespmem:s22], [sflag:$0x1] =	stream.indirect.gather [hbm4b:s5+s21], $0x20, s29, s21, $0xb8;
	[tilespmem:$0x19EB0] =	vst v63  }
0x4b: {  	_ =	swait.ge [sflag:s23], $0x1000  }
0x4c: {  	[sflag:s23] =	ssyncset.done $0x0  }
0x4d: {  	[sflag:s23] =	ssyncadd.s32 $0xFFFFF000  }
0x4e: {  	[spmem:s3] =	stream.indirect.scatter.add.f32 [tilespmem:s22], [sflag:$0x2], $0x20, s30, s21, $0xb8;
	[tilespmem:$0x19EB0] =	vst v63  }
0x4f: {  	_ =	swait.ge [sflag:s19], $0x1000  }
0x50: {  	[sflag:s19] =	ssyncset.done $0x0  }
0x51: {  	[sflag:s19] =	ssyncadd.s32 $0xFFFFF000  }
0x52: {  	[tilespmem:s22], [sflag:$0x1] =	stream.indirect.gather [hbm4b:s5+s21], $0x20, s31, s21, $0xb8;
	[tilespmem:$0x19EB0] =	vst v63  }
0x53: {  	_ =	swait.ge [sflag:s23], $0x1000  }
0x54: {  	[sflag:s23] =	ssyncset.done $0x0  }
0x55: {  	[sflag:s23] =	ssyncadd.s32 $0xFFFFF000  }
0x56: {  	[spmem:s3] =	stream.indirect.scatter.add.f32 [tilespmem:s22], [sflag:$0x2], $0x20, s0, s21, $0xb8;
	[tilespmem:$0x19EB0] =	vst v63  }
0x57: {  	_ =	swait.ge [sflag:s19], $0x1000  }
0x58: {  	[sflag:s19] =	ssyncset.done $0x0  }
0x59: {  	[sflag:s19] =	ssyncadd.s32 $0xFFFFF000  }
0x5a: {  	[tilespmem:s22], [sflag:$0x1] =	stream.indirect.gather [hbm4b:s5+s21], $0x20, s1, s21, $0xb8;
	[tilespmem:$0x19EB0] =	vst v63  }
0x5b: {  	_ =	swait.ge [sflag:s23], $0x1000  }
0x5c: {  	[sflag:s23] =	ssyncset.done $0x0  }
0x5d: {  	[sflag:s23] =	ssyncadd.s32 $0xFFFFF000  }
0x5e: {  	[spmem:s3] =	stream.indirect.scatter.add.f32 [tilespmem:s22], [sflag:$0x2], $0x20, s7, s21, $0xb8;
	[tilespmem:$0x19EB0] =	vst v63  }
0x5f: {  	_ =	swait.ge [sflag:s19], $0x1000  }
0x60: {  	[sflag:s19] =	ssyncset.done $0x0  }
0x61: {  	[sflag:s19] =	ssyncadd.s32 $0xFFFFF000  }
0x62: {  	[tilespmem:s22], [sflag:$0x1] =	stream.indirect.gather [hbm4b:s5+s21], $0x20, s8, s21, $0xb8;
	[tilespmem:$0x19EB0] =	vst v63  }
0x63: {  	_ =	swait.ge [sflag:s23], $0x1000  }
0x64: {  	[sflag:s23] =	ssyncset.done $0x0  }
0x65: {  	[sflag:s23] =	ssyncadd.s32 $0xFFFFF000  }
0x66: {  	[spmem:s3] =	stream.indirect.scatter.add.f32 [tilespmem:s22], [sflag:$0x2], $0x20, s10, s21, $0xb8;
	[tilespmem:$0x19EB0] =	vst v63  }
0x67: {  	_ =	swait.ge [sflag:s19], $0x1000  }
0x68: {  	[sflag:s19] =	ssyncset.done $0x0  }
0x69: {  	[sflag:s19] =	ssyncadd.s32 $0xFFFFF000  }
0x6a: {  	[tilespmem:s22], [sflag:$0x1] =	stream.indirect.gather [hbm4b:s5+s21], $0x20, s11, s21, $0xb8;
	[tilespmem:$0x19EB0] =	vst v63  }
0x6b: {  	_ =	swait.ge [sflag:s23], $0x1000  }
0x6c: {  	[sflag:s23] =	ssyncset.done $0x0  }
0x6d: {  	[sflag:s23] =	ssyncadd.s32 $0xFFFFF000  }
0x6e: {  	[spmem:s3] =	stream.indirect.scatter.add.f32 [tilespmem:s22], [sflag:$0x2], $0x20, s12, s21, $0xb8;
	[tilespmem:$0x19EB0] =	vst v63  }
0x6f: {  	_ =	swait.ge [sflag:s19], $0x1000  }
0x70: {  	s16 =	simm.s32 $0x80;
	s17 =	simm.s32 $0x100;
	[sflag:s19] =	ssyncset.done $0x0  }
.LBB2_2:
0x71: {  	s9 =	sadd.s32 s16, s14  }
0x72: {  	[sflag:s19] =	ssyncadd.s32 $0xFFFFF000;
	s6 =	smov.u32 s17;
	s2 =	sadd.s32 $0x80, s17  }
0x73: {  	[tilespmem:s18], [sflag:$0x2] =	stream.linear.gather [hbm4b:s9+s4], $0x400, $0x38;
	[tilespmem:$0x19EB0] =	vst v63  }
0x74: {  	p5 =	sne.s32 s17, $0x1800;
	_ =	swait.ge [sflag:s19], $0x400  }
0x75: {  	[sflag:s19] =	ssyncset.done $0x0  }
0x76: {  	s9 =	sadd.s32 s16, s13;
	s16 =	smov.u32 s6;
	[sflag:s19] =	ssyncadd.s32 $0xFFFFFC00  }
0x77: {  	[tilespmem:s20], [sflag:$0x2] =	stream.linear.gather [hbm4b:s9+s4], $0x400, $0x38;
	[tilespmem:$0x19EB0] =	vst v63  }
0x78: {  	_ =	swait.ge [sflag:s19], $0x400  }
0x79: {  	[sflag:s19] =	ssyncset.done $0x0  }
0x7a: {  	[sflag:s19] =	ssyncadd.s32 $0xFFFFFC00  }
0x7b: {  	[tilespmem:s22], [sflag:$0x1] =	stream.indirect.gather [hbm4b:s5+s21], $0x20, s18, s21, $0xb8;
	[tilespmem:$0x19EB0] =	vst v63  }
0x7c: {  	_ =	swait.ge [sflag:s23], $0x1000  }
0x7d: {  	[sflag:s23] =	ssyncset.done $0x0  }
0x7e: {  	[sflag:s23] =	ssyncadd.s32 $0xFFFFF000  }
0x7f: {  	[spmem:s3] =	stream.indirect.scatter.add.f32 [tilespmem:s22], [sflag:$0x2], $0x20, s20, s21, $0xb8;
	[tilespmem:$0x19EB0] =	vst v63  }
0x80: {  	_ =	swait.ge [sflag:s19], $0x1000  }
0x81: {  	[sflag:s19] =	ssyncset.done $0x0  }
0x82: {  	[sflag:s19] =	ssyncadd.s32 $0xFFFFF000  }
0x83: {  	[tilespmem:s22], [sflag:$0x1] =	stream.indirect.gather [hbm4b:s5+s21], $0x20, s24, s21, $0xb8;
	[tilespmem:$0x19EB0] =	vst v63  }
0x84: {  	_ =	swait.ge [sflag:s23], $0x1000  }
0x85: {  	[sflag:s23] =	ssyncset.done $0x0  }
0x86: {  	[sflag:s23] =	ssyncadd.s32 $0xFFFFF000  }
0x87: {  	[spmem:s3] =	stream.indirect.scatter.add.f32 [tilespmem:s22], [sflag:$0x2], $0x20, s25, s21, $0xb8;
	[tilespmem:$0x19EB0] =	vst v63  }
0x88: {  	_ =	swait.ge [sflag:s19], $0x1000  }
0x89: {  	[sflag:s19] =	ssyncset.done $0x0  }
0x8a: {  	[sflag:s19] =	ssyncadd.s32 $0xFFFFF000  }
0x8b: {  	[tilespmem:s22], [sflag:$0x1] =	stream.indirect.gather [hbm4b:s5+s21], $0x20, s26, s21, $0xb8;
	[tilespmem:$0x19EB0] =	vst v63  }
0x8c: {  	_ =	swait.ge [sflag:s23], $0x1000  }
0x8d: {  	[sflag:s23] =	ssyncset.done $0x0  }
0x8e: {  	[sflag:s23] =	ssyncadd.s32 $0xFFFFF000  }
0x8f: {  	[spmem:s3] =	stream.indirect.scatter.add.f32 [tilespmem:s22], [sflag:$0x2], $0x20, s28, s21, $0xb8;
	[tilespmem:$0x19EB0] =	vst v63  }
0x90: {  	_ =	swait.ge [sflag:s19], $0x1000  }
0x91: {  	[sflag:s19] =	ssyncset.done $0x0  }
0x92: {  	[sflag:s19] =	ssyncadd.s32 $0xFFFFF000  }
0x93: {  	[tilespmem:s22], [sflag:$0x1] =	stream.indirect.gather [hbm4b:s5+s21], $0x20, s29, s21, $0xb8;
	[tilespmem:$0x19EB0] =	vst v63  }
0x94: {  	_ =	swait.ge [sflag:s23], $0x1000  }
0x95: {  	[sflag:s23] =	ssyncset.done $0x0  }
0x96: {  	[sflag:s23] =	ssyncadd.s32 $0xFFFFF000  }
0x97: {  	[spmem:s3] =	stream.indirect.scatter.add.f32 [tilespmem:s22], [sflag:$0x2], $0x20, s30, s21, $0xb8;
	[tilespmem:$0x19EB0] =	vst v63  }
0x98: {  	_ =	swait.ge [sflag:s19], $0x1000  }
0x99: {  	[sflag:s19] =	ssyncset.done $0x0  }
0x9a: {  	[sflag:s19] =	ssyncadd.s32 $0xFFFFF000  }
0x9b: {  	[tilespmem:s22], [sflag:$0x1] =	stream.indirect.gather [hbm4b:s5+s21], $0x20, s31, s21, $0xb8;
	[tilespmem:$0x19EB0] =	vst v63  }
0x9c: {  	_ =	swait.ge [sflag:s23], $0x1000  }
0x9d: {  	[sflag:s23] =	ssyncset.done $0x0  }
0x9e: {  	[sflag:s23] =	ssyncadd.s32 $0xFFFFF000  }
0x9f: {  	[spmem:s3] =	stream.indirect.scatter.add.f32 [tilespmem:s22], [sflag:$0x2], $0x20, s0, s21, $0xb8;
	[tilespmem:$0x19EB0] =	vst v63  }
0xa0: {  	_ =	swait.ge [sflag:s19], $0x1000  }
0xa1: {  	[sflag:s19] =	ssyncset.done $0x0  }
0xa2: {  	[sflag:s19] =	ssyncadd.s32 $0xFFFFF000  }
0xa3: {  	[tilespmem:s22], [sflag:$0x1] =	stream.indirect.gather [hbm4b:s5+s21], $0x20, s1, s21, $0xb8;
	[tilespmem:$0x19EB0] =	vst v63  }
0xa4: {  	_ =	swait.ge [sflag:s23], $0x1000  }
0xa5: {  	[sflag:s23] =	ssyncset.done $0x0  }
0xa6: {  	[sflag:s23] =	ssyncadd.s32 $0xFFFFF000  }
0xa7: {  	[spmem:s3] =	stream.indirect.scatter.add.f32 [tilespmem:s22], [sflag:$0x2], $0x20, s7, s21, $0xb8;
	[tilespmem:$0x19EB0] =	vst v63  }
0xa8: {  	_ =	swait.ge [sflag:s19], $0x1000  }
0xa9: {  	[sflag:s19] =	ssyncset.done $0x0  }
0xaa: {  	[sflag:s19] =	ssyncadd.s32 $0xFFFFF000  }
0xab: {  	[tilespmem:s22], [sflag:$0x1] =	stream.indirect.gather [hbm4b:s5+s21], $0x20, s8, s21, $0xb8;
	[tilespmem:$0x19EB0] =	vst v63  }
0xac: {  	_ =	swait.ge [sflag:s23], $0x1000  }
0xad: {  	[sflag:s23] =	ssyncset.done $0x0  }
0xae: {  	[sflag:s23] =	ssyncadd.s32 $0xFFFFF000  }
0xaf: {  	[spmem:s3] =	stream.indirect.scatter.add.f32 [tilespmem:s22], [sflag:$0x2], $0x20, s10, s21, $0xb8;
	[tilespmem:$0x19EB0] =	vst v63  }
0xb0: {  	_ =	swait.ge [sflag:s19], $0x1000  }
0xb1: {  	[sflag:s19] =	ssyncset.done $0x0  }
0xb2: {  	[sflag:s19] =	ssyncadd.s32 $0xFFFFF000  }
0xb3: {  	[tilespmem:s22], [sflag:$0x1] =	stream.indirect.gather [hbm4b:s5+s21], $0x20, s11, s21, $0xb8;
	[tilespmem:$0x19EB0] =	vst v63  }
0xb4: {  	_ =	swait.ge [sflag:s23], $0x1000  }
.Ltmp0:
0xb5: {  	[sflag:s23] =	ssyncset.done $0x0;
	(pc) =	sbr.rel @p5 .LBB2_2-.Ltmp0, $4  }
0xb6: {  	[sflag:s23] =	ssyncadd.s32 $0xFFFFF000  }
0xb7: {  	[spmem:s3] =	stream.indirect.scatter.add.f32 [tilespmem:s22], [sflag:$0x2], $0x20, s12, s21, $0xb8;
	[tilespmem:$0x19EB0] =	vst v63  }
0xb8: {  	_ =	swait.ge [sflag:s19], $0x1000  }
0xb9: {  	s17 =	smov.u32 s2;
	[sflag:s19] =	ssyncset.done $0x0  }
0xba: {  	s2 =	sadd.s32 s16, s14;
	[sflag:s19] =	ssyncadd.s32 $0xFFFFF000  }
0xbb: {  	[tilespmem:s18], [sflag:$0x2] =	stream.linear.gather [hbm4b:s2+s4], $0x400, $0x38;
	[tilespmem:$0x19EB0] =	vst v63  }
0xbc: {  	_ =	swait.ge [sflag:s19], $0x400  }
0xbd: {  	[sflag:s19] =	ssyncset.done $0x0  }
0xbe: {  	s15 =	sadd.s32 s16, s13;
	[sflag:s19] =	ssyncadd.s32 $0xFFFFFC00  }
0xbf: {  	[tilespmem:s20], [sflag:$0x2] =	stream.linear.gather [hbm4b:s15+s4], $0x400, $0x38;
	[tilespmem:$0x19EB0] =	vst v63  }
0xc0: {  	_ =	swait.ge [sflag:s19], $0x400  }
0xc1: {  	[sflag:s19] =	ssyncset.done $0x0  }
0xc2: {  	[sflag:s19] =	ssyncadd.s32 $0xFFFFFC00  }
0xc3: {  	[tilespmem:s22], [sflag:$0x1] =	stream.indirect.gather [hbm4b:s5+s21], $0x20, s18, s21, $0xb8;
	[tilespmem:$0x19EB0] =	vst v63  }
0xc4: {  	_ =	swait.ge [sflag:s23], $0x1000  }
0xc5: {  	[sflag:s23] =	ssyncset.done $0x0  }
0xc6: {  	[sflag:s23] =	ssyncadd.s32 $0xFFFFF000  }
0xc7: {  	[spmem:s3] =	stream.indirect.scatter.add.f32 [tilespmem:s22], [sflag:$0x2], $0x20, s20, s21, $0xb8;
	[tilespmem:$0x19EB0] =	vst v63  }
0xc8: {  	_ =	swait.ge [sflag:s19], $0x1000  }
0xc9: {  	[sflag:s19] =	ssyncset.done $0x0  }
0xca: {  	[sflag:s19] =	ssyncadd.s32 $0xFFFFF000  }
0xcb: {  	[tilespmem:s22], [sflag:$0x1] =	stream.indirect.gather [hbm4b:s5+s21], $0x20, s24, s21, $0xb8;
	[tilespmem:$0x19EB0] =	vst v63  }
0xcc: {  	_ =	swait.ge [sflag:s23], $0x1000  }
0xcd: {  	[sflag:s23] =	ssyncset.done $0x0  }
0xce: {  	[sflag:s23] =	ssyncadd.s32 $0xFFFFF000  }
0xcf: {  	[spmem:s3] =	stream.indirect.scatter.add.f32 [tilespmem:s22], [sflag:$0x2], $0x20, s25, s21, $0xb8;
	[tilespmem:$0x19EB0] =	vst v63  }
0xd0: {  	_ =	swait.ge [sflag:s19], $0x1000  }
0xd1: {  	[sflag:s19] =	ssyncset.done $0x0  }
0xd2: {  	[sflag:s19] =	ssyncadd.s32 $0xFFFFF000  }
0xd3: {  	[tilespmem:s22], [sflag:$0x1] =	stream.indirect.gather [hbm4b:s5+s21], $0x20, s26, s21, $0xb8;
	[tilespmem:$0x19EB0] =	vst v63  }
0xd4: {  	_ =	swait.ge [sflag:s23], $0x1000  }
0xd5: {  	[sflag:s23] =	ssyncset.done $0x0  }
0xd6: {  	[sflag:s23] =	ssyncadd.s32 $0xFFFFF000  }
0xd7: {  	[spmem:s3] =	stream.indirect.scatter.add.f32 [tilespmem:s22], [sflag:$0x2], $0x20, s28, s21, $0xb8;
	[tilespmem:$0x19EB0] =	vst v63  }
0xd8: {  	_ =	swait.ge [sflag:s19], $0x1000  }
0xd9: {  	[sflag:s19] =	ssyncset.done $0x0  }
0xda: {  	[sflag:s19] =	ssyncadd.s32 $0xFFFFF000  }
0xdb: {  	[tilespmem:s22], [sflag:$0x1] =	stream.indirect.gather [hbm4b:s5+s21], $0x20, s29, s21, $0xb8;
	[tilespmem:$0x19EB0] =	vst v63  }
0xdc: {  	_ =	swait.ge [sflag:s23], $0x1000  }
0xdd: {  	[sflag:s23] =	ssyncset.done $0x0  }
0xde: {  	[sflag:s23] =	ssyncadd.s32 $0xFFFFF000  }
0xdf: {  	[spmem:s3] =	stream.indirect.scatter.add.f32 [tilespmem:s22], [sflag:$0x2], $0x20, s30, s21, $0xb8;
	[tilespmem:$0x19EB0] =	vst v63  }
0xe0: {  	_ =	swait.ge [sflag:s19], $0x1000  }
0xe1: {  	[sflag:s19] =	ssyncset.done $0x0  }
0xe2: {  	[sflag:s19] =	ssyncadd.s32 $0xFFFFF000  }
0xe3: {  	[tilespmem:s22], [sflag:$0x1] =	stream.indirect.gather [hbm4b:s5+s21], $0x20, s31, s21, $0xb8;
	[tilespmem:$0x19EB0] =	vst v63  }
0xe4: {  	_ =	swait.ge [sflag:s23], $0x1000  }
0xe5: {  	[sflag:s23] =	ssyncset.done $0x0  }
0xe6: {  	[sflag:s23] =	ssyncadd.s32 $0xFFFFF000  }
0xe7: {  	[spmem:s3] =	stream.indirect.scatter.add.f32 [tilespmem:s22], [sflag:$0x2], $0x20, s0, s21, $0xb8;
	[tilespmem:$0x19EB0] =	vst v63  }
0xe8: {  	_ =	swait.ge [sflag:s19], $0x1000  }
0xe9: {  	[sflag:s19] =	ssyncset.done $0x0  }
0xea: {  	[sflag:s19] =	ssyncadd.s32 $0xFFFFF000  }
0xeb: {  	[tilespmem:s22], [sflag:$0x1] =	stream.indirect.gather [hbm4b:s5+s21], $0x20, s1, s21, $0xb8;
	[tilespmem:$0x19EB0] =	vst v63  }
0xec: {  	_ =	swait.ge [sflag:s23], $0x1000  }
0xed: {  	[sflag:s23] =	ssyncset.done $0x0  }
0xee: {  	[sflag:s23] =	ssyncadd.s32 $0xFFFFF000  }
0xef: {  	[spmem:s3] =	stream.indirect.scatter.add.f32 [tilespmem:s22], [sflag:$0x2], $0x20, s7, s21, $0xb8;
	[tilespmem:$0x19EB0] =	vst v63  }
0xf0: {  	_ =	swait.ge [sflag:s19], $0x1000  }
0xf1: {  	[sflag:s19] =	ssyncset.done $0x0  }
0xf2: {  	[sflag:s19] =	ssyncadd.s32 $0xFFFFF000  }
0xf3: {  	[tilespmem:s22], [sflag:$0x1] =	stream.indirect.gather [hbm4b:s5+s21], $0x20, s8, s21, $0xb8;
	[tilespmem:$0x19EB0] =	vst v63  }
0xf4: {  	_ =	swait.ge [sflag:s23], $0x1000  }
0xf5: {  	[sflag:s23] =	ssyncset.done $0x0  }
0xf6: {  	[sflag:s23] =	ssyncadd.s32 $0xFFFFF000  }
0xf7: {  	[spmem:s3] =	stream.indirect.scatter.add.f32 [tilespmem:s22], [sflag:$0x2], $0x20, s10, s21, $0xb8;
	[tilespmem:$0x19EB0] =	vst v63  }
0xf8: {  	_ =	swait.ge [sflag:s19], $0x1000  }
0xf9: {  	[sflag:s19] =	ssyncset.done $0x0  }
0xfa: {  	[sflag:s19] =	ssyncadd.s32 $0xFFFFF000  }
0xfb: {  	[tilespmem:s22], [sflag:$0x1] =	stream.indirect.gather [hbm4b:s5+s21], $0x20, s11, s21, $0xb8;
	[tilespmem:$0x19EB0] =	vst v63  }
0xfc: {  	_ =	swait.ge [sflag:s23], $0x1000  }
0xfd: {  	[sflag:s23] =	ssyncset.done $0x0  }
0xfe: {  	[sflag:s23] =	ssyncadd.s32 $0xFFFFF000  }
0xff: {  	[spmem:s3] =	stream.indirect.scatter.add.f32 [tilespmem:s22], [sflag:$0x2], $0x20, s12, s21, $0xb8;
	[tilespmem:$0x19EB0] =	vst v63  }
0x100: {  	_ =	swait.ge [sflag:s19], $0x1000  }
0x101: {  	[sflag:s19] =	ssyncset.done $0x0  }
0x102: {  	[sflag:s19] =	ssyncadd.s32 $0xFFFFF000  }
0x103: {  	[bflag:$0x0] =	sbarrier.arrive $0xFFFF  }
0x104: {  	s9 =	rddreg [dreg:$0x5]  }
0x105: {  	s6 =	simm.s32 @!p1 $0x1FC2;
	s15 =	rddreg [dreg:$0xa];
	s2 =	sshrl.u32 @!p1 s9, $0x3  }
0x106: {  	[hbm:s15], [sflag:s6] =	dma.local @!p1 [spmem:s2], $0x3020  }
0x107: {  	s2 =	simm.s32 @!p1 $0x2  }
0x108: {  	_ =	swait.ge @!p1 [sflag:s2], $0x3020  }
0x109: {  	s16 =	stileid.u32;
	s17 =	rddreg [dreg:$0x8]  }
0x10a: {  	s6 =	sshll.u32 @!p2 s16, $0x6;
	[sflag:s2] =	ssyncset.done @!p1 $0x0;
	s15 =	rddreg [dreg:$0x9]  }
0x10b: {  	[sflag:s2] =	ssyncadd.s32 @!p1 $0xFFFFCFE0;
	s2 =	sor.u32 @!p2 $0x1C02, s6;
	s6 =	sshrl.u32 @!p2 s17, $0x3  }
0x10c: {  	[hbm:s15], [sflag:s2] =	dma.local @!p2 [spmem:s6], $0x30E0  }
0x10d: {  	s2 =	simm.s32 @!p2 $0x2  }
0x10e: {  	_ =	swait.ge @!p2 [sflag:s2], $0x30E0  }
0x10f: {  	s6 =	simm.s32 @!p3 $0x1FC2;
	[sflag:s2] =	ssyncset.done @!p2 $0x0  }
0x110: {  	[sflag:s2] =	ssyncadd.s32 @!p2 $0xFFFFCF20;
	s2 =	sshrl.u32 @!p3 s9, $0x3;
	s9 =	rddreg [dreg:$0x7]  }
0x111: {  	[hbm:s9], [sflag:s6] =	dma.local @!p3 [spmem:s2], $0x3020  }
0x112: {  	s2 =	simm.s32 @!p3 $0x2  }
0x113: {  	_ =	swait.ge @!p3 [sflag:s2], $0x3020  }
0x114: {  	s6 =	sshll.u32 @!p4 s16, $0x6;
	[sflag:s2] =	ssyncset.done @!p3 $0x0;
	s16 =	rddreg [dreg:$0x6]  }
0x115: {  	[sflag:s2] =	ssyncadd.s32 @!p3 $0xFFFFCFE0;
	s2 =	sor.u32 @!p4 $0x1C02, s6;
	s6 =	sshrl.u32 @!p4 s17, $0x3  }
0x116: {  	[hbm:s16], [sflag:s2] =	dma.local @!p4 [spmem:s6], $0x30E0  }
0x117: {  	s2 =	simm.s32 @!p4 $0x2  }
0x118: {  	_ =	swait.ge @!p4 [sflag:s2], $0x30E0  }
0x119: {  	s16 =	rddreg [dreg:$0xf]  }
0x11a: {  	s17 =	rddreg [dreg:$0xb];
	s15 =	sadd.s32 $0x1, s16  }
0x11b: {  	p5 =	sne.s32 s15, s17  }
.Ltmp1:
0x11c: {  	_ = 	snop;
	(pc) =	sbr.rel @p5 .LBB2_1-.Ltmp1, $3  }
0x11d: {  	_ =	sdelay $0x1  }
0x11e: {  	[sflag:s2] =	ssyncset.done @!p4 $0x0  }
0x11f: {  	s9 =	stileid.u32;
	[sflag:s2] =	ssyncadd.s32 @!p4 $0xFFFFCF20  }
0x120: {  	_ =	sfence.sel $0x180000  }
0x121: {  	[bflag:$0x0] =	sbarrier.arrive $0xFFFF  }
0x122: {  	_ =	strace $0x9000004D  }
0x123: {  	[bflag:$0x2] =	sbarrier.arrive $0xFFFF  }
0x124: {  	p0 =	sne.s32 s9, $0x0;
	s0 =	rddreg [dreg:$0x4]  }
0x125: {  	s0 =	sadd.s32 @!p0 $0x100000, s0  }
0x126: {  	[sflag:s0] =	ssyncadd.tile.s32 @!p0 $0x1;
	_ =	shalt  }
.Lfunc_end2:
_tile_overlayer_lowered:
.L_overlay_start_2:
0x127: {  	(tag) =	ssettag $0x2  }
0x128: {  	s0 =	rddreg [dreg:$0x0];
	s2 =	stileid.u32  }
0x129: {  	s1 =	rddreg [dreg:$0x1];
	p0 =	sne.s32 s2, $0x0  }
0x12a: {  	s3 =	rddreg [dreg:$0x2];
	[bflag:$0x3] =	sbarrier.arrive $0xFFFF;
	s2 =	simm.s32 @!p0 $0x1C02  }
0x12b: {  	[timem:s3], [sflag:s2] =	dma.local @!p0 [hbm:s0], s1  }
0x12c: {  	s0 =	simm.s32 @!p0 $0x2  }
0x12d: {  	_ =	swait.ge @!p0 [sflag:s0], s1  }
0x12e: {  	s1 =	ssub.s32 @!p0 $0x0, s1;
	[sflag:s0] =	ssyncset.done @!p0 $0x0  }
0x12f: {  	[sflag:s0] =	ssyncadd.s32 @!p0 s1  }
0x130: {  	[bflag:$0x3] =	sbarrier.arrive $0xFFFF  }
0x131: {  	_ =	shalt  }

// kernel: seg_sum_deg.3.cloned.1.call-start
scs
__scs_entry_jumppad:
0x0: {  	(pc) =	sbr.rel $0x88, $3  }
0x1: {  	(tag) =	ssettag $0x0;
	lr =	simm.s32 $0x1  }
0x2: {  	[smem:$0x3F90] =	sst lr;
	_ =	strace $0xD0000000  }
0x3: {  	_ = 	snop  }
0x4: {  	_ = 	snop  }
0x5: {  	_ = 	snop  }
0x6: {  	_ = 	snop  }
0x7: {  	_ = 	snop  }
__scs_overlays_trampoline_lowered:
0x8: {  	[smem:$0x3F9F] =	sst s0  }
0x9: {  	[smem:$0x3FA0] =	sst s1  }
0xa: {  	[smem:$0x3FA1] =	sst s2  }
0xb: {  	[smem:$0x3FA2] =	sst s3  }
0xc: {  	[smem:$0x3FA3] =	sst s4  }
0xd: {  	[smem:$0x3FA4] =	sst s5  }
0xe: {  	[smem:$0x3FA5] =	sst s6  }
0xf: {  	[smem:$0x3FA6] =	sst s7  }
0x10: {  	[smem:$0x3FA7] =	sst s8  }
0x11: {  	[smem:$0x3FA8] =	sst s9;
	s0 =	simm.s32 @!p0 $0x0  }
0x12: {  	s1 =	sld [smem:$0x3F8E];
	s0 =	simm.s32 @p0 $0x1  }
0x13: {  	[smem:$0x3FA9] =	sst s0;
	s0 =	simm.s32 @!p1 $0x0  }
0x14: {  	s2 =	sld [smem:$0x3F8D];
	s0 =	simm.s32 @p1 $0x1  }
0x15: {  	[smem:$0x3FAA] =	sst s0;
	s0 =	simm.s32 @!p2 $0x0  }
0x16: {  	s3 =	sld [smem:$0x3FDB];
	s0 =	simm.s32 @p2 $0x1  }
0x17: {  	s4 =	simm.s32 $0x1BF5;
	[smem:$0x3FAC] =	sst s0  }
0x18: {  	s0 =	sld [smem:$0x3F8F];
	_ =	swait.ge [sflag:s4], $0x0  }
0x19: {  	s7 =	sld [smem:$0x3F90]  }
0x1a: {  	s8 =	sadd.s32 $0xFFFFE003, lr  }
0x1b: {  	s9 =	sadd.s32 $0xFFFFFEF7, lr;
	s5 =	simm.s32 $0xFFFFFFFF;
	p2 =	slt.u32 s8, $0xFFFFF086  }
0x1c: {  	p1 =	slt.u32 s9, $0xF7A;
	s5 =	simm.s32 @!p2 $0x0  }
0x1d: {  	s5 =	simm.s32 @p1 $0x1;
	p0 =	seq.s32 s7, s2  }
0x1e: {  	s7 =	smul.u32 @!p0 $0xF7A, s2;
	p2 =	seq.s32 @!p0 s5, $0x0  }
0x1f: {  	s9 =	smul.u32 $0xF7A, s1;
	s8 =	simm.s32 @!p0 $0x1BF5;
	p2 =	por !p2, p0  }
0x20: {  	[sflag:s8] =	ssyncset.s32 @!p0 $0xFFFFF086;
	s6 =	sadd.s32 @!p0 s3, s7;
	s7 =	simm.s32 @!p0 $0x108  }
0x21: {  	s3 =	sadd.s32 s3, s9;
	s6 =	sadd.s32 @!p0 $0x88, s6;
	s7 =	simm.s32 @p2 $0x1082  }
0x22: {  	[simem:s7], [sflag:s8] =	dma.local @!p0 [hbm:s6], $0xF7A  }
0x23: {  	s9 =	sor.u32 $0xD0000000, s2;
	s6 =	simm.s32 $0x108;
	_ =	swait.ge @!p0 [sflag:s8], $0x0  }
0x24: {  	s3 =	sadd.s32 $0x88, s3;
	s6 =	simm.s32 @!p1 $0x1082;
	[sflag:s4] =	ssyncset.s32 $0xFFFFF086  }
0x25: {  	[simem:s6], [sflag:s4] =	dma.local [hbm:s3], $0xF7A  }
0x26: {  	[smem:$0x3F90] =	sst s1;
	(tag) =	ssettag s2;
	_ =	strace s9  }
0x27: {  	s1 =	sld [smem:$0x3FA0]  }
0x28: {  	s2 =	sld [smem:$0x3FA1]  }
0x29: {  	s4 =	sld [smem:$0x3FA3]  }
0x2a: {  	p0 =	seq.s32 s5, $0x0;
	s5 =	sld [smem:$0x3FA4]  }
0x2b: {  	s6 =	sld [smem:$0x3FA5]  }
0x2c: {  	s7 =	sld [smem:$0x3FA6]  }
0x2d: {  	s3 =	simm.s32 $0x108;
	s8 =	sld [smem:$0x3FA7]  }
0x2e: {  	s3 =	simm.s32 @!p0 $0x1082;
	s9 =	sld [smem:$0x3FA8]  }
0x2f: {  	lr =	sadd.s32 s0, s3;
	s0 =	sld [smem:$0x3F9F]  }
0x30: {  	s3 =	sld [smem:$0x3FA2]  }
0x31: {  	[smem:$0x3FAB] =	sst s10  }
0x32: {  	s10 =	sld [smem:$0x3FA9];
	_ =	sdelay $0x3  }
0x33: {  	p0 =	seq.s32 s10, $0x1;
	s10 =	sld [smem:$0x3FAB];
	_ =	sdelay $0x3  }
0x34: {  	[smem:$0x3FAB] =	sst s10  }
0x35: {  	s10 =	sld [smem:$0x3FAA];
	_ =	sdelay $0x3  }
0x36: {  	p1 =	seq.s32 s10, $0x1;
	s10 =	sld [smem:$0x3FAB];
	_ =	sdelay $0x3  }
0x37: {  	[smem:$0x3FAB] =	sst s10  }
0x38: {  	s10 =	sld [smem:$0x3FAC]  }
0x39: {  	_ = 	snop;
	(pc) =	sbr.ind lr, $3  }
0x3a: {  	_ = 	snop  }
0x3b: {  	_ = 	snop  }
0x3c: {  	p2 =	seq.s32 s10, $0x1;
	s10 =	sld [smem:$0x3FAB]  }
0x3d: {  	_ =	shalt  }
0x3e: {  	_ =	shalt  }
0x3f: {  	_ =	shalt  }
0x40: {  	_ =	shalt  }
0x41: {  	_ =	shalt  }
0x42: {  	_ =	shalt  }
0x43: {  	_ =	shalt  }
0x44: {  	_ =	shalt  }
0x45: {  	_ =	shalt  }
0x46: {  	_ =	shalt  }
0x47: {  	_ =	shalt  }
0x48: {  	_ =	shalt  }
0x49: {  	_ =	shalt  }
0x4a: {  	_ =	shalt  }
0x4b: {  	_ =	shalt  }
0x4c: {  	_ =	shalt  }
0x4d: {  	_ =	shalt  }
0x4e: {  	_ =	shalt  }
0x4f: {  	_ =	shalt  }
0x50: {  	_ =	shalt  }
0x51: {  	_ =	shalt  }
0x52: {  	_ =	shalt  }
0x53: {  	_ =	shalt  }
0x54: {  	_ =	shalt  }
0x55: {  	_ =	shalt  }
0x56: {  	_ =	shalt  }
0x57: {  	_ =	shalt  }
0x58: {  	_ =	shalt  }
0x59: {  	_ =	shalt  }
0x5a: {  	_ =	shalt  }
0x5b: {  	_ =	shalt  }
0x5c: {  	_ =	shalt  }
0x5d: {  	_ =	shalt  }
0x5e: {  	_ =	shalt  }
0x5f: {  	_ =	shalt  }
0x60: {  	_ =	shalt  }
0x61: {  	_ =	shalt  }
0x62: {  	_ =	shalt  }
0x63: {  	_ =	shalt  }
0x64: {  	_ =	shalt  }
0x65: {  	_ =	shalt  }
0x66: {  	_ =	shalt  }
0x67: {  	_ =	shalt  }
0x68: {  	_ =	shalt  }
0x69: {  	_ =	shalt  }
0x6a: {  	_ =	shalt  }
0x6b: {  	_ =	shalt  }
0x6c: {  	_ =	shalt  }
0x6d: {  	_ =	shalt  }
0x6e: {  	_ =	shalt  }
0x6f: {  	_ =	shalt  }
0x70: {  	_ =	shalt  }
0x71: {  	_ =	shalt  }
0x72: {  	_ =	shalt  }
0x73: {  	_ =	shalt  }
0x74: {  	_ =	shalt  }
0x75: {  	_ =	shalt  }
0x76: {  	_ =	shalt  }
0x77: {  	_ =	shalt  }
0x78: {  	_ =	shalt  }
0x79: {  	_ =	shalt  }
0x7a: {  	_ =	shalt  }
0x7b: {  	_ =	shalt  }
0x7c: {  	_ =	shalt  }
0x7d: {  	_ =	shalt  }
0x7e: {  	_ =	shalt  }
0x7f: {  	_ =	shalt  }
0x80: {  	_ =	shalt  }
0x81: {  	_ =	shalt  }
0x82: {  	_ =	shalt  }
0x83: {  	_ =	shalt  }
0x84: {  	_ =	shalt  }
0x85: {  	_ =	shalt  }
0x86: {  	_ =	shalt  }
0x87: {  	_ =	shalt  }
.Lfunc_end0:
.L_simem_size_0:
called_computation_lowered:
.L_overlay_start_0:
0x88: {  	s2 =	sld [smem:$0x3FD9]  }
0x89: {  	s3 =	sld [smem:$0x3FFE];
	_ =	sdelay $0x1  }
0x8a: {  	s1 =	srdreg.scid  }
0x8b: {  	s0 =	sand.u32 $0x1, s1  }
0x8c: {  	s14 =	sshll.u32 s0, $0xA;
	s2 =	sadd.s32 s3, s2  }
0x8d: {  	s2 =	sadd.s32 s2, s14  }
0x8e: {  	[smem:$0x3FB7] =	sst s2  }
0x8f: {  	_ = 	snop  }
0x90: {  	s2 =	sld [smem:$0x3FD0];
	_ =	sdelay $0x2  }
0x91: {  	s15 =	simm.s32 $0xA;
	s4 =	simm.s32 $0x10  }
0x92: {  	[smem:s4], [sflag:s15] =	dma.local [hbm:s2], $0x1  }
0x93: {  	_ =	swait.eq [sflag:s15], $0x1  }
0x94: {  	[sflag:s15] =	ssyncset.done $0x0  }
0x95: {  	s16 =	sld [smem:$0x10];
	[sflag:s15] =	ssyncadd.s32 $0xFFFFFFFF  }
0x96: {  	s17 =	sld [smem:$0x11];
	(tm) =	ssettm $0x1  }
0x97: {  	s18 =	sld [smem:$0x3FFB];
	_ =	sdelay $0x3  }
0x98: {  	_ =	strace s18  }
0x99: {  	s4 =	sld [smem:$0x3FFC];
	_ =	sdelay $0x3  }
0x9a: {  	_ =	strace s4  }
0x9b: {  	s4 =	sld [smem:$0x3FFD];
	_ =	sdelay $0x3  }
0x9c: {  	_ =	strace s4  }
0x9d: {  	_ =	strace $0x8FFFFFFF  }
0x9e: {  	s19 =	sld [smem:$0x3FDB];
	_ =	sdelay $0x1  }
0x9f: {  	s5 =	simm.s32 $_scs_section_size  }
0xa0: {  	s6 =	simm.s32 $_size__tile_overlayer_lowered;
	s7 =	simm.s32 $_tile_overlayer_lowered  }
0xa1: {  	s22 =	simm.s32 $0x1BFF;
	s21 =	sshll.u32 s7, $0x1;
	s4 =	sadd.s32 s5, s19  }
0xa2: {  	s8 =	simm.s32 $0x0;
	s20 =	sshll.u32 s6, $0x1;
	s6 =	sadd.s32 s21, s4  }
0xa3: {  	[timem:s8], [sflag:s22] =	dma.local [hbm:s6], s20  }
0xa4: {  	_ =	swait.ge [sflag:s22], s20  }
0xa5: {  	s5 =	ssub.s32 $0x0, s20;
	[sflag:s22] =	ssyncset.done $0x0  }
0xa6: {  	[sflag:s22] =	ssyncadd.s32 s5;
	_ =	sdelay $0x1  }
0xa7: {  	s23 =	simm.s32 $0x1B8B  }
0xa8: {  	_ =	swait.ge [sflag:s23], $0x1  }
0xa9: {  	[sflag:s23] =	ssyncset.done $0x0  }
0xaa: {  	s25 =	simm.s32 $0x1B8E;
	s24 =	sld [smem:$0x3FFE];
	[sflag:s23] =	ssyncadd.s32 $0xFFFFFFFF  }
0xab: {  	s26 =	simm.s32 $execute0_lowered;
	[smem:$0x3FD2] =	sst s25  }
0xac: {  	s6 =	sshll.u32 s26, $0x1;
	_ =	strace $0x80000046;
	[dreg:$0x1] =	wrdreg $0xFFFFFFFF  }
0xad: {  	s28 =	simm.s32 $_size_execute0_lowered;
	s4 =	sadd.s32 s4, s6;
	[dreg:$0x0] =	wrdreg $0x0  }
0xae: {  	s6 =	sshll.u32 s28, $0x1;
	[dreg:$0x2] =	wrdreg s4  }
0xaf: {  	[dreg:$0x3] =	wrdreg s6  }
0xb0: {  	[dreg:$0x4] =	wrdreg $0xC0  }
0xb1: {  	_ =	task [dreg:s8], $0x5FFFF  }
0xb2: {  	[dreg:$0x1] =	wrdreg $0xFFFFFFFF  }
0xb3: {  	[dreg:$0x0] =	wrdreg $0x60  }
0xb4: {  	[dreg:$0x2] =	wrdreg s16  }
0xb5: {  	[dreg:$0x3] =	wrdreg s24  }
0xb6: {  	[dreg:$0x4] =	wrdreg s17  }
0xb7: {  	[dreg:$0x5] =	wrdreg $0x0  }
0xb8: {  	[dreg:$0x6] =	wrdreg $0x19EB00  }
0xb9: {  	[dreg:$0x7] =	wrdreg $0x9  }
0xba: {  	_ =	task.clear_ibuf [dreg:s8], $0x8FFFF;
	_ =	strace $0x90000046  }
0xbb: {  	s29 =	simm.s32 $0x9;
	_ =	strace $0x80000048  }
0xbc: {  	_ =	swait.ge [sflag:s29], $0x1  }
0xbd: {  	[sflag:s29] =	ssyncadd.s32 $0xFFFFFFFF  }
0xbe: {  	_ =	strace $0x90000048  }
0xbf: {  	_ =	sfence  }
0xc0: {  	s30 =	sld [smem:$0x0];
	_ =	sdelay $0x2  }
0xc1: {  	s31 =	sshll.u32 s1, $0xD;
	s1 =	sshrl.u32 s1, $0x2  }
0xc2: {  	s3 =	sand.u32 $0x4000, s31;
	s1 =	sadd.s32 s1, s30  }
0xc3: {  	s0 =	sor.u32 s3, s0;
	s1 =	sshll.u32 s1, $0x11  }
0xc4: {  	s0 =	sor.u32 s1, s0  }
0xc5: {  	s0 =	sadd.s32 $0x8F2B, s0  }
0xc6: {  	[sflag:s0] =	ssyncadd.remote.s32 $0x1  }
0xc7: {  	_ =	sfence.sel $0xFFFF  }
0xc8: {  	[dreg:$0x0] =	wrdreg $0xFFFFFFFF;
	(pc) =	sbr.abs _section_cstart, $3  }
0xc9: {  	[dreg:$0x1] =	wrdreg $0xFFFFFFFF  }
0xca: {  	_ =	task.clear_ibuf [dreg:s8], $0x2FFFF;
	_ =	strace $0x9FFFFFFF  }
0xcb: {  	(tm) =	ssettm $0x7FFFFFFF  }
tec
execute0_lowered:
.L_overlay_start_1:
0x0: {  	(tag) =	ssettag $0x1  }
0x1: {  	s14 =	rddreg [dreg:$0x0]  }
0x2: {  	s0 =	rddreg [dreg:$0x1]  }
0x3: {  	s3 =	rddreg [dreg:$0x3]  }
0x4: {  	s4 =	rddreg [dreg:$0x4];
	s6 =	simm.s32 $0x0;
	s15 =	stileid.u32  }
0x5: {  	s19 =	srdreg.scid;
	s28 =	simm.s32 $0x18AB0;
	s29 =	simm.s32 $0x80  }
0x6: {  	s30 =	simm.s32 $0x18EB0;
	s31 =	simm.s32 $0x1;
	[smem:$0x7FF] =	sst s6  }
0x7: {  	s7 =	sadd.s32 $0xCA200, s0;
	s8 =	sadd.s32 $0x113800, s0;
	s9 =	sadd.s32 $0xFB000, s0  }
0x8: {  	s1 =	smul.u32 $0x18700, s15;
	s2 =	sadd.s32 $0x12C000, s0;
	s18 =	sadd.s32 $0x12C200, s0  }
0x9: {  	s10 =	smul.u32 $0x61C00, s15;
	_ =	strace $0x80000047;
	[dreg:$0x6] =	wrdreg s2  }
0xa: {  	s12 =	smul.u32 $0x3200, s15;
	s13 =	sadd.s32 $0x12C400, s0;
	[dreg:$0x7] =	wrdreg s18  }
0xb: {  	s21 =	sadd.s32 $0x16E900, s3;
	s16 =	smul.u32 $0xC400, s15;
	[dreg:$0x8] =	wrdreg s13  }
0xc: {  	s23 =	sadd.s32 $0x15BB20, s0;
	s2 =	sand.u32 $0x1, s19;
	[dreg:$0x9] =	wrdreg s21  }
0xd: {  	s13 =	sadd.s32 $0xBB80, s4;
	[dreg:$0xd] =	wrdreg s23;
	s5 =	sshrl.u32 s1, $0x3  }
0xe: {  	s11 =	ssub.s32 $0x2, s2;
	s10 =	sshrl.u32 s10, $0x2;
	s12 =	sshrl.u32 s12, $0x2  }
0xf: {  	p1 =	seq.s32 s2, $0x0;
	[dreg:$0xa] =	wrdreg s16;
	s1 =	sadd.s32 s1, s3  }
0x10: {  	s25 =	sor.u32 s15, s2;
	p0 =	sne.s32 s2, $0x0;
	s16 =	simm.s32 $0x2  }
0x11: {  	s5 =	sadd.s32 s5, s0;
	s20 =	sshrl.u32 s11, $0x1;
	s10 =	sadd.s32 s10, s3  }
0x12: {  	s12 =	sadd.s32 s12, s4;
	[dreg:$0xc] =	wrdreg s1;
	s0 =	sadd.s32 $0x342120, s0  }
0x13: {  	p3 =	seq.s32 @!p0 s15, $0xF;
	p4 =	sne.s32 s25, $0x0;
	s25 =	simm.s32 $0x186B0  }
0x14: {  	s11 =	ssub.s32 s11, s20;
	s22 =	sadd.s32 $0x12DE00, s5;
	[dreg:$0xf] =	wrdreg s0  }
0x15: {  	s24 =	sadd.s32 $0x314400, s5;
	s20 =	smov.u32 s7;
	[dreg:$0xb] =	wrdreg s22  }
0x16: {  	p2 =	por !p3, p0;
	[dreg:$0xe] =	wrdreg s24;
	s26 =	smax.u32 s11, $0x1  }
.Ltmp0:
0x17: {  	s20 =	smov.u32 @p1 s14;
	p1 =	seq.s32 s15, $0xF;
	(pc) =	sbr.rel .LBB2_1-.Ltmp0, $4  }
0x18: {  	p3 =	por p3, p0;
	[dreg:$0x10] =	wrdreg s26;
	s1 =	sshrl.u32 @!p1 s10, $0x3  }
0x19: {  	s5 =	simm.s32 $0x0;
	[dreg:$0x11] =	wrdreg s1;
	s1 =	sshrl.u32 @!p2 s13, $0x3  }
0x1a: {  	s11 =	simm.s32 $0x18A30;
	[dreg:$0x12] =	wrdreg s1;
	s1 =	sshrl.u32 @!p3 s12, $0x3  }
0x1b: {  	s26 =	simm.s32 $0x3;
	s12 =	simm.s32 $0x18E30;
	[dreg:$0x13] =	wrdreg s1  }
.LBB2_9:
0x1c: {  	[bflag:$0x0] =	sbarrier.arrive $0xFFFF  }
0x1d: {  	s1 =	rddreg [dreg:$0xd]  }
0x1e: {  	s0 =	simm.s32 @p1 $0x1FC2;
	s2 =	rddreg [dreg:$0x16]  }
0x1f: {  	[hbm:s1], [sflag:s0] =	dma.local @p1 [spmem:s2], $0x3020  }
0x20: {  	s0 =	simm.s32 @p1 $0x2  }
0x21: {  	_ =	swait.ge @p1 [sflag:s0], $0x3020  }
0x22: {  	[sflag:s0] =	ssyncset.done @p1 $0x0;
	s1 =	rddreg [dreg:$0xb]  }
0x23: {  	[sflag:s0] =	ssyncadd.s32 @p1 $0xFFFFCFE0;
	s0 =	rddreg [dreg:$0xc]  }
0x24: {  	s2 =	rddreg [dreg:$0x15];
	s0 =	sshrl.u32 @!p1 s0, $0x3  }
0x25: {  	[hbm:s1], [sflag:s2] =	dma.local @!p1 [spmem:s0], $0x30E0  }
0x26: {  	s0 =	simm.s32 @!p1 $0x2  }
0x27: {  	_ =	swait.ge @!p1 [sflag:s0], $0x30E0  }
0x28: {  	[sflag:s0] =	ssyncset.done @!p1 $0x0  }
0x29: {  	s5 =	rddreg [dreg:$0x14];
	[sflag:s0] =	ssyncadd.s32 @!p1 $0xFFFFCF20  }
.LBB2_10:
0x2a: {  	s15 =	stileid.u32  }
0x2b: {  	s0 =	sshll.u32 @!p4 s15, $0x6  }
0x2c: {  	s1 =	sshrl.u32 @!p4 s4, $0x3;
	s2 =	rddreg [dreg:$0x8];
	s0 =	sor.u32 @!p4 $0x1C02, s0  }
0x2d: {  	[hbm:s2], [sflag:s0] =	dma.local @!p4 [spmem:s1], $0x1880  }
0x2e: {  	s0 =	simm.s32 @!p4 $0x2  }
0x2f: {  	_ =	swait.ge @!p4 [sflag:s0], $0x1880  }
0x30: {  	s5 =	sadd.s32 $0x1, s5;
	s24 =	rddreg [dreg:$0x10]  }
0x31: {  	p5 =	sne.s32 s5, s24  }
.Ltmp1:
0x32: {  	_ = 	snop;
	(pc) =	sbr.rel @!p5 .LBB2_11-.Ltmp1, $3  }
0x33: {  	_ =	sdelay $0x1  }
0x34: {  	[sflag:s0] =	ssyncset.done @!p4 $0x0  }
0x35: {  	[sflag:s0] =	ssyncadd.s32 @!p4 $0xFFFFE780  }
.LBB2_1:
0x36: {  	[dreg:$0x14] =	wrdreg s5  }
0x37: {  	s0 =	rddreg [dreg:$0x9]  }
0x38: {  	s2 =	rddreg [dreg:$0x2];
	s5 =	sshrl.u32 @p1 s0, $0x3  }
0x39: {  	s0 =	simm.s32 @p1 $0x1FC2;
	[dreg:$0x16] =	wrdreg s5  }
0x3a: {  	[spmem:s5], [sflag:s0] =	dma.local @p1 [hbm:s2], $0x3040  }
0x3b: {  	s1 =	sshll.u32 @!p1 s15, $0x6;
	s0 =	simm.s32 @p1 $0x2  }
0x3c: {  	s1 =	sor.u32 @!p1 $0x1C02, s1;
	_ =	swait.ge @p1 [sflag:s0], $0x3040  }
0x3d: {  	[dreg:$0x15] =	wrdreg s1;
	[sflag:s0] =	ssyncset.done @p1 $0x0  }
0x3e: {  	[sflag:s0] =	ssyncadd.s32 @p1 $0xFFFFCFC0;
	s0 =	rddreg [dreg:$0x11]  }
0x3f: {  	[spmem:s0], [sflag:s1] =	dma.local @!p1 [hbm:s2], $0x30E0  }
0x40: {  	s0 =	simm.s32 @!p1 $0x2  }
0x41: {  	_ =	swait.ge @!p1 [sflag:s0], $0x30E0  }
0x42: {  	s23 =	simm.s32 @!p0 $0x1AAF0;
	[sflag:s0] =	ssyncset.done @!p1 $0x0  }
0x43: {  	s1 =	rddreg [dreg:$0x7];
	[sflag:s0] =	ssyncadd.s32 @!p1 $0xFFFFCF20;
	s0 =	simm.s32 @!p0 $0x0  }
0x44: {  	[tilespmem:s23], [sflag:$0x2] =	stream.linear.gather @!p0 [hbm4b:s1+s0], $0x80, $0x38;
	[tilespmem:$0x1AB70] =	vst v63  }
0x45: {  	s0 =	simm.s32 @!p0 $0x2  }
0x46: {  	_ =	swait.ge @!p0 [sflag:s0], $0x80  }
0x47: {  	[sflag:s0] =	ssyncset.done @!p0 $0x0;
	s2 =	rddreg [dreg:$0x6]  }
0x48: {  	s1 =	rddreg [dreg:$0x12];
	[sflag:s0] =	ssyncadd.s32 @!p0 $0xFFFFFF80;
	s0 =	simm.s32 @!p2 $0x1FC2  }
0x49: {  	[spmem:s1], [sflag:s0] =	dma.local @!p2 [hbm:s2], $0x110  }
0x4a: {  	s0 =	simm.s32 @!p2 $0x2  }
0x4b: {  	_ =	swait.ge @!p2 [sflag:s0], $0x110  }
0x4c: {  	s1 =	sshll.u32 @!p3 s15, $0x6;
	[sflag:s0] =	ssyncset.done @!p2 $0x0  }
0x4d: {  	[sflag:s0] =	ssyncadd.s32 @!p2 $0xFFFFFEF0;
	s0 =	sor.u32 @!p3 $0x1C02, s1;
	s1 =	rddreg [dreg:$0x13]  }
0x4e: {  	[spmem:s1], [sflag:s0] =	dma.local @!p3 [hbm:s2], $0x190  }
0x4f: {  	s0 =	simm.s32 @!p3 $0x2  }
.Ltmp2:
0x50: {  	_ =	swait.ge @!p3 [sflag:s0], $0x190;
	(pc) =	sbr.rel .LBB2_2-.Ltmp2, $4  }
0x51: {  	[sflag:s0] =	ssyncset.done @!p3 $0x0  }
0x52: {  	[sflag:s0] =	ssyncadd.s32 @!p3 $0xFFFFFE70  }
0x53: {  	[bflag:$0x0] =	sbarrier.arrive $0xFFFF  }
0x54: {  	s24 =	simm.s32 $0x30;
	s10 =	simm.s32 $0x0;
	s5 =	rddreg [dreg:$0xa]  }
.LBB2_5:
0x55: {  	s24 =	sadd.s32 $0xFFFFFFFF, s24;
	s5 =	sadd.s32 $0x400, s5  }
.LBB2_2:
0x56: {  	s0 =	sshrl.u32 s5, $0x3  }
0x57: {  	s1 =	sadd.s32 s8, s0  }
0x58: {  	[tilespmem:s25], [sflag:$0x3] =	stream.linear.gather [hbm4b:s1+s6], $0x400, $0x38;
	[tilespmem:$0x1AB70] =	vst v63  }
0x59: {  	_ =	swait.ge [sflag:s26], $0x400  }
0x5a: {  	[sflag:s26] =	ssyncset.done $0x0  }
0x5b: {  	s0 =	sadd.s32 s9, s0;
	[sflag:s26] =	ssyncadd.s32 $0xFFFFFC00  }
0x5c: {  	[tilespmem:s28], [sflag:$0x3] =	stream.linear.gather [hbm4b:s0+s6], $0x400, $0x38;
	[tilespmem:$0x1AB70] =	vst v63  }
0x5d: {  	_ =	swait.ge [sflag:s26], $0x400  }
0x5e: {  	[sflag:s26] =	ssyncset.done $0x0  }
0x5f: {  	[sflag:s26] =	ssyncadd.s32 $0xFFFFFC00  }
0x60: {  	[tilespmem:s30], [sflag:$0x1] =	stream.indirect.gather [hbm4b:s20+s29], $0x20, s25, s29, $0xb8;
	[tilespmem:$0x1AB70] =	vst v63  }
0x61: {  	_ =	swait.ge [sflag:s31], $0x1000  }
0x62: {  	[sflag:s31] =	ssyncset.done $0x0  }
0x63: {  	[sflag:s31] =	ssyncadd.s32 $0xFFFFF000  }
0x64: {  	[spmem:s3] =	stream.indirect.scatter.add.f32 [tilespmem:s30], [sflag:$0x3], $0x20, s28, s29, $0xb8;
	[tilespmem:$0x1AB70] =	vst v63  }
0x65: {  	_ =	swait.ge [sflag:s26], $0x1000  }
0x66: {  	s13 =	simm.s32 @p0 $0x80;
	s15 =	simm.s32 @p0 $0x1;
	[sflag:s26] =	ssyncset.done $0x0  }
0x67: {  	s1 =	simm.s32 @p0 $0x18730;
	s0 =	simm.s32 @p0 $0x18EB0;
	[sflag:s26] =	ssyncadd.s32 $0xFFFFF000  }
0x68: {  	[tilespmem:s0], [sflag:$0x1] =	stream.indirect.gather @p0 [hbm4b:s7+s13], $0x20, s1, s13, $0xb8;
	[tilespmem:$0x1AB70] =	vst v63  }
0x69: {  	_ =	swait.ge @p0 [sflag:s15], $0x1000  }
0x6a: {  	[sflag:s15] =	ssyncset.done @p0 $0x0  }
0x6b: {  	s17 =	simm.s32 @p0 $0x3;
	s1 =	simm.s32 @p0 $0x18B30;
	[sflag:s15] =	ssyncadd.s32 @p0 $0xFFFFF000  }
0x6c: {  	[spmem:s3] =	stream.indirect.scatter.add.f32 @p0 [tilespmem:s0], [sflag:$0x3], $0x20, s1, s13, $0xb8;
	[tilespmem:$0x1AB70] =	vst v63  }
0x6d: {  	_ =	swait.ge @p0 [sflag:s17], $0x1000  }
0x6e: {  	s21 =	simm.s32 @!p0 $0x80;
	[sflag:s17] =	ssyncset.done @p0 $0x0  }
0x6f: {  	s22 =	simm.s32 @!p0 $0x3;
	s1 =	simm.s32 @!p0 $0x18AB0;
	[sflag:s17] =	ssyncadd.s32 @p0 $0xFFFFF000  }
0x70: {  	[spmem:s4] =	stream.indirect.scatter.add.f32 @!p0 [tilespmem:s23], [sflag:$0x3], $0x1, s1, s21, $0xb8;
	[tilespmem:$0x1AB70] =	vst v63  }
0x71: {  	_ =	swait.ge @!p0 [sflag:s22], $0x80  }
0x72: {  	s18 =	simm.s32 @!p0 $0x18EB0;
	[sflag:s22] =	ssyncset.done @!p0 $0x0  }
0x73: {  	s19 =	simm.s32 @!p0 $0x1;
	s1 =	simm.s32 @!p0 $0x18730;
	[sflag:s22] =	ssyncadd.s32 @!p0 $0xFFFFFF80  }
0x74: {  	[tilespmem:s18], [sflag:$0x1] =	stream.indirect.gather @!p0 [hbm4b:s14+s21], $0x20, s1, s21, $0xb8;
	[tilespmem:$0x1AB70] =	vst v63  }
0x75: {  	_ =	swait.ge @!p0 [sflag:s19], $0x1000  }
0x76: {  	[sflag:s19] =	ssyncset.done @!p0 $0x0  }
0x77: {  	s1 =	simm.s32 @!p0 $0x18B30;
	[sflag:s19] =	ssyncadd.s32 @!p0 $0xFFFFF000  }
0x78: {  	[spmem:s3] =	stream.indirect.scatter.add.f32 @!p0 [tilespmem:s18], [sflag:$0x3], $0x20, s1, s21, $0xb8;
	[tilespmem:$0x1AB70] =	vst v63  }
0x79: {  	_ =	swait.ge @!p0 [sflag:s22], $0x1000  }
0x7a: {  	[sflag:s22] =	ssyncset.done @!p0 $0x0  }
0x7b: {  	[sflag:s22] =	ssyncadd.s32 @!p0 $0xFFFFF000  }
0x7c: {  	[spmem:s4] =	stream.indirect.scatter.add.f32 @!p0 [tilespmem:s23], [sflag:$0x3], $0x1, s1, s21, $0xb8;
	[tilespmem:$0x1AB70] =	vst v63  }
0x7d: {  	_ =	swait.ge @!p0 [sflag:s22], $0x80  }
0x7e: {  	s1 =	smov.u32 s14;
	[sflag:s22] =	ssyncset.done @!p0 $0x0  }
0x7f: {  	s2 =	simm.s32 $0x187B0;
	s1 =	smov.u32 @p0 s7;
	[sflag:s22] =	ssyncadd.s32 @!p0 $0xFFFFFF80  }
0x80: {  	[tilespmem:s30], [sflag:$0x1] =	stream.indirect.gather [hbm4b:s1+s29], $0x20, s2, s29, $0xb8;
	[tilespmem:$0x1AB70] =	vst v63  }
0x81: {  	_ =	swait.ge [sflag:s31], $0x1000  }
0x82: {  	[sflag:s31] =	ssyncset.done $0x0  }
0x83: {  	s2 =	simm.s32 $0x18BB0;
	[sflag:s31] =	ssyncadd.s32 $0xFFFFF000  }
0x84: {  	[spmem:s3] =	stream.indirect.scatter.add.f32 [tilespmem:s30], [sflag:$0x3], $0x20, s2, s29, $0xb8;
	[tilespmem:$0x1AB70] =	vst v63  }
0x85: {  	_ =	swait.ge [sflag:s26], $0x1000  }
0x86: {  	[sflag:s26] =	ssyncset.done $0x0  }
0x87: {  	s2 =	simm.s32 @p0 $0x18830;
	[sflag:s26] =	ssyncadd.s32 $0xFFFFF000  }
0x88: {  	[tilespmem:s0], [sflag:$0x1] =	stream.indirect.gather @p0 [hbm4b:s7+s13], $0x20, s2, s13, $0xb8;
	[tilespmem:$0x1AB70] =	vst v63  }
0x89: {  	_ =	swait.ge @p0 [sflag:s15], $0x1000  }
0x8a: {  	[sflag:s15] =	ssyncset.done @p0 $0x0  }
0x8b: {  	s2 =	simm.s32 @p0 $0x18C30;
	[sflag:s15] =	ssyncadd.s32 @p0 $0xFFFFF000  }
0x8c: {  	[spmem:s3] =	stream.indirect.scatter.add.f32 @p0 [tilespmem:s0], [sflag:$0x3], $0x20, s2, s13, $0xb8;
	[tilespmem:$0x1AB70] =	vst v63  }
0x8d: {  	_ =	swait.ge @p0 [sflag:s17], $0x1000  }
0x8e: {  	[sflag:s17] =	ssyncset.done @p0 $0x0  }
0x8f: {  	s2 =	simm.s32 @!p0 $0x18BB0;
	[sflag:s17] =	ssyncadd.s32 @p0 $0xFFFFF000  }
0x90: {  	[spmem:s4] =	stream.indirect.scatter.add.f32 @!p0 [tilespmem:s23], [sflag:$0x3], $0x1, s2, s21, $0xb8;
	[tilespmem:$0x1AB70] =	vst v63  }
0x91: {  	_ =	swait.ge @!p0 [sflag:s22], $0x80  }
0x92: {  	[sflag:s22] =	ssyncset.done @!p0 $0x0  }
0x93: {  	s2 =	simm.s32 @!p0 $0x18830;
	[sflag:s22] =	ssyncadd.s32 @!p0 $0xFFFFFF80  }
0x94: {  	[tilespmem:s18], [sflag:$0x1] =	stream.indirect.gather @!p0 [hbm4b:s14+s21], $0x20, s2, s21, $0xb8;
	[tilespmem:$0x1AB70] =	vst v63  }
0x95: {  	_ =	swait.ge @!p0 [sflag:s19], $0x1000  }
0x96: {  	[sflag:s19] =	ssyncset.done @!p0 $0x0  }
0x97: {  	s2 =	simm.s32 @!p0 $0x18C30;
	[sflag:s19] =	ssyncadd.s32 @!p0 $0xFFFFF000  }
0x98: {  	[spmem:s3] =	stream.indirect.scatter.add.f32 @!p0 [tilespmem:s18], [sflag:$0x3], $0x20, s2, s21, $0xb8;
	[tilespmem:$0x1AB70] =	vst v63  }
0x99: {  	_ =	swait.ge @!p0 [sflag:s22], $0x1000  }
0x9a: {  	[sflag:s22] =	ssyncset.done @!p0 $0x0  }
0x9b: {  	[sflag:s22] =	ssyncadd.s32 @!p0 $0xFFFFF000  }
0x9c: {  	[spmem:s4] =	stream.indirect.scatter.add.f32 @!p0 [tilespmem:s23], [sflag:$0x3], $0x1, s2, s21, $0xb8;
	[tilespmem:$0x1AB70] =	vst v63  }
0x9d: {  	_ =	swait.ge @!p0 [sflag:s22], $0x80  }
0x9e: {  	[sflag:s22] =	ssyncset.done @!p0 $0x0  }
0x9f: {  	s2 =	simm.s32 $0x188B0;
	[sflag:s22] =	ssyncadd.s32 @!p0 $0xFFFFFF80  }
0xa0: {  	[tilespmem:s30], [sflag:$0x1] =	stream.indirect.gather [hbm4b:s1+s29], $0x20, s2, s29, $0xb8;
	[tilespmem:$0x1AB70] =	vst v63  }
0xa1: {  	_ =	swait.ge [sflag:s31], $0x1000  }
0xa2: {  	[sflag:s31] =	ssyncset.done $0x0  }
0xa3: {  	s2 =	simm.s32 $0x18CB0;
	[sflag:s31] =	ssyncadd.s32 $0xFFFFF000  }
0xa4: {  	[spmem:s3] =	stream.indirect.scatter.add.f32 [tilespmem:s30], [sflag:$0x3], $0x20, s2, s29, $0xb8;
	[tilespmem:$0x1AB70] =	vst v63  }
0xa5: {  	_ =	swait.ge [sflag:s26], $0x1000  }
0xa6: {  	[sflag:s26] =	ssyncset.done $0x0  }
0xa7: {  	s2 =	simm.s32 @p0 $0x18930;
	[sflag:s26] =	ssyncadd.s32 $0xFFFFF000  }
0xa8: {  	[tilespmem:s0], [sflag:$0x1] =	stream.indirect.gather @p0 [hbm4b:s7+s13], $0x20, s2, s13, $0xb8;
	[tilespmem:$0x1AB70] =	vst v63  }
0xa9: {  	_ =	swait.ge @p0 [sflag:s15], $0x1000  }
0xaa: {  	[sflag:s15] =	ssyncset.done @p0 $0x0  }
0xab: {  	s2 =	simm.s32 @p0 $0x18D30;
	[sflag:s15] =	ssyncadd.s32 @p0 $0xFFFFF000  }
0xac: {  	[spmem:s3] =	stream.indirect.scatter.add.f32 @p0 [tilespmem:s0], [sflag:$0x3], $0x20, s2, s13, $0xb8;
	[tilespmem:$0x1AB70] =	vst v63  }
0xad: {  	_ =	swait.ge @p0 [sflag:s17], $0x1000  }
0xae: {  	[sflag:s17] =	ssyncset.done @p0 $0x0  }
0xaf: {  	s0 =	simm.s32 @!p0 $0x18CB0;
	[sflag:s17] =	ssyncadd.s32 @p0 $0xFFFFF000  }
0xb0: {  	[spmem:s4] =	stream.indirect.scatter.add.f32 @!p0 [tilespmem:s23], [sflag:$0x3], $0x1, s0, s21, $0xb8;
	[tilespmem:$0x1AB70] =	vst v63  }
0xb1: {  	_ =	swait.ge @!p0 [sflag:s22], $0x80  }
0xb2: {  	[sflag:s22] =	ssyncset.done @!p0 $0x0  }
0xb3: {  	s0 =	simm.s32 @!p0 $0x18930;
	[sflag:s22] =	ssyncadd.s32 @!p0 $0xFFFFFF80  }
0xb4: {  	[tilespmem:s18], [sflag:$0x1] =	stream.indirect.gather @!p0 [hbm4b:s14+s21], $0x20, s0, s21, $0xb8;
	[tilespmem:$0x1AB70] =	vst v63  }
0xb5: {  	_ =	swait.ge @!p0 [sflag:s19], $0x1000  }
0xb6: {  	[sflag:s19] =	ssyncset.done @!p0 $0x0  }
0xb7: {  	s0 =	simm.s32 @!p0 $0x18D30;
	[sflag:s19] =	ssyncadd.s32 @!p0 $0xFFFFF000  }
0xb8: {  	[spmem:s3] =	stream.indirect.scatter.add.f32 @!p0 [tilespmem:s18], [sflag:$0x3], $0x20, s0, s21, $0xb8;
	[tilespmem:$0x1AB70] =	vst v63  }
0xb9: {  	_ =	swait.ge @!p0 [sflag:s22], $0x1000  }
0xba: {  	[sflag:s22] =	ssyncset.done @!p0 $0x0  }
0xbb: {  	[sflag:s22] =	ssyncadd.s32 @!p0 $0xFFFFF000  }
0xbc: {  	[spmem:s4] =	stream.indirect.scatter.add.f32 @!p0 [tilespmem:s23], [sflag:$0x3], $0x1, s0, s21, $0xb8;
	[tilespmem:$0x1AB70] =	vst v63  }
0xbd: {  	_ =	swait.ge @!p0 [sflag:s22], $0x80  }
0xbe: {  	[sflag:s22] =	ssyncset.done @!p0 $0x0  }
0xbf: {  	s18 =	simm.s32 $0x189B0;
	[sflag:s22] =	ssyncadd.s32 @!p0 $0xFFFFFF80  }
0xc0: {  	[tilespmem:s30], [sflag:$0x1] =	stream.indirect.gather [hbm4b:s1+s29], $0x20, s18, s29, $0xb8;
	[tilespmem:$0x1AB70] =	vst v63  }
0xc1: {  	_ =	swait.ge [sflag:s31], $0x1000  }
0xc2: {  	[sflag:s31] =	ssyncset.done $0x0  }
0xc3: {  	s19 =	simm.s32 $0x18DB0;
	[sflag:s31] =	ssyncadd.s32 $0xFFFFF000  }
0xc4: {  	[spmem:s3] =	stream.indirect.scatter.add.f32 [tilespmem:s30], [sflag:$0x3], $0x20, s19, s29, $0xb8;
	[tilespmem:$0x1AB70] =	vst v63  }
0xc5: {  	_ =	swait.ge [sflag:s26], $0x1000  }
0xc6: {  	[sflag:s26] =	ssyncset.done $0x0  }
0xc7: {  	s0 =	simm.s32 @!p0 $0x18DB0;
	[sflag:s26] =	ssyncadd.s32 $0xFFFFF000  }
0xc8: {  	[spmem:s4] =	stream.indirect.scatter.add.f32 @!p0 [tilespmem:s23], [sflag:$0x3], $0x1, s0, s21, $0xb8;
	[tilespmem:$0x1AB70] =	vst v63  }
0xc9: {  	_ =	swait.ge @!p0 [sflag:s22], $0x80  }
0xca: {  	[sflag:s22] =	ssyncset.done @!p0 $0x0  }
0xcb: {  	[sflag:s22] =	ssyncadd.s32 @!p0 $0xFFFFFF80  }
0xcc: {  	[tilespmem:s30], [sflag:$0x1] =	stream.indirect.gather [hbm4b:s1+s29], $0x20, s11, s29, $0xb8;
	[tilespmem:$0x1AB70] =	vst v63  }
0xcd: {  	_ =	swait.ge [sflag:s31], $0x1000  }
0xce: {  	[sflag:s31] =	ssyncset.done $0x0  }
.Ltmp3:
0xcf: {  	[sflag:s31] =	ssyncadd.s32 $0xFFFFF000;
	(pc) =	sbr.rel @p0 .LBB2_6-.Ltmp3, $4  }
0xd0: {  	[spmem:s3] =	stream.indirect.scatter.add.f32 [tilespmem:s30], [sflag:$0x3], $0x20, s12, s29, $0xb8;
	[tilespmem:$0x1AB70] =	vst v63  }
0xd1: {  	_ =	swait.ge [sflag:s26], $0x1000  }
0xd2: {  	[sflag:s26] =	ssyncset.done $0x0  }
0xd3: {  	[sflag:s26] =	ssyncadd.s32 $0xFFFFF000  }
0xd4: {  	p5 =	seq.s32 s24, $0x0  }
.Ltmp4:
0xd5: {  	s0 =	simm.s32 $0x1AAF0;
	(pc) =	sbr.rel @p5 .LBB2_8-.Ltmp4, $4  }
0xd6: {  	[spmem:s4] =	stream.indirect.scatter.add.f32 [tilespmem:s0], [sflag:$0x2], $0x1, s12, s29, $0xb8;
	[tilespmem:$0x1AB70] =	vst v63  }
0xd7: {  	_ =	swait.ge [sflag:s16], $0x80  }
0xd8: {  	[sflag:s16] =	ssyncset.done $0x0  }
0xd9: {  	[sflag:s16] =	ssyncadd.s32 $0xFFFFFF80  }
.Ltmp5:
0xda: {  	(pc) =	sbr.rel .LBB2_5-.Ltmp5, $2  }
0xdb: {  	_ =	sdelay $0x2  }
0xdc: {  	s10 =	sadd.s32 $0x1, s10  }
.LBB2_6:
0xdd: {  	p5 =	seq.s32 s24, $0x0  }
.Ltmp6:
0xde: {  	_ = 	snop;
	(pc) =	sbr.rel @p5 .LBB2_9-.Ltmp6, $1  }
0xdf: {  	_ =	sdelay $0x3  }
.Ltmp7:
0xe0: {  	(pc) =	sbr.rel .LBB2_5-.Ltmp7, $2  }
0xe1: {  	_ =	sdelay $0x2  }
0xe2: {  	s10 =	sadd.s32 $0x1, s10  }
.LBB2_8:
0xe3: {  	[bflag:$0x0] =	sbarrier.arrive $0xFFFF  }
0xe4: {  	s1 =	rddreg [dreg:$0xf]  }
0xe5: {  	s0 =	simm.s32 @p1 $0x1FC2;
	s2 =	rddreg [dreg:$0x16]  }
0xe6: {  	[hbm:s1], [sflag:s0] =	dma.local @p1 [spmem:s2], $0x3020  }
0xe7: {  	s0 =	simm.s32 @p1 $0x2  }
0xe8: {  	_ =	swait.ge @p1 [sflag:s0], $0x3020  }
0xe9: {  	[sflag:s0] =	ssyncset.done @p1 $0x0;
	s1 =	rddreg [dreg:$0xe]  }
0xea: {  	[sflag:s0] =	ssyncadd.s32 @p1 $0xFFFFCFE0;
	s0 =	rddreg [dreg:$0xc]  }
0xeb: {  	s2 =	rddreg [dreg:$0x15];
	s0 =	sshrl.u32 @!p1 s0, $0x3  }
0xec: {  	[hbm:s1], [sflag:s2] =	dma.local @!p1 [spmem:s0], $0x30E0  }
.Ltmp8:
0xed: {  	_ = 	snop;
	(pc) =	sbr.rel .LBB2_10-.Ltmp8, $4  }
0xee: {  	s0 =	simm.s32 @!p1 $0x2  }
0xef: {  	_ =	swait.ge @!p1 [sflag:s0], $0x30E0  }
0xf0: {  	[sflag:s0] =	ssyncset.done @!p1 $0x0  }
0xf1: {  	s5 =	rddreg [dreg:$0x14];
	[sflag:s0] =	ssyncadd.s32 @!p1 $0xFFFFCF20  }
.LBB2_11:
0xf2: {  	_ =	sfence.sel $0x180000  }
0xf3: {  	[bflag:$0x0] =	sbarrier.arrive $0xFFFF  }
0xf4: {  	_ =	strace $0x90000047  }
0xf5: {  	[bflag:$0x2] =	sbarrier.arrive $0xFFFF  }
0xf6: {  	p0 =	sne.s32 s15, $0x0;
	s0 =	rddreg [dreg:$0x5]  }
0xf7: {  	s0 =	sadd.s32 @!p0 $0x100000, s0  }
0xf8: {  	[sflag:s0] =	ssyncadd.tile.s32 @!p0 $0x1;
	_ =	shalt  }
.Lfunc_end2:
_tile_overlayer_lowered:
.L_overlay_start_2:
0xf9: {  	(tag) =	ssettag $0x2  }
0xfa: {  	s0 =	rddreg [dreg:$0x0];
	s2 =	stileid.u32  }
0xfb: {  	s1 =	rddreg [dreg:$0x1];
	p0 =	sne.s32 s2, $0x0  }
0xfc: {  	s3 =	rddreg [dreg:$0x2];
	[bflag:$0x3] =	sbarrier.arrive $0xFFFF;
	s2 =	simm.s32 @!p0 $0x1C02  }
0xfd: {  	[timem:s3], [sflag:s2] =	dma.local @!p0 [hbm:s0], s1  }
0xfe: {  	s0 =	simm.s32 @!p0 $0x2  }
0xff: {  	_ =	swait.ge @!p0 [sflag:s0], s1  }
0x100: {  	s1 =	ssub.s32 @!p0 $0x0, s1;
	[sflag:s0] =	ssyncset.done @!p0 $0x0  }
0x101: {  	[sflag:s0] =	ssyncadd.s32 @!p0 s1  }
0x102: {  	[bflag:$0x3] =	sbarrier.arrive $0xFFFF  }
0x103: {  	_ =	shalt  }

</sc_bundles>
